<compile_context>
chip_gen: v7x
topology: tpu7x:2x2x1
jax: 0.10.2.dev20260603
libtpu: 0.0.44.dev20260713+nightly
codegen_flags: <defaults>
</compile_context>

<pallas_src>
import functools

import jax
import jax.numpy as jnp
from jax import lax
from jax.experimental import pallas as pl
from jax.experimental.pallas import tpu as pltpu
from jax.experimental.pallas import tpu_sc as plsc

N = 10000
D = 256
HALF = D // 2
NP = 10240
ROWS_PER_TILE = NP // 16
B = 128


def _zero_vec_rows(ref, nrows):
    z = jnp.zeros((16,), jnp.float32)

    def row(i, c):
        for k in range(8):
            ref[i, pl.ds(k * 16, 16)] = z
        return c

    lax.fori_loop(0, nrows, row, 0)


def _deg_body(dst_hbm, out0_hbm, out1_hbm, dst_v, ones_v, zero_v, acc):
    c = lax.axis_index("c")
    s = lax.axis_index("s")
    steps = dst_v.shape[0]

    one = jnp.ones((16,), jnp.float32)
    z = jnp.zeros((16,), jnp.float32)
    for k in range(8):
        ones_v[pl.ds(k * 16, 16)] = one
        zero_v[pl.ds(k * 16, 16)] = z

    for k in range(ROWS_PER_TILE // 128):
        pltpu.sync_copy(zero_v, acc.at[pl.ds(s * ROWS_PER_TILE + k * 128, 128)])
    plsc.subcore_barrier()

    pltpu.sync_copy(dst_hbm.at[c * 16 + s], dst_v)

    def step(j, carry):
        pltpu.sync_copy(ones_v, acc.at[dst_v.at[j]], add=True)
        return carry

    lax.fori_loop(0, steps, step, 0)
    plsc.subcore_barrier()

    def copy_out(out_hbm):
        pltpu.sync_copy(acc.at[pl.ds(s * ROWS_PER_TILE, ROWS_PER_TILE)],
                        out_hbm.at[pl.ds(s * ROWS_PER_TILE, ROWS_PER_TILE)])

    @pl.when(c == 0)
    def _():
        copy_out(out0_hbm)

    @pl.when(c == 1)
    def _():
        copy_out(out1_hbm)


def _make_deg_kernel(steps):
    mesh = plsc.VectorSubcoreMesh(core_axis_name="c", subcore_axis_name="s")
    return pl.kernel(
        _deg_body,
        out_type=(jax.ShapeDtypeStruct((NP,), jnp.float32),
                  jax.ShapeDtypeStruct((NP,), jnp.float32)),
        mesh=mesh,
        scratch_types=[
            pltpu.VMEM((steps, B), jnp.int32),
            pltpu.VMEM((B,), jnp.float32),
            pltpu.VMEM((B,), jnp.float32),
            pltpu.VMEM_SHARED((NP,), jnp.float32),
        ],
    )


def _agg_body(src_hbm, dst_hbm, g0_hbm, g1_hbm, out0_hbm, out1_hbm,
              src_v, dst_v, buf0, buf1, acc, sem0, sem1):
    c = lax.axis_index("c")
    s = lax.axis_index("s")
    steps = src_v.shape[0]

    _zero_vec_rows(buf0, B)
    for k in range(ROWS_PER_TILE // 128):
        pltpu.sync_copy(buf0, acc.at[pl.ds(s * ROWS_PER_TILE + k * 128, 128)])
    plsc.subcore_barrier()

    def run(g_hbm, out_hbm):
        for phase in range(2):
            pltpu.sync_copy(src_hbm.at[phase * 16 + s], src_v)
            pltpu.sync_copy(dst_hbm.at[phase * 16 + s], dst_v)

            pltpu.async_copy(g_hbm.at[src_v.at[0]], buf0, sem0)

            def pair(t, carry):
                j0 = 2 * t

                @pl.when(j0 + 1 < steps)
                def _():
                    pltpu.async_copy(g_hbm.at[src_v.at[j0 + 1]], buf1, sem1)

                pltpu.make_async_copy(g_hbm.at[src_v.at[j0]], buf0, sem0).wait()
                pltpu.sync_copy(buf0, acc.at[dst_v.at[j0]], add=True)

                @pl.when(j0 + 2 < steps)
                def _():
                    pltpu.async_copy(g_hbm.at[src_v.at[j0 + 2]], buf0, sem0)

                @pl.when(j0 + 1 < steps)
                def _():
                    pltpu.make_async_copy(g_hbm.at[src_v.at[j0 + 1]], buf1,
                                          sem1).wait()
                    pltpu.sync_copy(buf1, acc.at[dst_v.at[j0 + 1]], add=True)

                return carry

            lax.fori_loop(0, (steps + 1) // 2, pair, 0)
        plsc.subcore_barrier()
        for k in range(ROWS_PER_TILE // 128):
            r = s * ROWS_PER_TILE + k * 128
            pltpu.sync_copy(acc.at[pl.ds(r, 128)], out_hbm.at[pl.ds(r, 128)])

    @pl.when(c == 0)
    def _():
        run(g0_hbm, out0_hbm)

    @pl.when(c == 1)
    def _():
        run(g1_hbm, out1_hbm)


def _make_agg_kernel(steps):
    mesh = plsc.VectorSubcoreMesh(core_axis_name="c", subcore_axis_name="s")
    return pl.kernel(
        _agg_body,
        out_type=(jax.ShapeDtypeStruct((NP, HALF), jnp.float32),
                  jax.ShapeDtypeStruct((NP, HALF), jnp.float32)),
        mesh=mesh,
        scratch_types=[
            pltpu.VMEM((steps, B), jnp.int32),
            pltpu.VMEM((steps, B), jnp.int32),
            pltpu.VMEM((B, HALF), jnp.float32),
            pltpu.VMEM((B, HALF), jnp.float32),
            pltpu.VMEM_SHARED((NP, HALF), jnp.float32),
            pltpu.SemaphoreType.DMA,
            pltpu.SemaphoreType.DMA,
        ],
    )


BLK = 1024
GRID = NP // BLK


def _dis(p0, p1):
    return lax.rsqrt(p0 + p1 + 1.0)


def _tc1_body(x_ref, p0_ref, p1_ref, w_ref, g0_ref, g1_ref):
    dis = _dis(p0_ref[...], p1_ref[...])
    g = jnp.dot(x_ref[...], w_ref[...], preferred_element_type=jnp.float32) * dis
    g0_ref[...] = g[:, :HALF]
    g1_ref[...] = g[:, HALF:]


def _tc2_body(a0_ref, a1_ref, g0_ref, g1_ref, p0_ref, p1_ref, b_ref, w_ref,
              n0_ref, n1_ref):
    dis = _dis(p0_ref[...], p1_ref[...])
    a = jnp.concatenate([a0_ref[...], a1_ref[...]], axis=1)
    g = jnp.concatenate([g0_ref[...], g1_ref[...]], axis=1)
    out1 = jax.nn.relu((a + g) * dis + b_ref[...])
    g2 = jnp.dot(out1, w_ref[...], preferred_element_type=jnp.float32) * dis
    n0_ref[...] = g2[:, :HALF]
    n1_ref[...] = g2[:, HALF:]


def _tc3_body(a0_ref, a1_ref, g0_ref, g1_ref, p0_ref, p1_ref, b_ref, x_ref,
              o_ref):
    dis = _dis(p0_ref[...], p1_ref[...])
    a = jnp.concatenate([a0_ref[...], a1_ref[...]], axis=1)
    g = jnp.concatenate([g0_ref[...], g1_ref[...]], axis=1)
    o_ref[...] = jax.nn.relu((a + g) * dis + b_ref[...] + x_ref[...])


def _row_spec(w):
    return pl.BlockSpec((BLK, w), lambda i: (i, 0))


_FULL_W = pl.BlockSpec((D, D), lambda i: (0, 0))
_FULL_B = pl.BlockSpec((1, D), lambda i: (0, 0))

_tc1 = pl.pallas_call(
    _tc1_body,
    grid=(GRID,),
    in_specs=[_row_spec(D), _row_spec(1), _row_spec(1), _FULL_W],
    out_specs=(_row_spec(HALF), _row_spec(HALF)),
    out_shape=(jax.ShapeDtypeStruct((NP, HALF), jnp.float32),
               jax.ShapeDtypeStruct((NP, HALF), jnp.float32)),
)

_tc2 = pl.pallas_call(
    _tc2_body,
    grid=(GRID,),
    in_specs=[_row_spec(HALF), _row_spec(HALF), _row_spec(HALF), _row_spec(HALF),
              _row_spec(1), _row_spec(1), _FULL_B, _FULL_W],
    out_specs=(_row_spec(HALF), _row_spec(HALF)),
    out_shape=(jax.ShapeDtypeStruct((NP, HALF), jnp.float32),
               jax.ShapeDtypeStruct((NP, HALF), jnp.float32)),
)

_tc3 = pl.pallas_call(
    _tc3_body,
    grid=(GRID,),
    in_specs=[_row_spec(HALF), _row_spec(HALF), _row_spec(HALF), _row_spec(HALF),
              _row_spec(1), _row_spec(1), _FULL_B, _row_spec(D)],
    out_specs=_row_spec(D),
    out_shape=jax.ShapeDtypeStruct((NP, D), jnp.float32),
)


def kernel(x, edge_index, W1, b1, W2, b2):
    E = edge_index.shape[1]
    src = edge_index[0]
    dst = edge_index[1]

    steps = -(-E // (32 * B))
    e_pad = 32 * B * steps
    src_p = jnp.concatenate([src, jnp.zeros((e_pad - E,), jnp.int32)])
    dst_p = jnp.concatenate([dst, jnp.full((e_pad - E,), N, jnp.int32)])
    src_32 = src_p.reshape(32, steps, B)
    dst_32 = dst_p.reshape(32, steps, B)

    x_pad = jnp.pad(x, ((0, NP - x.shape[0]), (0, 0)))
    b1r = b1.reshape(1, D)
    b2r = b2.reshape(1, D)

    p0, p1 = _make_deg_kernel(steps)(dst_32)
    p0 = p0.reshape(NP, 1)
    p1 = p1.reshape(NP, 1)

    agg = _make_agg_kernel(steps)

    g1a, g1b = _tc1(x_pad, p0, p1, W1)
    a1a, a1b = agg(src_32, dst_32, g1a, g1b)
    g2a, g2b = _tc2(a1a, a1b, g1a, g1b, p0, p1, b1r, W2)
    a2a, a2b = agg(src_32, dst_32, g2a, g2b)
    out = _tc3(a2a, a2b, g2a, g2b, p0, p1, b2r, x_pad)
    return out[:N]

# --- scband reference (transcript-rebuilt; emitter-appended) ---
"""Pipeline reference for scband-res-gcnblock-17480516895405 (READ-ONLY COPY).

The authoritative reference and input builder live on the scoring server;
editing this copy changes nothing except your own understanding.
"""

import jax, jax.numpy as jnp
import numpy as np

N = 10000
D = 256
E = 160000


def setup_inputs(seed: int = 0) -> dict:
    key = jax.random.key(seed)
    k1, k2, k3, k4, k5, k6 = jax.random.split(key, 6)
    x = jax.random.normal(k1, (N, D), dtype=jnp.float32)
    edge_index = jax.random.randint(k2, (2, E), 0, N, dtype=jnp.int32)
    scale = 1.0 / np.sqrt(D)
    W1 = jax.random.normal(k3, (D, D), dtype=jnp.float32) * scale
    b1 = jnp.zeros((D,), dtype=jnp.float32)
    W2 = jax.random.normal(k4, (D, D), dtype=jnp.float32) * scale
    b2 = jnp.zeros((D,), dtype=jnp.float32)
    return {"x": x, "edge_index": edge_index, "W1": W1, "b1": b1, "W2": W2, "b2": b2}


def _gcn_conv(x, src, dst, W, b, num_nodes):
    # PyG GCNConv: add self-loops, symmetric normalization D^-1/2 (A+I) D^-1/2 X W + b
    loop = jnp.arange(num_nodes, dtype=src.dtype)
    src_sl = jnp.concatenate([src, loop])
    dst_sl = jnp.concatenate([dst, loop])
    deg = jnp.zeros((num_nodes,), dtype=x.dtype).at[dst_sl].add(1.0)
    deg_inv_sqrt = jnp.where(deg > 0, deg ** -0.5, 0.0)
    norm = deg_inv_sqrt[src_sl] * deg_inv_sqrt[dst_sl]
    h = x @ W
    msgs = h[src_sl] * norm[:, None]
    out = jnp.zeros((num_nodes, W.shape[1]), dtype=x.dtype).at[dst_sl].add(msgs)
    return out + b


def reference(x, edge_index, W1, b1, W2, b2):
    src, dst = edge_index[0], edge_index[1]
    identity = x
    out = _gcn_conv(x, src, dst, W1, b1, N)
    out = jax.nn.relu(out)
    out = _gcn_conv(out, src, dst, W2, b2, N)
    out = out + identity
    out = jax.nn.relu(out)
    return out

if __name__ == "__main__":
    import jax
    _d = setup_inputs()
    print(jax.jit(kernel)(*tuple(_d.values())))

</pallas_src>

<mosaic_0001>
#map = affine_map<(d0, d1) -> (0, 0, 0)>
#map1 = affine_map<(d0, d1) -> (0, 0)>
module attributes {stable_mosaic.version = 14 : i64} {
  func.func @_agg_body(%arg0: i32, %arg1: i32, %arg2: memref<32x40x128xi32, #tpu.memory_space<hbm>>, %arg3: memref<32x40x128xi32, #tpu.memory_space<hbm>>, %arg4: memref<10240x128xf32, #tpu.memory_space<hbm>>, %arg5: memref<10240x128xf32, #tpu.memory_space<hbm>>, %arg6: memref<10240x128xf32, #tpu.memory_space<hbm>>, %arg7: memref<10240x128xf32, #tpu.memory_space<hbm>>, %arg8: memref<40x128xi32, #tpu.memory_space<vmem>>, %arg9: memref<40x128xi32, #tpu.memory_space<vmem>>, %arg10: memref<128x128xf32, #tpu.memory_space<vmem>>, %arg11: memref<128x128xf32, #tpu.memory_space<vmem>>, %arg12: memref<10240x128xf32, #tpu.memory_space<vmem_shared>>, %arg13: memref<!tpu.dma_semaphore, #tpu.memory_space<semaphore_mem>>, %arg14: memref<!tpu.dma_semaphore, #tpu.memory_space<semaphore_mem>>) attributes {dimension_semantics = [#tpu.dimension_semantics<core_parallel>, #tpu.dimension_semantics<subcore_parallel>], iteration_bounds = array<i64: 2, 16>, scalar_prefetch = 0 : i64, scratch_operands = 7 : i64, tpu.core_type = #tpu.core_type<sc_vector_subcore>, window_params = [{transform_indices = #map}, {transform_indices = #map}, {transform_indices = #map1}, {transform_indices = #map1}, {transform_indices = #map1}, {transform_indices = #map1}]} {
    %broadcast_in_dim3A = arith.constant 0.000000e+00 : f32
    %broadcast_in_dim3A_0 = vector.broadcast %broadcast_in_dim3A : f32 to vector<16xf32>
    %scan3A = arith.constant 0 : i32
    %scan3A_1 = arith.constant 0 : i32
    %scan3A_2 = arith.constant 128 : i32
    %scan3A_3 = arith.addi %scan3A_1, %scan3A_2 : i32
    %scan3A_4 = arith.constant 1 : i32
    scf.for %scan3A_31 = %scan3A_1 to %scan3A_3 step %scan3A_4  : i32 {
      %swap3A = arith.index_cast %scan3A_31 : i32 to index
      %swap3A_32 = arith.constant 0 : index
      %swap3A_33 = tpu.vector_load %arg10[%swap3A, %swap3A_32] {strides = array<i32>} : memref<128x128xf32, #tpu.memory_space<vmem>>, vector<1x16xf32>,
      %swap3A_34 = vector.shape_cast %swap3A_33 : vector<1x16xf32> to vector<16xf32>
      %swap3A_35 = vector.shape_cast %broadcast_in_dim3A_0 : vector<16xf32> to vector<1x16xf32>
      tpu.vector_store %arg10[%swap3A, %swap3A_32], %swap3A_35 {strides = array<i32>} : memref<128x128xf32, #tpu.memory_space<vmem>>, vector<1x16xf32>,
      %swap3A_36 = arith.index_cast %scan3A_31 : i32 to index
      %swap3A_37 = arith.constant 16 : index
      %swap3A_38 = tpu.vector_load %arg10[%swap3A_36, %swap3A_37] {strides = array<i32>} : memref<128x128xf32, #tpu.memory_space<vmem>>, vector<1x16xf32>,
      %swap3A_39 = vector.shape_cast %swap3A_38 : vector<1x16xf32> to vector<16xf32>
      %swap3A_40 = vector.shape_cast %broadcast_in_dim3A_0 : vector<16xf32> to vector<1x16xf32>
      tpu.vector_store %arg10[%swap3A_36, %swap3A_37], %swap3A_40 {strides = array<i32>} : memref<128x128xf32, #tpu.memory_space<vmem>>, vector<1x16xf32>,
      %swap3A_41 = arith.index_cast %scan3A_31 : i32 to index
      %swap3A_42 = arith.constant 32 : index
      %swap3A_43 = tpu.vector_load %arg10[%swap3A_41, %swap3A_42] {strides = array<i32>} : memref<128x128xf32, #tpu.memory_space<vmem>>, vector<1x16xf32>,
      %swap3A_44 = vector.shape_cast %swap3A_43 : vector<1x16xf32> to vector<16xf32>
      %swap3A_45 = vector.shape_cast %broadcast_in_dim3A_0 : vector<16xf32> to vector<1x16xf32>
      tpu.vector_store %arg10[%swap3A_41, %swap3A_42], %swap3A_45 {strides = array<i32>} : memref<128x128xf32, #tpu.memory_space<vmem>>, vector<1x16xf32>,
      %swap3A_46 = arith.index_cast %scan3A_31 : i32 to index
      %swap3A_47 = arith.constant 48 : index
      %swap3A_48 = tpu.vector_load %arg10[%swap3A_46, %swap3A_47] {strides = array<i32>} : memref<128x128xf32, #tpu.memory_space<vmem>>, vector<1x16xf32>,
      %swap3A_49 = vector.shape_cast %swap3A_48 : vector<1x16xf32> to vector<16xf32>
      %swap3A_50 = vector.shape_cast %broadcast_in_dim3A_0 : vector<16xf32> to vector<1x16xf32>
      tpu.vector_store %arg10[%swap3A_46, %swap3A_47], %swap3A_50 {strides = array<i32>} : memref<128x128xf32, #tpu.memory_space<vmem>>, vector<1x16xf32>,
      %swap3A_51 = arith.index_cast %scan3A_31 : i32 to index
      %swap3A_52 = arith.constant 64 : index
      %swap3A_53 = tpu.vector_load %arg10[%swap3A_51, %swap3A_52] {strides = array<i32>} : memref<128x128xf32, #tpu.memory_space<vmem>>, vector<1x16xf32>,
      %swap3A_54 = vector.shape_cast %swap3A_53 : vector<1x16xf32> to vector<16xf32>
      %swap3A_55 = vector.shape_cast %broadcast_in_dim3A_0 : vector<16xf32> to vector<1x16xf32>
      tpu.vector_store %arg10[%swap3A_51, %swap3A_52], %swap3A_55 {strides = array<i32>} : memref<128x128xf32, #tpu.memory_space<vmem>>, vector<1x16xf32>,
      %swap3A_56 = arith.index_cast %scan3A_31 : i32 to index
      %swap3A_57 = arith.constant 80 : index
      %swap3A_58 = tpu.vector_load %arg10[%swap3A_56, %swap3A_57] {strides = array<i32>} : memref<128x128xf32, #tpu.memory_space<vmem>>, vector<1x16xf32>,
      %swap3A_59 = vector.shape_cast %swap3A_58 : vector<1x16xf32> to vector<16xf32>
      %swap3A_60 = vector.shape_cast %broadcast_in_dim3A_0 : vector<16xf32> to vector<1x16xf32>
      tpu.vector_store %arg10[%swap3A_56, %swap3A_57], %swap3A_60 {strides = array<i32>} : memref<128x128xf32, #tpu.memory_space<vmem>>, vector<1x16xf32>,
      %swap3A_61 = arith.index_cast %scan3A_31 : i32 to index
      %swap3A_62 = arith.constant 96 : index
      %swap3A_63 = tpu.vector_load %arg10[%swap3A_61, %swap3A_62] {strides = array<i32>} : memref<128x128xf32, #tpu.memory_space<vmem>>, vector<1x16xf32>,
      %swap3A_64 = vector.shape_cast %swap3A_63 : vector<1x16xf32> to vector<16xf32>
      %swap3A_65 = vector.shape_cast %broadcast_in_dim3A_0 : vector<16xf32> to vector<1x16xf32>
      tpu.vector_store %arg10[%swap3A_61, %swap3A_62], %swap3A_65 {strides = array<i32>} : memref<128x128xf32, #tpu.memory_space<vmem>>, vector<1x16xf32>,
      %swap3A_66 = arith.index_cast %scan3A_31 : i32 to index
      %swap3A_67 = arith.constant 112 : index
      %swap3A_68 = tpu.vector_load %arg10[%swap3A_66, %swap3A_67] {strides = array<i32>} : memref<128x128xf32, #tpu.memory_space<vmem>>, vector<1x16xf32>,
      %swap3A_69 = vector.shape_cast %swap3A_68 : vector<1x16xf32> to vector<16xf32>
      %swap3A_70 = vector.shape_cast %broadcast_in_dim3A_0 : vector<16xf32> to vector<1x16xf32>
      tpu.vector_store %arg10[%swap3A_66, %swap3A_67], %swap3A_70 {strides = array<i32>} : memref<128x128xf32, #tpu.memory_space<vmem>>, vector<1x16xf32>,
    }
    %scan3A_5 = arith.constant 128 : i32
    %mul3A = arith.constant 640 : i32
    %mul3A_6 = arith.muli %arg1, %mul3A : i32
    %add3A = arith.constant 0 : i32
    %add3A_7 = arith.addi %mul3A_6, %add3A : i32
    "tpu.region"() ({
      %run_scoped3A = tpu.sem_alloc : memref<!tpu.dma_semaphore, #tpu.memory_space<semaphore_mem>>
      %dma_start3A = arith.constant 0 : i32
      %dma_start3A_31 = tpu.memref_slice %arg12[%add3A_7, %dma_start3A] : memref<10240x128xf32, #tpu.memory_space<vmem_shared>> -> memref<128x128xf32, #tpu.memory_space<vmem_shared>>
      %dma_start3A_32 = arith.constant 0 : i32
      %dma_start3A_33 = tpu.memref_slice %arg12[%add3A_7, %dma_start3A_32] : memref<10240x128xf32, #tpu.memory_space<vmem_shared>> -> memref<128x128xf32, #tpu.memory_space<vmem_shared>>
      tpu.enqueue_dma source(%arg10 : memref<128x128xf32, #tpu.memory_space<vmem>>) target(%dma_start3A_33 : memref<128x128xf32, #tpu.memory_space<vmem_shared>>) target_semaphore(%run_scoped3A : memref<!tpu.dma_semaphore, #tpu.memory_space<semaphore_mem>>)
      %dma_wait3A = arith.constant 0 : i32
      %dma_wait3A_34 = tpu.memref_slice %arg12[%add3A_7, %dma_wait3A] : memref<10240x128xf32, #tpu.memory_space<vmem_shared>> -> memref<128x128xf32, #tpu.memory_space<vmem_shared>>
      %dma_wait3A_35 = arith.constant 0 : i32
      %dma_wait3A_36 = tpu.memref_slice %arg12[%add3A_7, %dma_wait3A_35] : memref<10240x128xf32, #tpu.memory_space<vmem_shared>> -> memref<128x128xf32, #tpu.memory_space<vmem_shared>>
      tpu.wait_dma2 semaphore(%run_scoped3A : memref<!tpu.dma_semaphore, #tpu.memory_space<semaphore_mem>>) src(%arg10 : memref<128x128xf32, #tpu.memory_space<vmem>>) dst(%dma_wait3A_36 : memref<128x128xf32, #tpu.memory_space<vmem_shared>>)
      tpu.yield
    }) : () -> ()
    %mul3A_8 = arith.constant 640 : i32
    %mul3A_9 = arith.muli %arg1, %mul3A_8 : i32
    %add3A_10 = arith.constant 128 : i32
    %add3A_11 = arith.addi %mul3A_9, %add3A_10 : i32
    "tpu.region"() ({
      %run_scoped3A = tpu.sem_alloc : memref<!tpu.dma_semaphore, #tpu.memory_space<semaphore_mem>>
      %dma_start3A = arith.constant 0 : i32
      %dma_start3A_31 = tpu.memref_slice %arg12[%add3A_11, %dma_start3A] : memref<10240x128xf32, #tpu.memory_space<vmem_shared>> -> memref<128x128xf32, #tpu.memory_space<vmem_shared>>
      %dma_start3A_32 = arith.constant 0 : i32
      %dma_start3A_33 = tpu.memref_slice %arg12[%add3A_11, %dma_start3A_32] : memref<10240x128xf32, #tpu.memory_space<vmem_shared>> -> memref<128x128xf32, #tpu.memory_space<vmem_shared>>
      tpu.enqueue_dma source(%arg10 : memref<128x128xf32, #tpu.memory_space<vmem>>) target(%dma_start3A_33 : memref<128x128xf32, #tpu.memory_space<vmem_shared>>) target_semaphore(%run_scoped3A : memref<!tpu.dma_semaphore, #tpu.memory_space<semaphore_mem>>)
      %dma_wait3A = arith.constant 0 : i32
      %dma_wait3A_34 = tpu.memref_slice %arg12[%add3A_11, %dma_wait3A] : memref<10240x128xf32, #tpu.memory_space<vmem_shared>> -> memref<128x128xf32, #tpu.memory_space<vmem_shared>>
      %dma_wait3A_35 = arith.constant 0 : i32
      %dma_wait3A_36 = tpu.memref_slice %arg12[%add3A_11, %dma_wait3A_35] : memref<10240x128xf32, #tpu.memory_space<vmem_shared>> -> memref<128x128xf32, #tpu.memory_space<vmem_shared>>
      tpu.wait_dma2 semaphore(%run_scoped3A : memref<!tpu.dma_semaphore, #tpu.memory_space<semaphore_mem>>) src(%arg10 : memref<128x128xf32, #tpu.memory_space<vmem>>) dst(%dma_wait3A_36 : memref<128x128xf32, #tpu.memory_space<vmem_shared>>)
      tpu.yield
    }) : () -> ()
    %mul3A_12 = arith.constant 640 : i32
    %mul3A_13 = arith.muli %arg1, %mul3A_12 : i32
    %add3A_14 = arith.constant 256 : i32
    %add3A_15 = arith.addi %mul3A_13, %add3A_14 : i32
    "tpu.region"() ({
      %run_scoped3A = tpu.sem_alloc : memref<!tpu.dma_semaphore, #tpu.memory_space<semaphore_mem>>
      %dma_start3A = arith.constant 0 : i32
      %dma_start3A_31 = tpu.memref_slice %arg12[%add3A_15, %dma_start3A] : memref<10240x128xf32, #tpu.memory_space<vmem_shared>> -> memref<128x128xf32, #tpu.memory_space<vmem_shared>>
      %dma_start3A_32 = arith.constant 0 : i32
      %dma_start3A_33 = tpu.memref_slice %arg12[%add3A_15, %dma_start3A_32] : memref<10240x128xf32, #tpu.memory_space<vmem_shared>> -> memref<128x128xf32, #tpu.memory_space<vmem_shared>>
      tpu.enqueue_dma source(%arg10 : memref<128x128xf32, #tpu.memory_space<vmem>>) target(%dma_start3A_33 : memref<128x128xf32, #tpu.memory_space<vmem_shared>>) target_semaphore(%run_scoped3A : memref<!tpu.dma_semaphore, #tpu.memory_space<semaphore_mem>>)
      %dma_wait3A = arith.constant 0 : i32
      %dma_wait3A_34 = tpu.memref_slice %arg12[%add3A_15, %dma_wait3A] : memref<10240x128xf32, #tpu.memory_space<vmem_shared>> -> memref<128x128xf32, #tpu.memory_space<vmem_shared>>
      %dma_wait3A_35 = arith.constant 0 : i32
      %dma_wait3A_36 = tpu.memref_slice %arg12[%add3A_15, %dma_wait3A_35] : memref<10240x128xf32, #tpu.memory_space<vmem_shared>> -> memref<128x128xf32, #tpu.memory_space<vmem_shared>>
      tpu.wait_dma2 semaphore(%run_scoped3A : memref<!tpu.dma_semaphore, #tpu.memory_space<semaphore_mem>>) src(%arg10 : memref<128x128xf32, #tpu.memory_space<vmem>>) dst(%dma_wait3A_36 : memref<128x128xf32, #tpu.memory_space<vmem_shared>>)
      tpu.yield
    }) : () -> ()
    %mul3A_16 = arith.constant 640 : i32
    %mul3A_17 = arith.muli %arg1, %mul3A_16 : i32
    %add3A_18 = arith.constant 384 : i32
    %add3A_19 = arith.addi %mul3A_17, %add3A_18 : i32
    "tpu.region"() ({
      %run_scoped3A = tpu.sem_alloc : memref<!tpu.dma_semaphore, #tpu.memory_space<semaphore_mem>>
      %dma_start3A = arith.constant 0 : i32
      %dma_start3A_31 = tpu.memref_slice %arg12[%add3A_19, %dma_start3A] : memref<10240x128xf32, #tpu.memory_space<vmem_shared>> -> memref<128x128xf32, #tpu.memory_space<vmem_shared>>
      %dma_start3A_32 = arith.constant 0 : i32
      %dma_start3A_33 = tpu.memref_slice %arg12[%add3A_19, %dma_start3A_32] : memref<10240x128xf32, #tpu.memory_space<vmem_shared>> -> memref<128x128xf32, #tpu.memory_space<vmem_shared>>
      tpu.enqueue_dma source(%arg10 : memref<128x128xf32, #tpu.memory_space<vmem>>) target(%dma_start3A_33 : memref<128x128xf32, #tpu.memory_space<vmem_shared>>) target_semaphore(%run_scoped3A : memref<!tpu.dma_semaphore, #tpu.memory_space<semaphore_mem>>)
      %dma_wait3A = arith.constant 0 : i32
      %dma_wait3A_34 = tpu.memref_slice %arg12[%add3A_19, %dma_wait3A] : memref<10240x128xf32, #tpu.memory_space<vmem_shared>> -> memref<128x128xf32, #tpu.memory_space<vmem_shared>>
      %dma_wait3A_35 = arith.constant 0 : i32
      %dma_wait3A_36 = tpu.memref_slice %arg12[%add3A_19, %dma_wait3A_35] : memref<10240x128xf32, #tpu.memory_space<vmem_shared>> -> memref<128x128xf32, #tpu.memory_space<vmem_shared>>
      tpu.wait_dma2 semaphore(%run_scoped3A : memref<!tpu.dma_semaphore, #tpu.memory_space<semaphore_mem>>) src(%arg10 : memref<128x128xf32, #tpu.memory_space<vmem>>) dst(%dma_wait3A_36 : memref<128x128xf32, #tpu.memory_space<vmem_shared>>)
      tpu.yield
    }) : () -> ()
    %mul3A_20 = arith.constant 640 : i32
    %mul3A_21 = arith.muli %arg1, %mul3A_20 : i32
    %add3A_22 = arith.constant 512 : i32
    %add3A_23 = arith.addi %mul3A_21, %add3A_22 : i32
    "tpu.region"() ({
      %run_scoped3A = tpu.sem_alloc : memref<!tpu.dma_semaphore, #tpu.memory_space<semaphore_mem>>
      %dma_start3A = arith.constant 0 : i32
      %dma_start3A_31 = tpu.memref_slice %arg12[%add3A_23, %dma_start3A] : memref<10240x128xf32, #tpu.memory_space<vmem_shared>> -> memref<128x128xf32, #tpu.memory_space<vmem_shared>>
      %dma_start3A_32 = arith.constant 0 : i32
      %dma_start3A_33 = tpu.memref_slice %arg12[%add3A_23, %dma_start3A_32] : memref<10240x128xf32, #tpu.memory_space<vmem_shared>> -> memref<128x128xf32, #tpu.memory_space<vmem_shared>>
      tpu.enqueue_dma source(%arg10 : memref<128x128xf32, #tpu.memory_space<vmem>>) target(%dma_start3A_33 : memref<128x128xf32, #tpu.memory_space<vmem_shared>>) target_semaphore(%run_scoped3A : memref<!tpu.dma_semaphore, #tpu.memory_space<semaphore_mem>>)
      %dma_wait3A = arith.constant 0 : i32
      %dma_wait3A_34 = tpu.memref_slice %arg12[%add3A_23, %dma_wait3A] : memref<10240x128xf32, #tpu.memory_space<vmem_shared>> -> memref<128x128xf32, #tpu.memory_space<vmem_shared>>
      %dma_wait3A_35 = arith.constant 0 : i32
      %dma_wait3A_36 = tpu.memref_slice %arg12[%add3A_23, %dma_wait3A_35] : memref<10240x128xf32, #tpu.memory_space<vmem_shared>> -> memref<128x128xf32, #tpu.memory_space<vmem_shared>>
      tpu.wait_dma2 semaphore(%run_scoped3A : memref<!tpu.dma_semaphore, #tpu.memory_space<semaphore_mem>>) src(%arg10 : memref<128x128xf32, #tpu.memory_space<vmem>>) dst(%dma_wait3A_36 : memref<128x128xf32, #tpu.memory_space<vmem_shared>>)
      tpu.yield
    }) : () -> ()
    %barrier3A = arith.constant 0 : index
    tpu.barrier barrier_id(%barrier3A)
    %eq3A = arith.constant 0 : i32
    %eq3A_24 = arith.cmpi eq, %arg0, %eq3A : i32
    %convert_element_type3A = arith.extui %eq3A_24 : i1 to i32
    %cond3A = arith.constant 0 : i32
    %cond3A_25 = arith.cmpi ne, %convert_element_type3A, %cond3A : i32
    scf.if %cond3A_25 {
      %add3A_31 = arith.constant 0 : i32
      %add3A_32 = arith.addi %add3A_31, %arg1 : i32
      "tpu.region"() ({
        %run_scoped3A = tpu.sem_alloc : memref<!tpu.dma_semaphore, #tpu.memory_space<semaphore_mem>>
        %dma_start3A_85 = arith.constant 0 : i32
        %dma_start3A_86 = arith.constant 0 : i32
        %dma_start3A_87 = tpu.memref_slice %arg2[%add3A_32, %dma_start3A_85, %dma_start3A_86] : memref<32x40x128xi32, #tpu.memory_space<hbm>> -> memref<1x40x128xi32, #tpu.memory_space<hbm>>
        %dma_start3A_88 = tpu.memref_squeeze %dma_start3A_87 : memref<1x40x128xi32, #tpu.memory_space<hbm>> -> memref<40x128xi32, #tpu.memory_space<hbm>>
        %dma_start3A_89 = arith.constant 0 : i32
        %dma_start3A_90 = arith.constant 0 : i32
        %dma_start3A_91 = tpu.memref_slice %arg2[%add3A_32, %dma_start3A_89, %dma_start3A_90] : memref<32x40x128xi32, #tpu.memory_space<hbm>> -> memref<1x40x128xi32, #tpu.memory_space<hbm>>
        %dma_start3A_92 = tpu.memref_squeeze %dma_start3A_91 : memref<1x40x128xi32, #tpu.memory_space<hbm>> -> memref<40x128xi32, #tpu.memory_space<hbm>>
        tpu.enqueue_dma source(%dma_start3A_92 : memref<40x128xi32, #tpu.memory_space<hbm>>) target(%arg8 : memref<40x128xi32, #tpu.memory_space<vmem>>) target_semaphore(%run_scoped3A : memref<!tpu.dma_semaphore, #tpu.memory_space<semaphore_mem>>)
        %dma_wait3A = arith.constant 0 : i32
        %dma_wait3A_93 = arith.constant 0 : i32
        %dma_wait3A_94 = tpu.memref_slice %arg2[%add3A_32, %dma_wait3A, %dma_wait3A_93] : memref<32x40x128xi32, #tpu.memory_space<hbm>> -> memref<1x40x128xi32, #tpu.memory_space<hbm>>
        %dma_wait3A_95 = tpu.memref_squeeze %dma_wait3A_94 : memref<1x40x128xi32, #tpu.memory_space<hbm>> -> memref<40x128xi32, #tpu.memory_space<hbm>>
        %dma_wait3A_96 = arith.constant 0 : i32
        %dma_wait3A_97 = arith.constant 0 : i32
        %dma_wait3A_98 = tpu.memref_slice %arg2[%add3A_32, %dma_wait3A_96, %dma_wait3A_97] : memref<32x40x128xi32, #tpu.memory_space<hbm>> -> memref<1x40x128xi32, #tpu.memory_space<hbm>>
        %dma_wait3A_99 = tpu.memref_squeeze %dma_wait3A_98 : memref<1x40x128xi32, #tpu.memory_space<hbm>> -> memref<40x128xi32, #tpu.memory_space<hbm>>
        tpu.wait_dma2 semaphore(%run_scoped3A : memref<!tpu.dma_semaphore, #tpu.memory_space<semaphore_mem>>) src(%dma_wait3A_99 : memref<40x128xi32, #tpu.memory_space<hbm>>) dst(%arg8 : memref<40x128xi32, #tpu.memory_space<vmem>>)
        tpu.yield
      }) : () -> ()
      %add3A_33 = arith.constant 0 : i32
      %add3A_34 = arith.addi %add3A_33, %arg1 : i32
      "tpu.region"() ({
        %run_scoped3A = tpu.sem_alloc : memref<!tpu.dma_semaphore, #tpu.memory_space<semaphore_mem>>
        %dma_start3A_85 = arith.constant 0 : i32
        %dma_start3A_86 = arith.constant 0 : i32
        %dma_start3A_87 = tpu.memref_slice %arg3[%add3A_34, %dma_start3A_85, %dma_start3A_86] : memref<32x40x128xi32, #tpu.memory_space<hbm>> -> memref<1x40x128xi32, #tpu.memory_space<hbm>>
        %dma_start3A_88 = tpu.memref_squeeze %dma_start3A_87 : memref<1x40x128xi32, #tpu.memory_space<hbm>> -> memref<40x128xi32, #tpu.memory_space<hbm>>
        %dma_start3A_89 = arith.constant 0 : i32
        %dma_start3A_90 = arith.constant 0 : i32
        %dma_start3A_91 = tpu.memref_slice %arg3[%add3A_34, %dma_start3A_89, %dma_start3A_90] : memref<32x40x128xi32, #tpu.memory_space<hbm>> -> memref<1x40x128xi32, #tpu.memory_space<hbm>>
        %dma_start3A_92 = tpu.memref_squeeze %dma_start3A_91 : memref<1x40x128xi32, #tpu.memory_space<hbm>> -> memref<40x128xi32, #tpu.memory_space<hbm>>
        tpu.enqueue_dma source(%dma_start3A_92 : memref<40x128xi32, #tpu.memory_space<hbm>>) target(%arg9 : memref<40x128xi32, #tpu.memory_space<vmem>>) target_semaphore(%run_scoped3A : memref<!tpu.dma_semaphore, #tpu.memory_space<semaphore_mem>>)
        %dma_wait3A = arith.constant 0 : i32
        %dma_wait3A_93 = arith.constant 0 : i32
        %dma_wait3A_94 = tpu.memref_slice %arg3[%add3A_34, %dma_wait3A, %dma_wait3A_93] : memref<32x40x128xi32, #tpu.memory_space<hbm>> -> memref<1x40x128xi32, #tpu.memory_space<hbm>>
        %dma_wait3A_95 = tpu.memref_squeeze %dma_wait3A_94 : memref<1x40x128xi32, #tpu.memory_space<hbm>> -> memref<40x128xi32, #tpu.memory_space<hbm>>
        %dma_wait3A_96 = arith.constant 0 : i32
        %dma_wait3A_97 = arith.constant 0 : i32
        %dma_wait3A_98 = tpu.memref_slice %arg3[%add3A_34, %dma_wait3A_96, %dma_wait3A_97] : memref<32x40x128xi32, #tpu.memory_space<hbm>> -> memref<1x40x128xi32, #tpu.memory_space<hbm>>
        %dma_wait3A_99 = tpu.memref_squeeze %dma_wait3A_98 : memref<1x40x128xi32, #tpu.memory_space<hbm>> -> memref<40x128xi32, #tpu.memory_space<hbm>>
        tpu.wait_dma2 semaphore(%run_scoped3A : memref<!tpu.dma_semaphore, #tpu.memory_space<semaphore_mem>>) src(%dma_wait3A_99 : memref<40x128xi32, #tpu.memory_space<hbm>>) dst(%arg9 : memref<40x128xi32, #tpu.memory_space<vmem>>)
        tpu.yield
      }) : () -> ()
      %dma_start3A = arith.constant 0 : i32
      %dma_start3A_35 = arith.constant 0 : i32
      %dma_start3A_36 = tpu.memref_slice %arg8[%dma_start3A, %dma_start3A_35] : memref<40x128xi32, #tpu.memory_space<vmem>> -> memref<1x128xi32, #tpu.memory_space<vmem>>
      %dma_start3A_37 = tpu.memref_squeeze %dma_start3A_36 : memref<1x128xi32, #tpu.memory_space<vmem>> -> memref<128xi32, #tpu.memory_space<vmem>>
      %dma_start3A_38 = arith.constant 0 : i32
      %dma_start3A_39 = arith.constant 0 : i32
      %dma_start3A_40 = tpu.memref_slice %arg4[%dma_start3A_38, %dma_start3A_39] : memref<10240x128xf32, #tpu.memory_space<hbm>> -> memref<10240x128xf32, #tpu.memory_space<hbm>>
      tpu.enqueue_indirect_dma source(%dma_start3A_40 : memref<10240x128xf32, #tpu.memory_space<hbm>>) target(%arg10 : memref<128x128xf32, #tpu.memory_space<vmem>>) offsets(%dma_start3A_37 : memref<128xi32, #tpu.memory_space<vmem>>) semaphore(%arg13 : memref<!tpu.dma_semaphore, #tpu.memory_space<semaphore_mem>>)
      %scan3A_41 = arith.constant 0 : i32
      %scan3A_42 = arith.constant 0 : i32
      %scan3A_43 = arith.constant 20 : i32
      %scan3A_44 = arith.addi %scan3A_42, %scan3A_43 : i32
      %scan3A_45 = arith.constant 1 : i32
      scf.for %scan3A_85 = %scan3A_42 to %scan3A_44 step %scan3A_45  : i32 {
        %mul3A_86 = arith.constant 2 : i32
        %mul3A_87 = arith.muli %mul3A_86, %scan3A_85 : i32
        %add3A_88 = arith.constant 1 : i32
        %add3A_89 = arith.addi %mul3A_87, %add3A_88 : i32
        %lt3A = arith.constant 40 : i32
        %lt3A_90 = arith.cmpi slt, %add3A_89, %lt3A : i32
        %convert_element_type3A_91 = arith.extui %lt3A_90 : i1 to i32
        %cond3A_92 = arith.constant 0 : i32
        %cond3A_93 = arith.cmpi ne, %convert_element_type3A_91, %cond3A_92 : i32
        scf.if %cond3A_93 {
          %add3A_113 = arith.constant 1 : i32
          %add3A_114 = arith.addi %mul3A_87, %add3A_113 : i32
          %dma_start3A_115 = arith.constant 0 : i32
          %dma_start3A_116 = tpu.memref_slice %arg8[%add3A_114, %dma_start3A_115] : memref<40x128xi32, #tpu.memory_space<vmem>> -> memref<1x128xi32, #tpu.memory_space<vmem>>
          %dma_start3A_117 = tpu.memref_squeeze %dma_start3A_116 : memref<1x128xi32, #tpu.memory_space<vmem>> -> memref<128xi32, #tpu.memory_space<vmem>>
          %dma_start3A_118 = arith.constant 0 : i32
          %dma_start3A_119 = arith.constant 0 : i32
          %dma_start3A_120 = tpu.memref_slice %arg4[%dma_start3A_118, %dma_start3A_119] : memref<10240x128xf32, #tpu.memory_space<hbm>> -> memref<10240x128xf32, #tpu.memory_space<hbm>>
          tpu.enqueue_indirect_dma source(%dma_start3A_120 : memref<10240x128xf32, #tpu.memory_space<hbm>>) target(%arg11 : memref<128x128xf32, #tpu.memory_space<vmem>>) offsets(%dma_start3A_117 : memref<128xi32, #tpu.memory_space<vmem>>) semaphore(%arg14 : memref<!tpu.dma_semaphore, #tpu.memory_space<semaphore_mem>>)
        } else {
        }
        %dma_wait3A = arith.constant 0 : i32
        %dma_wait3A_94 = tpu.memref_slice %arg8[%mul3A_87, %dma_wait3A] : memref<40x128xi32, #tpu.memory_space<vmem>> -> memref<1x128xi32, #tpu.memory_space<vmem>>
        %dma_wait3A_95 = tpu.memref_squeeze %dma_wait3A_94 : memref<1x128xi32, #tpu.memory_space<vmem>> -> memref<128xi32, #tpu.memory_space<vmem>>
        %dma_wait3A_96 = arith.constant 0 : i32
        %dma_wait3A_97 = arith.constant 0 : i32
        %dma_wait3A_98 = tpu.memref_slice %arg4[%dma_wait3A_96, %dma_wait3A_97] : memref<10240x128xf32, #tpu.memory_space<hbm>> -> memref<10240x128xf32, #tpu.memory_space<hbm>>
        tpu.wait_indirect_dma semaphore(%arg13 : memref<!tpu.dma_semaphore, #tpu.memory_space<semaphore_mem>>) src(%dma_wait3A_98 : memref<10240x128xf32, #tpu.memory_space<hbm>>) dst(%arg10 : memref<128x128xf32, #tpu.memory_space<vmem>>)
        "tpu.region"() ({
          %run_scoped3A = tpu.sem_alloc : memref<!tpu.dma_semaphore, #tpu.memory_space<semaphore_mem>>
          %dma_start3A_113 = arith.constant 0 : i32
          %dma_start3A_114 = tpu.memref_slice %arg9[%mul3A_87, %dma_start3A_113] : memref<40x128xi32, #tpu.memory_space<vmem>> -> memref<1x128xi32, #tpu.memory_space<vmem>>
          %dma_start3A_115 = tpu.memref_squeeze %dma_start3A_114 : memref<1x128xi32, #tpu.memory_space<vmem>> -> memref<128xi32, #tpu.memory_space<vmem>>
          %dma_start3A_116 = arith.constant 0 : i32
          %dma_start3A_117 = arith.constant 0 : i32
          %dma_start3A_118 = tpu.memref_slice %arg12[%dma_start3A_116, %dma_start3A_117] : memref<10240x128xf32, #tpu.memory_space<vmem_shared>> -> memref<10240x128xf32, #tpu.memory_space<vmem_shared>>
          tpu.enqueue_indirect_dma source(%arg10 : memref<128x128xf32, #tpu.memory_space<vmem>>) target(%dma_start3A_118 : memref<10240x128xf32, #tpu.memory_space<vmem_shared>>) offsets(%dma_start3A_115 : memref<128xi32, #tpu.memory_space<vmem>>) semaphore(%run_scoped3A : memref<!tpu.dma_semaphore, #tpu.memory_space<semaphore_mem>>) {add = true}
          %dma_wait3A_119 = arith.constant 0 : i32
          %dma_wait3A_120 = tpu.memref_slice %arg9[%mul3A_87, %dma_wait3A_119] : memref<40x128xi32, #tpu.memory_space<vmem>> -> memref<1x128xi32, #tpu.memory_space<vmem>>
          %dma_wait3A_121 = tpu.memref_squeeze %dma_wait3A_120 : memref<1x128xi32, #tpu.memory_space<vmem>> -> memref<128xi32, #tpu.memory_space<vmem>>
          %dma_wait3A_122 = arith.constant 0 : i32
          %dma_wait3A_123 = arith.constant 0 : i32
          %dma_wait3A_124 = tpu.memref_slice %arg12[%dma_wait3A_122, %dma_wait3A_123] : memref<10240x128xf32, #tpu.memory_space<vmem_shared>> -> memref<10240x128xf32, #tpu.memory_space<vmem_shared>>
          tpu.wait_indirect_dma semaphore(%run_scoped3A : memref<!tpu.dma_semaphore, #tpu.memory_space<semaphore_mem>>) src(%arg10 : memref<128x128xf32, #tpu.memory_space<vmem>>) dst(%dma_wait3A_124 : memref<10240x128xf32, #tpu.memory_space<vmem_shared>>)
          tpu.yield
        }) : () -> ()
        %add3A_99 = arith.constant 2 : i32
        %add3A_100 = arith.addi %mul3A_87, %add3A_99 : i32
        %lt3A_101 = arith.constant 40 : i32
        %lt3A_102 = arith.cmpi slt, %add3A_100, %lt3A_101 : i32
        %convert_element_type3A_103 = arith.extui %lt3A_102 : i1 to i32
        %cond3A_104 = arith.constant 0 : i32
        %cond3A_105 = arith.cmpi ne, %convert_element_type3A_103, %cond3A_104 : i32
        scf.if %cond3A_105 {
          %add3A_113 = arith.constant 2 : i32
          %add3A_114 = arith.addi %mul3A_87, %add3A_113 : i32
          %dma_start3A_115 = arith.constant 0 : i32
          %dma_start3A_116 = tpu.memref_slice %arg8[%add3A_114, %dma_start3A_115] : memref<40x128xi32, #tpu.memory_space<vmem>> -> memref<1x128xi32, #tpu.memory_space<vmem>>
          %dma_start3A_117 = tpu.memref_squeeze %dma_start3A_116 : memref<1x128xi32, #tpu.memory_space<vmem>> -> memref<128xi32, #tpu.memory_space<vmem>>
          %dma_start3A_118 = arith.constant 0 : i32
          %dma_start3A_119 = arith.constant 0 : i32
          %dma_start3A_120 = tpu.memref_slice %arg4[%dma_start3A_118, %dma_start3A_119] : memref<10240x128xf32, #tpu.memory_space<hbm>> -> memref<10240x128xf32, #tpu.memory_space<hbm>>
          tpu.enqueue_indirect_dma source(%dma_start3A_120 : memref<10240x128xf32, #tpu.memory_space<hbm>>) target(%arg10 : memref<128x128xf32, #tpu.memory_space<vmem>>) offsets(%dma_start3A_117 : memref<128xi32, #tpu.memory_space<vmem>>) semaphore(%arg13 : memref<!tpu.dma_semaphore, #tpu.memory_space<semaphore_mem>>)
        } else {
        }
        %add3A_106 = arith.constant 1 : i32
        %add3A_107 = arith.addi %mul3A_87, %add3A_106 : i32
        %lt3A_108 = arith.constant 40 : i32
        %lt3A_109 = arith.cmpi slt, %add3A_107, %lt3A_108 : i32
        %convert_element_type3A_110 = arith.extui %lt3A_109 : i1 to i32
        %cond3A_111 = arith.constant 0 : i32
        %cond3A_112 = arith.cmpi ne, %convert_element_type3A_110, %cond3A_111 : i32
        scf.if %cond3A_112 {
          %add3A_113 = arith.constant 1 : i32
          %add3A_114 = arith.addi %mul3A_87, %add3A_113 : i32
          %dma_wait3A_115 = arith.constant 0 : i32
          %dma_wait3A_116 = tpu.memref_slice %arg8[%add3A_114, %dma_wait3A_115] : memref<40x128xi32, #tpu.memory_space<vmem>> -> memref<1x128xi32, #tpu.memory_space<vmem>>
          %dma_wait3A_117 = tpu.memref_squeeze %dma_wait3A_116 : memref<1x128xi32, #tpu.memory_space<vmem>> -> memref<128xi32, #tpu.memory_space<vmem>>
          %dma_wait3A_118 = arith.constant 0 : i32
          %dma_wait3A_119 = arith.constant 0 : i32
          %dma_wait3A_120 = tpu.memref_slice %arg4[%dma_wait3A_118, %dma_wait3A_119] : memref<10240x128xf32, #tpu.memory_space<hbm>> -> memref<10240x128xf32, #tpu.memory_space<hbm>>
          tpu.wait_indirect_dma semaphore(%arg14 : memref<!tpu.dma_semaphore, #tpu.memory_space<semaphore_mem>>) src(%dma_wait3A_120 : memref<10240x128xf32, #tpu.memory_space<hbm>>) dst(%arg11 : memref<128x128xf32, #tpu.memory_space<vmem>>)
          %add3A_121 = arith.constant 1 : i32
          %add3A_122 = arith.addi %mul3A_87, %add3A_121 : i32
          "tpu.region"() ({
            %run_scoped3A = tpu.sem_alloc : memref<!tpu.dma_semaphore, #tpu.memory_space<semaphore_mem>>
            %dma_start3A_123 = arith.constant 0 : i32
            %dma_start3A_124 = tpu.memref_slice %arg9[%add3A_122, %dma_start3A_123] : memref<40x128xi32, #tpu.memory_space<vmem>> -> memref<1x128xi32, #tpu.memory_space<vmem>>
            %dma_start3A_125 = tpu.memref_squeeze %dma_start3A_124 : memref<1x128xi32, #tpu.memory_space<vmem>> -> memref<128xi32, #tpu.memory_space<vmem>>
            %dma_start3A_126 = arith.constant 0 : i32
            %dma_start3A_127 = arith.constant 0 : i32
            %dma_start3A_128 = tpu.memref_slice %arg12[%dma_start3A_126, %dma_start3A_127] : memref<10240x128xf32, #tpu.memory_space<vmem_shared>> -> memref<10240x128xf32, #tpu.memory_space<vmem_shared>>
            tpu.enqueue_indirect_dma source(%arg11 : memref<128x128xf32, #tpu.memory_space<vmem>>) target(%dma_start3A_128 : memref<10240x128xf32, #tpu.memory_space<vmem_shared>>) offsets(%dma_start3A_125 : memref<128xi32, #tpu.memory_space<vmem>>) semaphore(%run_scoped3A : memref<!tpu.dma_semaphore, #tpu.memory_space<semaphore_mem>>) {add = true}
            %dma_wait3A_129 = arith.constant 0 : i32
            %dma_wait3A_130 = tpu.memref_slice %arg9[%add3A_122, %dma_wait3A_129] : memref<40x128xi32, #tpu.memory_space<vmem>> -> memref<1x128xi32, #tpu.memory_space<vmem>>
            %dma_wait3A_131 = tpu.memref_squeeze %dma_wait3A_130 : memref<1x128xi32, #tpu.memory_space<vmem>> -> memref<128xi32, #tpu.memory_space<vmem>>
            %dma_wait3A_132 = arith.constant 0 : i32
            %dma_wait3A_133 = arith.constant 0 : i32
            %dma_wait3A_134 = tpu.memref_slice %arg12[%dma_wait3A_132, %dma_wait3A_133] : memref<10240x128xf32, #tpu.memory_space<vmem_shared>> -> memref<10240x128xf32, #tpu.memory_space<vmem_shared>>
            tpu.wait_indirect_dma semaphore(%run_scoped3A : memref<!tpu.dma_semaphore, #tpu.memory_space<semaphore_mem>>) src(%arg11 : memref<128x128xf32, #tpu.memory_space<vmem>>) dst(%dma_wait3A_134 : memref<10240x128xf32, #tpu.memory_space<vmem_shared>>)
            tpu.yield
          }) : () -> ()
        } else {
        }
      }
      %scan3A_46 = arith.constant 20 : i32
      %add3A_47 = arith.constant 16 : i32
      %add3A_48 = arith.addi %add3A_47, %arg1 : i32
      "tpu.region"() ({
        %run_scoped3A = tpu.sem_alloc : memref<!tpu.dma_semaphore, #tpu.memory_space<semaphore_mem>>
        %dma_start3A_85 = arith.constant 0 : i32
        %dma_start3A_86 = arith.constant 0 : i32
        %dma_start3A_87 = tpu.memref_slice %arg2[%add3A_48, %dma_start3A_85, %dma_start3A_86] : memref<32x40x128xi32, #tpu.memory_space<hbm>> -> memref<1x40x128xi32, #tpu.memory_space<hbm>>
        %dma_start3A_88 = tpu.memref_squeeze %dma_start3A_87 : memref<1x40x128xi32, #tpu.memory_space<hbm>> -> memref<40x128xi32, #tpu.memory_space<hbm>>
        %dma_start3A_89 = arith.constant 0 : i32
        %dma_start3A_90 = arith.constant 0 : i32
        %dma_start3A_91 = tpu.memref_slice %arg2[%add3A_48, %dma_start3A_89, %dma_start3A_90] : memref<32x40x128xi32, #tpu.memory_space<hbm>> -> memref<1x40x128xi32, #tpu.memory_space<hbm>>
        %dma_start3A_92 = tpu.memref_squeeze %dma_start3A_91 : memref<1x40x128xi32, #tpu.memory_space<hbm>> -> memref<40x128xi32, #tpu.memory_space<hbm>>
        tpu.enqueue_dma source(%dma_start3A_92 : memref<40x128xi32, #tpu.memory_space<hbm>>) target(%arg8 : memref<40x128xi32, #tpu.memory_space<vmem>>) target_semaphore(%run_scoped3A : memref<!tpu.dma_semaphore, #tpu.memory_space<semaphore_mem>>)
        %dma_wait3A = arith.constant 0 : i32
        %dma_wait3A_93 = arith.constant 0 : i32
        %dma_wait3A_94 = tpu.memref_slice %arg2[%add3A_48, %dma_wait3A, %dma_wait3A_93] : memref<32x40x128xi32, #tpu.memory_space<hbm>> -> memref<1x40x128xi32, #tpu.memory_space<hbm>>
        %dma_wait3A_95 = tpu.memref_squeeze %dma_wait3A_94 : memref<1x40x128xi32, #tpu.memory_space<hbm>> -> memref<40x128xi32, #tpu.memory_space<hbm>>
        %dma_wait3A_96 = arith.constant 0 : i32
        %dma_wait3A_97 = arith.constant 0 : i32
        %dma_wait3A_98 = tpu.memref_slice %arg2[%add3A_48, %dma_wait3A_96, %dma_wait3A_97] : memref<32x40x128xi32, #tpu.memory_space<hbm>> -> memref<1x40x128xi32, #tpu.memory_space<hbm>>
        %dma_wait3A_99 = tpu.memref_squeeze %dma_wait3A_98 : memref<1x40x128xi32, #tpu.memory_space<hbm>> -> memref<40x128xi32, #tpu.memory_space<hbm>>
        tpu.wait_dma2 semaphore(%run_scoped3A : memref<!tpu.dma_semaphore, #tpu.memory_space<semaphore_mem>>) src(%dma_wait3A_99 : memref<40x128xi32, #tpu.memory_space<hbm>>) dst(%arg8 : memref<40x128xi32, #tpu.memory_space<vmem>>)
        tpu.yield
      }) : () -> ()
      %add3A_49 = arith.constant 16 : i32
      %add3A_50 = arith.addi %add3A_49, %arg1 : i32
      "tpu.region"() ({
        %run_scoped3A = tpu.sem_alloc : memref<!tpu.dma_semaphore, #tpu.memory_space<semaphore_mem>>
        %dma_start3A_85 = arith.constant 0 : i32
        %dma_start3A_86 = arith.constant 0 : i32
        %dma_start3A_87 = tpu.memref_slice %arg3[%add3A_50, %dma_start3A_85, %dma_start3A_86] : memref<32x40x128xi32, #tpu.memory_space<hbm>> -> memref<1x40x128xi32, #tpu.memory_space<hbm>>
        %dma_start3A_88 = tpu.memref_squeeze %dma_start3A_87 : memref<1x40x128xi32, #tpu.memory_space<hbm>> -> memref<40x128xi32, #tpu.memory_space<hbm>>
        %dma_start3A_89 = arith.constant 0 : i32
        %dma_start3A_90 = arith.constant 0 : i32
        %dma_start3A_91 = tpu.memref_slice %arg3[%add3A_50, %dma_start3A_89, %dma_start3A_90] : memref<32x40x128xi32, #tpu.memory_space<hbm>> -> memref<1x40x128xi32, #tpu.memory_space<hbm>>
        %dma_start3A_92 = tpu.memref_squeeze %dma_start3A_91 : memref<1x40x128xi32, #tpu.memory_space<hbm>> -> memref<40x128xi32, #tpu.memory_space<hbm>>
        tpu.enqueue_dma source(%dma_start3A_92 : memref<40x128xi32, #tpu.memory_space<hbm>>) target(%arg9 : memref<40x128xi32, #tpu.memory_space<vmem>>) target_semaphore(%run_scoped3A : memref<!tpu.dma_semaphore, #tpu.memory_space<semaphore_mem>>)
        %dma_wait3A = arith.constant 0 : i32
        %dma_wait3A_93 = arith.constant 0 : i32
        %dma_wait3A_94 = tpu.memref_slice %arg3[%add3A_50, %dma_wait3A, %dma_wait3A_93] : memref<32x40x128xi32, #tpu.memory_space<hbm>> -> memref<1x40x128xi32, #tpu.memory_space<hbm>>
        %dma_wait3A_95 = tpu.memref_squeeze %dma_wait3A_94 : memref<1x40x128xi32, #tpu.memory_space<hbm>> -> memref<40x128xi32, #tpu.memory_space<hbm>>
        %dma_wait3A_96 = arith.constant 0 : i32
        %dma_wait3A_97 = arith.constant 0 : i32
        %dma_wait3A_98 = tpu.memref_slice %arg3[%add3A_50, %dma_wait3A_96, %dma_wait3A_97] : memref<32x40x128xi32, #tpu.memory_space<hbm>> -> memref<1x40x128xi32, #tpu.memory_space<hbm>>
        %dma_wait3A_99 = tpu.memref_squeeze %dma_wait3A_98 : memref<1x40x128xi32, #tpu.memory_space<hbm>> -> memref<40x128xi32, #tpu.memory_space<hbm>>
        tpu.wait_dma2 semaphore(%run_scoped3A : memref<!tpu.dma_semaphore, #tpu.memory_space<semaphore_mem>>) src(%dma_wait3A_99 : memref<40x128xi32, #tpu.memory_space<hbm>>) dst(%arg9 : memref<40x128xi32, #tpu.memory_space<vmem>>)
        tpu.yield
      }) : () -> ()
      %dma_start3A_51 = arith.constant 0 : i32
      %dma_start3A_52 = arith.constant 0 : i32
      %dma_start3A_53 = tpu.memref_slice %arg8[%dma_start3A_51, %dma_start3A_52] : memref<40x128xi32, #tpu.memory_space<vmem>> -> memref<1x128xi32, #tpu.memory_space<vmem>>
      %dma_start3A_54 = tpu.memref_squeeze %dma_start3A_53 : memref<1x128xi32, #tpu.memory_space<vmem>> -> memref<128xi32, #tpu.memory_space<vmem>>
      %dma_start3A_55 = arith.constant 0 : i32
      %dma_start3A_56 = arith.constant 0 : i32
      %dma_start3A_57 = tpu.memref_slice %arg4[%dma_start3A_55, %dma_start3A_56] : memref<10240x128xf32, #tpu.memory_space<hbm>> -> memref<10240x128xf32, #tpu.memory_space<hbm>>
      tpu.enqueue_indirect_dma source(%dma_start3A_57 : memref<10240x128xf32, #tpu.memory_space<hbm>>) target(%arg10 : memref<128x128xf32, #tpu.memory_space<vmem>>) offsets(%dma_start3A_54 : memref<128xi32, #tpu.memory_space<vmem>>) semaphore(%arg13 : memref<!tpu.dma_semaphore, #tpu.memory_space<semaphore_mem>>)
      %scan3A_58 = arith.constant 0 : i32
      %scan3A_59 = arith.constant 0 : i32
      %scan3A_60 = arith.constant 20 : i32
      %scan3A_61 = arith.addi %scan3A_59, %scan3A_60 : i32
      %scan3A_62 = arith.constant 1 : i32
      scf.for %scan3A_85 = %scan3A_59 to %scan3A_61 step %scan3A_62  : i32 {
        %mul3A_86 = arith.constant 2 : i32
        %mul3A_87 = arith.muli %mul3A_86, %scan3A_85 : i32
        %add3A_88 = arith.constant 1 : i32
        %add3A_89 = arith.addi %mul3A_87, %add3A_88 : i32
        %lt3A = arith.constant 40 : i32
        %lt3A_90 = arith.cmpi slt, %add3A_89, %lt3A : i32
        %convert_element_type3A_91 = arith.extui %lt3A_90 : i1 to i32
        %cond3A_92 = arith.constant 0 : i32
        %cond3A_93 = arith.cmpi ne, %convert_element_type3A_91, %cond3A_92 : i32
        scf.if %cond3A_93 {
          %add3A_113 = arith.constant 1 : i32
          %add3A_114 = arith.addi %mul3A_87, %add3A_113 : i32
          %dma_start3A_115 = arith.constant 0 : i32
          %dma_start3A_116 = tpu.memref_slice %arg8[%add3A_114, %dma_start3A_115] : memref<40x128xi32, #tpu.memory_space<vmem>> -> memref<1x128xi32, #tpu.memory_space<vmem>>
          %dma_start3A_117 = tpu.memref_squeeze %dma_start3A_116 : memref<1x128xi32, #tpu.memory_space<vmem>> -> memref<128xi32, #tpu.memory_space<vmem>>
          %dma_start3A_118 = arith.constant 0 : i32
          %dma_start3A_119 = arith.constant 0 : i32
          %dma_start3A_120 = tpu.memref_slice %arg4[%dma_start3A_118, %dma_start3A_119] : memref<10240x128xf32, #tpu.memory_space<hbm>> -> memref<10240x128xf32, #tpu.memory_space<hbm>>
          tpu.enqueue_indirect_dma source(%dma_start3A_120 : memref<10240x128xf32, #tpu.memory_space<hbm>>) target(%arg11 : memref<128x128xf32, #tpu.memory_space<vmem>>) offsets(%dma_start3A_117 : memref<128xi32, #tpu.memory_space<vmem>>) semaphore(%arg14 : memref<!tpu.dma_semaphore, #tpu.memory_space<semaphore_mem>>)
        } else {
        }
        %dma_wait3A = arith.constant 0 : i32
        %dma_wait3A_94 = tpu.memref_slice %arg8[%mul3A_87, %dma_wait3A] : memref<40x128xi32, #tpu.memory_space<vmem>> -> memref<1x128xi32, #tpu.memory_space<vmem>>
        %dma_wait3A_95 = tpu.memref_squeeze %dma_wait3A_94 : memref<1x128xi32, #tpu.memory_space<vmem>> -> memref<128xi32, #tpu.memory_space<vmem>>
        %dma_wait3A_96 = arith.constant 0 : i32
        %dma_wait3A_97 = arith.constant 0 : i32
        %dma_wait3A_98 = tpu.memref_slice %arg4[%dma_wait3A_96, %dma_wait3A_97] : memref<10240x128xf32, #tpu.memory_space<hbm>> -> memref<10240x128xf32, #tpu.memory_space<hbm>>
        tpu.wait_indirect_dma semaphore(%arg13 : memref<!tpu.dma_semaphore, #tpu.memory_space<semaphore_mem>>) src(%dma_wait3A_98 : memref<10240x128xf32, #tpu.memory_space<hbm>>) dst(%arg10 : memref<128x128xf32, #tpu.memory_space<vmem>>)
        "tpu.region"() ({
          %run_scoped3A = tpu.sem_alloc : memref<!tpu.dma_semaphore, #tpu.memory_space<semaphore_mem>>
          %dma_start3A_113 = arith.constant 0 : i32
          %dma_start3A_114 = tpu.memref_slice %arg9[%mul3A_87, %dma_start3A_113] : memref<40x128xi32, #tpu.memory_space<vmem>> -> memref<1x128xi32, #tpu.memory_space<vmem>>
          %dma_start3A_115 = tpu.memref_squeeze %dma_start3A_114 : memref<1x128xi32, #tpu.memory_space<vmem>> -> memref<128xi32, #tpu.memory_space<vmem>>
          %dma_start3A_116 = arith.constant 0 : i32
          %dma_start3A_117 = arith.constant 0 : i32
          %dma_start3A_118 = tpu.memref_slice %arg12[%dma_start3A_116, %dma_start3A_117] : memref<10240x128xf32, #tpu.memory_space<vmem_shared>> -> memref<10240x128xf32, #tpu.memory_space<vmem_shared>>
          tpu.enqueue_indirect_dma source(%arg10 : memref<128x128xf32, #tpu.memory_space<vmem>>) target(%dma_start3A_118 : memref<10240x128xf32, #tpu.memory_space<vmem_shared>>) offsets(%dma_start3A_115 : memref<128xi32, #tpu.memory_space<vmem>>) semaphore(%run_scoped3A : memref<!tpu.dma_semaphore, #tpu.memory_space<semaphore_mem>>) {add = true}
          %dma_wait3A_119 = arith.constant 0 : i32
          %dma_wait3A_120 = tpu.memref_slice %arg9[%mul3A_87, %dma_wait3A_119] : memref<40x128xi32, #tpu.memory_space<vmem>> -> memref<1x128xi32, #tpu.memory_space<vmem>>
          %dma_wait3A_121 = tpu.memref_squeeze %dma_wait3A_120 : memref<1x128xi32, #tpu.memory_space<vmem>> -> memref<128xi32, #tpu.memory_space<vmem>>
          %dma_wait3A_122 = arith.constant 0 : i32
          %dma_wait3A_123 = arith.constant 0 : i32
          %dma_wait3A_124 = tpu.memref_slice %arg12[%dma_wait3A_122, %dma_wait3A_123] : memref<10240x128xf32, #tpu.memory_space<vmem_shared>> -> memref<10240x128xf32, #tpu.memory_space<vmem_shared>>
          tpu.wait_indirect_dma semaphore(%run_scoped3A : memref<!tpu.dma_semaphore, #tpu.memory_space<semaphore_mem>>) src(%arg10 : memref<128x128xf32, #tpu.memory_space<vmem>>) dst(%dma_wait3A_124 : memref<10240x128xf32, #tpu.memory_space<vmem_shared>>)
          tpu.yield
        }) : () -> ()
        %add3A_99 = arith.constant 2 : i32
        %add3A_100 = arith.addi %mul3A_87, %add3A_99 : i32
        %lt3A_101 = arith.constant 40 : i32
        %lt3A_102 = arith.cmpi slt, %add3A_100, %lt3A_101 : i32
        %convert_element_type3A_103 = arith.extui %lt3A_102 : i1 to i32
        %cond3A_104 = arith.constant 0 : i32
        %cond3A_105 = arith.cmpi ne, %convert_element_type3A_103, %cond3A_104 : i32
        scf.if %cond3A_105 {
          %add3A_113 = arith.constant 2 : i32
          %add3A_114 = arith.addi %mul3A_87, %add3A_113 : i32
          %dma_start3A_115 = arith.constant 0 : i32
          %dma_start3A_116 = tpu.memref_slice %arg8[%add3A_114, %dma_start3A_115] : memref<40x128xi32, #tpu.memory_space<vmem>> -> memref<1x128xi32, #tpu.memory_space<vmem>>
          %dma_start3A_117 = tpu.memref_squeeze %dma_start3A_116 : memref<1x128xi32, #tpu.memory_space<vmem>> -> memref<128xi32, #tpu.memory_space<vmem>>
          %dma_start3A_118 = arith.constant 0 : i32
          %dma_start3A_119 = arith.constant 0 : i32
          %dma_start3A_120 = tpu.memref_slice %arg4[%dma_start3A_118, %dma_start3A_119] : memref<10240x128xf32, #tpu.memory_space<hbm>> -> memref<10240x128xf32, #tpu.memory_space<hbm>>
          tpu.enqueue_indirect_dma source(%dma_start3A_120 : memref<10240x128xf32, #tpu.memory_space<hbm>>) target(%arg10 : memref<128x128xf32, #tpu.memory_space<vmem>>) offsets(%dma_start3A_117 : memref<128xi32, #tpu.memory_space<vmem>>) semaphore(%arg13 : memref<!tpu.dma_semaphore, #tpu.memory_space<semaphore_mem>>)
        } else {
        }
        %add3A_106 = arith.constant 1 : i32
        %add3A_107 = arith.addi %mul3A_87, %add3A_106 : i32
        %lt3A_108 = arith.constant 40 : i32
        %lt3A_109 = arith.cmpi slt, %add3A_107, %lt3A_108 : i32
        %convert_element_type3A_110 = arith.extui %lt3A_109 : i1 to i32
        %cond3A_111 = arith.constant 0 : i32
        %cond3A_112 = arith.cmpi ne, %convert_element_type3A_110, %cond3A_111 : i32
        scf.if %cond3A_112 {
          %add3A_113 = arith.constant 1 : i32
          %add3A_114 = arith.addi %mul3A_87, %add3A_113 : i32
          %dma_wait3A_115 = arith.constant 0 : i32
          %dma_wait3A_116 = tpu.memref_slice %arg8[%add3A_114, %dma_wait3A_115] : memref<40x128xi32, #tpu.memory_space<vmem>> -> memref<1x128xi32, #tpu.memory_space<vmem>>
          %dma_wait3A_117 = tpu.memref_squeeze %dma_wait3A_116 : memref<1x128xi32, #tpu.memory_space<vmem>> -> memref<128xi32, #tpu.memory_space<vmem>>
          %dma_wait3A_118 = arith.constant 0 : i32
          %dma_wait3A_119 = arith.constant 0 : i32
          %dma_wait3A_120 = tpu.memref_slice %arg4[%dma_wait3A_118, %dma_wait3A_119] : memref<10240x128xf32, #tpu.memory_space<hbm>> -> memref<10240x128xf32, #tpu.memory_space<hbm>>
          tpu.wait_indirect_dma semaphore(%arg14 : memref<!tpu.dma_semaphore, #tpu.memory_space<semaphore_mem>>) src(%dma_wait3A_120 : memref<10240x128xf32, #tpu.memory_space<hbm>>) dst(%arg11 : memref<128x128xf32, #tpu.memory_space<vmem>>)
          %add3A_121 = arith.constant 1 : i32
          %add3A_122 = arith.addi %mul3A_87, %add3A_121 : i32
          "tpu.region"() ({
            %run_scoped3A = tpu.sem_alloc : memref<!tpu.dma_semaphore, #tpu.memory_space<semaphore_mem>>
            %dma_start3A_123 = arith.constant 0 : i32
            %dma_start3A_124 = tpu.memref_slice %arg9[%add3A_122, %dma_start3A_123] : memref<40x128xi32, #tpu.memory_space<vmem>> -> memref<1x128xi32, #tpu.memory_space<vmem>>
            %dma_start3A_125 = tpu.memref_squeeze %dma_start3A_124 : memref<1x128xi32, #tpu.memory_space<vmem>> -> memref<128xi32, #tpu.memory_space<vmem>>
            %dma_start3A_126 = arith.constant 0 : i32
            %dma_start3A_127 = arith.constant 0 : i32
            %dma_start3A_128 = tpu.memref_slice %arg12[%dma_start3A_126, %dma_start3A_127] : memref<10240x128xf32, #tpu.memory_space<vmem_shared>> -> memref<10240x128xf32, #tpu.memory_space<vmem_shared>>
            tpu.enqueue_indirect_dma source(%arg11 : memref<128x128xf32, #tpu.memory_space<vmem>>) target(%dma_start3A_128 : memref<10240x128xf32, #tpu.memory_space<vmem_shared>>) offsets(%dma_start3A_125 : memref<128xi32, #tpu.memory_space<vmem>>) semaphore(%run_scoped3A : memref<!tpu.dma_semaphore, #tpu.memory_space<semaphore_mem>>) {add = true}
            %dma_wait3A_129 = arith.constant 0 : i32
            %dma_wait3A_130 = tpu.memref_slice %arg9[%add3A_122, %dma_wait3A_129] : memref<40x128xi32, #tpu.memory_space<vmem>> -> memref<1x128xi32, #tpu.memory_space<vmem>>
            %dma_wait3A_131 = tpu.memref_squeeze %dma_wait3A_130 : memref<1x128xi32, #tpu.memory_space<vmem>> -> memref<128xi32, #tpu.memory_space<vmem>>
            %dma_wait3A_132 = arith.constant 0 : i32
            %dma_wait3A_133 = arith.constant 0 : i32
            %dma_wait3A_134 = tpu.memref_slice %arg12[%dma_wait3A_132, %dma_wait3A_133] : memref<10240x128xf32, #tpu.memory_space<vmem_shared>> -> memref<10240x128xf32, #tpu.memory_space<vmem_shared>>
            tpu.wait_indirect_dma semaphore(%run_scoped3A : memref<!tpu.dma_semaphore, #tpu.memory_space<semaphore_mem>>) src(%arg11 : memref<128x128xf32, #tpu.memory_space<vmem>>) dst(%dma_wait3A_134 : memref<10240x128xf32, #tpu.memory_space<vmem_shared>>)
            tpu.yield
          }) : () -> ()
        } else {
        }
      }
      %scan3A_63 = arith.constant 20 : i32
      %barrier3A_64 = arith.constant 0 : index
      tpu.barrier barrier_id(%barrier3A_64)
      %mul3A_65 = arith.constant 640 : i32
      %mul3A_66 = arith.muli %arg1, %mul3A_65 : i32
      %add3A_67 = arith.constant 0 : i32
      %add3A_68 = arith.addi %mul3A_66, %add3A_67 : i32
      "tpu.region"() ({
        %run_scoped3A = tpu.sem_alloc : memref<!tpu.dma_semaphore, #tpu.memory_space<semaphore_mem>>
        %dma_start3A_85 = arith.constant 0 : i32
        %dma_start3A_86 = tpu.memref_slice %arg6[%add3A_68, %dma_start3A_85] : memref<10240x128xf32, #tpu.memory_space<hbm>> -> memref<128x128xf32, #tpu.memory_space<hbm>>
        %dma_start3A_87 = arith.constant 0 : i32
        %dma_start3A_88 = tpu.memref_slice %arg12[%add3A_68, %dma_start3A_87] : memref<10240x128xf32, #tpu.memory_space<vmem_shared>> -> memref<128x128xf32, #tpu.memory_space<vmem_shared>>
        tpu.enqueue_dma source(%dma_start3A_88 : memref<128x128xf32, #tpu.memory_space<vmem_shared>>) target(%dma_start3A_86 : memref<128x128xf32, #tpu.memory_space<hbm>>) target_semaphore(%run_scoped3A : memref<!tpu.dma_semaphore, #tpu.memory_space<semaphore_mem>>)
        %dma_wait3A = arith.constant 0 : i32
        %dma_wait3A_89 = tpu.memref_slice %arg6[%add3A_68, %dma_wait3A] : memref<10240x128xf32, #tpu.memory_space<hbm>> -> memref<128x128xf32, #tpu.memory_space<hbm>>
        %dma_wait3A_90 = arith.constant 0 : i32
        %dma_wait3A_91 = tpu.memref_slice %arg12[%add3A_68, %dma_wait3A_90] : memref<10240x128xf32, #tpu.memory_space<vmem_shared>> -> memref<128x128xf32, #tpu.memory_space<vmem_shared>>
        tpu.wait_dma2 semaphore(%run_scoped3A : memref<!tpu.dma_semaphore, #tpu.memory_space<semaphore_mem>>) src(%dma_wait3A_91 : memref<128x128xf32, #tpu.memory_space<vmem_shared>>) dst(%dma_wait3A_89 : memref<128x128xf32, #tpu.memory_space<hbm>>)
        tpu.yield
      }) : () -> ()
      %mul3A_69 = arith.constant 640 : i32
      %mul3A_70 = arith.muli %arg1, %mul3A_69 : i32
      %add3A_71 = arith.constant 128 : i32
      %add3A_72 = arith.addi %mul3A_70, %add3A_71 : i32
      "tpu.region"() ({
        %run_scoped3A = tpu.sem_alloc : memref<!tpu.dma_semaphore, #tpu.memory_space<semaphore_mem>>
        %dma_start3A_85 = arith.constant 0 : i32
        %dma_start3A_86 = tpu.memref_slice %arg6[%add3A_72, %dma_start3A_85] : memref<10240x128xf32, #tpu.memory_space<hbm>> -> memref<128x128xf32, #tpu.memory_space<hbm>>
        %dma_start3A_87 = arith.constant 0 : i32
        %dma_start3A_88 = tpu.memref_slice %arg12[%add3A_72, %dma_start3A_87] : memref<10240x128xf32, #tpu.memory_space<vmem_shared>> -> memref<128x128xf32, #tpu.memory_space<vmem_shared>>
        tpu.enqueue_dma source(%dma_start3A_88 : memref<128x128xf32, #tpu.memory_space<vmem_shared>>) target(%dma_start3A_86 : memref<128x128xf32, #tpu.memory_space<hbm>>) target_semaphore(%run_scoped3A : memref<!tpu.dma_semaphore, #tpu.memory_space<semaphore_mem>>)
        %dma_wait3A = arith.constant 0 : i32
        %dma_wait3A_89 = tpu.memref_slice %arg6[%add3A_72, %dma_wait3A] : memref<10240x128xf32, #tpu.memory_space<hbm>> -> memref<128x128xf32, #tpu.memory_space<hbm>>
        %dma_wait3A_90 = arith.constant 0 : i32
        %dma_wait3A_91 = tpu.memref_slice %arg12[%add3A_72, %dma_wait3A_90] : memref<10240x128xf32, #tpu.memory_space<vmem_shared>> -> memref<128x128xf32, #tpu.memory_space<vmem_shared>>
        tpu.wait_dma2 semaphore(%run_scoped3A : memref<!tpu.dma_semaphore, #tpu.memory_space<semaphore_mem>>) src(%dma_wait3A_91 : memref<128x128xf32, #tpu.memory_space<vmem_shared>>) dst(%dma_wait3A_89 : memref<128x128xf32, #tpu.memory_space<hbm>>)
        tpu.yield
      }) : () -> ()
      %mul3A_73 = arith.constant 640 : i32
      %mul3A_74 = arith.muli %arg1, %mul3A_73 : i32
      %add3A_75 = arith.constant 256 : i32
      %add3A_76 = arith.addi %mul3A_74, %add3A_75 : i32
      "tpu.region"() ({
        %run_scoped3A = tpu.sem_alloc : memref<!tpu.dma_semaphore, #tpu.memory_space<semaphore_mem>>
        %dma_start3A_85 = arith.constant 0 : i32
        %dma_start3A_86 = tpu.memref_slice %arg6[%add3A_76, %dma_start3A_85] : memref<10240x128xf32, #tpu.memory_space<hbm>> -> memref<128x128xf32, #tpu.memory_space<hbm>>
        %dma_start3A_87 = arith.constant 0 : i32
        %dma_start3A_88 = tpu.memref_slice %arg12[%add3A_76, %dma_start3A_87] : memref<10240x128xf32, #tpu.memory_space<vmem_shared>> -> memref<128x128xf32, #tpu.memory_space<vmem_shared>>
        tpu.enqueue_dma source(%dma_start3A_88 : memref<128x128xf32, #tpu.memory_space<vmem_shared>>) target(%dma_start3A_86 : memref<128x128xf32, #tpu.memory_space<hbm>>) target_semaphore(%run_scoped3A : memref<!tpu.dma_semaphore, #tpu.memory_space<semaphore_mem>>)
        %dma_wait3A = arith.constant 0 : i32
        %dma_wait3A_89 = tpu.memref_slice %arg6[%add3A_76, %dma_wait3A] : memref<10240x128xf32, #tpu.memory_space<hbm>> -> memref<128x128xf32, #tpu.memory_space<hbm>>
        %dma_wait3A_90 = arith.constant 0 : i32
        %dma_wait3A_91 = tpu.memref_slice %arg12[%add3A_76, %dma_wait3A_90] : memref<10240x128xf32, #tpu.memory_space<vmem_shared>> -> memref<128x128xf32, #tpu.memory_space<vmem_shared>>
        tpu.wait_dma2 semaphore(%run_scoped3A : memref<!tpu.dma_semaphore, #tpu.memory_space<semaphore_mem>>) src(%dma_wait3A_91 : memref<128x128xf32, #tpu.memory_space<vmem_shared>>) dst(%dma_wait3A_89 : memref<128x128xf32, #tpu.memory_space<hbm>>)
        tpu.yield
      }) : () -> ()
      %mul3A_77 = arith.constant 640 : i32
      %mul3A_78 = arith.muli %arg1, %mul3A_77 : i32
      %add3A_79 = arith.constant 384 : i32
      %add3A_80 = arith.addi %mul3A_78, %add3A_79 : i32
      "tpu.region"() ({
        %run_scoped3A = tpu.sem_alloc : memref<!tpu.dma_semaphore, #tpu.memory_space<semaphore_mem>>
        %dma_start3A_85 = arith.constant 0 : i32
        %dma_start3A_86 = tpu.memref_slice %arg6[%add3A_80, %dma_start3A_85] : memref<10240x128xf32, #tpu.memory_space<hbm>> -> memref<128x128xf32, #tpu.memory_space<hbm>>
        %dma_start3A_87 = arith.constant 0 : i32
        %dma_start3A_88 = tpu.memref_slice %arg12[%add3A_80, %dma_start3A_87] : memref<10240x128xf32, #tpu.memory_space<vmem_shared>> -> memref<128x128xf32, #tpu.memory_space<vmem_shared>>
        tpu.enqueue_dma source(%dma_start3A_88 : memref<128x128xf32, #tpu.memory_space<vmem_shared>>) target(%dma_start3A_86 : memref<128x128xf32, #tpu.memory_space<hbm>>) target_semaphore(%run_scoped3A : memref<!tpu.dma_semaphore, #tpu.memory_space<semaphore_mem>>)
        %dma_wait3A = arith.constant 0 : i32
        %dma_wait3A_89 = tpu.memref_slice %arg6[%add3A_80, %dma_wait3A] : memref<10240x128xf32, #tpu.memory_space<hbm>> -> memref<128x128xf32, #tpu.memory_space<hbm>>
        %dma_wait3A_90 = arith.constant 0 : i32
        %dma_wait3A_91 = tpu.memref_slice %arg12[%add3A_80, %dma_wait3A_90] : memref<10240x128xf32, #tpu.memory_space<vmem_shared>> -> memref<128x128xf32, #tpu.memory_space<vmem_shared>>
        tpu.wait_dma2 semaphore(%run_scoped3A : memref<!tpu.dma_semaphore, #tpu.memory_space<semaphore_mem>>) src(%dma_wait3A_91 : memref<128x128xf32, #tpu.memory_space<vmem_shared>>) dst(%dma_wait3A_89 : memref<128x128xf32, #tpu.memory_space<hbm>>)
        tpu.yield
      }) : () -> ()
      %mul3A_81 = arith.constant 640 : i32
      %mul3A_82 = arith.muli %arg1, %mul3A_81 : i32
      %add3A_83 = arith.constant 512 : i32
      %add3A_84 = arith.addi %mul3A_82, %add3A_83 : i32
      "tpu.region"() ({
        %run_scoped3A = tpu.sem_alloc : memref<!tpu.dma_semaphore, #tpu.memory_space<semaphore_mem>>
        %dma_start3A_85 = arith.constant 0 : i32
        %dma_start3A_86 = tpu.memref_slice %arg6[%add3A_84, %dma_start3A_85] : memref<10240x128xf32, #tpu.memory_space<hbm>> -> memref<128x128xf32, #tpu.memory_space<hbm>>
        %dma_start3A_87 = arith.constant 0 : i32
        %dma_start3A_88 = tpu.memref_slice %arg12[%add3A_84, %dma_start3A_87] : memref<10240x128xf32, #tpu.memory_space<vmem_shared>> -> memref<128x128xf32, #tpu.memory_space<vmem_shared>>
        tpu.enqueue_dma source(%dma_start3A_88 : memref<128x128xf32, #tpu.memory_space<vmem_shared>>) target(%dma_start3A_86 : memref<128x128xf32, #tpu.memory_space<hbm>>) target_semaphore(%run_scoped3A : memref<!tpu.dma_semaphore, #tpu.memory_space<semaphore_mem>>)
        %dma_wait3A = arith.constant 0 : i32
        %dma_wait3A_89 = tpu.memref_slice %arg6[%add3A_84, %dma_wait3A] : memref<10240x128xf32, #tpu.memory_space<hbm>> -> memref<128x128xf32, #tpu.memory_space<hbm>>
        %dma_wait3A_90 = arith.constant 0 : i32
        %dma_wait3A_91 = tpu.memref_slice %arg12[%add3A_84, %dma_wait3A_90] : memref<10240x128xf32, #tpu.memory_space<vmem_shared>> -> memref<128x128xf32, #tpu.memory_space<vmem_shared>>
        tpu.wait_dma2 semaphore(%run_scoped3A : memref<!tpu.dma_semaphore, #tpu.memory_space<semaphore_mem>>) src(%dma_wait3A_91 : memref<128x128xf32, #tpu.memory_space<vmem_shared>>) dst(%dma_wait3A_89 : memref<128x128xf32, #tpu.memory_space<hbm>>)
        tpu.yield
      }) : () -> ()
    } else {
    }
    %eq3A_26 = arith.constant 1 : i32
    %eq3A_27 = arith.cmpi eq, %arg0, %eq3A_26 : i32
    %convert_element_type3A_28 = arith.extui %eq3A_27 : i1 to i32
    %cond3A_29 = arith.constant 0 : i32
    %cond3A_30 = arith.cmpi ne, %convert_element_type3A_28, %cond3A_29 : i32
    scf.if %cond3A_30 {
      %add3A_31 = arith.constant 0 : i32
      %add3A_32 = arith.addi %add3A_31, %arg1 : i32
      "tpu.region"() ({
        %run_scoped3A = tpu.sem_alloc : memref<!tpu.dma_semaphore, #tpu.memory_space<semaphore_mem>>
        %dma_start3A_85 = arith.constant 0 : i32
        %dma_start3A_86 = arith.constant 0 : i32
        %dma_start3A_87 = tpu.memref_slice %arg2[%add3A_32, %dma_start3A_85, %dma_start3A_86] : memref<32x40x128xi32, #tpu.memory_space<hbm>> -> memref<1x40x128xi32, #tpu.memory_space<hbm>>
        %dma_start3A_88 = tpu.memref_squeeze %dma_start3A_87 : memref<1x40x128xi32, #tpu.memory_space<hbm>> -> memref<40x128xi32, #tpu.memory_space<hbm>>
        %dma_start3A_89 = arith.constant 0 : i32
        %dma_start3A_90 = arith.constant 0 : i32
        %dma_start3A_91 = tpu.memref_slice %arg2[%add3A_32, %dma_start3A_89, %dma_start3A_90] : memref<32x40x128xi32, #tpu.memory_space<hbm>> -> memref<1x40x128xi32, #tpu.memory_space<hbm>>
        %dma_start3A_92 = tpu.memref_squeeze %dma_start3A_91 : memref<1x40x128xi32, #tpu.memory_space<hbm>> -> memref<40x128xi32, #tpu.memory_space<hbm>>
        tpu.enqueue_dma source(%dma_start3A_92 : memref<40x128xi32, #tpu.memory_space<hbm>>) target(%arg8 : memref<40x128xi32, #tpu.memory_space<vmem>>) target_semaphore(%run_scoped3A : memref<!tpu.dma_semaphore, #tpu.memory_space<semaphore_mem>>)
        %dma_wait3A = arith.constant 0 : i32
        %dma_wait3A_93 = arith.constant 0 : i32
        %dma_wait3A_94 = tpu.memref_slice %arg2[%add3A_32, %dma_wait3A, %dma_wait3A_93] : memref<32x40x128xi32, #tpu.memory_space<hbm>> -> memref<1x40x128xi32, #tpu.memory_space<hbm>>
        %dma_wait3A_95 = tpu.memref_squeeze %dma_wait3A_94 : memref<1x40x128xi32, #tpu.memory_space<hbm>> -> memref<40x128xi32, #tpu.memory_space<hbm>>
        %dma_wait3A_96 = arith.constant 0 : i32
        %dma_wait3A_97 = arith.constant 0 : i32
        %dma_wait3A_98 = tpu.memref_slice %arg2[%add3A_32, %dma_wait3A_96, %dma_wait3A_97] : memref<32x40x128xi32, #tpu.memory_space<hbm>> -> memref<1x40x128xi32, #tpu.memory_space<hbm>>
        %dma_wait3A_99 = tpu.memref_squeeze %dma_wait3A_98 : memref<1x40x128xi32, #tpu.memory_space<hbm>> -> memref<40x128xi32, #tpu.memory_space<hbm>>
        tpu.wait_dma2 semaphore(%run_scoped3A : memref<!tpu.dma_semaphore, #tpu.memory_space<semaphore_mem>>) src(%dma_wait3A_99 : memref<40x128xi32, #tpu.memory_space<hbm>>) dst(%arg8 : memref<40x128xi32, #tpu.memory_space<vmem>>)
        tpu.yield
      }) : () -> ()
      %add3A_33 = arith.constant 0 : i32
      %add3A_34 = arith.addi %add3A_33, %arg1 : i32
      "tpu.region"() ({
        %run_scoped3A = tpu.sem_alloc : memref<!tpu.dma_semaphore, #tpu.memory_space<semaphore_mem>>
        %dma_start3A_85 = arith.constant 0 : i32
        %dma_start3A_86 = arith.constant 0 : i32
        %dma_start3A_87 = tpu.memref_slice %arg3[%add3A_34, %dma_start3A_85, %dma_start3A_86] : memref<32x40x128xi32, #tpu.memory_space<hbm>> -> memref<1x40x128xi32, #tpu.memory_space<hbm>>
        %dma_start3A_88 = tpu.memref_squeeze %dma_start3A_87 : memref<1x40x128xi32, #tpu.memory_space<hbm>> -> memref<40x128xi32, #tpu.memory_space<hbm>>
        %dma_start3A_89 = arith.constant 0 : i32
        %dma_start3A_90 = arith.constant 0 : i32
        %dma_start3A_91 = tpu.memref_slice %arg3[%add3A_34, %dma_start3A_89, %dma_start3A_90] : memref<32x40x128xi32, #tpu.memory_space<hbm>> -> memref<1x40x128xi32, #tpu.memory_space<hbm>>
        %dma_start3A_92 = tpu.memref_squeeze %dma_start3A_91 : memref<1x40x128xi32, #tpu.memory_space<hbm>> -> memref<40x128xi32, #tpu.memory_space<hbm>>
        tpu.enqueue_dma source(%dma_start3A_92 : memref<40x128xi32, #tpu.memory_space<hbm>>) target(%arg9 : memref<40x128xi32, #tpu.memory_space<vmem>>) target_semaphore(%run_scoped3A : memref<!tpu.dma_semaphore, #tpu.memory_space<semaphore_mem>>)
        %dma_wait3A = arith.constant 0 : i32
        %dma_wait3A_93 = arith.constant 0 : i32
        %dma_wait3A_94 = tpu.memref_slice %arg3[%add3A_34, %dma_wait3A, %dma_wait3A_93] : memref<32x40x128xi32, #tpu.memory_space<hbm>> -> memref<1x40x128xi32, #tpu.memory_space<hbm>>
        %dma_wait3A_95 = tpu.memref_squeeze %dma_wait3A_94 : memref<1x40x128xi32, #tpu.memory_space<hbm>> -> memref<40x128xi32, #tpu.memory_space<hbm>>
        %dma_wait3A_96 = arith.constant 0 : i32
        %dma_wait3A_97 = arith.constant 0 : i32
        %dma_wait3A_98 = tpu.memref_slice %arg3[%add3A_34, %dma_wait3A_96, %dma_wait3A_97] : memref<32x40x128xi32, #tpu.memory_space<hbm>> -> memref<1x40x128xi32, #tpu.memory_space<hbm>>
        %dma_wait3A_99 = tpu.memref_squeeze %dma_wait3A_98 : memref<1x40x128xi32, #tpu.memory_space<hbm>> -> memref<40x128xi32, #tpu.memory_space<hbm>>
        tpu.wait_dma2 semaphore(%run_scoped3A : memref<!tpu.dma_semaphore, #tpu.memory_space<semaphore_mem>>) src(%dma_wait3A_99 : memref<40x128xi32, #tpu.memory_space<hbm>>) dst(%arg9 : memref<40x128xi32, #tpu.memory_space<vmem>>)
        tpu.yield
      }) : () -> ()
      %dma_start3A = arith.constant 0 : i32
      %dma_start3A_35 = arith.constant 0 : i32
      %dma_start3A_36 = tpu.memref_slice %arg8[%dma_start3A, %dma_start3A_35] : memref<40x128xi32, #tpu.memory_space<vmem>> -> memref<1x128xi32, #tpu.memory_space<vmem>>
      %dma_start3A_37 = tpu.memref_squeeze %dma_start3A_36 : memref<1x128xi32, #tpu.memory_space<vmem>> -> memref<128xi32, #tpu.memory_space<vmem>>
      %dma_start3A_38 = arith.constant 0 : i32
      %dma_start3A_39 = arith.constant 0 : i32
      %dma_start3A_40 = tpu.memref_slice %arg5[%dma_start3A_38, %dma_start3A_39] : memref<10240x128xf32, #tpu.memory_space<hbm>> -> memref<10240x128xf32, #tpu.memory_space<hbm>>
      tpu.enqueue_indirect_dma source(%dma_start3A_40 : memref<10240x128xf32, #tpu.memory_space<hbm>>) target(%arg10 : memref<128x128xf32, #tpu.memory_space<vmem>>) offsets(%dma_start3A_37 : memref<128xi32, #tpu.memory_space<vmem>>) semaphore(%arg13 : memref<!tpu.dma_semaphore, #tpu.memory_space<semaphore_mem>>)
      %scan3A_41 = arith.constant 0 : i32
      %scan3A_42 = arith.constant 0 : i32
      %scan3A_43 = arith.constant 20 : i32
      %scan3A_44 = arith.addi %scan3A_42, %scan3A_43 : i32
      %scan3A_45 = arith.constant 1 : i32
      scf.for %scan3A_85 = %scan3A_42 to %scan3A_44 step %scan3A_45  : i32 {
        %mul3A_86 = arith.constant 2 : i32
        %mul3A_87 = arith.muli %mul3A_86, %scan3A_85 : i32
        %add3A_88 = arith.constant 1 : i32
        %add3A_89 = arith.addi %mul3A_87, %add3A_88 : i32
        %lt3A = arith.constant 40 : i32
        %lt3A_90 = arith.cmpi slt, %add3A_89, %lt3A : i32
        %convert_element_type3A_91 = arith.extui %lt3A_90 : i1 to i32
        %cond3A_92 = arith.constant 0 : i32
        %cond3A_93 = arith.cmpi ne, %convert_element_type3A_91, %cond3A_92 : i32
        scf.if %cond3A_93 {
          %add3A_113 = arith.constant 1 : i32
          %add3A_114 = arith.addi %mul3A_87, %add3A_113 : i32
          %dma_start3A_115 = arith.constant 0 : i32
          %dma_start3A_116 = tpu.memref_slice %arg8[%add3A_114, %dma_start3A_115] : memref<40x128xi32, #tpu.memory_space<vmem>> -> memref<1x128xi32, #tpu.memory_space<vmem>>
          %dma_start3A_117 = tpu.memref_squeeze %dma_start3A_116 : memref<1x128xi32, #tpu.memory_space<vmem>> -> memref<128xi32, #tpu.memory_space<vmem>>
          %dma_start3A_118 = arith.constant 0 : i32
          %dma_start3A_119 = arith.constant 0 : i32
          %dma_start3A_120 = tpu.memref_slice %arg5[%dma_start3A_118, %dma_start3A_119] : memref<10240x128xf32, #tpu.memory_space<hbm>> -> memref<10240x128xf32, #tpu.memory_space<hbm>>
          tpu.enqueue_indirect_dma source(%dma_start3A_120 : memref<10240x128xf32, #tpu.memory_space<hbm>>) target(%arg11 : memref<128x128xf32, #tpu.memory_space<vmem>>) offsets(%dma_start3A_117 : memref<128xi32, #tpu.memory_space<vmem>>) semaphore(%arg14 : memref<!tpu.dma_semaphore, #tpu.memory_space<semaphore_mem>>)
        } else {
        }
        %dma_wait3A = arith.constant 0 : i32
        %dma_wait3A_94 = tpu.memref_slice %arg8[%mul3A_87, %dma_wait3A] : memref<40x128xi32, #tpu.memory_space<vmem>> -> memref<1x128xi32, #tpu.memory_space<vmem>>
        %dma_wait3A_95 = tpu.memref_squeeze %dma_wait3A_94 : memref<1x128xi32, #tpu.memory_space<vmem>> -> memref<128xi32, #tpu.memory_space<vmem>>
        %dma_wait3A_96 = arith.constant 0 : i32
        %dma_wait3A_97 = arith.constant 0 : i32
        %dma_wait3A_98 = tpu.memref_slice %arg5[%dma_wait3A_96, %dma_wait3A_97] : memref<10240x128xf32, #tpu.memory_space<hbm>> -> memref<10240x128xf32, #tpu.memory_space<hbm>>
        tpu.wait_indirect_dma semaphore(%arg13 : memref<!tpu.dma_semaphore, #tpu.memory_space<semaphore_mem>>) src(%dma_wait3A_98 : memref<10240x128xf32, #tpu.memory_space<hbm>>) dst(%arg10 : memref<128x128xf32, #tpu.memory_space<vmem>>)
        "tpu.region"() ({
          %run_scoped3A = tpu.sem_alloc : memref<!tpu.dma_semaphore, #tpu.memory_space<semaphore_mem>>
          %dma_start3A_113 = arith.constant 0 : i32
          %dma_start3A_114 = tpu.memref_slice %arg9[%mul3A_87, %dma_start3A_113] : memref<40x128xi32, #tpu.memory_space<vmem>> -> memref<1x128xi32, #tpu.memory_space<vmem>>
          %dma_start3A_115 = tpu.memref_squeeze %dma_start3A_114 : memref<1x128xi32, #tpu.memory_space<vmem>> -> memref<128xi32, #tpu.memory_space<vmem>>
          %dma_start3A_116 = arith.constant 0 : i32
          %dma_start3A_117 = arith.constant 0 : i32
          %dma_start3A_118 = tpu.memref_slice %arg12[%dma_start3A_116, %dma_start3A_117] : memref<10240x128xf32, #tpu.memory_space<vmem_shared>> -> memref<10240x128xf32, #tpu.memory_space<vmem_shared>>
          tpu.enqueue_indirect_dma source(%arg10 : memref<128x128xf32, #tpu.memory_space<vmem>>) target(%dma_start3A_118 : memref<10240x128xf32, #tpu.memory_space<vmem_shared>>) offsets(%dma_start3A_115 : memref<128xi32, #tpu.memory_space<vmem>>) semaphore(%run_scoped3A : memref<!tpu.dma_semaphore, #tpu.memory_space<semaphore_mem>>) {add = true}
          %dma_wait3A_119 = arith.constant 0 : i32
          %dma_wait3A_120 = tpu.memref_slice %arg9[%mul3A_87, %dma_wait3A_119] : memref<40x128xi32, #tpu.memory_space<vmem>> -> memref<1x128xi32, #tpu.memory_space<vmem>>
          %dma_wait3A_121 = tpu.memref_squeeze %dma_wait3A_120 : memref<1x128xi32, #tpu.memory_space<vmem>> -> memref<128xi32, #tpu.memory_space<vmem>>
          %dma_wait3A_122 = arith.constant 0 : i32
          %dma_wait3A_123 = arith.constant 0 : i32
          %dma_wait3A_124 = tpu.memref_slice %arg12[%dma_wait3A_122, %dma_wait3A_123] : memref<10240x128xf32, #tpu.memory_space<vmem_shared>> -> memref<10240x128xf32, #tpu.memory_space<vmem_shared>>
          tpu.wait_indirect_dma semaphore(%run_scoped3A : memref<!tpu.dma_semaphore, #tpu.memory_space<semaphore_mem>>) src(%arg10 : memref<128x128xf32, #tpu.memory_space<vmem>>) dst(%dma_wait3A_124 : memref<10240x128xf32, #tpu.memory_space<vmem_shared>>)
          tpu.yield
        }) : () -> ()
        %add3A_99 = arith.constant 2 : i32
        %add3A_100 = arith.addi %mul3A_87, %add3A_99 : i32
        %lt3A_101 = arith.constant 40 : i32
        %lt3A_102 = arith.cmpi slt, %add3A_100, %lt3A_101 : i32
        %convert_element_type3A_103 = arith.extui %lt3A_102 : i1 to i32
        %cond3A_104 = arith.constant 0 : i32
        %cond3A_105 = arith.cmpi ne, %convert_element_type3A_103, %cond3A_104 : i32
        scf.if %cond3A_105 {
          %add3A_113 = arith.constant 2 : i32
          %add3A_114 = arith.addi %mul3A_87, %add3A_113 : i32
          %dma_start3A_115 = arith.constant 0 : i32
          %dma_start3A_116 = tpu.memref_slice %arg8[%add3A_114, %dma_start3A_115] : memref<40x128xi32, #tpu.memory_space<vmem>> -> memref<1x128xi32, #tpu.memory_space<vmem>>
          %dma_start3A_117 = tpu.memref_squeeze %dma_start3A_116 : memref<1x128xi32, #tpu.memory_space<vmem>> -> memref<128xi32, #tpu.memory_space<vmem>>
          %dma_start3A_118 = arith.constant 0 : i32
          %dma_start3A_119 = arith.constant 0 : i32
          %dma_start3A_120 = tpu.memref_slice %arg5[%dma_start3A_118, %dma_start3A_119] : memref<10240x128xf32, #tpu.memory_space<hbm>> -> memref<10240x128xf32, #tpu.memory_space<hbm>>
          tpu.enqueue_indirect_dma source(%dma_start3A_120 : memref<10240x128xf32, #tpu.memory_space<hbm>>) target(%arg10 : memref<128x128xf32, #tpu.memory_space<vmem>>) offsets(%dma_start3A_117 : memref<128xi32, #tpu.memory_space<vmem>>) semaphore(%arg13 : memref<!tpu.dma_semaphore, #tpu.memory_space<semaphore_mem>>)
        } else {
        }
        %add3A_106 = arith.constant 1 : i32
        %add3A_107 = arith.addi %mul3A_87, %add3A_106 : i32
        %lt3A_108 = arith.constant 40 : i32
        %lt3A_109 = arith.cmpi slt, %add3A_107, %lt3A_108 : i32
        %convert_element_type3A_110 = arith.extui %lt3A_109 : i1 to i32
        %cond3A_111 = arith.constant 0 : i32
        %cond3A_112 = arith.cmpi ne, %convert_element_type3A_110, %cond3A_111 : i32
        scf.if %cond3A_112 {
          %add3A_113 = arith.constant 1 : i32
          %add3A_114 = arith.addi %mul3A_87, %add3A_113 : i32
          %dma_wait3A_115 = arith.constant 0 : i32
          %dma_wait3A_116 = tpu.memref_slice %arg8[%add3A_114, %dma_wait3A_115] : memref<40x128xi32, #tpu.memory_space<vmem>> -> memref<1x128xi32, #tpu.memory_space<vmem>>
          %dma_wait3A_117 = tpu.memref_squeeze %dma_wait3A_116 : memref<1x128xi32, #tpu.memory_space<vmem>> -> memref<128xi32, #tpu.memory_space<vmem>>
          %dma_wait3A_118 = arith.constant 0 : i32
          %dma_wait3A_119 = arith.constant 0 : i32
          %dma_wait3A_120 = tpu.memref_slice %arg5[%dma_wait3A_118, %dma_wait3A_119] : memref<10240x128xf32, #tpu.memory_space<hbm>> -> memref<10240x128xf32, #tpu.memory_space<hbm>>
          tpu.wait_indirect_dma semaphore(%arg14 : memref<!tpu.dma_semaphore, #tpu.memory_space<semaphore_mem>>) src(%dma_wait3A_120 : memref<10240x128xf32, #tpu.memory_space<hbm>>) dst(%arg11 : memref<128x128xf32, #tpu.memory_space<vmem>>)
          %add3A_121 = arith.constant 1 : i32
          %add3A_122 = arith.addi %mul3A_87, %add3A_121 : i32
          "tpu.region"() ({
            %run_scoped3A = tpu.sem_alloc : memref<!tpu.dma_semaphore, #tpu.memory_space<semaphore_mem>>
            %dma_start3A_123 = arith.constant 0 : i32
            %dma_start3A_124 = tpu.memref_slice %arg9[%add3A_122, %dma_start3A_123] : memref<40x128xi32, #tpu.memory_space<vmem>> -> memref<1x128xi32, #tpu.memory_space<vmem>>
            %dma_start3A_125 = tpu.memref_squeeze %dma_start3A_124 : memref<1x128xi32, #tpu.memory_space<vmem>> -> memref<128xi32, #tpu.memory_space<vmem>>
            %dma_start3A_126 = arith.constant 0 : i32
            %dma_start3A_127 = arith.constant 0 : i32
            %dma_start3A_128 = tpu.memref_slice %arg12[%dma_start3A_126, %dma_start3A_127] : memref<10240x128xf32, #tpu.memory_space<vmem_shared>> -> memref<10240x128xf32, #tpu.memory_space<vmem_shared>>
            tpu.enqueue_indirect_dma source(%arg11 : memref<128x128xf32, #tpu.memory_space<vmem>>) target(%dma_start3A_128 : memref<10240x128xf32, #tpu.memory_space<vmem_shared>>) offsets(%dma_start3A_125 : memref<128xi32, #tpu.memory_space<vmem>>) semaphore(%run_scoped3A : memref<!tpu.dma_semaphore, #tpu.memory_space<semaphore_mem>>) {add = true}
            %dma_wait3A_129 = arith.constant 0 : i32
            %dma_wait3A_130 = tpu.memref_slice %arg9[%add3A_122, %dma_wait3A_129] : memref<40x128xi32, #tpu.memory_space<vmem>> -> memref<1x128xi32, #tpu.memory_space<vmem>>
            %dma_wait3A_131 = tpu.memref_squeeze %dma_wait3A_130 : memref<1x128xi32, #tpu.memory_space<vmem>> -> memref<128xi32, #tpu.memory_space<vmem>>
            %dma_wait3A_132 = arith.constant 0 : i32
            %dma_wait3A_133 = arith.constant 0 : i32
            %dma_wait3A_134 = tpu.memref_slice %arg12[%dma_wait3A_132, %dma_wait3A_133] : memref<10240x128xf32, #tpu.memory_space<vmem_shared>> -> memref<10240x128xf32, #tpu.memory_space<vmem_shared>>
            tpu.wait_indirect_dma semaphore(%run_scoped3A : memref<!tpu.dma_semaphore, #tpu.memory_space<semaphore_mem>>) src(%arg11 : memref<128x128xf32, #tpu.memory_space<vmem>>) dst(%dma_wait3A_134 : memref<10240x128xf32, #tpu.memory_space<vmem_shared>>)
            tpu.yield
          }) : () -> ()
        } else {
        }
      }
      %scan3A_46 = arith.constant 20 : i32
      %add3A_47 = arith.constant 16 : i32
      %add3A_48 = arith.addi %add3A_47, %arg1 : i32
      "tpu.region"() ({
        %run_scoped3A = tpu.sem_alloc : memref<!tpu.dma_semaphore, #tpu.memory_space<semaphore_mem>>
        %dma_start3A_85 = arith.constant 0 : i32
        %dma_start3A_86 = arith.constant 0 : i32
        %dma_start3A_87 = tpu.memref_slice %arg2[%add3A_48, %dma_start3A_85, %dma_start3A_86] : memref<32x40x128xi32, #tpu.memory_space<hbm>> -> memref<1x40x128xi32, #tpu.memory_space<hbm>>
        %dma_start3A_88 = tpu.memref_squeeze %dma_start3A_87 : memref<1x40x128xi32, #tpu.memory_space<hbm>> -> memref<40x128xi32, #tpu.memory_space<hbm>>
        %dma_start3A_89 = arith.constant 0 : i32
        %dma_start3A_90 = arith.constant 0 : i32
        %dma_start3A_91 = tpu.memref_slice %arg2[%add3A_48, %dma_start3A_89, %dma_start3A_90] : memref<32x40x128xi32, #tpu.memory_space<hbm>> -> memref<1x40x128xi32, #tpu.memory_space<hbm>>
        %dma_start3A_92 = tpu.memref_squeeze %dma_start3A_91 : memref<1x40x128xi32, #tpu.memory_space<hbm>> -> memref<40x128xi32, #tpu.memory_space<hbm>>
        tpu.enqueue_dma source(%dma_start3A_92 : memref<40x128xi32, #tpu.memory_space<hbm>>) target(%arg8 : memref<40x128xi32, #tpu.memory_space<vmem>>) target_semaphore(%run_scoped3A : memref<!tpu.dma_semaphore, #tpu.memory_space<semaphore_mem>>)
        %dma_wait3A = arith.constant 0 : i32
        %dma_wait3A_93 = arith.constant 0 : i32
        %dma_wait3A_94 = tpu.memref_slice %arg2[%add3A_48, %dma_wait3A, %dma_wait3A_93] : memref<32x40x128xi32, #tpu.memory_space<hbm>> -> memref<1x40x128xi32, #tpu.memory_space<hbm>>
        %dma_wait3A_95 = tpu.memref_squeeze %dma_wait3A_94 : memref<1x40x128xi32, #tpu.memory_space<hbm>> -> memref<40x128xi32, #tpu.memory_space<hbm>>
        %dma_wait3A_96 = arith.constant 0 : i32
        %dma_wait3A_97 = arith.constant 0 : i32
        %dma_wait3A_98 = tpu.memref_slice %arg2[%add3A_48, %dma_wait3A_96, %dma_wait3A_97] : memref<32x40x128xi32, #tpu.memory_space<hbm>> -> memref<1x40x128xi32, #tpu.memory_space<hbm>>
        %dma_wait3A_99 = tpu.memref_squeeze %dma_wait3A_98 : memref<1x40x128xi32, #tpu.memory_space<hbm>> -> memref<40x128xi32, #tpu.memory_space<hbm>>
        tpu.wait_dma2 semaphore(%run_scoped3A : memref<!tpu.dma_semaphore, #tpu.memory_space<semaphore_mem>>) src(%dma_wait3A_99 : memref<40x128xi32, #tpu.memory_space<hbm>>) dst(%arg8 : memref<40x128xi32, #tpu.memory_space<vmem>>)
        tpu.yield
      }) : () -> ()
      %add3A_49 = arith.constant 16 : i32
      %add3A_50 = arith.addi %add3A_49, %arg1 : i32
      "tpu.region"() ({
        %run_scoped3A = tpu.sem_alloc : memref<!tpu.dma_semaphore, #tpu.memory_space<semaphore_mem>>
        %dma_start3A_85 = arith.constant 0 : i32
        %dma_start3A_86 = arith.constant 0 : i32
        %dma_start3A_87 = tpu.memref_slice %arg3[%add3A_50, %dma_start3A_85, %dma_start3A_86] : memref<32x40x128xi32, #tpu.memory_space<hbm>> -> memref<1x40x128xi32, #tpu.memory_space<hbm>>
        %dma_start3A_88 = tpu.memref_squeeze %dma_start3A_87 : memref<1x40x128xi32, #tpu.memory_space<hbm>> -> memref<40x128xi32, #tpu.memory_space<hbm>>
        %dma_start3A_89 = arith.constant 0 : i32
        %dma_start3A_90 = arith.constant 0 : i32
        %dma_start3A_91 = tpu.memref_slice %arg3[%add3A_50, %dma_start3A_89, %dma_start3A_90] : memref<32x40x128xi32, #tpu.memory_space<hbm>> -> memref<1x40x128xi32, #tpu.memory_space<hbm>>
        %dma_start3A_92 = tpu.memref_squeeze %dma_start3A_91 : memref<1x40x128xi32, #tpu.memory_space<hbm>> -> memref<40x128xi32, #tpu.memory_space<hbm>>
        tpu.enqueue_dma source(%dma_start3A_92 : memref<40x128xi32, #tpu.memory_space<hbm>>) target(%arg9 : memref<40x128xi32, #tpu.memory_space<vmem>>) target_semaphore(%run_scoped3A : memref<!tpu.dma_semaphore, #tpu.memory_space<semaphore_mem>>)
        %dma_wait3A = arith.constant 0 : i32
        %dma_wait3A_93 = arith.constant 0 : i32
        %dma_wait3A_94 = tpu.memref_slice %arg3[%add3A_50, %dma_wait3A, %dma_wait3A_93] : memref<32x40x128xi32, #tpu.memory_space<hbm>> -> memref<1x40x128xi32, #tpu.memory_space<hbm>>
        %dma_wait3A_95 = tpu.memref_squeeze %dma_wait3A_94 : memref<1x40x128xi32, #tpu.memory_space<hbm>> -> memref<40x128xi32, #tpu.memory_space<hbm>>
        %dma_wait3A_96 = arith.constant 0 : i32
        %dma_wait3A_97 = arith.constant 0 : i32
        %dma_wait3A_98 = tpu.memref_slice %arg3[%add3A_50, %dma_wait3A_96, %dma_wait3A_97] : memref<32x40x128xi32, #tpu.memory_space<hbm>> -> memref<1x40x128xi32, #tpu.memory_space<hbm>>
        %dma_wait3A_99 = tpu.memref_squeeze %dma_wait3A_98 : memref<1x40x128xi32, #tpu.memory_space<hbm>> -> memref<40x128xi32, #tpu.memory_space<hbm>>
        tpu.wait_dma2 semaphore(%run_scoped3A : memref<!tpu.dma_semaphore, #tpu.memory_space<semaphore_mem>>) src(%dma_wait3A_99 : memref<40x128xi32, #tpu.memory_space<hbm>>) dst(%arg9 : memref<40x128xi32, #tpu.memory_space<vmem>>)
        tpu.yield
      }) : () -> ()
      %dma_start3A_51 = arith.constant 0 : i32
      %dma_start3A_52 = arith.constant 0 : i32
      %dma_start3A_53 = tpu.memref_slice %arg8[%dma_start3A_51, %dma_start3A_52] : memref<40x128xi32, #tpu.memory_space<vmem>> -> memref<1x128xi32, #tpu.memory_space<vmem>>
      %dma_start3A_54 = tpu.memref_squeeze %dma_start3A_53 : memref<1x128xi32, #tpu.memory_space<vmem>> -> memref<128xi32, #tpu.memory_space<vmem>>
      %dma_start3A_55 = arith.constant 0 : i32
      %dma_start3A_56 = arith.constant 0 : i32
      %dma_start3A_57 = tpu.memref_slice %arg5[%dma_start3A_55, %dma_start3A_56] : memref<10240x128xf32, #tpu.memory_space<hbm>> -> memref<10240x128xf32, #tpu.memory_space<hbm>>
      tpu.enqueue_indirect_dma source(%dma_start3A_57 : memref<10240x128xf32, #tpu.memory_space<hbm>>) target(%arg10 : memref<128x128xf32, #tpu.memory_space<vmem>>) offsets(%dma_start3A_54 : memref<128xi32, #tpu.memory_space<vmem>>) semaphore(%arg13 : memref<!tpu.dma_semaphore, #tpu.memory_space<semaphore_mem>>)
      %scan3A_58 = arith.constant 0 : i32
      %scan3A_59 = arith.constant 0 : i32
      %scan3A_60 = arith.constant 20 : i32
      %scan3A_61 = arith.addi %scan3A_59, %scan3A_60 : i32
      %scan3A_62 = arith.constant 1 : i32
      scf.for %scan3A_85 = %scan3A_59 to %scan3A_61 step %scan3A_62  : i32 {
        %mul3A_86 = arith.constant 2 : i32
        %mul3A_87 = arith.muli %mul3A_86, %scan3A_85 : i32
        %add3A_88 = arith.constant 1 : i32
        %add3A_89 = arith.addi %mul3A_87, %add3A_88 : i32
        %lt3A = arith.constant 40 : i32
        %lt3A_90 = arith.cmpi slt, %add3A_89, %lt3A : i32
        %convert_element_type3A_91 = arith.extui %lt3A_90 : i1 to i32
        %cond3A_92 = arith.constant 0 : i32
        %cond3A_93 = arith.cmpi ne, %convert_element_type3A_91, %cond3A_92 : i32
        scf.if %cond3A_93 {
          %add3A_113 = arith.constant 1 : i32
          %add3A_114 = arith.addi %mul3A_87, %add3A_113 : i32
          %dma_start3A_115 = arith.constant 0 : i32
          %dma_start3A_116 = tpu.memref_slice %arg8[%add3A_114, %dma_start3A_115] : memref<40x128xi32, #tpu.memory_space<vmem>> -> memref<1x128xi32, #tpu.memory_space<vmem>>
          %dma_start3A_117 = tpu.memref_squeeze %dma_start3A_116 : memref<1x128xi32, #tpu.memory_space<vmem>> -> memref<128xi32, #tpu.memory_space<vmem>>
          %dma_start3A_118 = arith.constant 0 : i32
          %dma_start3A_119 = arith.constant 0 : i32
          %dma_start3A_120 = tpu.memref_slice %arg5[%dma_start3A_118, %dma_start3A_119] : memref<10240x128xf32, #tpu.memory_space<hbm>> -> memref<10240x128xf32, #tpu.memory_space<hbm>>
          tpu.enqueue_indirect_dma source(%dma_start3A_120 : memref<10240x128xf32, #tpu.memory_space<hbm>>) target(%arg11 : memref<128x128xf32, #tpu.memory_space<vmem>>) offsets(%dma_start3A_117 : memref<128xi32, #tpu.memory_space<vmem>>) semaphore(%arg14 : memref<!tpu.dma_semaphore, #tpu.memory_space<semaphore_mem>>)
        } else {
        }
        %dma_wait3A = arith.constant 0 : i32
        %dma_wait3A_94 = tpu.memref_slice %arg8[%mul3A_87, %dma_wait3A] : memref<40x128xi32, #tpu.memory_space<vmem>> -> memref<1x128xi32, #tpu.memory_space<vmem>>
        %dma_wait3A_95 = tpu.memref_squeeze %dma_wait3A_94 : memref<1x128xi32, #tpu.memory_space<vmem>> -> memref<128xi32, #tpu.memory_space<vmem>>
        %dma_wait3A_96 = arith.constant 0 : i32
        %dma_wait3A_97 = arith.constant 0 : i32
        %dma_wait3A_98 = tpu.memref_slice %arg5[%dma_wait3A_96, %dma_wait3A_97] : memref<10240x128xf32, #tpu.memory_space<hbm>> -> memref<10240x128xf32, #tpu.memory_space<hbm>>
        tpu.wait_indirect_dma semaphore(%arg13 : memref<!tpu.dma_semaphore, #tpu.memory_space<semaphore_mem>>) src(%dma_wait3A_98 : memref<10240x128xf32, #tpu.memory_space<hbm>>) dst(%arg10 : memref<128x128xf32, #tpu.memory_space<vmem>>)
        "tpu.region"() ({
          %run_scoped3A = tpu.sem_alloc : memref<!tpu.dma_semaphore, #tpu.memory_space<semaphore_mem>>
          %dma_start3A_113 = arith.constant 0 : i32
          %dma_start3A_114 = tpu.memref_slice %arg9[%mul3A_87, %dma_start3A_113] : memref<40x128xi32, #tpu.memory_space<vmem>> -> memref<1x128xi32, #tpu.memory_space<vmem>>
          %dma_start3A_115 = tpu.memref_squeeze %dma_start3A_114 : memref<1x128xi32, #tpu.memory_space<vmem>> -> memref<128xi32, #tpu.memory_space<vmem>>
          %dma_start3A_116 = arith.constant 0 : i32
          %dma_start3A_117 = arith.constant 0 : i32
          %dma_start3A_118 = tpu.memref_slice %arg12[%dma_start3A_116, %dma_start3A_117] : memref<10240x128xf32, #tpu.memory_space<vmem_shared>> -> memref<10240x128xf32, #tpu.memory_space<vmem_shared>>
          tpu.enqueue_indirect_dma source(%arg10 : memref<128x128xf32, #tpu.memory_space<vmem>>) target(%dma_start3A_118 : memref<10240x128xf32, #tpu.memory_space<vmem_shared>>) offsets(%dma_start3A_115 : memref<128xi32, #tpu.memory_space<vmem>>) semaphore(%run_scoped3A : memref<!tpu.dma_semaphore, #tpu.memory_space<semaphore_mem>>) {add = true}
          %dma_wait3A_119 = arith.constant 0 : i32
          %dma_wait3A_120 = tpu.memref_slice %arg9[%mul3A_87, %dma_wait3A_119] : memref<40x128xi32, #tpu.memory_space<vmem>> -> memref<1x128xi32, #tpu.memory_space<vmem>>
          %dma_wait3A_121 = tpu.memref_squeeze %dma_wait3A_120 : memref<1x128xi32, #tpu.memory_space<vmem>> -> memref<128xi32, #tpu.memory_space<vmem>>
          %dma_wait3A_122 = arith.constant 0 : i32
          %dma_wait3A_123 = arith.constant 0 : i32
          %dma_wait3A_124 = tpu.memref_slice %arg12[%dma_wait3A_122, %dma_wait3A_123] : memref<10240x128xf32, #tpu.memory_space<vmem_shared>> -> memref<10240x128xf32, #tpu.memory_space<vmem_shared>>
          tpu.wait_indirect_dma semaphore(%run_scoped3A : memref<!tpu.dma_semaphore, #tpu.memory_space<semaphore_mem>>) src(%arg10 : memref<128x128xf32, #tpu.memory_space<vmem>>) dst(%dma_wait3A_124 : memref<10240x128xf32, #tpu.memory_space<vmem_shared>>)
          tpu.yield
        }) : () -> ()
        %add3A_99 = arith.constant 2 : i32
        %add3A_100 = arith.addi %mul3A_87, %add3A_99 : i32
        %lt3A_101 = arith.constant 40 : i32
        %lt3A_102 = arith.cmpi slt, %add3A_100, %lt3A_101 : i32
        %convert_element_type3A_103 = arith.extui %lt3A_102 : i1 to i32
        %cond3A_104 = arith.constant 0 : i32
        %cond3A_105 = arith.cmpi ne, %convert_element_type3A_103, %cond3A_104 : i32
        scf.if %cond3A_105 {
          %add3A_113 = arith.constant 2 : i32
          %add3A_114 = arith.addi %mul3A_87, %add3A_113 : i32
          %dma_start3A_115 = arith.constant 0 : i32
          %dma_start3A_116 = tpu.memref_slice %arg8[%add3A_114, %dma_start3A_115] : memref<40x128xi32, #tpu.memory_space<vmem>> -> memref<1x128xi32, #tpu.memory_space<vmem>>
          %dma_start3A_117 = tpu.memref_squeeze %dma_start3A_116 : memref<1x128xi32, #tpu.memory_space<vmem>> -> memref<128xi32, #tpu.memory_space<vmem>>
          %dma_start3A_118 = arith.constant 0 : i32
          %dma_start3A_119 = arith.constant 0 : i32
          %dma_start3A_120 = tpu.memref_slice %arg5[%dma_start3A_118, %dma_start3A_119] : memref<10240x128xf32, #tpu.memory_space<hbm>> -> memref<10240x128xf32, #tpu.memory_space<hbm>>
          tpu.enqueue_indirect_dma source(%dma_start3A_120 : memref<10240x128xf32, #tpu.memory_space<hbm>>) target(%arg10 : memref<128x128xf32, #tpu.memory_space<vmem>>) offsets(%dma_start3A_117 : memref<128xi32, #tpu.memory_space<vmem>>) semaphore(%arg13 : memref<!tpu.dma_semaphore, #tpu.memory_space<semaphore_mem>>)
        } else {
        }
        %add3A_106 = arith.constant 1 : i32
        %add3A_107 = arith.addi %mul3A_87, %add3A_106 : i32
        %lt3A_108 = arith.constant 40 : i32
        %lt3A_109 = arith.cmpi slt, %add3A_107, %lt3A_108 : i32
        %convert_element_type3A_110 = arith.extui %lt3A_109 : i1 to i32
        %cond3A_111 = arith.constant 0 : i32
        %cond3A_112 = arith.cmpi ne, %convert_element_type3A_110, %cond3A_111 : i32
        scf.if %cond3A_112 {
          %add3A_113 = arith.constant 1 : i32
          %add3A_114 = arith.addi %mul3A_87, %add3A_113 : i32
          %dma_wait3A_115 = arith.constant 0 : i32
          %dma_wait3A_116 = tpu.memref_slice %arg8[%add3A_114, %dma_wait3A_115] : memref<40x128xi32, #tpu.memory_space<vmem>> -> memref<1x128xi32, #tpu.memory_space<vmem>>
          %dma_wait3A_117 = tpu.memref_squeeze %dma_wait3A_116 : memref<1x128xi32, #tpu.memory_space<vmem>> -> memref<128xi32, #tpu.memory_space<vmem>>
          %dma_wait3A_118 = arith.constant 0 : i32
          %dma_wait3A_119 = arith.constant 0 : i32
          %dma_wait3A_120 = tpu.memref_slice %arg5[%dma_wait3A_118, %dma_wait3A_119] : memref<10240x128xf32, #tpu.memory_space<hbm>> -> memref<10240x128xf32, #tpu.memory_space<hbm>>
          tpu.wait_indirect_dma semaphore(%arg14 : memref<!tpu.dma_semaphore, #tpu.memory_space<semaphore_mem>>) src(%dma_wait3A_120 : memref<10240x128xf32, #tpu.memory_space<hbm>>) dst(%arg11 : memref<128x128xf32, #tpu.memory_space<vmem>>)
          %add3A_121 = arith.constant 1 : i32
          %add3A_122 = arith.addi %mul3A_87, %add3A_121 : i32
          "tpu.region"() ({
            %run_scoped3A = tpu.sem_alloc : memref<!tpu.dma_semaphore, #tpu.memory_space<semaphore_mem>>
            %dma_start3A_123 = arith.constant 0 : i32
            %dma_start3A_124 = tpu.memref_slice %arg9[%add3A_122, %dma_start3A_123] : memref<40x128xi32, #tpu.memory_space<vmem>> -> memref<1x128xi32, #tpu.memory_space<vmem>>
            %dma_start3A_125 = tpu.memref_squeeze %dma_start3A_124 : memref<1x128xi32, #tpu.memory_space<vmem>> -> memref<128xi32, #tpu.memory_space<vmem>>
            %dma_start3A_126 = arith.constant 0 : i32
            %dma_start3A_127 = arith.constant 0 : i32
            %dma_start3A_128 = tpu.memref_slice %arg12[%dma_start3A_126, %dma_start3A_127] : memref<10240x128xf32, #tpu.memory_space<vmem_shared>> -> memref<10240x128xf32, #tpu.memory_space<vmem_shared>>
            tpu.enqueue_indirect_dma source(%arg11 : memref<128x128xf32, #tpu.memory_space<vmem>>) target(%dma_start3A_128 : memref<10240x128xf32, #tpu.memory_space<vmem_shared>>) offsets(%dma_start3A_125 : memref<128xi32, #tpu.memory_space<vmem>>) semaphore(%run_scoped3A : memref<!tpu.dma_semaphore, #tpu.memory_space<semaphore_mem>>) {add = true}
            %dma_wait3A_129 = arith.constant 0 : i32
            %dma_wait3A_130 = tpu.memref_slice %arg9[%add3A_122, %dma_wait3A_129] : memref<40x128xi32, #tpu.memory_space<vmem>> -> memref<1x128xi32, #tpu.memory_space<vmem>>
            %dma_wait3A_131 = tpu.memref_squeeze %dma_wait3A_130 : memref<1x128xi32, #tpu.memory_space<vmem>> -> memref<128xi32, #tpu.memory_space<vmem>>
            %dma_wait3A_132 = arith.constant 0 : i32
            %dma_wait3A_133 = arith.constant 0 : i32
            %dma_wait3A_134 = tpu.memref_slice %arg12[%dma_wait3A_132, %dma_wait3A_133] : memref<10240x128xf32, #tpu.memory_space<vmem_shared>> -> memref<10240x128xf32, #tpu.memory_space<vmem_shared>>
            tpu.wait_indirect_dma semaphore(%run_scoped3A : memref<!tpu.dma_semaphore, #tpu.memory_space<semaphore_mem>>) src(%arg11 : memref<128x128xf32, #tpu.memory_space<vmem>>) dst(%dma_wait3A_134 : memref<10240x128xf32, #tpu.memory_space<vmem_shared>>)
            tpu.yield
          }) : () -> ()
        } else {
        }
      }
      %scan3A_63 = arith.constant 20 : i32
      %barrier3A_64 = arith.constant 0 : index
      tpu.barrier barrier_id(%barrier3A_64)
      %mul3A_65 = arith.constant 640 : i32
      %mul3A_66 = arith.muli %arg1, %mul3A_65 : i32
      %add3A_67 = arith.constant 0 : i32
      %add3A_68 = arith.addi %mul3A_66, %add3A_67 : i32
      "tpu.region"() ({
        %run_scoped3A = tpu.sem_alloc : memref<!tpu.dma_semaphore, #tpu.memory_space<semaphore_mem>>
        %dma_start3A_85 = arith.constant 0 : i32
        %dma_start3A_86 = tpu.memref_slice %arg7[%add3A_68, %dma_start3A_85] : memref<10240x128xf32, #tpu.memory_space<hbm>> -> memref<128x128xf32, #tpu.memory_space<hbm>>
        %dma_start3A_87 = arith.constant 0 : i32
        %dma_start3A_88 = tpu.memref_slice %arg12[%add3A_68, %dma_start3A_87] : memref<10240x128xf32, #tpu.memory_space<vmem_shared>> -> memref<128x128xf32, #tpu.memory_space<vmem_shared>>
        tpu.enqueue_dma source(%dma_start3A_88 : memref<128x128xf32, #tpu.memory_space<vmem_shared>>) target(%dma_start3A_86 : memref<128x128xf32, #tpu.memory_space<hbm>>) target_semaphore(%run_scoped3A : memref<!tpu.dma_semaphore, #tpu.memory_space<semaphore_mem>>)
        %dma_wait3A = arith.constant 0 : i32
        %dma_wait3A_89 = tpu.memref_slice %arg7[%add3A_68, %dma_wait3A] : memref<10240x128xf32, #tpu.memory_space<hbm>> -> memref<128x128xf32, #tpu.memory_space<hbm>>
        %dma_wait3A_90 = arith.constant 0 : i32
        %dma_wait3A_91 = tpu.memref_slice %arg12[%add3A_68, %dma_wait3A_90] : memref<10240x128xf32, #tpu.memory_space<vmem_shared>> -> memref<128x128xf32, #tpu.memory_space<vmem_shared>>
        tpu.wait_dma2 semaphore(%run_scoped3A : memref<!tpu.dma_semaphore, #tpu.memory_space<semaphore_mem>>) src(%dma_wait3A_91 : memref<128x128xf32, #tpu.memory_space<vmem_shared>>) dst(%dma_wait3A_89 : memref<128x128xf32, #tpu.memory_space<hbm>>)
        tpu.yield
      }) : () -> ()
      %mul3A_69 = arith.constant 640 : i32
      %mul3A_70 = arith.muli %arg1, %mul3A_69 : i32
      %add3A_71 = arith.constant 128 : i32
      %add3A_72 = arith.addi %mul3A_70, %add3A_71 : i32
      "tpu.region"() ({
        %run_scoped3A = tpu.sem_alloc : memref<!tpu.dma_semaphore, #tpu.memory_space<semaphore_mem>>
        %dma_start3A_85 = arith.constant 0 : i32
        %dma_start3A_86 = tpu.memref_slice %arg7[%add3A_72, %dma_start3A_85] : memref<10240x128xf32, #tpu.memory_space<hbm>> -> memref<128x128xf32, #tpu.memory_space<hbm>>
        %dma_start3A_87 = arith.constant 0 : i32
        %dma_start3A_88 = tpu.memref_slice %arg12[%add3A_72, %dma_start3A_87] : memref<10240x128xf32, #tpu.memory_space<vmem_shared>> -> memref<128x128xf32, #tpu.memory_space<vmem_shared>>
        tpu.enqueue_dma source(%dma_start3A_88 : memref<128x128xf32, #tpu.memory_space<vmem_shared>>) target(%dma_start3A_86 : memref<128x128xf32, #tpu.memory_space<hbm>>) target_semaphore(%run_scoped3A : memref<!tpu.dma_semaphore, #tpu.memory_space<semaphore_mem>>)
        %dma_wait3A = arith.constant 0 : i32
        %dma_wait3A_89 = tpu.memref_slice %arg7[%add3A_72, %dma_wait3A] : memref<10240x128xf32, #tpu.memory_space<hbm>> -> memref<128x128xf32, #tpu.memory_space<hbm>>
        %dma_wait3A_90 = arith.constant 0 : i32
        %dma_wait3A_91 = tpu.memref_slice %arg12[%add3A_72, %dma_wait3A_90] : memref<10240x128xf32, #tpu.memory_space<vmem_shared>> -> memref<128x128xf32, #tpu.memory_space<vmem_shared>>
        tpu.wait_dma2 semaphore(%run_scoped3A : memref<!tpu.dma_semaphore, #tpu.memory_space<semaphore_mem>>) src(%dma_wait3A_91 : memref<128x128xf32, #tpu.memory_space<vmem_shared>>) dst(%dma_wait3A_89 : memref<128x128xf32, #tpu.memory_space<hbm>>)
        tpu.yield
      }) : () -> ()
      %mul3A_73 = arith.constant 640 : i32
      %mul3A_74 = arith.muli %arg1, %mul3A_73 : i32
      %add3A_75 = arith.constant 256 : i32
      %add3A_76 = arith.addi %mul3A_74, %add3A_75 : i32
      "tpu.region"() ({
        %run_scoped3A = tpu.sem_alloc : memref<!tpu.dma_semaphore, #tpu.memory_space<semaphore_mem>>
        %dma_start3A_85 = arith.constant 0 : i32
        %dma_start3A_86 = tpu.memref_slice %arg7[%add3A_76, %dma_start3A_85] : memref<10240x128xf32, #tpu.memory_space<hbm>> -> memref<128x128xf32, #tpu.memory_space<hbm>>
        %dma_start3A_87 = arith.constant 0 : i32
        %dma_start3A_88 = tpu.memref_slice %arg12[%add3A_76, %dma_start3A_87] : memref<10240x128xf32, #tpu.memory_space<vmem_shared>> -> memref<128x128xf32, #tpu.memory_space<vmem_shared>>
        tpu.enqueue_dma source(%dma_start3A_88 : memref<128x128xf32, #tpu.memory_space<vmem_shared>>) target(%dma_start3A_86 : memref<128x128xf32, #tpu.memory_space<hbm>>) target_semaphore(%run_scoped3A : memref<!tpu.dma_semaphore, #tpu.memory_space<semaphore_mem>>)
        %dma_wait3A = arith.constant 0 : i32
        %dma_wait3A_89 = tpu.memref_slice %arg7[%add3A_76, %dma_wait3A] : memref<10240x128xf32, #tpu.memory_space<hbm>> -> memref<128x128xf32, #tpu.memory_space<hbm>>
        %dma_wait3A_90 = arith.constant 0 : i32
        %dma_wait3A_91 = tpu.memref_slice %arg12[%add3A_76, %dma_wait3A_90] : memref<10240x128xf32, #tpu.memory_space<vmem_shared>> -> memref<128x128xf32, #tpu.memory_space<vmem_shared>>
        tpu.wait_dma2 semaphore(%run_scoped3A : memref<!tpu.dma_semaphore, #tpu.memory_space<semaphore_mem>>) src(%dma_wait3A_91 : memref<128x128xf32, #tpu.memory_space<vmem_shared>>) dst(%dma_wait3A_89 : memref<128x128xf32, #tpu.memory_space<hbm>>)
        tpu.yield
      }) : () -> ()
      %mul3A_77 = arith.constant 640 : i32
      %mul3A_78 = arith.muli %arg1, %mul3A_77 : i32
      %add3A_79 = arith.constant 384 : i32
      %add3A_80 = arith.addi %mul3A_78, %add3A_79 : i32
      "tpu.region"() ({
        %run_scoped3A = tpu.sem_alloc : memref<!tpu.dma_semaphore, #tpu.memory_space<semaphore_mem>>
        %dma_start3A_85 = arith.constant 0 : i32
        %dma_start3A_86 = tpu.memref_slice %arg7[%add3A_80, %dma_start3A_85] : memref<10240x128xf32, #tpu.memory_space<hbm>> -> memref<128x128xf32, #tpu.memory_space<hbm>>
        %dma_start3A_87 = arith.constant 0 : i32
        %dma_start3A_88 = tpu.memref_slice %arg12[%add3A_80, %dma_start3A_87] : memref<10240x128xf32, #tpu.memory_space<vmem_shared>> -> memref<128x128xf32, #tpu.memory_space<vmem_shared>>
        tpu.enqueue_dma source(%dma_start3A_88 : memref<128x128xf32, #tpu.memory_space<vmem_shared>>) target(%dma_start3A_86 : memref<128x128xf32, #tpu.memory_space<hbm>>) target_semaphore(%run_scoped3A : memref<!tpu.dma_semaphore, #tpu.memory_space<semaphore_mem>>)
        %dma_wait3A = arith.constant 0 : i32
        %dma_wait3A_89 = tpu.memref_slice %arg7[%add3A_80, %dma_wait3A] : memref<10240x128xf32, #tpu.memory_space<hbm>> -> memref<128x128xf32, #tpu.memory_space<hbm>>
        %dma_wait3A_90 = arith.constant 0 : i32
        %dma_wait3A_91 = tpu.memref_slice %arg12[%add3A_80, %dma_wait3A_90] : memref<10240x128xf32, #tpu.memory_space<vmem_shared>> -> memref<128x128xf32, #tpu.memory_space<vmem_shared>>
        tpu.wait_dma2 semaphore(%run_scoped3A : memref<!tpu.dma_semaphore, #tpu.memory_space<semaphore_mem>>) src(%dma_wait3A_91 : memref<128x128xf32, #tpu.memory_space<vmem_shared>>) dst(%dma_wait3A_89 : memref<128x128xf32, #tpu.memory_space<hbm>>)
        tpu.yield
      }) : () -> ()
      %mul3A_81 = arith.constant 640 : i32
      %mul3A_82 = arith.muli %arg1, %mul3A_81 : i32
      %add3A_83 = arith.constant 512 : i32
      %add3A_84 = arith.addi %mul3A_82, %add3A_83 : i32
      "tpu.region"() ({
        %run_scoped3A = tpu.sem_alloc : memref<!tpu.dma_semaphore, #tpu.memory_space<semaphore_mem>>
        %dma_start3A_85 = arith.constant 0 : i32
        %dma_start3A_86 = tpu.memref_slice %arg7[%add3A_84, %dma_start3A_85] : memref<10240x128xf32, #tpu.memory_space<hbm>> -> memref<128x128xf32, #tpu.memory_space<hbm>>
        %dma_start3A_87 = arith.constant 0 : i32
        %dma_start3A_88 = tpu.memref_slice %arg12[%add3A_84, %dma_start3A_87] : memref<10240x128xf32, #tpu.memory_space<vmem_shared>> -> memref<128x128xf32, #tpu.memory_space<vmem_shared>>
        tpu.enqueue_dma source(%dma_start3A_88 : memref<128x128xf32, #tpu.memory_space<vmem_shared>>) target(%dma_start3A_86 : memref<128x128xf32, #tpu.memory_space<hbm>>) target_semaphore(%run_scoped3A : memref<!tpu.dma_semaphore, #tpu.memory_space<semaphore_mem>>)
        %dma_wait3A = arith.constant 0 : i32
        %dma_wait3A_89 = tpu.memref_slice %arg7[%add3A_84, %dma_wait3A] : memref<10240x128xf32, #tpu.memory_space<hbm>> -> memref<128x128xf32, #tpu.memory_space<hbm>>
        %dma_wait3A_90 = arith.constant 0 : i32
        %dma_wait3A_91 = tpu.memref_slice %arg12[%add3A_84, %dma_wait3A_90] : memref<10240x128xf32, #tpu.memory_space<vmem_shared>> -> memref<128x128xf32, #tpu.memory_space<vmem_shared>>
        tpu.wait_dma2 semaphore(%run_scoped3A : memref<!tpu.dma_semaphore, #tpu.memory_space<semaphore_mem>>) src(%dma_wait3A_91 : memref<128x128xf32, #tpu.memory_space<vmem_shared>>) dst(%dma_wait3A_89 : memref<128x128xf32, #tpu.memory_space<hbm>>)
        tpu.yield
      }) : () -> ()
    } else {
    }
    return
  }
}

#map = affine_map<(d0, d1) -> (0, 0, 0)>
#map1 = affine_map<(d0, d1) -> (0)>
module attributes {stable_mosaic.version = 14 : i64} {
  func.func @_deg_body(%arg0: i32, %arg1: i32, %arg2: memref<32x40x128xi32, #tpu.memory_space<hbm>>, %arg3: memref<10240xf32, #tpu.memory_space<hbm>>, %arg4: memref<10240xf32, #tpu.memory_space<hbm>>, %arg5: memref<40x128xi32, #tpu.memory_space<vmem>>, %arg6: memref<128xf32, #tpu.memory_space<vmem>>, %arg7: memref<128xf32, #tpu.memory_space<vmem>>, %arg8: memref<10240xf32, #tpu.memory_space<vmem_shared>>) attributes {dimension_semantics = [#tpu.dimension_semantics<core_parallel>, #tpu.dimension_semantics<subcore_parallel>], iteration_bounds = array<i64: 2, 16>, scalar_prefetch = 0 : i64, scratch_operands = 4 : i64, tpu.core_type = #tpu.core_type<sc_vector_subcore>, window_params = [{transform_indices = #map}, {transform_indices = #map1}, {transform_indices = #map1}]} {
    %broadcast_in_dim3A = arith.constant 1.000000e+00 : f32
    %broadcast_in_dim3A_0 = vector.broadcast %broadcast_in_dim3A : f32 to vector<16xf32>
    %broadcast_in_dim3A_1 = arith.constant 0.000000e+00 : f32
    %broadcast_in_dim3A_2 = vector.broadcast %broadcast_in_dim3A_1 : f32 to vector<16xf32>
    %swap3A = arith.constant 0 : index
    %swap3A_3 = tpu.vector_load %arg6[%swap3A] {strides = array<i32>} : memref<128xf32, #tpu.memory_space<vmem>>, vector<16xf32>,
    %swap3A_4 = vector.shape_cast %swap3A_3 : vector<16xf32> to vector<16xf32>
    %swap3A_5 = vector.shape_cast %broadcast_in_dim3A_0 : vector<16xf32> to vector<16xf32>
    tpu.vector_store %arg6[%swap3A], %swap3A_5 {strides = array<i32>} : memref<128xf32, #tpu.memory_space<vmem>>, vector<16xf32>,
    %swap3A_6 = arith.constant 0 : index
    %swap3A_7 = tpu.vector_load %arg7[%swap3A_6] {strides = array<i32>} : memref<128xf32, #tpu.memory_space<vmem>>, vector<16xf32>,
    %swap3A_8 = vector.shape_cast %swap3A_7 : vector<16xf32> to vector<16xf32>
    %swap3A_9 = vector.shape_cast %broadcast_in_dim3A_2 : vector<16xf32> to vector<16xf32>
    tpu.vector_store %arg7[%swap3A_6], %swap3A_9 {strides = array<i32>} : memref<128xf32, #tpu.memory_space<vmem>>, vector<16xf32>,
    %swap3A_10 = arith.constant 16 : index
    %swap3A_11 = tpu.vector_load %arg6[%swap3A_10] {strides = array<i32>} : memref<128xf32, #tpu.memory_space<vmem>>, vector<16xf32>,
    %swap3A_12 = vector.shape_cast %swap3A_11 : vector<16xf32> to vector<16xf32>
    %swap3A_13 = vector.shape_cast %broadcast_in_dim3A_0 : vector<16xf32> to vector<16xf32>
    tpu.vector_store %arg6[%swap3A_10], %swap3A_13 {strides = array<i32>} : memref<128xf32, #tpu.memory_space<vmem>>, vector<16xf32>,
    %swap3A_14 = arith.constant 16 : index
    %swap3A_15 = tpu.vector_load %arg7[%swap3A_14] {strides = array<i32>} : memref<128xf32, #tpu.memory_space<vmem>>, vector<16xf32>,
    %swap3A_16 = vector.shape_cast %swap3A_15 : vector<16xf32> to vector<16xf32>
    %swap3A_17 = vector.shape_cast %broadcast_in_dim3A_2 : vector<16xf32> to vector<16xf32>
    tpu.vector_store %arg7[%swap3A_14], %swap3A_17 {strides = array<i32>} : memref<128xf32, #tpu.memory_space<vmem>>, vector<16xf32>,
    %swap3A_18 = arith.constant 32 : index
    %swap3A_19 = tpu.vector_load %arg6[%swap3A_18] {strides = array<i32>} : memref<128xf32, #tpu.memory_space<vmem>>, vector<16xf32>,
    %swap3A_20 = vector.shape_cast %swap3A_19 : vector<16xf32> to vector<16xf32>
    %swap3A_21 = vector.shape_cast %broadcast_in_dim3A_0 : vector<16xf32> to vector<16xf32>
    tpu.vector_store %arg6[%swap3A_18], %swap3A_21 {strides = array<i32>} : memref<128xf32, #tpu.memory_space<vmem>>, vector<16xf32>,
    %swap3A_22 = arith.constant 32 : index
    %swap3A_23 = tpu.vector_load %arg7[%swap3A_22] {strides = array<i32>} : memref<128xf32, #tpu.memory_space<vmem>>, vector<16xf32>,
    %swap3A_24 = vector.shape_cast %swap3A_23 : vector<16xf32> to vector<16xf32>
    %swap3A_25 = vector.shape_cast %broadcast_in_dim3A_2 : vector<16xf32> to vector<16xf32>
    tpu.vector_store %arg7[%swap3A_22], %swap3A_25 {strides = array<i32>} : memref<128xf32, #tpu.memory_space<vmem>>, vector<16xf32>,
    %swap3A_26 = arith.constant 48 : index
    %swap3A_27 = tpu.vector_load %arg6[%swap3A_26] {strides = array<i32>} : memref<128xf32, #tpu.memory_space<vmem>>, vector<16xf32>,
    %swap3A_28 = vector.shape_cast %swap3A_27 : vector<16xf32> to vector<16xf32>
    %swap3A_29 = vector.shape_cast %broadcast_in_dim3A_0 : vector<16xf32> to vector<16xf32>
    tpu.vector_store %arg6[%swap3A_26], %swap3A_29 {strides = array<i32>} : memref<128xf32, #tpu.memory_space<vmem>>, vector<16xf32>,
    %swap3A_30 = arith.constant 48 : index
    %swap3A_31 = tpu.vector_load %arg7[%swap3A_30] {strides = array<i32>} : memref<128xf32, #tpu.memory_space<vmem>>, vector<16xf32>,
    %swap3A_32 = vector.shape_cast %swap3A_31 : vector<16xf32> to vector<16xf32>
    %swap3A_33 = vector.shape_cast %broadcast_in_dim3A_2 : vector<16xf32> to vector<16xf32>
    tpu.vector_store %arg7[%swap3A_30], %swap3A_33 {strides = array<i32>} : memref<128xf32, #tpu.memory_space<vmem>>, vector<16xf32>,
    %swap3A_34 = arith.constant 64 : index
    %swap3A_35 = tpu.vector_load %arg6[%swap3A_34] {strides = array<i32>} : memref<128xf32, #tpu.memory_space<vmem>>, vector<16xf32>,
    %swap3A_36 = vector.shape_cast %swap3A_35 : vector<16xf32> to vector<16xf32>
    %swap3A_37 = vector.shape_cast %broadcast_in_dim3A_0 : vector<16xf32> to vector<16xf32>
    tpu.vector_store %arg6[%swap3A_34], %swap3A_37 {strides = array<i32>} : memref<128xf32, #tpu.memory_space<vmem>>, vector<16xf32>,
    %swap3A_38 = arith.constant 64 : index
    %swap3A_39 = tpu.vector_load %arg7[%swap3A_38] {strides = array<i32>} : memref<128xf32, #tpu.memory_space<vmem>>, vector<16xf32>,
    %swap3A_40 = vector.shape_cast %swap3A_39 : vector<16xf32> to vector<16xf32>
    %swap3A_41 = vector.shape_cast %broadcast_in_dim3A_2 : vector<16xf32> to vector<16xf32>
    tpu.vector_store %arg7[%swap3A_38], %swap3A_41 {strides = array<i32>} : memref<128xf32, #tpu.memory_space<vmem>>, vector<16xf32>,
    %swap3A_42 = arith.constant 80 : index
    %swap3A_43 = tpu.vector_load %arg6[%swap3A_42] {strides = array<i32>} : memref<128xf32, #tpu.memory_space<vmem>>, vector<16xf32>,
    %swap3A_44 = vector.shape_cast %swap3A_43 : vector<16xf32> to vector<16xf32>
    %swap3A_45 = vector.shape_cast %broadcast_in_dim3A_0 : vector<16xf32> to vector<16xf32>
    tpu.vector_store %arg6[%swap3A_42], %swap3A_45 {strides = array<i32>} : memref<128xf32, #tpu.memory_space<vmem>>, vector<16xf32>,
    %swap3A_46 = arith.constant 80 : index
    %swap3A_47 = tpu.vector_load %arg7[%swap3A_46] {strides = array<i32>} : memref<128xf32, #tpu.memory_space<vmem>>, vector<16xf32>,
    %swap3A_48 = vector.shape_cast %swap3A_47 : vector<16xf32> to vector<16xf32>
    %swap3A_49 = vector.shape_cast %broadcast_in_dim3A_2 : vector<16xf32> to vector<16xf32>
    tpu.vector_store %arg7[%swap3A_46], %swap3A_49 {strides = array<i32>} : memref<128xf32, #tpu.memory_space<vmem>>, vector<16xf32>,
    %swap3A_50 = arith.constant 96 : index
    %swap3A_51 = tpu.vector_load %arg6[%swap3A_50] {strides = array<i32>} : memref<128xf32, #tpu.memory_space<vmem>>, vector<16xf32>,
    %swap3A_52 = vector.shape_cast %swap3A_51 : vector<16xf32> to vector<16xf32>
    %swap3A_53 = vector.shape_cast %broadcast_in_dim3A_0 : vector<16xf32> to vector<16xf32>
    tpu.vector_store %arg6[%swap3A_50], %swap3A_53 {strides = array<i32>} : memref<128xf32, #tpu.memory_space<vmem>>, vector<16xf32>,
    %swap3A_54 = arith.constant 96 : index
    %swap3A_55 = tpu.vector_load %arg7[%swap3A_54] {strides = array<i32>} : memref<128xf32, #tpu.memory_space<vmem>>, vector<16xf32>,
    %swap3A_56 = vector.shape_cast %swap3A_55 : vector<16xf32> to vector<16xf32>
    %swap3A_57 = vector.shape_cast %broadcast_in_dim3A_2 : vector<16xf32> to vector<16xf32>
    tpu.vector_store %arg7[%swap3A_54], %swap3A_57 {strides = array<i32>} : memref<128xf32, #tpu.memory_space<vmem>>, vector<16xf32>,
    %swap3A_58 = arith.constant 112 : index
    %swap3A_59 = tpu.vector_load %arg6[%swap3A_58] {strides = array<i32>} : memref<128xf32, #tpu.memory_space<vmem>>, vector<16xf32>,
    %swap3A_60 = vector.shape_cast %swap3A_59 : vector<16xf32> to vector<16xf32>
    %swap3A_61 = vector.shape_cast %broadcast_in_dim3A_0 : vector<16xf32> to vector<16xf32>
    tpu.vector_store %arg6[%swap3A_58], %swap3A_61 {strides = array<i32>} : memref<128xf32, #tpu.memory_space<vmem>>, vector<16xf32>,
    %swap3A_62 = arith.constant 112 : index
    %swap3A_63 = tpu.vector_load %arg7[%swap3A_62] {strides = array<i32>} : memref<128xf32, #tpu.memory_space<vmem>>, vector<16xf32>,
    %swap3A_64 = vector.shape_cast %swap3A_63 : vector<16xf32> to vector<16xf32>
    %swap3A_65 = vector.shape_cast %broadcast_in_dim3A_2 : vector<16xf32> to vector<16xf32>
    tpu.vector_store %arg7[%swap3A_62], %swap3A_65 {strides = array<i32>} : memref<128xf32, #tpu.memory_space<vmem>>, vector<16xf32>,
    %mul3A = arith.constant 640 : i32
    %mul3A_66 = arith.muli %arg1, %mul3A : i32
    %add3A = arith.constant 0 : i32
    %add3A_67 = arith.addi %mul3A_66, %add3A : i32
    "tpu.region"() ({
      %run_scoped3A = tpu.sem_alloc : memref<!tpu.dma_semaphore, #tpu.memory_space<semaphore_mem>>
      %dma_start3A = tpu.memref_slice %arg8[%add3A_67] : memref<10240xf32, #tpu.memory_space<vmem_shared>> -> memref<128xf32, #tpu.memory_space<vmem_shared>>
      %dma_start3A_100 = tpu.memref_slice %arg8[%add3A_67] : memref<10240xf32, #tpu.memory_space<vmem_shared>> -> memref<128xf32, #tpu.memory_space<vmem_shared>>
      tpu.enqueue_dma source(%arg7 : memref<128xf32, #tpu.memory_space<vmem>>) target(%dma_start3A_100 : memref<128xf32, #tpu.memory_space<vmem_shared>>) target_semaphore(%run_scoped3A : memref<!tpu.dma_semaphore, #tpu.memory_space<semaphore_mem>>)
      %dma_wait3A = tpu.memref_slice %arg8[%add3A_67] : memref<10240xf32, #tpu.memory_space<vmem_shared>> -> memref<128xf32, #tpu.memory_space<vmem_shared>>
      %dma_wait3A_101 = tpu.memref_slice %arg8[%add3A_67] : memref<10240xf32, #tpu.memory_space<vmem_shared>> -> memref<128xf32, #tpu.memory_space<vmem_shared>>
      tpu.wait_dma2 semaphore(%run_scoped3A : memref<!tpu.dma_semaphore, #tpu.memory_space<semaphore_mem>>) src(%arg7 : memref<128xf32, #tpu.memory_space<vmem>>) dst(%dma_wait3A_101 : memref<128xf32, #tpu.memory_space<vmem_shared>>)
      tpu.yield
    }) : () -> ()
    %mul3A_68 = arith.constant 640 : i32
    %mul3A_69 = arith.muli %arg1, %mul3A_68 : i32
    %add3A_70 = arith.constant 128 : i32
    %add3A_71 = arith.addi %mul3A_69, %add3A_70 : i32
    "tpu.region"() ({
      %run_scoped3A = tpu.sem_alloc : memref<!tpu.dma_semaphore, #tpu.memory_space<semaphore_mem>>
      %dma_start3A = tpu.memref_slice %arg8[%add3A_71] : memref<10240xf32, #tpu.memory_space<vmem_shared>> -> memref<128xf32, #tpu.memory_space<vmem_shared>>
      %dma_start3A_100 = tpu.memref_slice %arg8[%add3A_71] : memref<10240xf32, #tpu.memory_space<vmem_shared>> -> memref<128xf32, #tpu.memory_space<vmem_shared>>
      tpu.enqueue_dma source(%arg7 : memref<128xf32, #tpu.memory_space<vmem>>) target(%dma_start3A_100 : memref<128xf32, #tpu.memory_space<vmem_shared>>) target_semaphore(%run_scoped3A : memref<!tpu.dma_semaphore, #tpu.memory_space<semaphore_mem>>)
      %dma_wait3A = tpu.memref_slice %arg8[%add3A_71] : memref<10240xf32, #tpu.memory_space<vmem_shared>> -> memref<128xf32, #tpu.memory_space<vmem_shared>>
      %dma_wait3A_101 = tpu.memref_slice %arg8[%add3A_71] : memref<10240xf32, #tpu.memory_space<vmem_shared>> -> memref<128xf32, #tpu.memory_space<vmem_shared>>
      tpu.wait_dma2 semaphore(%run_scoped3A : memref<!tpu.dma_semaphore, #tpu.memory_space<semaphore_mem>>) src(%arg7 : memref<128xf32, #tpu.memory_space<vmem>>) dst(%dma_wait3A_101 : memref<128xf32, #tpu.memory_space<vmem_shared>>)
      tpu.yield
    }) : () -> ()
    %mul3A_72 = arith.constant 640 : i32
    %mul3A_73 = arith.muli %arg1, %mul3A_72 : i32
    %add3A_74 = arith.constant 256 : i32
    %add3A_75 = arith.addi %mul3A_73, %add3A_74 : i32
    "tpu.region"() ({
      %run_scoped3A = tpu.sem_alloc : memref<!tpu.dma_semaphore, #tpu.memory_space<semaphore_mem>>
      %dma_start3A = tpu.memref_slice %arg8[%add3A_75] : memref<10240xf32, #tpu.memory_space<vmem_shared>> -> memref<128xf32, #tpu.memory_space<vmem_shared>>
      %dma_start3A_100 = tpu.memref_slice %arg8[%add3A_75] : memref<10240xf32, #tpu.memory_space<vmem_shared>> -> memref<128xf32, #tpu.memory_space<vmem_shared>>
      tpu.enqueue_dma source(%arg7 : memref<128xf32, #tpu.memory_space<vmem>>) target(%dma_start3A_100 : memref<128xf32, #tpu.memory_space<vmem_shared>>) target_semaphore(%run_scoped3A : memref<!tpu.dma_semaphore, #tpu.memory_space<semaphore_mem>>)
      %dma_wait3A = tpu.memref_slice %arg8[%add3A_75] : memref<10240xf32, #tpu.memory_space<vmem_shared>> -> memref<128xf32, #tpu.memory_space<vmem_shared>>
      %dma_wait3A_101 = tpu.memref_slice %arg8[%add3A_75] : memref<10240xf32, #tpu.memory_space<vmem_shared>> -> memref<128xf32, #tpu.memory_space<vmem_shared>>
      tpu.wait_dma2 semaphore(%run_scoped3A : memref<!tpu.dma_semaphore, #tpu.memory_space<semaphore_mem>>) src(%arg7 : memref<128xf32, #tpu.memory_space<vmem>>) dst(%dma_wait3A_101 : memref<128xf32, #tpu.memory_space<vmem_shared>>)
      tpu.yield
    }) : () -> ()
    %mul3A_76 = arith.constant 640 : i32
    %mul3A_77 = arith.muli %arg1, %mul3A_76 : i32
    %add3A_78 = arith.constant 384 : i32
    %add3A_79 = arith.addi %mul3A_77, %add3A_78 : i32
    "tpu.region"() ({
      %run_scoped3A = tpu.sem_alloc : memref<!tpu.dma_semaphore, #tpu.memory_space<semaphore_mem>>
      %dma_start3A = tpu.memref_slice %arg8[%add3A_79] : memref<10240xf32, #tpu.memory_space<vmem_shared>> -> memref<128xf32, #tpu.memory_space<vmem_shared>>
      %dma_start3A_100 = tpu.memref_slice %arg8[%add3A_79] : memref<10240xf32, #tpu.memory_space<vmem_shared>> -> memref<128xf32, #tpu.memory_space<vmem_shared>>
      tpu.enqueue_dma source(%arg7 : memref<128xf32, #tpu.memory_space<vmem>>) target(%dma_start3A_100 : memref<128xf32, #tpu.memory_space<vmem_shared>>) target_semaphore(%run_scoped3A : memref<!tpu.dma_semaphore, #tpu.memory_space<semaphore_mem>>)
      %dma_wait3A = tpu.memref_slice %arg8[%add3A_79] : memref<10240xf32, #tpu.memory_space<vmem_shared>> -> memref<128xf32, #tpu.memory_space<vmem_shared>>
      %dma_wait3A_101 = tpu.memref_slice %arg8[%add3A_79] : memref<10240xf32, #tpu.memory_space<vmem_shared>> -> memref<128xf32, #tpu.memory_space<vmem_shared>>
      tpu.wait_dma2 semaphore(%run_scoped3A : memref<!tpu.dma_semaphore, #tpu.memory_space<semaphore_mem>>) src(%arg7 : memref<128xf32, #tpu.memory_space<vmem>>) dst(%dma_wait3A_101 : memref<128xf32, #tpu.memory_space<vmem_shared>>)
      tpu.yield
    }) : () -> ()
    %mul3A_80 = arith.constant 640 : i32
    %mul3A_81 = arith.muli %arg1, %mul3A_80 : i32
    %add3A_82 = arith.constant 512 : i32
    %add3A_83 = arith.addi %mul3A_81, %add3A_82 : i32
    "tpu.region"() ({
      %run_scoped3A = tpu.sem_alloc : memref<!tpu.dma_semaphore, #tpu.memory_space<semaphore_mem>>
      %dma_start3A = tpu.memref_slice %arg8[%add3A_83] : memref<10240xf32, #tpu.memory_space<vmem_shared>> -> memref<128xf32, #tpu.memory_space<vmem_shared>>
      %dma_start3A_100 = tpu.memref_slice %arg8[%add3A_83] : memref<10240xf32, #tpu.memory_space<vmem_shared>> -> memref<128xf32, #tpu.memory_space<vmem_shared>>
      tpu.enqueue_dma source(%arg7 : memref<128xf32, #tpu.memory_space<vmem>>) target(%dma_start3A_100 : memref<128xf32, #tpu.memory_space<vmem_shared>>) target_semaphore(%run_scoped3A : memref<!tpu.dma_semaphore, #tpu.memory_space<semaphore_mem>>)
      %dma_wait3A = tpu.memref_slice %arg8[%add3A_83] : memref<10240xf32, #tpu.memory_space<vmem_shared>> -> memref<128xf32, #tpu.memory_space<vmem_shared>>
      %dma_wait3A_101 = tpu.memref_slice %arg8[%add3A_83] : memref<10240xf32, #tpu.memory_space<vmem_shared>> -> memref<128xf32, #tpu.memory_space<vmem_shared>>
      tpu.wait_dma2 semaphore(%run_scoped3A : memref<!tpu.dma_semaphore, #tpu.memory_space<semaphore_mem>>) src(%arg7 : memref<128xf32, #tpu.memory_space<vmem>>) dst(%dma_wait3A_101 : memref<128xf32, #tpu.memory_space<vmem_shared>>)
      tpu.yield
    }) : () -> ()
    %barrier3A = arith.constant 0 : index
    tpu.barrier barrier_id(%barrier3A)
    %mul3A_84 = arith.constant 16 : i32
    %mul3A_85 = arith.muli %arg0, %mul3A_84 : i32
    %add3A_86 = arith.addi %mul3A_85, %arg1 : i32
    "tpu.region"() ({
      %run_scoped3A = tpu.sem_alloc : memref<!tpu.dma_semaphore, #tpu.memory_space<semaphore_mem>>
      %dma_start3A = arith.constant 0 : i32
      %dma_start3A_100 = arith.constant 0 : i32
      %dma_start3A_101 = tpu.memref_slice %arg2[%add3A_86, %dma_start3A, %dma_start3A_100] : memref<32x40x128xi32, #tpu.memory_space<hbm>> -> memref<1x40x128xi32, #tpu.memory_space<hbm>>
      %dma_start3A_102 = tpu.memref_squeeze %dma_start3A_101 : memref<1x40x128xi32, #tpu.memory_space<hbm>> -> memref<40x128xi32, #tpu.memory_space<hbm>>
      %dma_start3A_103 = arith.constant 0 : i32
      %dma_start3A_104 = arith.constant 0 : i32
      %dma_start3A_105 = tpu.memref_slice %arg2[%add3A_86, %dma_start3A_103, %dma_start3A_104] : memref<32x40x128xi32, #tpu.memory_space<hbm>> -> memref<1x40x128xi32, #tpu.memory_space<hbm>>
      %dma_start3A_106 = tpu.memref_squeeze %dma_start3A_105 : memref<1x40x128xi32, #tpu.memory_space<hbm>> -> memref<40x128xi32, #tpu.memory_space<hbm>>
      tpu.enqueue_dma source(%dma_start3A_106 : memref<40x128xi32, #tpu.memory_space<hbm>>) target(%arg5 : memref<40x128xi32, #tpu.memory_space<vmem>>) target_semaphore(%run_scoped3A : memref<!tpu.dma_semaphore, #tpu.memory_space<semaphore_mem>>)
      %dma_wait3A = arith.constant 0 : i32
      %dma_wait3A_107 = arith.constant 0 : i32
      %dma_wait3A_108 = tpu.memref_slice %arg2[%add3A_86, %dma_wait3A, %dma_wait3A_107] : memref<32x40x128xi32, #tpu.memory_space<hbm>> -> memref<1x40x128xi32, #tpu.memory_space<hbm>>
      %dma_wait3A_109 = tpu.memref_squeeze %dma_wait3A_108 : memref<1x40x128xi32, #tpu.memory_space<hbm>> -> memref<40x128xi32, #tpu.memory_space<hbm>>
      %dma_wait3A_110 = arith.constant 0 : i32
      %dma_wait3A_111 = arith.constant 0 : i32
      %dma_wait3A_112 = tpu.memref_slice %arg2[%add3A_86, %dma_wait3A_110, %dma_wait3A_111] : memref<32x40x128xi32, #tpu.memory_space<hbm>> -> memref<1x40x128xi32, #tpu.memory_space<hbm>>
      %dma_wait3A_113 = tpu.memref_squeeze %dma_wait3A_112 : memref<1x40x128xi32, #tpu.memory_space<hbm>> -> memref<40x128xi32, #tpu.memory_space<hbm>>
      tpu.wait_dma2 semaphore(%run_scoped3A : memref<!tpu.dma_semaphore, #tpu.memory_space<semaphore_mem>>) src(%dma_wait3A_113 : memref<40x128xi32, #tpu.memory_space<hbm>>) dst(%arg5 : memref<40x128xi32, #tpu.memory_space<vmem>>)
      tpu.yield
    }) : () -> ()
    %scan3A = arith.constant 0 : i32
    %scan3A_87 = arith.constant 0 : i32
    %scan3A_88 = arith.constant 40 : i32
    %scan3A_89 = arith.addi %scan3A_87, %scan3A_88 : i32
    %scan3A_90 = arith.constant 1 : i32
    scf.for %scan3A_100 = %scan3A_87 to %scan3A_89 step %scan3A_90  : i32 {
      "tpu.region"() ({
        %run_scoped3A = tpu.sem_alloc : memref<!tpu.dma_semaphore, #tpu.memory_space<semaphore_mem>>
        %dma_start3A = arith.constant 0 : i32
        %dma_start3A_101 = tpu.memref_slice %arg5[%scan3A_100, %dma_start3A] : memref<40x128xi32, #tpu.memory_space<vmem>> -> memref<1x128xi32, #tpu.memory_space<vmem>>
        %dma_start3A_102 = tpu.memref_squeeze %dma_start3A_101 : memref<1x128xi32, #tpu.memory_space<vmem>> -> memref<128xi32, #tpu.memory_space<vmem>>
        %dma_start3A_103 = arith.constant 0 : i32
        %dma_start3A_104 = tpu.memref_slice %arg8[%dma_start3A_103] : memref<10240xf32, #tpu.memory_space<vmem_shared>> -> memref<10240xf32, #tpu.memory_space<vmem_shared>>
        tpu.enqueue_indirect_dma source(%arg6 : memref<128xf32, #tpu.memory_space<vmem>>) target(%dma_start3A_104 : memref<10240xf32, #tpu.memory_space<vmem_shared>>) offsets(%dma_start3A_102 : memref<128xi32, #tpu.memory_space<vmem>>) semaphore(%run_scoped3A : memref<!tpu.dma_semaphore, #tpu.memory_space<semaphore_mem>>) {add = true}
        %dma_wait3A = arith.constant 0 : i32
        %dma_wait3A_105 = tpu.memref_slice %arg5[%scan3A_100, %dma_wait3A] : memref<40x128xi32, #tpu.memory_space<vmem>> -> memref<1x128xi32, #tpu.memory_space<vmem>>
        %dma_wait3A_106 = tpu.memref_squeeze %dma_wait3A_105 : memref<1x128xi32, #tpu.memory_space<vmem>> -> memref<128xi32, #tpu.memory_space<vmem>>
        %dma_wait3A_107 = arith.constant 0 : i32
        %dma_wait3A_108 = tpu.memref_slice %arg8[%dma_wait3A_107] : memref<10240xf32, #tpu.memory_space<vmem_shared>> -> memref<10240xf32, #tpu.memory_space<vmem_shared>>
        tpu.wait_indirect_dma semaphore(%run_scoped3A : memref<!tpu.dma_semaphore, #tpu.memory_space<semaphore_mem>>) src(%arg6 : memref<128xf32, #tpu.memory_space<vmem>>) dst(%dma_wait3A_108 : memref<10240xf32, #tpu.memory_space<vmem_shared>>)
        tpu.yield
      }) : () -> ()
    }
    %scan3A_91 = arith.constant 40 : i32
    %barrier3A_92 = arith.constant 0 : index
    tpu.barrier barrier_id(%barrier3A_92)
    %eq3A = arith.constant 0 : i32
    %eq3A_93 = arith.cmpi eq, %arg0, %eq3A : i32
    %convert_element_type3A = arith.extui %eq3A_93 : i1 to i32
    %cond3A = arith.constant 0 : i32
    %cond3A_94 = arith.cmpi ne, %convert_element_type3A, %cond3A : i32
    scf.if %cond3A_94 {
      %mul3A_100 = arith.constant 640 : i32
      %mul3A_101 = arith.muli %arg1, %mul3A_100 : i32
      %mul3A_102 = arith.constant 640 : i32
      %mul3A_103 = arith.muli %arg1, %mul3A_102 : i32
      "tpu.region"() ({
        %run_scoped3A = tpu.sem_alloc : memref<!tpu.dma_semaphore, #tpu.memory_space<semaphore_mem>>
        %dma_start3A = tpu.memref_slice %arg3[%mul3A_103] : memref<10240xf32, #tpu.memory_space<hbm>> -> memref<640xf32, #tpu.memory_space<hbm>>
        %dma_start3A_104 = tpu.memref_slice %arg8[%mul3A_101] : memref<10240xf32, #tpu.memory_space<vmem_shared>> -> memref<640xf32, #tpu.memory_space<vmem_shared>>
        tpu.enqueue_dma source(%dma_start3A_104 : memref<640xf32, #tpu.memory_space<vmem_shared>>) target(%dma_start3A : memref<640xf32, #tpu.memory_space<hbm>>) target_semaphore(%run_scoped3A : memref<!tpu.dma_semaphore, #tpu.memory_space<semaphore_mem>>)
        %dma_wait3A = tpu.memref_slice %arg3[%mul3A_103] : memref<10240xf32, #tpu.memory_space<hbm>> -> memref<640xf32, #tpu.memory_space<hbm>>
        %dma_wait3A_105 = tpu.memref_slice %arg8[%mul3A_101] : memref<10240xf32, #tpu.memory_space<vmem_shared>> -> memref<640xf32, #tpu.memory_space<vmem_shared>>
        tpu.wait_dma2 semaphore(%run_scoped3A : memref<!tpu.dma_semaphore, #tpu.memory_space<semaphore_mem>>) src(%dma_wait3A_105 : memref<640xf32, #tpu.memory_space<vmem_shared>>) dst(%dma_wait3A : memref<640xf32, #tpu.memory_space<hbm>>)
        tpu.yield
      }) : () -> ()
    } else {
    }
    %eq3A_95 = arith.constant 1 : i32
    %eq3A_96 = arith.cmpi eq, %arg0, %eq3A_95 : i32
    %convert_element_type3A_97 = arith.extui %eq3A_96 : i1 to i32
    %cond3A_98 = arith.constant 0 : i32
    %cond3A_99 = arith.cmpi ne, %convert_element_type3A_97, %cond3A_98 : i32
    scf.if %cond3A_99 {
      %mul3A_100 = arith.constant 640 : i32
      %mul3A_101 = arith.muli %arg1, %mul3A_100 : i32
      %mul3A_102 = arith.constant 640 : i32
      %mul3A_103 = arith.muli %arg1, %mul3A_102 : i32
      "tpu.region"() ({
        %run_scoped3A = tpu.sem_alloc : memref<!tpu.dma_semaphore, #tpu.memory_space<semaphore_mem>>
        %dma_start3A = tpu.memref_slice %arg4[%mul3A_103] : memref<10240xf32, #tpu.memory_space<hbm>> -> memref<640xf32, #tpu.memory_space<hbm>>
        %dma_start3A_104 = tpu.memref_slice %arg8[%mul3A_101] : memref<10240xf32, #tpu.memory_space<vmem_shared>> -> memref<640xf32, #tpu.memory_space<vmem_shared>>
        tpu.enqueue_dma source(%dma_start3A_104 : memref<640xf32, #tpu.memory_space<vmem_shared>>) target(%dma_start3A : memref<640xf32, #tpu.memory_space<hbm>>) target_semaphore(%run_scoped3A : memref<!tpu.dma_semaphore, #tpu.memory_space<semaphore_mem>>)
        %dma_wait3A = tpu.memref_slice %arg4[%mul3A_103] : memref<10240xf32, #tpu.memory_space<hbm>> -> memref<640xf32, #tpu.memory_space<hbm>>
        %dma_wait3A_105 = tpu.memref_slice %arg8[%mul3A_101] : memref<10240xf32, #tpu.memory_space<vmem_shared>> -> memref<640xf32, #tpu.memory_space<vmem_shared>>
        tpu.wait_dma2 semaphore(%run_scoped3A : memref<!tpu.dma_semaphore, #tpu.memory_space<semaphore_mem>>) src(%dma_wait3A_105 : memref<640xf32, #tpu.memory_space<vmem_shared>>) dst(%dma_wait3A : memref<640xf32, #tpu.memory_space<hbm>>)
        tpu.yield
      }) : () -> ()
    } else {
    }
    return
  }
}

#map = affine_map<(d0, d1) -> (0, 0, 0)>
#map1 = affine_map<(d0, d1) -> (0, 0)>
module attributes {stable_mosaic.version = 14 : i64} {
  func.func @_agg_body(%arg0: i32, %arg1: i32, %arg2: memref<32x40x128xi32, #tpu.memory_space<hbm>>, %arg3: memref<32x40x128xi32, #tpu.memory_space<hbm>>, %arg4: memref<10240x128xf32, #tpu.memory_space<hbm>>, %arg5: memref<10240x128xf32, #tpu.memory_space<hbm>>, %arg6: memref<10240x128xf32, #tpu.memory_space<hbm>>, %arg7: memref<10240x128xf32, #tpu.memory_space<hbm>>, %arg8: memref<40x128xi32, #tpu.memory_space<vmem>>, %arg9: memref<40x128xi32, #tpu.memory_space<vmem>>, %arg10: memref<128x128xf32, #tpu.memory_space<vmem>>, %arg11: memref<128x128xf32, #tpu.memory_space<vmem>>, %arg12: memref<10240x128xf32, #tpu.memory_space<vmem_shared>>, %arg13: memref<!tpu.dma_semaphore, #tpu.memory_space<semaphore_mem>>, %arg14: memref<!tpu.dma_semaphore, #tpu.memory_space<semaphore_mem>>) attributes {dimension_semantics = [#tpu.dimension_semantics<core_parallel>, #tpu.dimension_semantics<subcore_parallel>], iteration_bounds = array<i64: 2, 16>, scalar_prefetch = 0 : i64, scratch_operands = 7 : i64, tpu.core_type = #tpu.core_type<sc_vector_subcore>, window_params = [{transform_indices = #map}, {transform_indices = #map}, {transform_indices = #map1}, {transform_indices = #map1}, {transform_indices = #map1}, {transform_indices = #map1}]} {
    %broadcast_in_dim3A = arith.constant 0.000000e+00 : f32
    %broadcast_in_dim3A_0 = vector.broadcast %broadcast_in_dim3A : f32 to vector<16xf32>
    %scan3A = arith.constant 0 : i32
    %scan3A_1 = arith.constant 0 : i32
    %scan3A_2 = arith.constant 128 : i32
    %scan3A_3 = arith.addi %scan3A_1, %scan3A_2 : i32
    %scan3A_4 = arith.constant 1 : i32
    scf.for %scan3A_31 = %scan3A_1 to %scan3A_3 step %scan3A_4  : i32 {
      %swap3A = arith.index_cast %scan3A_31 : i32 to index
      %swap3A_32 = arith.constant 0 : index
      %swap3A_33 = tpu.vector_load %arg10[%swap3A, %swap3A_32] {strides = array<i32>} : memref<128x128xf32, #tpu.memory_space<vmem>>, vector<1x16xf32>,
      %swap3A_34 = vector.shape_cast %swap3A_33 : vector<1x16xf32> to vector<16xf32>
      %swap3A_35 = vector.shape_cast %broadcast_in_dim3A_0 : vector<16xf32> to vector<1x16xf32>
      tpu.vector_store %arg10[%swap3A, %swap3A_32], %swap3A_35 {strides = array<i32>} : memref<128x128xf32, #tpu.memory_space<vmem>>, vector<1x16xf32>,
      %swap3A_36 = arith.index_cast %scan3A_31 : i32 to index
      %swap3A_37 = arith.constant 16 : index
      %swap3A_38 = tpu.vector_load %arg10[%swap3A_36, %swap3A_37] {strides = array<i32>} : memref<128x128xf32, #tpu.memory_space<vmem>>, vector<1x16xf32>,
      %swap3A_39 = vector.shape_cast %swap3A_38 : vector<1x16xf32> to vector<16xf32>
      %swap3A_40 = vector.shape_cast %broadcast_in_dim3A_0 : vector<16xf32> to vector<1x16xf32>
      tpu.vector_store %arg10[%swap3A_36, %swap3A_37], %swap3A_40 {strides = array<i32>} : memref<128x128xf32, #tpu.memory_space<vmem>>, vector<1x16xf32>,
      %swap3A_41 = arith.index_cast %scan3A_31 : i32 to index
      %swap3A_42 = arith.constant 32 : index
      %swap3A_43 = tpu.vector_load %arg10[%swap3A_41, %swap3A_42] {strides = array<i32>} : memref<128x128xf32, #tpu.memory_space<vmem>>, vector<1x16xf32>,
      %swap3A_44 = vector.shape_cast %swap3A_43 : vector<1x16xf32> to vector<16xf32>
      %swap3A_45 = vector.shape_cast %broadcast_in_dim3A_0 : vector<16xf32> to vector<1x16xf32>
      tpu.vector_store %arg10[%swap3A_41, %swap3A_42], %swap3A_45 {strides = array<i32>} : memref<128x128xf32, #tpu.memory_space<vmem>>, vector<1x16xf32>,
      %swap3A_46 = arith.index_cast %scan3A_31 : i32 to index
      %swap3A_47 = arith.constant 48 : index
      %swap3A_48 = tpu.vector_load %arg10[%swap3A_46, %swap3A_47] {strides = array<i32>} : memref<128x128xf32, #tpu.memory_space<vmem>>, vector<1x16xf32>,
      %swap3A_49 = vector.shape_cast %swap3A_48 : vector<1x16xf32> to vector<16xf32>
      %swap3A_50 = vector.shape_cast %broadcast_in_dim3A_0 : vector<16xf32> to vector<1x16xf32>
      tpu.vector_store %arg10[%swap3A_46, %swap3A_47], %swap3A_50 {strides = array<i32>} : memref<128x128xf32, #tpu.memory_space<vmem>>, vector<1x16xf32>,
      %swap3A_51 = arith.index_cast %scan3A_31 : i32 to index
      %swap3A_52 = arith.constant 64 : index
      %swap3A_53 = tpu.vector_load %arg10[%swap3A_51, %swap3A_52] {strides = array<i32>} : memref<128x128xf32, #tpu.memory_space<vmem>>, vector<1x16xf32>,
      %swap3A_54 = vector.shape_cast %swap3A_53 : vector<1x16xf32> to vector<16xf32>
      %swap3A_55 = vector.shape_cast %broadcast_in_dim3A_0 : vector<16xf32> to vector<1x16xf32>
      tpu.vector_store %arg10[%swap3A_51, %swap3A_52], %swap3A_55 {strides = array<i32>} : memref<128x128xf32, #tpu.memory_space<vmem>>, vector<1x16xf32>,
      %swap3A_56 = arith.index_cast %scan3A_31 : i32 to index
      %swap3A_57 = arith.constant 80 : index
      %swap3A_58 = tpu.vector_load %arg10[%swap3A_56, %swap3A_57] {strides = array<i32>} : memref<128x128xf32, #tpu.memory_space<vmem>>, vector<1x16xf32>,
      %swap3A_59 = vector.shape_cast %swap3A_58 : vector<1x16xf32> to vector<16xf32>
      %swap3A_60 = vector.shape_cast %broadcast_in_dim3A_0 : vector<16xf32> to vector<1x16xf32>
      tpu.vector_store %arg10[%swap3A_56, %swap3A_57], %swap3A_60 {strides = array<i32>} : memref<128x128xf32, #tpu.memory_space<vmem>>, vector<1x16xf32>,
      %swap3A_61 = arith.index_cast %scan3A_31 : i32 to index
      %swap3A_62 = arith.constant 96 : index
      %swap3A_63 = tpu.vector_load %arg10[%swap3A_61, %swap3A_62] {strides = array<i32>} : memref<128x128xf32, #tpu.memory_space<vmem>>, vector<1x16xf32>,
      %swap3A_64 = vector.shape_cast %swap3A_63 : vector<1x16xf32> to vector<16xf32>
      %swap3A_65 = vector.shape_cast %broadcast_in_dim3A_0 : vector<16xf32> to vector<1x16xf32>
      tpu.vector_store %arg10[%swap3A_61, %swap3A_62], %swap3A_65 {strides = array<i32>} : memref<128x128xf32, #tpu.memory_space<vmem>>, vector<1x16xf32>,
      %swap3A_66 = arith.index_cast %scan3A_31 : i32 to index
      %swap3A_67 = arith.constant 112 : index
      %swap3A_68 = tpu.vector_load %arg10[%swap3A_66, %swap3A_67] {strides = array<i32>} : memref<128x128xf32, #tpu.memory_space<vmem>>, vector<1x16xf32>,
      %swap3A_69 = vector.shape_cast %swap3A_68 : vector<1x16xf32> to vector<16xf32>
      %swap3A_70 = vector.shape_cast %broadcast_in_dim3A_0 : vector<16xf32> to vector<1x16xf32>
      tpu.vector_store %arg10[%swap3A_66, %swap3A_67], %swap3A_70 {strides = array<i32>} : memref<128x128xf32, #tpu.memory_space<vmem>>, vector<1x16xf32>,
    }
    %scan3A_5 = arith.constant 128 : i32
    %mul3A = arith.constant 640 : i32
    %mul3A_6 = arith.muli %arg1, %mul3A : i32
    %add3A = arith.constant 0 : i32
    %add3A_7 = arith.addi %mul3A_6, %add3A : i32
    "tpu.region"() ({
      %run_scoped3A = tpu.sem_alloc : memref<!tpu.dma_semaphore, #tpu.memory_space<semaphore_mem>>
      %dma_start3A = arith.constant 0 : i32
      %dma_start3A_31 = tpu.memref_slice %arg12[%add3A_7, %dma_start3A] : memref<10240x128xf32, #tpu.memory_space<vmem_shared>> -> memref<128x128xf32, #tpu.memory_space<vmem_shared>>
      %dma_start3A_32 = arith.constant 0 : i32
      %dma_start3A_33 = tpu.memref_slice %arg12[%add3A_7, %dma_start3A_32] : memref<10240x128xf32, #tpu.memory_space<vmem_shared>> -> memref<128x128xf32, #tpu.memory_space<vmem_shared>>
      tpu.enqueue_dma source(%arg10 : memref<128x128xf32, #tpu.memory_space<vmem>>) target(%dma_start3A_33 : memref<128x128xf32, #tpu.memory_space<vmem_shared>>) target_semaphore(%run_scoped3A : memref<!tpu.dma_semaphore, #tpu.memory_space<semaphore_mem>>)
      %dma_wait3A = arith.constant 0 : i32
      %dma_wait3A_34 = tpu.memref_slice %arg12[%add3A_7, %dma_wait3A] : memref<10240x128xf32, #tpu.memory_space<vmem_shared>> -> memref<128x128xf32, #tpu.memory_space<vmem_shared>>
      %dma_wait3A_35 = arith.constant 0 : i32
      %dma_wait3A_36 = tpu.memref_slice %arg12[%add3A_7, %dma_wait3A_35] : memref<10240x128xf32, #tpu.memory_space<vmem_shared>> -> memref<128x128xf32, #tpu.memory_space<vmem_shared>>
      tpu.wait_dma2 semaphore(%run_scoped3A : memref<!tpu.dma_semaphore, #tpu.memory_space<semaphore_mem>>) src(%arg10 : memref<128x128xf32, #tpu.memory_space<vmem>>) dst(%dma_wait3A_36 : memref<128x128xf32, #tpu.memory_space<vmem_shared>>)
      tpu.yield
    }) : () -> ()
    %mul3A_8 = arith.constant 640 : i32
    %mul3A_9 = arith.muli %arg1, %mul3A_8 : i32
    %add3A_10 = arith.constant 128 : i32
    %add3A_11 = arith.addi %mul3A_9, %add3A_10 : i32
    "tpu.region"() ({
      %run_scoped3A = tpu.sem_alloc : memref<!tpu.dma_semaphore, #tpu.memory_space<semaphore_mem>>
      %dma_start3A = arith.constant 0 : i32
      %dma_start3A_31 = tpu.memref_slice %arg12[%add3A_11, %dma_start3A] : memref<10240x128xf32, #tpu.memory_space<vmem_shared>> -> memref<128x128xf32, #tpu.memory_space<vmem_shared>>
      %dma_start3A_32 = arith.constant 0 : i32
      %dma_start3A_33 = tpu.memref_slice %arg12[%add3A_11, %dma_start3A_32] : memref<10240x128xf32, #tpu.memory_space<vmem_shared>> -> memref<128x128xf32, #tpu.memory_space<vmem_shared>>
      tpu.enqueue_dma source(%arg10 : memref<128x128xf32, #tpu.memory_space<vmem>>) target(%dma_start3A_33 : memref<128x128xf32, #tpu.memory_space<vmem_shared>>) target_semaphore(%run_scoped3A : memref<!tpu.dma_semaphore, #tpu.memory_space<semaphore_mem>>)
      %dma_wait3A = arith.constant 0 : i32
      %dma_wait3A_34 = tpu.memref_slice %arg12[%add3A_11, %dma_wait3A] : memref<10240x128xf32, #tpu.memory_space<vmem_shared>> -> memref<128x128xf32, #tpu.memory_space<vmem_shared>>
      %dma_wait3A_35 = arith.constant 0 : i32
      %dma_wait3A_36 = tpu.memref_slice %arg12[%add3A_11, %dma_wait3A_35] : memref<10240x128xf32, #tpu.memory_space<vmem_shared>> -> memref<128x128xf32, #tpu.memory_space<vmem_shared>>
      tpu.wait_dma2 semaphore(%run_scoped3A : memref<!tpu.dma_semaphore, #tpu.memory_space<semaphore_mem>>) src(%arg10 : memref<128x128xf32, #tpu.memory_space<vmem>>) dst(%dma_wait3A_36 : memref<128x128xf32, #tpu.memory_space<vmem_shared>>)
      tpu.yield
    }) : () -> ()
    %mul3A_12 = arith.constant 640 : i32
    %mul3A_13 = arith.muli %arg1, %mul3A_12 : i32
    %add3A_14 = arith.constant 256 : i32
    %add3A_15 = arith.addi %mul3A_13, %add3A_14 : i32
    "tpu.region"() ({
      %run_scoped3A = tpu.sem_alloc : memref<!tpu.dma_semaphore, #tpu.memory_space<semaphore_mem>>
      %dma_start3A = arith.constant 0 : i32
      %dma_start3A_31 = tpu.memref_slice %arg12[%add3A_15, %dma_start3A] : memref<10240x128xf32, #tpu.memory_space<vmem_shared>> -> memref<128x128xf32, #tpu.memory_space<vmem_shared>>
      %dma_start3A_32 = arith.constant 0 : i32
      %dma_start3A_33 = tpu.memref_slice %arg12[%add3A_15, %dma_start3A_32] : memref<10240x128xf32, #tpu.memory_space<vmem_shared>> -> memref<128x128xf32, #tpu.memory_space<vmem_shared>>
      tpu.enqueue_dma source(%arg10 : memref<128x128xf32, #tpu.memory_space<vmem>>) target(%dma_start3A_33 : memref<128x128xf32, #tpu.memory_space<vmem_shared>>) target_semaphore(%run_scoped3A : memref<!tpu.dma_semaphore, #tpu.memory_space<semaphore_mem>>)
      %dma_wait3A = arith.constant 0 : i32
      %dma_wait3A_34 = tpu.memref_slice %arg12[%add3A_15, %dma_wait3A] : memref<10240x128xf32, #tpu.memory_space<vmem_shared>> -> memref<128x128xf32, #tpu.memory_space<vmem_shared>>
      %dma_wait3A_35 = arith.constant 0 : i32
      %dma_wait3A_36 = tpu.memref_slice %arg12[%add3A_15, %dma_wait3A_35] : memref<10240x128xf32, #tpu.memory_space<vmem_shared>> -> memref<128x128xf32, #tpu.memory_space<vmem_shared>>
      tpu.wait_dma2 semaphore(%run_scoped3A : memref<!tpu.dma_semaphore, #tpu.memory_space<semaphore_mem>>) src(%arg10 : memref<128x128xf32, #tpu.memory_space<vmem>>) dst(%dma_wait3A_36 : memref<128x128xf32, #tpu.memory_space<vmem_shared>>)
      tpu.yield
    }) : () -> ()
    %mul3A_16 = arith.constant 640 : i32
    %mul3A_17 = arith.muli %arg1, %mul3A_16 : i32
    %add3A_18 = arith.constant 384 : i32
    %add3A_19 = arith.addi %mul3A_17, %add3A_18 : i32
    "tpu.region"() ({
      %run_scoped3A = tpu.sem_alloc : memref<!tpu.dma_semaphore, #tpu.memory_space<semaphore_mem>>
      %dma_start3A = arith.constant 0 : i32
      %dma_start3A_31 = tpu.memref_slice %arg12[%add3A_19, %dma_start3A] : memref<10240x128xf32, #tpu.memory_space<vmem_shared>> -> memref<128x128xf32, #tpu.memory_space<vmem_shared>>
      %dma_start3A_32 = arith.constant 0 : i32
      %dma_start3A_33 = tpu.memref_slice %arg12[%add3A_19, %dma_start3A_32] : memref<10240x128xf32, #tpu.memory_space<vmem_shared>> -> memref<128x128xf32, #tpu.memory_space<vmem_shared>>
      tpu.enqueue_dma source(%arg10 : memref<128x128xf32, #tpu.memory_space<vmem>>) target(%dma_start3A_33 : memref<128x128xf32, #tpu.memory_space<vmem_shared>>) target_semaphore(%run_scoped3A : memref<!tpu.dma_semaphore, #tpu.memory_space<semaphore_mem>>)
      %dma_wait3A = arith.constant 0 : i32
      %dma_wait3A_34 = tpu.memref_slice %arg12[%add3A_19, %dma_wait3A] : memref<10240x128xf32, #tpu.memory_space<vmem_shared>> -> memref<128x128xf32, #tpu.memory_space<vmem_shared>>
      %dma_wait3A_35 = arith.constant 0 : i32
      %dma_wait3A_36 = tpu.memref_slice %arg12[%add3A_19, %dma_wait3A_35] : memref<10240x128xf32, #tpu.memory_space<vmem_shared>> -> memref<128x128xf32, #tpu.memory_space<vmem_shared>>
      tpu.wait_dma2 semaphore(%run_scoped3A : memref<!tpu.dma_semaphore, #tpu.memory_space<semaphore_mem>>) src(%arg10 : memref<128x128xf32, #tpu.memory_space<vmem>>) dst(%dma_wait3A_36 : memref<128x128xf32, #tpu.memory_space<vmem_shared>>)
      tpu.yield
    }) : () -> ()
    %mul3A_20 = arith.constant 640 : i32
    %mul3A_21 = arith.muli %arg1, %mul3A_20 : i32
    %add3A_22 = arith.constant 512 : i32
    %add3A_23 = arith.addi %mul3A_21, %add3A_22 : i32
    "tpu.region"() ({
      %run_scoped3A = tpu.sem_alloc : memref<!tpu.dma_semaphore, #tpu.memory_space<semaphore_mem>>
      %dma_start3A = arith.constant 0 : i32
      %dma_start3A_31 = tpu.memref_slice %arg12[%add3A_23, %dma_start3A] : memref<10240x128xf32, #tpu.memory_space<vmem_shared>> -> memref<128x128xf32, #tpu.memory_space<vmem_shared>>
      %dma_start3A_32 = arith.constant 0 : i32
      %dma_start3A_33 = tpu.memref_slice %arg12[%add3A_23, %dma_start3A_32] : memref<10240x128xf32, #tpu.memory_space<vmem_shared>> -> memref<128x128xf32, #tpu.memory_space<vmem_shared>>
      tpu.enqueue_dma source(%arg10 : memref<128x128xf32, #tpu.memory_space<vmem>>) target(%dma_start3A_33 : memref<128x128xf32, #tpu.memory_space<vmem_shared>>) target_semaphore(%run_scoped3A : memref<!tpu.dma_semaphore, #tpu.memory_space<semaphore_mem>>)
      %dma_wait3A = arith.constant 0 : i32
      %dma_wait3A_34 = tpu.memref_slice %arg12[%add3A_23, %dma_wait3A] : memref<10240x128xf32, #tpu.memory_space<vmem_shared>> -> memref<128x128xf32, #tpu.memory_space<vmem_shared>>
      %dma_wait3A_35 = arith.constant 0 : i32
      %dma_wait3A_36 = tpu.memref_slice %arg12[%add3A_23, %dma_wait3A_35] : memref<10240x128xf32, #tpu.memory_space<vmem_shared>> -> memref<128x128xf32, #tpu.memory_space<vmem_shared>>
      tpu.wait_dma2 semaphore(%run_scoped3A : memref<!tpu.dma_semaphore, #tpu.memory_space<semaphore_mem>>) src(%arg10 : memref<128x128xf32, #tpu.memory_space<vmem>>) dst(%dma_wait3A_36 : memref<128x128xf32, #tpu.memory_space<vmem_shared>>)
      tpu.yield
    }) : () -> ()
    %barrier3A = arith.constant 0 : index
    tpu.barrier barrier_id(%barrier3A)
    %eq3A = arith.constant 0 : i32
    %eq3A_24 = arith.cmpi eq, %arg0, %eq3A : i32
    %convert_element_type3A = arith.extui %eq3A_24 : i1 to i32
    %cond3A = arith.constant 0 : i32
    %cond3A_25 = arith.cmpi ne, %convert_element_type3A, %cond3A : i32
    scf.if %cond3A_25 {
      %add3A_31 = arith.constant 0 : i32
      %add3A_32 = arith.addi %add3A_31, %arg1 : i32
      "tpu.region"() ({
        %run_scoped3A = tpu.sem_alloc : memref<!tpu.dma_semaphore, #tpu.memory_space<semaphore_mem>>
        %dma_start3A_85 = arith.constant 0 : i32
        %dma_start3A_86 = arith.constant 0 : i32
        %dma_start3A_87 = tpu.memref_slice %arg2[%add3A_32, %dma_start3A_85, %dma_start3A_86] : memref<32x40x128xi32, #tpu.memory_space<hbm>> -> memref<1x40x128xi32, #tpu.memory_space<hbm>>
        %dma_start3A_88 = tpu.memref_squeeze %dma_start3A_87 : memref<1x40x128xi32, #tpu.memory_space<hbm>> -> memref<40x128xi32, #tpu.memory_space<hbm>>
        %dma_start3A_89 = arith.constant 0 : i32
        %dma_start3A_90 = arith.constant 0 : i32
        %dma_start3A_91 = tpu.memref_slice %arg2[%add3A_32, %dma_start3A_89, %dma_start3A_90] : memref<32x40x128xi32, #tpu.memory_space<hbm>> -> memref<1x40x128xi32, #tpu.memory_space<hbm>>
        %dma_start3A_92 = tpu.memref_squeeze %dma_start3A_91 : memref<1x40x128xi32, #tpu.memory_space<hbm>> -> memref<40x128xi32, #tpu.memory_space<hbm>>
        tpu.enqueue_dma source(%dma_start3A_92 : memref<40x128xi32, #tpu.memory_space<hbm>>) target(%arg8 : memref<40x128xi32, #tpu.memory_space<vmem>>) target_semaphore(%run_scoped3A : memref<!tpu.dma_semaphore, #tpu.memory_space<semaphore_mem>>)
        %dma_wait3A = arith.constant 0 : i32
        %dma_wait3A_93 = arith.constant 0 : i32
        %dma_wait3A_94 = tpu.memref_slice %arg2[%add3A_32, %dma_wait3A, %dma_wait3A_93] : memref<32x40x128xi32, #tpu.memory_space<hbm>> -> memref<1x40x128xi32, #tpu.memory_space<hbm>>
        %dma_wait3A_95 = tpu.memref_squeeze %dma_wait3A_94 : memref<1x40x128xi32, #tpu.memory_space<hbm>> -> memref<40x128xi32, #tpu.memory_space<hbm>>
        %dma_wait3A_96 = arith.constant 0 : i32
        %dma_wait3A_97 = arith.constant 0 : i32
        %dma_wait3A_98 = tpu.memref_slice %arg2[%add3A_32, %dma_wait3A_96, %dma_wait3A_97] : memref<32x40x128xi32, #tpu.memory_space<hbm>> -> memref<1x40x128xi32, #tpu.memory_space<hbm>>
        %dma_wait3A_99 = tpu.memref_squeeze %dma_wait3A_98 : memref<1x40x128xi32, #tpu.memory_space<hbm>> -> memref<40x128xi32, #tpu.memory_space<hbm>>
        tpu.wait_dma2 semaphore(%run_scoped3A : memref<!tpu.dma_semaphore, #tpu.memory_space<semaphore_mem>>) src(%dma_wait3A_99 : memref<40x128xi32, #tpu.memory_space<hbm>>) dst(%arg8 : memref<40x128xi32, #tpu.memory_space<vmem>>)
        tpu.yield
      }) : () -> ()
      %add3A_33 = arith.constant 0 : i32
      %add3A_34 = arith.addi %add3A_33, %arg1 : i32
      "tpu.region"() ({
        %run_scoped3A = tpu.sem_alloc : memref<!tpu.dma_semaphore, #tpu.memory_space<semaphore_mem>>
        %dma_start3A_85 = arith.constant 0 : i32
        %dma_start3A_86 = arith.constant 0 : i32
        %dma_start3A_87 = tpu.memref_slice %arg3[%add3A_34, %dma_start3A_85, %dma_start3A_86] : memref<32x40x128xi32, #tpu.memory_space<hbm>> -> memref<1x40x128xi32, #tpu.memory_space<hbm>>
        %dma_start3A_88 = tpu.memref_squeeze %dma_start3A_87 : memref<1x40x128xi32, #tpu.memory_space<hbm>> -> memref<40x128xi32, #tpu.memory_space<hbm>>
        %dma_start3A_89 = arith.constant 0 : i32
        %dma_start3A_90 = arith.constant 0 : i32
        %dma_start3A_91 = tpu.memref_slice %arg3[%add3A_34, %dma_start3A_89, %dma_start3A_90] : memref<32x40x128xi32, #tpu.memory_space<hbm>> -> memref<1x40x128xi32, #tpu.memory_space<hbm>>
        %dma_start3A_92 = tpu.memref_squeeze %dma_start3A_91 : memref<1x40x128xi32, #tpu.memory_space<hbm>> -> memref<40x128xi32, #tpu.memory_space<hbm>>
        tpu.enqueue_dma source(%dma_start3A_92 : memref<40x128xi32, #tpu.memory_space<hbm>>) target(%arg9 : memref<40x128xi32, #tpu.memory_space<vmem>>) target_semaphore(%run_scoped3A : memref<!tpu.dma_semaphore, #tpu.memory_space<semaphore_mem>>)
        %dma_wait3A = arith.constant 0 : i32
        %dma_wait3A_93 = arith.constant 0 : i32
        %dma_wait3A_94 = tpu.memref_slice %arg3[%add3A_34, %dma_wait3A, %dma_wait3A_93] : memref<32x40x128xi32, #tpu.memory_space<hbm>> -> memref<1x40x128xi32, #tpu.memory_space<hbm>>
        %dma_wait3A_95 = tpu.memref_squeeze %dma_wait3A_94 : memref<1x40x128xi32, #tpu.memory_space<hbm>> -> memref<40x128xi32, #tpu.memory_space<hbm>>
        %dma_wait3A_96 = arith.constant 0 : i32
        %dma_wait3A_97 = arith.constant 0 : i32
        %dma_wait3A_98 = tpu.memref_slice %arg3[%add3A_34, %dma_wait3A_96, %dma_wait3A_97] : memref<32x40x128xi32, #tpu.memory_space<hbm>> -> memref<1x40x128xi32, #tpu.memory_space<hbm>>
        %dma_wait3A_99 = tpu.memref_squeeze %dma_wait3A_98 : memref<1x40x128xi32, #tpu.memory_space<hbm>> -> memref<40x128xi32, #tpu.memory_space<hbm>>
        tpu.wait_dma2 semaphore(%run_scoped3A : memref<!tpu.dma_semaphore, #tpu.memory_space<semaphore_mem>>) src(%dma_wait3A_99 : memref<40x128xi32, #tpu.memory_space<hbm>>) dst(%arg9 : memref<40x128xi32, #tpu.memory_space<vmem>>)
        tpu.yield
      }) : () -> ()
      %dma_start3A = arith.constant 0 : i32
      %dma_start3A_35 = arith.constant 0 : i32
      %dma_start3A_36 = tpu.memref_slice %arg8[%dma_start3A, %dma_start3A_35] : memref<40x128xi32, #tpu.memory_space<vmem>> -> memref<1x128xi32, #tpu.memory_space<vmem>>
      %dma_start3A_37 = tpu.memref_squeeze %dma_start3A_36 : memref<1x128xi32, #tpu.memory_space<vmem>> -> memref<128xi32, #tpu.memory_space<vmem>>
      %dma_start3A_38 = arith.constant 0 : i32
      %dma_start3A_39 = arith.constant 0 : i32
      %dma_start3A_40 = tpu.memref_slice %arg4[%dma_start3A_38, %dma_start3A_39] : memref<10240x128xf32, #tpu.memory_space<hbm>> -> memref<10240x128xf32, #tpu.memory_space<hbm>>
      tpu.enqueue_indirect_dma source(%dma_start3A_40 : memref<10240x128xf32, #tpu.memory_space<hbm>>) target(%arg10 : memref<128x128xf32, #tpu.memory_space<vmem>>) offsets(%dma_start3A_37 : memref<128xi32, #tpu.memory_space<vmem>>) semaphore(%arg13 : memref<!tpu.dma_semaphore, #tpu.memory_space<semaphore_mem>>)
      %scan3A_41 = arith.constant 0 : i32
      %scan3A_42 = arith.constant 0 : i32
      %scan3A_43 = arith.constant 20 : i32
      %scan3A_44 = arith.addi %scan3A_42, %scan3A_43 : i32
      %scan3A_45 = arith.constant 1 : i32
      scf.for %scan3A_85 = %scan3A_42 to %scan3A_44 step %scan3A_45  : i32 {
        %mul3A_86 = arith.constant 2 : i32
        %mul3A_87 = arith.muli %mul3A_86, %scan3A_85 : i32
        %add3A_88 = arith.constant 1 : i32
        %add3A_89 = arith.addi %mul3A_87, %add3A_88 : i32
        %lt3A = arith.constant 40 : i32
        %lt3A_90 = arith.cmpi slt, %add3A_89, %lt3A : i32
        %convert_element_type3A_91 = arith.extui %lt3A_90 : i1 to i32
        %cond3A_92 = arith.constant 0 : i32
        %cond3A_93 = arith.cmpi ne, %convert_element_type3A_91, %cond3A_92 : i32
        scf.if %cond3A_93 {
          %add3A_113 = arith.constant 1 : i32
          %add3A_114 = arith.addi %mul3A_87, %add3A_113 : i32
          %dma_start3A_115 = arith.constant 0 : i32
          %dma_start3A_116 = tpu.memref_slice %arg8[%add3A_114, %dma_start3A_115] : memref<40x128xi32, #tpu.memory_space<vmem>> -> memref<1x128xi32, #tpu.memory_space<vmem>>
          %dma_start3A_117 = tpu.memref_squeeze %dma_start3A_116 : memref<1x128xi32, #tpu.memory_space<vmem>> -> memref<128xi32, #tpu.memory_space<vmem>>
          %dma_start3A_118 = arith.constant 0 : i32
          %dma_start3A_119 = arith.constant 0 : i32
          %dma_start3A_120 = tpu.memref_slice %arg4[%dma_start3A_118, %dma_start3A_119] : memref<10240x128xf32, #tpu.memory_space<hbm>> -> memref<10240x128xf32, #tpu.memory_space<hbm>>
          tpu.enqueue_indirect_dma source(%dma_start3A_120 : memref<10240x128xf32, #tpu.memory_space<hbm>>) target(%arg11 : memref<128x128xf32, #tpu.memory_space<vmem>>) offsets(%dma_start3A_117 : memref<128xi32, #tpu.memory_space<vmem>>) semaphore(%arg14 : memref<!tpu.dma_semaphore, #tpu.memory_space<semaphore_mem>>)
        } else {
        }
        %dma_wait3A = arith.constant 0 : i32
        %dma_wait3A_94 = tpu.memref_slice %arg8[%mul3A_87, %dma_wait3A] : memref<40x128xi32, #tpu.memory_space<vmem>> -> memref<1x128xi32, #tpu.memory_space<vmem>>
        %dma_wait3A_95 = tpu.memref_squeeze %dma_wait3A_94 : memref<1x128xi32, #tpu.memory_space<vmem>> -> memref<128xi32, #tpu.memory_space<vmem>>
        %dma_wait3A_96 = arith.constant 0 : i32
        %dma_wait3A_97 = arith.constant 0 : i32
        %dma_wait3A_98 = tpu.memref_slice %arg4[%dma_wait3A_96, %dma_wait3A_97] : memref<10240x128xf32, #tpu.memory_space<hbm>> -> memref<10240x128xf32, #tpu.memory_space<hbm>>
        tpu.wait_indirect_dma semaphore(%arg13 : memref<!tpu.dma_semaphore, #tpu.memory_space<semaphore_mem>>) src(%dma_wait3A_98 : memref<10240x128xf32, #tpu.memory_space<hbm>>) dst(%arg10 : memref<128x128xf32, #tpu.memory_space<vmem>>)
        "tpu.region"() ({
          %run_scoped3A = tpu.sem_alloc : memref<!tpu.dma_semaphore, #tpu.memory_space<semaphore_mem>>
          %dma_start3A_113 = arith.constant 0 : i32
          %dma_start3A_114 = tpu.memref_slice %arg9[%mul3A_87, %dma_start3A_113] : memref<40x128xi32, #tpu.memory_space<vmem>> -> memref<1x128xi32, #tpu.memory_space<vmem>>
          %dma_start3A_115 = tpu.memref_squeeze %dma_start3A_114 : memref<1x128xi32, #tpu.memory_space<vmem>> -> memref<128xi32, #tpu.memory_space<vmem>>
          %dma_start3A_116 = arith.constant 0 : i32
          %dma_start3A_117 = arith.constant 0 : i32
          %dma_start3A_118 = tpu.memref_slice %arg12[%dma_start3A_116, %dma_start3A_117] : memref<10240x128xf32, #tpu.memory_space<vmem_shared>> -> memref<10240x128xf32, #tpu.memory_space<vmem_shared>>
          tpu.enqueue_indirect_dma source(%arg10 : memref<128x128xf32, #tpu.memory_space<vmem>>) target(%dma_start3A_118 : memref<10240x128xf32, #tpu.memory_space<vmem_shared>>) offsets(%dma_start3A_115 : memref<128xi32, #tpu.memory_space<vmem>>) semaphore(%run_scoped3A : memref<!tpu.dma_semaphore, #tpu.memory_space<semaphore_mem>>) {add = true}
          %dma_wait3A_119 = arith.constant 0 : i32
          %dma_wait3A_120 = tpu.memref_slice %arg9[%mul3A_87, %dma_wait3A_119] : memref<40x128xi32, #tpu.memory_space<vmem>> -> memref<1x128xi32, #tpu.memory_space<vmem>>
          %dma_wait3A_121 = tpu.memref_squeeze %dma_wait3A_120 : memref<1x128xi32, #tpu.memory_space<vmem>> -> memref<128xi32, #tpu.memory_space<vmem>>
          %dma_wait3A_122 = arith.constant 0 : i32
          %dma_wait3A_123 = arith.constant 0 : i32
          %dma_wait3A_124 = tpu.memref_slice %arg12[%dma_wait3A_122, %dma_wait3A_123] : memref<10240x128xf32, #tpu.memory_space<vmem_shared>> -> memref<10240x128xf32, #tpu.memory_space<vmem_shared>>
          tpu.wait_indirect_dma semaphore(%run_scoped3A : memref<!tpu.dma_semaphore, #tpu.memory_space<semaphore_mem>>) src(%arg10 : memref<128x128xf32, #tpu.memory_space<vmem>>) dst(%dma_wait3A_124 : memref<10240x128xf32, #tpu.memory_space<vmem_shared>>)
          tpu.yield
        }) : () -> ()
        %add3A_99 = arith.constant 2 : i32
        %add3A_100 = arith.addi %mul3A_87, %add3A_99 : i32
        %lt3A_101 = arith.constant 40 : i32
        %lt3A_102 = arith.cmpi slt, %add3A_100, %lt3A_101 : i32
        %convert_element_type3A_103 = arith.extui %lt3A_102 : i1 to i32
        %cond3A_104 = arith.constant 0 : i32
        %cond3A_105 = arith.cmpi ne, %convert_element_type3A_103, %cond3A_104 : i32
        scf.if %cond3A_105 {
          %add3A_113 = arith.constant 2 : i32
          %add3A_114 = arith.addi %mul3A_87, %add3A_113 : i32
          %dma_start3A_115 = arith.constant 0 : i32
          %dma_start3A_116 = tpu.memref_slice %arg8[%add3A_114, %dma_start3A_115] : memref<40x128xi32, #tpu.memory_space<vmem>> -> memref<1x128xi32, #tpu.memory_space<vmem>>
          %dma_start3A_117 = tpu.memref_squeeze %dma_start3A_116 : memref<1x128xi32, #tpu.memory_space<vmem>> -> memref<128xi32, #tpu.memory_space<vmem>>
          %dma_start3A_118 = arith.constant 0 : i32
          %dma_start3A_119 = arith.constant 0 : i32
          %dma_start3A_120 = tpu.memref_slice %arg4[%dma_start3A_118, %dma_start3A_119] : memref<10240x128xf32, #tpu.memory_space<hbm>> -> memref<10240x128xf32, #tpu.memory_space<hbm>>
          tpu.enqueue_indirect_dma source(%dma_start3A_120 : memref<10240x128xf32, #tpu.memory_space<hbm>>) target(%arg10 : memref<128x128xf32, #tpu.memory_space<vmem>>) offsets(%dma_start3A_117 : memref<128xi32, #tpu.memory_space<vmem>>) semaphore(%arg13 : memref<!tpu.dma_semaphore, #tpu.memory_space<semaphore_mem>>)
        } else {
        }
        %add3A_106 = arith.constant 1 : i32
        %add3A_107 = arith.addi %mul3A_87, %add3A_106 : i32
        %lt3A_108 = arith.constant 40 : i32
        %lt3A_109 = arith.cmpi slt, %add3A_107, %lt3A_108 : i32
        %convert_element_type3A_110 = arith.extui %lt3A_109 : i1 to i32
        %cond3A_111 = arith.constant 0 : i32
        %cond3A_112 = arith.cmpi ne, %convert_element_type3A_110, %cond3A_111 : i32
        scf.if %cond3A_112 {
          %add3A_113 = arith.constant 1 : i32
          %add3A_114 = arith.addi %mul3A_87, %add3A_113 : i32
          %dma_wait3A_115 = arith.constant 0 : i32
          %dma_wait3A_116 = tpu.memref_slice %arg8[%add3A_114, %dma_wait3A_115] : memref<40x128xi32, #tpu.memory_space<vmem>> -> memref<1x128xi32, #tpu.memory_space<vmem>>
          %dma_wait3A_117 = tpu.memref_squeeze %dma_wait3A_116 : memref<1x128xi32, #tpu.memory_space<vmem>> -> memref<128xi32, #tpu.memory_space<vmem>>
          %dma_wait3A_118 = arith.constant 0 : i32
          %dma_wait3A_119 = arith.constant 0 : i32
          %dma_wait3A_120 = tpu.memref_slice %arg4[%dma_wait3A_118, %dma_wait3A_119] : memref<10240x128xf32, #tpu.memory_space<hbm>> -> memref<10240x128xf32, #tpu.memory_space<hbm>>
          tpu.wait_indirect_dma semaphore(%arg14 : memref<!tpu.dma_semaphore, #tpu.memory_space<semaphore_mem>>) src(%dma_wait3A_120 : memref<10240x128xf32, #tpu.memory_space<hbm>>) dst(%arg11 : memref<128x128xf32, #tpu.memory_space<vmem>>)
          %add3A_121 = arith.constant 1 : i32
          %add3A_122 = arith.addi %mul3A_87, %add3A_121 : i32
          "tpu.region"() ({
            %run_scoped3A = tpu.sem_alloc : memref<!tpu.dma_semaphore, #tpu.memory_space<semaphore_mem>>
            %dma_start3A_123 = arith.constant 0 : i32
            %dma_start3A_124 = tpu.memref_slice %arg9[%add3A_122, %dma_start3A_123] : memref<40x128xi32, #tpu.memory_space<vmem>> -> memref<1x128xi32, #tpu.memory_space<vmem>>
            %dma_start3A_125 = tpu.memref_squeeze %dma_start3A_124 : memref<1x128xi32, #tpu.memory_space<vmem>> -> memref<128xi32, #tpu.memory_space<vmem>>
            %dma_start3A_126 = arith.constant 0 : i32
            %dma_start3A_127 = arith.constant 0 : i32
            %dma_start3A_128 = tpu.memref_slice %arg12[%dma_start3A_126, %dma_start3A_127] : memref<10240x128xf32, #tpu.memory_space<vmem_shared>> -> memref<10240x128xf32, #tpu.memory_space<vmem_shared>>
            tpu.enqueue_indirect_dma source(%arg11 : memref<128x128xf32, #tpu.memory_space<vmem>>) target(%dma_start3A_128 : memref<10240x128xf32, #tpu.memory_space<vmem_shared>>) offsets(%dma_start3A_125 : memref<128xi32, #tpu.memory_space<vmem>>) semaphore(%run_scoped3A : memref<!tpu.dma_semaphore, #tpu.memory_space<semaphore_mem>>) {add = true}
            %dma_wait3A_129 = arith.constant 0 : i32
            %dma_wait3A_130 = tpu.memref_slice %arg9[%add3A_122, %dma_wait3A_129] : memref<40x128xi32, #tpu.memory_space<vmem>> -> memref<1x128xi32, #tpu.memory_space<vmem>>
            %dma_wait3A_131 = tpu.memref_squeeze %dma_wait3A_130 : memref<1x128xi32, #tpu.memory_space<vmem>> -> memref<128xi32, #tpu.memory_space<vmem>>
            %dma_wait3A_132 = arith.constant 0 : i32
            %dma_wait3A_133 = arith.constant 0 : i32
            %dma_wait3A_134 = tpu.memref_slice %arg12[%dma_wait3A_132, %dma_wait3A_133] : memref<10240x128xf32, #tpu.memory_space<vmem_shared>> -> memref<10240x128xf32, #tpu.memory_space<vmem_shared>>
            tpu.wait_indirect_dma semaphore(%run_scoped3A : memref<!tpu.dma_semaphore, #tpu.memory_space<semaphore_mem>>) src(%arg11 : memref<128x128xf32, #tpu.memory_space<vmem>>) dst(%dma_wait3A_134 : memref<10240x128xf32, #tpu.memory_space<vmem_shared>>)
            tpu.yield
          }) : () -> ()
        } else {
        }
      }
      %scan3A_46 = arith.constant 20 : i32
      %add3A_47 = arith.constant 16 : i32
      %add3A_48 = arith.addi %add3A_47, %arg1 : i32
      "tpu.region"() ({
        %run_scoped3A = tpu.sem_alloc : memref<!tpu.dma_semaphore, #tpu.memory_space<semaphore_mem>>
        %dma_start3A_85 = arith.constant 0 : i32
        %dma_start3A_86 = arith.constant 0 : i32
        %dma_start3A_87 = tpu.memref_slice %arg2[%add3A_48, %dma_start3A_85, %dma_start3A_86] : memref<32x40x128xi32, #tpu.memory_space<hbm>> -> memref<1x40x128xi32, #tpu.memory_space<hbm>>
        %dma_start3A_88 = tpu.memref_squeeze %dma_start3A_87 : memref<1x40x128xi32, #tpu.memory_space<hbm>> -> memref<40x128xi32, #tpu.memory_space<hbm>>
        %dma_start3A_89 = arith.constant 0 : i32
        %dma_start3A_90 = arith.constant 0 : i32
        %dma_start3A_91 = tpu.memref_slice %arg2[%add3A_48, %dma_start3A_89, %dma_start3A_90] : memref<32x40x128xi32, #tpu.memory_space<hbm>> -> memref<1x40x128xi32, #tpu.memory_space<hbm>>
        %dma_start3A_92 = tpu.memref_squeeze %dma_start3A_91 : memref<1x40x128xi32, #tpu.memory_space<hbm>> -> memref<40x128xi32, #tpu.memory_space<hbm>>
        tpu.enqueue_dma source(%dma_start3A_92 : memref<40x128xi32, #tpu.memory_space<hbm>>) target(%arg8 : memref<40x128xi32, #tpu.memory_space<vmem>>) target_semaphore(%run_scoped3A : memref<!tpu.dma_semaphore, #tpu.memory_space<semaphore_mem>>)
        %dma_wait3A = arith.constant 0 : i32
        %dma_wait3A_93 = arith.constant 0 : i32
        %dma_wait3A_94 = tpu.memref_slice %arg2[%add3A_48, %dma_wait3A, %dma_wait3A_93] : memref<32x40x128xi32, #tpu.memory_space<hbm>> -> memref<1x40x128xi32, #tpu.memory_space<hbm>>
        %dma_wait3A_95 = tpu.memref_squeeze %dma_wait3A_94 : memref<1x40x128xi32, #tpu.memory_space<hbm>> -> memref<40x128xi32, #tpu.memory_space<hbm>>
        %dma_wait3A_96 = arith.constant 0 : i32
        %dma_wait3A_97 = arith.constant 0 : i32
        %dma_wait3A_98 = tpu.memref_slice %arg2[%add3A_48, %dma_wait3A_96, %dma_wait3A_97] : memref<32x40x128xi32, #tpu.memory_space<hbm>> -> memref<1x40x128xi32, #tpu.memory_space<hbm>>
        %dma_wait3A_99 = tpu.memref_squeeze %dma_wait3A_98 : memref<1x40x128xi32, #tpu.memory_space<hbm>> -> memref<40x128xi32, #tpu.memory_space<hbm>>
        tpu.wait_dma2 semaphore(%run_scoped3A : memref<!tpu.dma_semaphore, #tpu.memory_space<semaphore_mem>>) src(%dma_wait3A_99 : memref<40x128xi32, #tpu.memory_space<hbm>>) dst(%arg8 : memref<40x128xi32, #tpu.memory_space<vmem>>)
        tpu.yield
      }) : () -> ()
      %add3A_49 = arith.constant 16 : i32
      %add3A_50 = arith.addi %add3A_49, %arg1 : i32
      "tpu.region"() ({
        %run_scoped3A = tpu.sem_alloc : memref<!tpu.dma_semaphore, #tpu.memory_space<semaphore_mem>>
        %dma_start3A_85 = arith.constant 0 : i32
        %dma_start3A_86 = arith.constant 0 : i32
        %dma_start3A_87 = tpu.memref_slice %arg3[%add3A_50, %dma_start3A_85, %dma_start3A_86] : memref<32x40x128xi32, #tpu.memory_space<hbm>> -> memref<1x40x128xi32, #tpu.memory_space<hbm>>
        %dma_start3A_88 = tpu.memref_squeeze %dma_start3A_87 : memref<1x40x128xi32, #tpu.memory_space<hbm>> -> memref<40x128xi32, #tpu.memory_space<hbm>>
        %dma_start3A_89 = arith.constant 0 : i32
        %dma_start3A_90 = arith.constant 0 : i32
        %dma_start3A_91 = tpu.memref_slice %arg3[%add3A_50, %dma_start3A_89, %dma_start3A_90] : memref<32x40x128xi32, #tpu.memory_space<hbm>> -> memref<1x40x128xi32, #tpu.memory_space<hbm>>
        %dma_start3A_92 = tpu.memref_squeeze %dma_start3A_91 : memref<1x40x128xi32, #tpu.memory_space<hbm>> -> memref<40x128xi32, #tpu.memory_space<hbm>>
        tpu.enqueue_dma source(%dma_start3A_92 : memref<40x128xi32, #tpu.memory_space<hbm>>) target(%arg9 : memref<40x128xi32, #tpu.memory_space<vmem>>) target_semaphore(%run_scoped3A : memref<!tpu.dma_semaphore, #tpu.memory_space<semaphore_mem>>)
        %dma_wait3A = arith.constant 0 : i32
        %dma_wait3A_93 = arith.constant 0 : i32
        %dma_wait3A_94 = tpu.memref_slice %arg3[%add3A_50, %dma_wait3A, %dma_wait3A_93] : memref<32x40x128xi32, #tpu.memory_space<hbm>> -> memref<1x40x128xi32, #tpu.memory_space<hbm>>
        %dma_wait3A_95 = tpu.memref_squeeze %dma_wait3A_94 : memref<1x40x128xi32, #tpu.memory_space<hbm>> -> memref<40x128xi32, #tpu.memory_space<hbm>>
        %dma_wait3A_96 = arith.constant 0 : i32
        %dma_wait3A_97 = arith.constant 0 : i32
        %dma_wait3A_98 = tpu.memref_slice %arg3[%add3A_50, %dma_wait3A_96, %dma_wait3A_97] : memref<32x40x128xi32, #tpu.memory_space<hbm>> -> memref<1x40x128xi32, #tpu.memory_space<hbm>>
        %dma_wait3A_99 = tpu.memref_squeeze %dma_wait3A_98 : memref<1x40x128xi32, #tpu.memory_space<hbm>> -> memref<40x128xi32, #tpu.memory_space<hbm>>
        tpu.wait_dma2 semaphore(%run_scoped3A : memref<!tpu.dma_semaphore, #tpu.memory_space<semaphore_mem>>) src(%dma_wait3A_99 : memref<40x128xi32, #tpu.memory_space<hbm>>) dst(%arg9 : memref<40x128xi32, #tpu.memory_space<vmem>>)
        tpu.yield
      }) : () -> ()
      %dma_start3A_51 = arith.constant 0 : i32
      %dma_start3A_52 = arith.constant 0 : i32
      %dma_start3A_53 = tpu.memref_slice %arg8[%dma_start3A_51, %dma_start3A_52] : memref<40x128xi32, #tpu.memory_space<vmem>> -> memref<1x128xi32, #tpu.memory_space<vmem>>
      %dma_start3A_54 = tpu.memref_squeeze %dma_start3A_53 : memref<1x128xi32, #tpu.memory_space<vmem>> -> memref<128xi32, #tpu.memory_space<vmem>>
      %dma_start3A_55 = arith.constant 0 : i32
      %dma_start3A_56 = arith.constant 0 : i32
      %dma_start3A_57 = tpu.memref_slice %arg4[%dma_start3A_55, %dma_start3A_56] : memref<10240x128xf32, #tpu.memory_space<hbm>> -> memref<10240x128xf32, #tpu.memory_space<hbm>>
      tpu.enqueue_indirect_dma source(%dma_start3A_57 : memref<10240x128xf32, #tpu.memory_space<hbm>>) target(%arg10 : memref<128x128xf32, #tpu.memory_space<vmem>>) offsets(%dma_start3A_54 : memref<128xi32, #tpu.memory_space<vmem>>) semaphore(%arg13 : memref<!tpu.dma_semaphore, #tpu.memory_space<semaphore_mem>>)
      %scan3A_58 = arith.constant 0 : i32
      %scan3A_59 = arith.constant 0 : i32
      %scan3A_60 = arith.constant 20 : i32
      %scan3A_61 = arith.addi %scan3A_59, %scan3A_60 : i32
      %scan3A_62 = arith.constant 1 : i32
      scf.for %scan3A_85 = %scan3A_59 to %scan3A_61 step %scan3A_62  : i32 {
        %mul3A_86 = arith.constant 2 : i32
        %mul3A_87 = arith.muli %mul3A_86, %scan3A_85 : i32
        %add3A_88 = arith.constant 1 : i32
        %add3A_89 = arith.addi %mul3A_87, %add3A_88 : i32
        %lt3A = arith.constant 40 : i32
        %lt3A_90 = arith.cmpi slt, %add3A_89, %lt3A : i32
        %convert_element_type3A_91 = arith.extui %lt3A_90 : i1 to i32
        %cond3A_92 = arith.constant 0 : i32
        %cond3A_93 = arith.cmpi ne, %convert_element_type3A_91, %cond3A_92 : i32
        scf.if %cond3A_93 {
          %add3A_113 = arith.constant 1 : i32
          %add3A_114 = arith.addi %mul3A_87, %add3A_113 : i32
          %dma_start3A_115 = arith.constant 0 : i32
          %dma_start3A_116 = tpu.memref_slice %arg8[%add3A_114, %dma_start3A_115] : memref<40x128xi32, #tpu.memory_space<vmem>> -> memref<1x128xi32, #tpu.memory_space<vmem>>
          %dma_start3A_117 = tpu.memref_squeeze %dma_start3A_116 : memref<1x128xi32, #tpu.memory_space<vmem>> -> memref<128xi32, #tpu.memory_space<vmem>>
          %dma_start3A_118 = arith.constant 0 : i32
          %dma_start3A_119 = arith.constant 0 : i32
          %dma_start3A_120 = tpu.memref_slice %arg4[%dma_start3A_118, %dma_start3A_119] : memref<10240x128xf32, #tpu.memory_space<hbm>> -> memref<10240x128xf32, #tpu.memory_space<hbm>>
          tpu.enqueue_indirect_dma source(%dma_start3A_120 : memref<10240x128xf32, #tpu.memory_space<hbm>>) target(%arg11 : memref<128x128xf32, #tpu.memory_space<vmem>>) offsets(%dma_start3A_117 : memref<128xi32, #tpu.memory_space<vmem>>) semaphore(%arg14 : memref<!tpu.dma_semaphore, #tpu.memory_space<semaphore_mem>>)
        } else {
        }
        %dma_wait3A = arith.constant 0 : i32
        %dma_wait3A_94 = tpu.memref_slice %arg8[%mul3A_87, %dma_wait3A] : memref<40x128xi32, #tpu.memory_space<vmem>> -> memref<1x128xi32, #tpu.memory_space<vmem>>
        %dma_wait3A_95 = tpu.memref_squeeze %dma_wait3A_94 : memref<1x128xi32, #tpu.memory_space<vmem>> -> memref<128xi32, #tpu.memory_space<vmem>>
        %dma_wait3A_96 = arith.constant 0 : i32
        %dma_wait3A_97 = arith.constant 0 : i32
        %dma_wait3A_98 = tpu.memref_slice %arg4[%dma_wait3A_96, %dma_wait3A_97] : memref<10240x128xf32, #tpu.memory_space<hbm>> -> memref<10240x128xf32, #tpu.memory_space<hbm>>
        tpu.wait_indirect_dma semaphore(%arg13 : memref<!tpu.dma_semaphore, #tpu.memory_space<semaphore_mem>>) src(%dma_wait3A_98 : memref<10240x128xf32, #tpu.memory_space<hbm>>) dst(%arg10 : memref<128x128xf32, #tpu.memory_space<vmem>>)
        "tpu.region"() ({
          %run_scoped3A = tpu.sem_alloc : memref<!tpu.dma_semaphore, #tpu.memory_space<semaphore_mem>>
          %dma_start3A_113 = arith.constant 0 : i32
          %dma_start3A_114 = tpu.memref_slice %arg9[%mul3A_87, %dma_start3A_113] : memref<40x128xi32, #tpu.memory_space<vmem>> -> memref<1x128xi32, #tpu.memory_space<vmem>>
          %dma_start3A_115 = tpu.memref_squeeze %dma_start3A_114 : memref<1x128xi32, #tpu.memory_space<vmem>> -> memref<128xi32, #tpu.memory_space<vmem>>
          %dma_start3A_116 = arith.constant 0 : i32
          %dma_start3A_117 = arith.constant 0 : i32
          %dma_start3A_118 = tpu.memref_slice %arg12[%dma_start3A_116, %dma_start3A_117] : memref<10240x128xf32, #tpu.memory_space<vmem_shared>> -> memref<10240x128xf32, #tpu.memory_space<vmem_shared>>
          tpu.enqueue_indirect_dma source(%arg10 : memref<128x128xf32, #tpu.memory_space<vmem>>) target(%dma_start3A_118 : memref<10240x128xf32, #tpu.memory_space<vmem_shared>>) offsets(%dma_start3A_115 : memref<128xi32, #tpu.memory_space<vmem>>) semaphore(%run_scoped3A : memref<!tpu.dma_semaphore, #tpu.memory_space<semaphore_mem>>) {add = true}
          %dma_wait3A_119 = arith.constant 0 : i32
          %dma_wait3A_120 = tpu.memref_slice %arg9[%mul3A_87, %dma_wait3A_119] : memref<40x128xi32, #tpu.memory_space<vmem>> -> memref<1x128xi32, #tpu.memory_space<vmem>>
          %dma_wait3A_121 = tpu.memref_squeeze %dma_wait3A_120 : memref<1x128xi32, #tpu.memory_space<vmem>> -> memref<128xi32, #tpu.memory_space<vmem>>
          %dma_wait3A_122 = arith.constant 0 : i32
          %dma_wait3A_123 = arith.constant 0 : i32
          %dma_wait3A_124 = tpu.memref_slice %arg12[%dma_wait3A_122, %dma_wait3A_123] : memref<10240x128xf32, #tpu.memory_space<vmem_shared>> -> memref<10240x128xf32, #tpu.memory_space<vmem_shared>>
          tpu.wait_indirect_dma semaphore(%run_scoped3A : memref<!tpu.dma_semaphore, #tpu.memory_space<semaphore_mem>>) src(%arg10 : memref<128x128xf32, #tpu.memory_space<vmem>>) dst(%dma_wait3A_124 : memref<10240x128xf32, #tpu.memory_space<vmem_shared>>)
          tpu.yield
        }) : () -> ()
        %add3A_99 = arith.constant 2 : i32
        %add3A_100 = arith.addi %mul3A_87, %add3A_99 : i32
        %lt3A_101 = arith.constant 40 : i32
        %lt3A_102 = arith.cmpi slt, %add3A_100, %lt3A_101 : i32
        %convert_element_type3A_103 = arith.extui %lt3A_102 : i1 to i32
        %cond3A_104 = arith.constant 0 : i32
        %cond3A_105 = arith.cmpi ne, %convert_element_type3A_103, %cond3A_104 : i32
        scf.if %cond3A_105 {
          %add3A_113 = arith.constant 2 : i32
          %add3A_114 = arith.addi %mul3A_87, %add3A_113 : i32
          %dma_start3A_115 = arith.constant 0 : i32
          %dma_start3A_116 = tpu.memref_slice %arg8[%add3A_114, %dma_start3A_115] : memref<40x128xi32, #tpu.memory_space<vmem>> -> memref<1x128xi32, #tpu.memory_space<vmem>>
          %dma_start3A_117 = tpu.memref_squeeze %dma_start3A_116 : memref<1x128xi32, #tpu.memory_space<vmem>> -> memref<128xi32, #tpu.memory_space<vmem>>
          %dma_start3A_118 = arith.constant 0 : i32
          %dma_start3A_119 = arith.constant 0 : i32
          %dma_start3A_120 = tpu.memref_slice %arg4[%dma_start3A_118, %dma_start3A_119] : memref<10240x128xf32, #tpu.memory_space<hbm>> -> memref<10240x128xf32, #tpu.memory_space<hbm>>
          tpu.enqueue_indirect_dma source(%dma_start3A_120 : memref<10240x128xf32, #tpu.memory_space<hbm>>) target(%arg10 : memref<128x128xf32, #tpu.memory_space<vmem>>) offsets(%dma_start3A_117 : memref<128xi32, #tpu.memory_space<vmem>>) semaphore(%arg13 : memref<!tpu.dma_semaphore, #tpu.memory_space<semaphore_mem>>)
        } else {
        }
        %add3A_106 = arith.constant 1 : i32
        %add3A_107 = arith.addi %mul3A_87, %add3A_106 : i32
        %lt3A_108 = arith.constant 40 : i32
        %lt3A_109 = arith.cmpi slt, %add3A_107, %lt3A_108 : i32
        %convert_element_type3A_110 = arith.extui %lt3A_109 : i1 to i32
        %cond3A_111 = arith.constant 0 : i32
        %cond3A_112 = arith.cmpi ne, %convert_element_type3A_110, %cond3A_111 : i32
        scf.if %cond3A_112 {
          %add3A_113 = arith.constant 1 : i32
          %add3A_114 = arith.addi %mul3A_87, %add3A_113 : i32
          %dma_wait3A_115 = arith.constant 0 : i32
          %dma_wait3A_116 = tpu.memref_slice %arg8[%add3A_114, %dma_wait3A_115] : memref<40x128xi32, #tpu.memory_space<vmem>> -> memref<1x128xi32, #tpu.memory_space<vmem>>
          %dma_wait3A_117 = tpu.memref_squeeze %dma_wait3A_116 : memref<1x128xi32, #tpu.memory_space<vmem>> -> memref<128xi32, #tpu.memory_space<vmem>>
          %dma_wait3A_118 = arith.constant 0 : i32
          %dma_wait3A_119 = arith.constant 0 : i32
          %dma_wait3A_120 = tpu.memref_slice %arg4[%dma_wait3A_118, %dma_wait3A_119] : memref<10240x128xf32, #tpu.memory_space<hbm>> -> memref<10240x128xf32, #tpu.memory_space<hbm>>
          tpu.wait_indirect_dma semaphore(%arg14 : memref<!tpu.dma_semaphore, #tpu.memory_space<semaphore_mem>>) src(%dma_wait3A_120 : memref<10240x128xf32, #tpu.memory_space<hbm>>) dst(%arg11 : memref<128x128xf32, #tpu.memory_space<vmem>>)
          %add3A_121 = arith.constant 1 : i32
          %add3A_122 = arith.addi %mul3A_87, %add3A_121 : i32
          "tpu.region"() ({
            %run_scoped3A = tpu.sem_alloc : memref<!tpu.dma_semaphore, #tpu.memory_space<semaphore_mem>>
            %dma_start3A_123 = arith.constant 0 : i32
            %dma_start3A_124 = tpu.memref_slice %arg9[%add3A_122, %dma_start3A_123] : memref<40x128xi32, #tpu.memory_space<vmem>> -> memref<1x128xi32, #tpu.memory_space<vmem>>
            %dma_start3A_125 = tpu.memref_squeeze %dma_start3A_124 : memref<1x128xi32, #tpu.memory_space<vmem>> -> memref<128xi32, #tpu.memory_space<vmem>>
            %dma_start3A_126 = arith.constant 0 : i32
            %dma_start3A_127 = arith.constant 0 : i32
            %dma_start3A_128 = tpu.memref_slice %arg12[%dma_start3A_126, %dma_start3A_127] : memref<10240x128xf32, #tpu.memory_space<vmem_shared>> -> memref<10240x128xf32, #tpu.memory_space<vmem_shared>>
            tpu.enqueue_indirect_dma source(%arg11 : memref<128x128xf32, #tpu.memory_space<vmem>>) target(%dma_start3A_128 : memref<10240x128xf32, #tpu.memory_space<vmem_shared>>) offsets(%dma_start3A_125 : memref<128xi32, #tpu.memory_space<vmem>>) semaphore(%run_scoped3A : memref<!tpu.dma_semaphore, #tpu.memory_space<semaphore_mem>>) {add = true}
            %dma_wait3A_129 = arith.constant 0 : i32
            %dma_wait3A_130 = tpu.memref_slice %arg9[%add3A_122, %dma_wait3A_129] : memref<40x128xi32, #tpu.memory_space<vmem>> -> memref<1x128xi32, #tpu.memory_space<vmem>>
            %dma_wait3A_131 = tpu.memref_squeeze %dma_wait3A_130 : memref<1x128xi32, #tpu.memory_space<vmem>> -> memref<128xi32, #tpu.memory_space<vmem>>
            %dma_wait3A_132 = arith.constant 0 : i32
            %dma_wait3A_133 = arith.constant 0 : i32
            %dma_wait3A_134 = tpu.memref_slice %arg12[%dma_wait3A_132, %dma_wait3A_133] : memref<10240x128xf32, #tpu.memory_space<vmem_shared>> -> memref<10240x128xf32, #tpu.memory_space<vmem_shared>>
            tpu.wait_indirect_dma semaphore(%run_scoped3A : memref<!tpu.dma_semaphore, #tpu.memory_space<semaphore_mem>>) src(%arg11 : memref<128x128xf32, #tpu.memory_space<vmem>>) dst(%dma_wait3A_134 : memref<10240x128xf32, #tpu.memory_space<vmem_shared>>)
            tpu.yield
          }) : () -> ()
        } else {
        }
      }
      %scan3A_63 = arith.constant 20 : i32
      %barrier3A_64 = arith.constant 0 : index
      tpu.barrier barrier_id(%barrier3A_64)
      %mul3A_65 = arith.constant 640 : i32
      %mul3A_66 = arith.muli %arg1, %mul3A_65 : i32
      %add3A_67 = arith.constant 0 : i32
      %add3A_68 = arith.addi %mul3A_66, %add3A_67 : i32
      "tpu.region"() ({
        %run_scoped3A = tpu.sem_alloc : memref<!tpu.dma_semaphore, #tpu.memory_space<semaphore_mem>>
        %dma_start3A_85 = arith.constant 0 : i32
        %dma_start3A_86 = tpu.memref_slice %arg6[%add3A_68, %dma_start3A_85] : memref<10240x128xf32, #tpu.memory_space<hbm>> -> memref<128x128xf32, #tpu.memory_space<hbm>>
        %dma_start3A_87 = arith.constant 0 : i32
        %dma_start3A_88 = tpu.memref_slice %arg12[%add3A_68, %dma_start3A_87] : memref<10240x128xf32, #tpu.memory_space<vmem_shared>> -> memref<128x128xf32, #tpu.memory_space<vmem_shared>>
        tpu.enqueue_dma source(%dma_start3A_88 : memref<128x128xf32, #tpu.memory_space<vmem_shared>>) target(%dma_start3A_86 : memref<128x128xf32, #tpu.memory_space<hbm>>) target_semaphore(%run_scoped3A : memref<!tpu.dma_semaphore, #tpu.memory_space<semaphore_mem>>)
        %dma_wait3A = arith.constant 0 : i32
        %dma_wait3A_89 = tpu.memref_slice %arg6[%add3A_68, %dma_wait3A] : memref<10240x128xf32, #tpu.memory_space<hbm>> -> memref<128x128xf32, #tpu.memory_space<hbm>>
        %dma_wait3A_90 = arith.constant 0 : i32
        %dma_wait3A_91 = tpu.memref_slice %arg12[%add3A_68, %dma_wait3A_90] : memref<10240x128xf32, #tpu.memory_space<vmem_shared>> -> memref<128x128xf32, #tpu.memory_space<vmem_shared>>
        tpu.wait_dma2 semaphore(%run_scoped3A : memref<!tpu.dma_semaphore, #tpu.memory_space<semaphore_mem>>) src(%dma_wait3A_91 : memref<128x128xf32, #tpu.memory_space<vmem_shared>>) dst(%dma_wait3A_89 : memref<128x128xf32, #tpu.memory_space<hbm>>)
        tpu.yield
      }) : () -> ()
      %mul3A_69 = arith.constant 640 : i32
      %mul3A_70 = arith.muli %arg1, %mul3A_69 : i32
      %add3A_71 = arith.constant 128 : i32
      %add3A_72 = arith.addi %mul3A_70, %add3A_71 : i32
      "tpu.region"() ({
        %run_scoped3A = tpu.sem_alloc : memref<!tpu.dma_semaphore, #tpu.memory_space<semaphore_mem>>
        %dma_start3A_85 = arith.constant 0 : i32
        %dma_start3A_86 = tpu.memref_slice %arg6[%add3A_72, %dma_start3A_85] : memref<10240x128xf32, #tpu.memory_space<hbm>> -> memref<128x128xf32, #tpu.memory_space<hbm>>
        %dma_start3A_87 = arith.constant 0 : i32
        %dma_start3A_88 = tpu.memref_slice %arg12[%add3A_72, %dma_start3A_87] : memref<10240x128xf32, #tpu.memory_space<vmem_shared>> -> memref<128x128xf32, #tpu.memory_space<vmem_shared>>
        tpu.enqueue_dma source(%dma_start3A_88 : memref<128x128xf32, #tpu.memory_space<vmem_shared>>) target(%dma_start3A_86 : memref<128x128xf32, #tpu.memory_space<hbm>>) target_semaphore(%run_scoped3A : memref<!tpu.dma_semaphore, #tpu.memory_space<semaphore_mem>>)
        %dma_wait3A = arith.constant 0 : i32
        %dma_wait3A_89 = tpu.memref_slice %arg6[%add3A_72, %dma_wait3A] : memref<10240x128xf32, #tpu.memory_space<hbm>> -> memref<128x128xf32, #tpu.memory_space<hbm>>
        %dma_wait3A_90 = arith.constant 0 : i32
        %dma_wait3A_91 = tpu.memref_slice %arg12[%add3A_72, %dma_wait3A_90] : memref<10240x128xf32, #tpu.memory_space<vmem_shared>> -> memref<128x128xf32, #tpu.memory_space<vmem_shared>>
        tpu.wait_dma2 semaphore(%run_scoped3A : memref<!tpu.dma_semaphore, #tpu.memory_space<semaphore_mem>>) src(%dma_wait3A_91 : memref<128x128xf32, #tpu.memory_space<vmem_shared>>) dst(%dma_wait3A_89 : memref<128x128xf32, #tpu.memory_space<hbm>>)
        tpu.yield
      }) : () -> ()
      %mul3A_73 = arith.constant 640 : i32
      %mul3A_74 = arith.muli %arg1, %mul3A_73 : i32
      %add3A_75 = arith.constant 256 : i32
      %add3A_76 = arith.addi %mul3A_74, %add3A_75 : i32
      "tpu.region"() ({
        %run_scoped3A = tpu.sem_alloc : memref<!tpu.dma_semaphore, #tpu.memory_space<semaphore_mem>>
        %dma_start3A_85 = arith.constant 0 : i32
        %dma_start3A_86 = tpu.memref_slice %arg6[%add3A_76, %dma_start3A_85] : memref<10240x128xf32, #tpu.memory_space<hbm>> -> memref<128x128xf32, #tpu.memory_space<hbm>>
        %dma_start3A_87 = arith.constant 0 : i32
        %dma_start3A_88 = tpu.memref_slice %arg12[%add3A_76, %dma_start3A_87] : memref<10240x128xf32, #tpu.memory_space<vmem_shared>> -> memref<128x128xf32, #tpu.memory_space<vmem_shared>>
        tpu.enqueue_dma source(%dma_start3A_88 : memref<128x128xf32, #tpu.memory_space<vmem_shared>>) target(%dma_start3A_86 : memref<128x128xf32, #tpu.memory_space<hbm>>) target_semaphore(%run_scoped3A : memref<!tpu.dma_semaphore, #tpu.memory_space<semaphore_mem>>)
        %dma_wait3A = arith.constant 0 : i32
        %dma_wait3A_89 = tpu.memref_slice %arg6[%add3A_76, %dma_wait3A] : memref<10240x128xf32, #tpu.memory_space<hbm>> -> memref<128x128xf32, #tpu.memory_space<hbm>>
        %dma_wait3A_90 = arith.constant 0 : i32
        %dma_wait3A_91 = tpu.memref_slice %arg12[%add3A_76, %dma_wait3A_90] : memref<10240x128xf32, #tpu.memory_space<vmem_shared>> -> memref<128x128xf32, #tpu.memory_space<vmem_shared>>
        tpu.wait_dma2 semaphore(%run_scoped3A : memref<!tpu.dma_semaphore, #tpu.memory_space<semaphore_mem>>) src(%dma_wait3A_91 : memref<128x128xf32, #tpu.memory_space<vmem_shared>>) dst(%dma_wait3A_89 : memref<128x128xf32, #tpu.memory_space<hbm>>)
        tpu.yield
      }) : () -> ()
      %mul3A_77 = arith.constant 640 : i32
      %mul3A_78 = arith.muli %arg1, %mul3A_77 : i32
      %add3A_79 = arith.constant 384 : i32
      %add3A_80 = arith.addi %mul3A_78, %add3A_79 : i32
      "tpu.region"() ({
        %run_scoped3A = tpu.sem_alloc : memref<!tpu.dma_semaphore, #tpu.memory_space<semaphore_mem>>
        %dma_start3A_85 = arith.constant 0 : i32
        %dma_start3A_86 = tpu.memref_slice %arg6[%add3A_80, %dma_start3A_85] : memref<10240x128xf32, #tpu.memory_space<hbm>> -> memref<128x128xf32, #tpu.memory_space<hbm>>
        %dma_start3A_87 = arith.constant 0 : i32
        %dma_start3A_88 = tpu.memref_slice %arg12[%add3A_80, %dma_start3A_87] : memref<10240x128xf32, #tpu.memory_space<vmem_shared>> -> memref<128x128xf32, #tpu.memory_space<vmem_shared>>
        tpu.enqueue_dma source(%dma_start3A_88 : memref<128x128xf32, #tpu.memory_space<vmem_shared>>) target(%dma_start3A_86 : memref<128x128xf32, #tpu.memory_space<hbm>>) target_semaphore(%run_scoped3A : memref<!tpu.dma_semaphore, #tpu.memory_space<semaphore_mem>>)
        %dma_wait3A = arith.constant 0 : i32
        %dma_wait3A_89 = tpu.memref_slice %arg6[%add3A_80, %dma_wait3A] : memref<10240x128xf32, #tpu.memory_space<hbm>> -> memref<128x128xf32, #tpu.memory_space<hbm>>
        %dma_wait3A_90 = arith.constant 0 : i32
        %dma_wait3A_91 = tpu.memref_slice %arg12[%add3A_80, %dma_wait3A_90] : memref<10240x128xf32, #tpu.memory_space<vmem_shared>> -> memref<128x128xf32, #tpu.memory_space<vmem_shared>>
        tpu.wait_dma2 semaphore(%run_scoped3A : memref<!tpu.dma_semaphore, #tpu.memory_space<semaphore_mem>>) src(%dma_wait3A_91 : memref<128x128xf32, #tpu.memory_space<vmem_shared>>) dst(%dma_wait3A_89 : memref<128x128xf32, #tpu.memory_space<hbm>>)
        tpu.yield
      }) : () -> ()
      %mul3A_81 = arith.constant 640 : i32
      %mul3A_82 = arith.muli %arg1, %mul3A_81 : i32
      %add3A_83 = arith.constant 512 : i32
      %add3A_84 = arith.addi %mul3A_82, %add3A_83 : i32
      "tpu.region"() ({
        %run_scoped3A = tpu.sem_alloc : memref<!tpu.dma_semaphore, #tpu.memory_space<semaphore_mem>>
        %dma_start3A_85 = arith.constant 0 : i32
        %dma_start3A_86 = tpu.memref_slice %arg6[%add3A_84, %dma_start3A_85] : memref<10240x128xf32, #tpu.memory_space<hbm>> -> memref<128x128xf32, #tpu.memory_space<hbm>>
        %dma_start3A_87 = arith.constant 0 : i32
        %dma_start3A_88 = tpu.memref_slice %arg12[%add3A_84, %dma_start3A_87] : memref<10240x128xf32, #tpu.memory_space<vmem_shared>> -> memref<128x128xf32, #tpu.memory_space<vmem_shared>>
        tpu.enqueue_dma source(%dma_start3A_88 : memref<128x128xf32, #tpu.memory_space<vmem_shared>>) target(%dma_start3A_86 : memref<128x128xf32, #tpu.memory_space<hbm>>) target_semaphore(%run_scoped3A : memref<!tpu.dma_semaphore, #tpu.memory_space<semaphore_mem>>)
        %dma_wait3A = arith.constant 0 : i32
        %dma_wait3A_89 = tpu.memref_slice %arg6[%add3A_84, %dma_wait3A] : memref<10240x128xf32, #tpu.memory_space<hbm>> -> memref<128x128xf32, #tpu.memory_space<hbm>>
        %dma_wait3A_90 = arith.constant 0 : i32
        %dma_wait3A_91 = tpu.memref_slice %arg12[%add3A_84, %dma_wait3A_90] : memref<10240x128xf32, #tpu.memory_space<vmem_shared>> -> memref<128x128xf32, #tpu.memory_space<vmem_shared>>
        tpu.wait_dma2 semaphore(%run_scoped3A : memref<!tpu.dma_semaphore, #tpu.memory_space<semaphore_mem>>) src(%dma_wait3A_91 : memref<128x128xf32, #tpu.memory_space<vmem_shared>>) dst(%dma_wait3A_89 : memref<128x128xf32, #tpu.memory_space<hbm>>)
        tpu.yield
      }) : () -> ()
    } else {
    }
    %eq3A_26 = arith.constant 1 : i32
    %eq3A_27 = arith.cmpi eq, %arg0, %eq3A_26 : i32
    %convert_element_type3A_28 = arith.extui %eq3A_27 : i1 to i32
    %cond3A_29 = arith.constant 0 : i32
    %cond3A_30 = arith.cmpi ne, %convert_element_type3A_28, %cond3A_29 : i32
    scf.if %cond3A_30 {
      %add3A_31 = arith.constant 0 : i32
      %add3A_32 = arith.addi %add3A_31, %arg1 : i32
      "tpu.region"() ({
        %run_scoped3A = tpu.sem_alloc : memref<!tpu.dma_semaphore, #tpu.memory_space<semaphore_mem>>
        %dma_start3A_85 = arith.constant 0 : i32
        %dma_start3A_86 = arith.constant 0 : i32
        %dma_start3A_87 = tpu.memref_slice %arg2[%add3A_32, %dma_start3A_85, %dma_start3A_86] : memref<32x40x128xi32, #tpu.memory_space<hbm>> -> memref<1x40x128xi32, #tpu.memory_space<hbm>>
        %dma_start3A_88 = tpu.memref_squeeze %dma_start3A_87 : memref<1x40x128xi32, #tpu.memory_space<hbm>> -> memref<40x128xi32, #tpu.memory_space<hbm>>
        %dma_start3A_89 = arith.constant 0 : i32
        %dma_start3A_90 = arith.constant 0 : i32
        %dma_start3A_91 = tpu.memref_slice %arg2[%add3A_32, %dma_start3A_89, %dma_start3A_90] : memref<32x40x128xi32, #tpu.memory_space<hbm>> -> memref<1x40x128xi32, #tpu.memory_space<hbm>>
        %dma_start3A_92 = tpu.memref_squeeze %dma_start3A_91 : memref<1x40x128xi32, #tpu.memory_space<hbm>> -> memref<40x128xi32, #tpu.memory_space<hbm>>
        tpu.enqueue_dma source(%dma_start3A_92 : memref<40x128xi32, #tpu.memory_space<hbm>>) target(%arg8 : memref<40x128xi32, #tpu.memory_space<vmem>>) target_semaphore(%run_scoped3A : memref<!tpu.dma_semaphore, #tpu.memory_space<semaphore_mem>>)
        %dma_wait3A = arith.constant 0 : i32
        %dma_wait3A_93 = arith.constant 0 : i32
        %dma_wait3A_94 = tpu.memref_slice %arg2[%add3A_32, %dma_wait3A, %dma_wait3A_93] : memref<32x40x128xi32, #tpu.memory_space<hbm>> -> memref<1x40x128xi32, #tpu.memory_space<hbm>>
        %dma_wait3A_95 = tpu.memref_squeeze %dma_wait3A_94 : memref<1x40x128xi32, #tpu.memory_space<hbm>> -> memref<40x128xi32, #tpu.memory_space<hbm>>
        %dma_wait3A_96 = arith.constant 0 : i32
        %dma_wait3A_97 = arith.constant 0 : i32
        %dma_wait3A_98 = tpu.memref_slice %arg2[%add3A_32, %dma_wait3A_96, %dma_wait3A_97] : memref<32x40x128xi32, #tpu.memory_space<hbm>> -> memref<1x40x128xi32, #tpu.memory_space<hbm>>
        %dma_wait3A_99 = tpu.memref_squeeze %dma_wait3A_98 : memref<1x40x128xi32, #tpu.memory_space<hbm>> -> memref<40x128xi32, #tpu.memory_space<hbm>>
        tpu.wait_dma2 semaphore(%run_scoped3A : memref<!tpu.dma_semaphore, #tpu.memory_space<semaphore_mem>>) src(%dma_wait3A_99 : memref<40x128xi32, #tpu.memory_space<hbm>>) dst(%arg8 : memref<40x128xi32, #tpu.memory_space<vmem>>)
        tpu.yield
      }) : () -> ()
      %add3A_33 = arith.constant 0 : i32
      %add3A_34 = arith.addi %add3A_33, %arg1 : i32
      "tpu.region"() ({
        %run_scoped3A = tpu.sem_alloc : memref<!tpu.dma_semaphore, #tpu.memory_space<semaphore_mem>>
        %dma_start3A_85 = arith.constant 0 : i32
        %dma_start3A_86 = arith.constant 0 : i32
        %dma_start3A_87 = tpu.memref_slice %arg3[%add3A_34, %dma_start3A_85, %dma_start3A_86] : memref<32x40x128xi32, #tpu.memory_space<hbm>> -> memref<1x40x128xi32, #tpu.memory_space<hbm>>
        %dma_start3A_88 = tpu.memref_squeeze %dma_start3A_87 : memref<1x40x128xi32, #tpu.memory_space<hbm>> -> memref<40x128xi32, #tpu.memory_space<hbm>>
        %dma_start3A_89 = arith.constant 0 : i32
        %dma_start3A_90 = arith.constant 0 : i32
        %dma_start3A_91 = tpu.memref_slice %arg3[%add3A_34, %dma_start3A_89, %dma_start3A_90] : memref<32x40x128xi32, #tpu.memory_space<hbm>> -> memref<1x40x128xi32, #tpu.memory_space<hbm>>
        %dma_start3A_92 = tpu.memref_squeeze %dma_start3A_91 : memref<1x40x128xi32, #tpu.memory_space<hbm>> -> memref<40x128xi32, #tpu.memory_space<hbm>>
        tpu.enqueue_dma source(%dma_start3A_92 : memref<40x128xi32, #tpu.memory_space<hbm>>) target(%arg9 : memref<40x128xi32, #tpu.memory_space<vmem>>) target_semaphore(%run_scoped3A : memref<!tpu.dma_semaphore, #tpu.memory_space<semaphore_mem>>)
        %dma_wait3A = arith.constant 0 : i32
        %dma_wait3A_93 = arith.constant 0 : i32
        %dma_wait3A_94 = tpu.memref_slice %arg3[%add3A_34, %dma_wait3A, %dma_wait3A_93] : memref<32x40x128xi32, #tpu.memory_space<hbm>> -> memref<1x40x128xi32, #tpu.memory_space<hbm>>
        %dma_wait3A_95 = tpu.memref_squeeze %dma_wait3A_94 : memref<1x40x128xi32, #tpu.memory_space<hbm>> -> memref<40x128xi32, #tpu.memory_space<hbm>>
        %dma_wait3A_96 = arith.constant 0 : i32
        %dma_wait3A_97 = arith.constant 0 : i32
        %dma_wait3A_98 = tpu.memref_slice %arg3[%add3A_34, %dma_wait3A_96, %dma_wait3A_97] : memref<32x40x128xi32, #tpu.memory_space<hbm>> -> memref<1x40x128xi32, #tpu.memory_space<hbm>>
        %dma_wait3A_99 = tpu.memref_squeeze %dma_wait3A_98 : memref<1x40x128xi32, #tpu.memory_space<hbm>> -> memref<40x128xi32, #tpu.memory_space<hbm>>
        tpu.wait_dma2 semaphore(%run_scoped3A : memref<!tpu.dma_semaphore, #tpu.memory_space<semaphore_mem>>) src(%dma_wait3A_99 : memref<40x128xi32, #tpu.memory_space<hbm>>) dst(%arg9 : memref<40x128xi32, #tpu.memory_space<vmem>>)
        tpu.yield
      }) : () -> ()
      %dma_start3A = arith.constant 0 : i32
      %dma_start3A_35 = arith.constant 0 : i32
      %dma_start3A_36 = tpu.memref_slice %arg8[%dma_start3A, %dma_start3A_35] : memref<40x128xi32, #tpu.memory_space<vmem>> -> memref<1x128xi32, #tpu.memory_space<vmem>>
      %dma_start3A_37 = tpu.memref_squeeze %dma_start3A_36 : memref<1x128xi32, #tpu.memory_space<vmem>> -> memref<128xi32, #tpu.memory_space<vmem>>
      %dma_start3A_38 = arith.constant 0 : i32
      %dma_start3A_39 = arith.constant 0 : i32
      %dma_start3A_40 = tpu.memref_slice %arg5[%dma_start3A_38, %dma_start3A_39] : memref<10240x128xf32, #tpu.memory_space<hbm>> -> memref<10240x128xf32, #tpu.memory_space<hbm>>
      tpu.enqueue_indirect_dma source(%dma_start3A_40 : memref<10240x128xf32, #tpu.memory_space<hbm>>) target(%arg10 : memref<128x128xf32, #tpu.memory_space<vmem>>) offsets(%dma_start3A_37 : memref<128xi32, #tpu.memory_space<vmem>>) semaphore(%arg13 : memref<!tpu.dma_semaphore, #tpu.memory_space<semaphore_mem>>)
      %scan3A_41 = arith.constant 0 : i32
      %scan3A_42 = arith.constant 0 : i32
      %scan3A_43 = arith.constant 20 : i32
      %scan3A_44 = arith.addi %scan3A_42, %scan3A_43 : i32
      %scan3A_45 = arith.constant 1 : i32
      scf.for %scan3A_85 = %scan3A_42 to %scan3A_44 step %scan3A_45  : i32 {
        %mul3A_86 = arith.constant 2 : i32
        %mul3A_87 = arith.muli %mul3A_86, %scan3A_85 : i32
        %add3A_88 = arith.constant 1 : i32
        %add3A_89 = arith.addi %mul3A_87, %add3A_88 : i32
        %lt3A = arith.constant 40 : i32
        %lt3A_90 = arith.cmpi slt, %add3A_89, %lt3A : i32
        %convert_element_type3A_91 = arith.extui %lt3A_90 : i1 to i32
        %cond3A_92 = arith.constant 0 : i32
        %cond3A_93 = arith.cmpi ne, %convert_element_type3A_91, %cond3A_92 : i32
        scf.if %cond3A_93 {
          %add3A_113 = arith.constant 1 : i32
          %add3A_114 = arith.addi %mul3A_87, %add3A_113 : i32
          %dma_start3A_115 = arith.constant 0 : i32
          %dma_start3A_116 = tpu.memref_slice %arg8[%add3A_114, %dma_start3A_115] : memref<40x128xi32, #tpu.memory_space<vmem>> -> memref<1x128xi32, #tpu.memory_space<vmem>>
          %dma_start3A_117 = tpu.memref_squeeze %dma_start3A_116 : memref<1x128xi32, #tpu.memory_space<vmem>> -> memref<128xi32, #tpu.memory_space<vmem>>
          %dma_start3A_118 = arith.constant 0 : i32
          %dma_start3A_119 = arith.constant 0 : i32
          %dma_start3A_120 = tpu.memref_slice %arg5[%dma_start3A_118, %dma_start3A_119] : memref<10240x128xf32, #tpu.memory_space<hbm>> -> memref<10240x128xf32, #tpu.memory_space<hbm>>
          tpu.enqueue_indirect_dma source(%dma_start3A_120 : memref<10240x128xf32, #tpu.memory_space<hbm>>) target(%arg11 : memref<128x128xf32, #tpu.memory_space<vmem>>) offsets(%dma_start3A_117 : memref<128xi32, #tpu.memory_space<vmem>>) semaphore(%arg14 : memref<!tpu.dma_semaphore, #tpu.memory_space<semaphore_mem>>)
        } else {
        }
        %dma_wait3A = arith.constant 0 : i32
        %dma_wait3A_94 = tpu.memref_slice %arg8[%mul3A_87, %dma_wait3A] : memref<40x128xi32, #tpu.memory_space<vmem>> -> memref<1x128xi32, #tpu.memory_space<vmem>>
        %dma_wait3A_95 = tpu.memref_squeeze %dma_wait3A_94 : memref<1x128xi32, #tpu.memory_space<vmem>> -> memref<128xi32, #tpu.memory_space<vmem>>
        %dma_wait3A_96 = arith.constant 0 : i32
        %dma_wait3A_97 = arith.constant 0 : i32
        %dma_wait3A_98 = tpu.memref_slice %arg5[%dma_wait3A_96, %dma_wait3A_97] : memref<10240x128xf32, #tpu.memory_space<hbm>> -> memref<10240x128xf32, #tpu.memory_space<hbm>>
        tpu.wait_indirect_dma semaphore(%arg13 : memref<!tpu.dma_semaphore, #tpu.memory_space<semaphore_mem>>) src(%dma_wait3A_98 : memref<10240x128xf32, #tpu.memory_space<hbm>>) dst(%arg10 : memref<128x128xf32, #tpu.memory_space<vmem>>)
        "tpu.region"() ({
          %run_scoped3A = tpu.sem_alloc : memref<!tpu.dma_semaphore, #tpu.memory_space<semaphore_mem>>
          %dma_start3A_113 = arith.constant 0 : i32
          %dma_start3A_114 = tpu.memref_slice %arg9[%mul3A_87, %dma_start3A_113] : memref<40x128xi32, #tpu.memory_space<vmem>> -> memref<1x128xi32, #tpu.memory_space<vmem>>
          %dma_start3A_115 = tpu.memref_squeeze %dma_start3A_114 : memref<1x128xi32, #tpu.memory_space<vmem>> -> memref<128xi32, #tpu.memory_space<vmem>>
          %dma_start3A_116 = arith.constant 0 : i32
          %dma_start3A_117 = arith.constant 0 : i32
          %dma_start3A_118 = tpu.memref_slice %arg12[%dma_start3A_116, %dma_start3A_117] : memref<10240x128xf32, #tpu.memory_space<vmem_shared>> -> memref<10240x128xf32, #tpu.memory_space<vmem_shared>>
          tpu.enqueue_indirect_dma source(%arg10 : memref<128x128xf32, #tpu.memory_space<vmem>>) target(%dma_start3A_118 : memref<10240x128xf32, #tpu.memory_space<vmem_shared>>) offsets(%dma_start3A_115 : memref<128xi32, #tpu.memory_space<vmem>>) semaphore(%run_scoped3A : memref<!tpu.dma_semaphore, #tpu.memory_space<semaphore_mem>>) {add = true}
          %dma_wait3A_119 = arith.constant 0 : i32
          %dma_wait3A_120 = tpu.memref_slice %arg9[%mul3A_87, %dma_wait3A_119] : memref<40x128xi32, #tpu.memory_space<vmem>> -> memref<1x128xi32, #tpu.memory_space<vmem>>
          %dma_wait3A_121 = tpu.memref_squeeze %dma_wait3A_120 : memref<1x128xi32, #tpu.memory_space<vmem>> -> memref<128xi32, #tpu.memory_space<vmem>>
          %dma_wait3A_122 = arith.constant 0 : i32
          %dma_wait3A_123 = arith.constant 0 : i32
          %dma_wait3A_124 = tpu.memref_slice %arg12[%dma_wait3A_122, %dma_wait3A_123] : memref<10240x128xf32, #tpu.memory_space<vmem_shared>> -> memref<10240x128xf32, #tpu.memory_space<vmem_shared>>
          tpu.wait_indirect_dma semaphore(%run_scoped3A : memref<!tpu.dma_semaphore, #tpu.memory_space<semaphore_mem>>) src(%arg10 : memref<128x128xf32, #tpu.memory_space<vmem>>) dst(%dma_wait3A_124 : memref<10240x128xf32, #tpu.memory_space<vmem_shared>>)
          tpu.yield
        }) : () -> ()
        %add3A_99 = arith.constant 2 : i32
        %add3A_100 = arith.addi %mul3A_87, %add3A_99 : i32
        %lt3A_101 = arith.constant 40 : i32
        %lt3A_102 = arith.cmpi slt, %add3A_100, %lt3A_101 : i32
        %convert_element_type3A_103 = arith.extui %lt3A_102 : i1 to i32
        %cond3A_104 = arith.constant 0 : i32
        %cond3A_105 = arith.cmpi ne, %convert_element_type3A_103, %cond3A_104 : i32
        scf.if %cond3A_105 {
          %add3A_113 = arith.constant 2 : i32
          %add3A_114 = arith.addi %mul3A_87, %add3A_113 : i32
          %dma_start3A_115 = arith.constant 0 : i32
          %dma_start3A_116 = tpu.memref_slice %arg8[%add3A_114, %dma_start3A_115] : memref<40x128xi32, #tpu.memory_space<vmem>> -> memref<1x128xi32, #tpu.memory_space<vmem>>
          %dma_start3A_117 = tpu.memref_squeeze %dma_start3A_116 : memref<1x128xi32, #tpu.memory_space<vmem>> -> memref<128xi32, #tpu.memory_space<vmem>>
          %dma_start3A_118 = arith.constant 0 : i32
          %dma_start3A_119 = arith.constant 0 : i32
          %dma_start3A_120 = tpu.memref_slice %arg5[%dma_start3A_118, %dma_start3A_119] : memref<10240x128xf32, #tpu.memory_space<hbm>> -> memref<10240x128xf32, #tpu.memory_space<hbm>>
          tpu.enqueue_indirect_dma source(%dma_start3A_120 : memref<10240x128xf32, #tpu.memory_space<hbm>>) target(%arg10 : memref<128x128xf32, #tpu.memory_space<vmem>>) offsets(%dma_start3A_117 : memref<128xi32, #tpu.memory_space<vmem>>) semaphore(%arg13 : memref<!tpu.dma_semaphore, #tpu.memory_space<semaphore_mem>>)
        } else {
        }
        %add3A_106 = arith.constant 1 : i32
        %add3A_107 = arith.addi %mul3A_87, %add3A_106 : i32
        %lt3A_108 = arith.constant 40 : i32
        %lt3A_109 = arith.cmpi slt, %add3A_107, %lt3A_108 : i32
        %convert_element_type3A_110 = arith.extui %lt3A_109 : i1 to i32
        %cond3A_111 = arith.constant 0 : i32
        %cond3A_112 = arith.cmpi ne, %convert_element_type3A_110, %cond3A_111 : i32
        scf.if %cond3A_112 {
          %add3A_113 = arith.constant 1 : i32
          %add3A_114 = arith.addi %mul3A_87, %add3A_113 : i32
          %dma_wait3A_115 = arith.constant 0 : i32
          %dma_wait3A_116 = tpu.memref_slice %arg8[%add3A_114, %dma_wait3A_115] : memref<40x128xi32, #tpu.memory_space<vmem>> -> memref<1x128xi32, #tpu.memory_space<vmem>>
          %dma_wait3A_117 = tpu.memref_squeeze %dma_wait3A_116 : memref<1x128xi32, #tpu.memory_space<vmem>> -> memref<128xi32, #tpu.memory_space<vmem>>
          %dma_wait3A_118 = arith.constant 0 : i32
          %dma_wait3A_119 = arith.constant 0 : i32
          %dma_wait3A_120 = tpu.memref_slice %arg5[%dma_wait3A_118, %dma_wait3A_119] : memref<10240x128xf32, #tpu.memory_space<hbm>> -> memref<10240x128xf32, #tpu.memory_space<hbm>>
          tpu.wait_indirect_dma semaphore(%arg14 : memref<!tpu.dma_semaphore, #tpu.memory_space<semaphore_mem>>) src(%dma_wait3A_120 : memref<10240x128xf32, #tpu.memory_space<hbm>>) dst(%arg11 : memref<128x128xf32, #tpu.memory_space<vmem>>)
          %add3A_121 = arith.constant 1 : i32
          %add3A_122 = arith.addi %mul3A_87, %add3A_121 : i32
          "tpu.region"() ({
            %run_scoped3A = tpu.sem_alloc : memref<!tpu.dma_semaphore, #tpu.memory_space<semaphore_mem>>
            %dma_start3A_123 = arith.constant 0 : i32
            %dma_start3A_124 = tpu.memref_slice %arg9[%add3A_122, %dma_start3A_123] : memref<40x128xi32, #tpu.memory_space<vmem>> -> memref<1x128xi32, #tpu.memory_space<vmem>>
            %dma_start3A_125 = tpu.memref_squeeze %dma_start3A_124 : memref<1x128xi32, #tpu.memory_space<vmem>> -> memref<128xi32, #tpu.memory_space<vmem>>
            %dma_start3A_126 = arith.constant 0 : i32
            %dma_start3A_127 = arith.constant 0 : i32
            %dma_start3A_128 = tpu.memref_slice %arg12[%dma_start3A_126, %dma_start3A_127] : memref<10240x128xf32, #tpu.memory_space<vmem_shared>> -> memref<10240x128xf32, #tpu.memory_space<vmem_shared>>
            tpu.enqueue_indirect_dma source(%arg11 : memref<128x128xf32, #tpu.memory_space<vmem>>) target(%dma_start3A_128 : memref<10240x128xf32, #tpu.memory_space<vmem_shared>>) offsets(%dma_start3A_125 : memref<128xi32, #tpu.memory_space<vmem>>) semaphore(%run_scoped3A : memref<!tpu.dma_semaphore, #tpu.memory_space<semaphore_mem>>) {add = true}
            %dma_wait3A_129 = arith.constant 0 : i32
            %dma_wait3A_130 = tpu.memref_slice %arg9[%add3A_122, %dma_wait3A_129] : memref<40x128xi32, #tpu.memory_space<vmem>> -> memref<1x128xi32, #tpu.memory_space<vmem>>
            %dma_wait3A_131 = tpu.memref_squeeze %dma_wait3A_130 : memref<1x128xi32, #tpu.memory_space<vmem>> -> memref<128xi32, #tpu.memory_space<vmem>>
            %dma_wait3A_132 = arith.constant 0 : i32
            %dma_wait3A_133 = arith.constant 0 : i32
            %dma_wait3A_134 = tpu.memref_slice %arg12[%dma_wait3A_132, %dma_wait3A_133] : memref<10240x128xf32, #tpu.memory_space<vmem_shared>> -> memref<10240x128xf32, #tpu.memory_space<vmem_shared>>
            tpu.wait_indirect_dma semaphore(%run_scoped3A : memref<!tpu.dma_semaphore, #tpu.memory_space<semaphore_mem>>) src(%arg11 : memref<128x128xf32, #tpu.memory_space<vmem>>) dst(%dma_wait3A_134 : memref<10240x128xf32, #tpu.memory_space<vmem_shared>>)
            tpu.yield
          }) : () -> ()
        } else {
        }
      }
      %scan3A_46 = arith.constant 20 : i32
      %add3A_47 = arith.constant 16 : i32
      %add3A_48 = arith.addi %add3A_47, %arg1 : i32
      "tpu.region"() ({
        %run_scoped3A = tpu.sem_alloc : memref<!tpu.dma_semaphore, #tpu.memory_space<semaphore_mem>>
        %dma_start3A_85 = arith.constant 0 : i32
        %dma_start3A_86 = arith.constant 0 : i32
        %dma_start3A_87 = tpu.memref_slice %arg2[%add3A_48, %dma_start3A_85, %dma_start3A_86] : memref<32x40x128xi32, #tpu.memory_space<hbm>> -> memref<1x40x128xi32, #tpu.memory_space<hbm>>
        %dma_start3A_88 = tpu.memref_squeeze %dma_start3A_87 : memref<1x40x128xi32, #tpu.memory_space<hbm>> -> memref<40x128xi32, #tpu.memory_space<hbm>>
        %dma_start3A_89 = arith.constant 0 : i32
        %dma_start3A_90 = arith.constant 0 : i32
        %dma_start3A_91 = tpu.memref_slice %arg2[%add3A_48, %dma_start3A_89, %dma_start3A_90] : memref<32x40x128xi32, #tpu.memory_space<hbm>> -> memref<1x40x128xi32, #tpu.memory_space<hbm>>
        %dma_start3A_92 = tpu.memref_squeeze %dma_start3A_91 : memref<1x40x128xi32, #tpu.memory_space<hbm>> -> memref<40x128xi32, #tpu.memory_space<hbm>>
        tpu.enqueue_dma source(%dma_start3A_92 : memref<40x128xi32, #tpu.memory_space<hbm>>) target(%arg8 : memref<40x128xi32, #tpu.memory_space<vmem>>) target_semaphore(%run_scoped3A : memref<!tpu.dma_semaphore, #tpu.memory_space<semaphore_mem>>)
        %dma_wait3A = arith.constant 0 : i32
        %dma_wait3A_93 = arith.constant 0 : i32
        %dma_wait3A_94 = tpu.memref_slice %arg2[%add3A_48, %dma_wait3A, %dma_wait3A_93] : memref<32x40x128xi32, #tpu.memory_space<hbm>> -> memref<1x40x128xi32, #tpu.memory_space<hbm>>
        %dma_wait3A_95 = tpu.memref_squeeze %dma_wait3A_94 : memref<1x40x128xi32, #tpu.memory_space<hbm>> -> memref<40x128xi32, #tpu.memory_space<hbm>>
        %dma_wait3A_96 = arith.constant 0 : i32
        %dma_wait3A_97 = arith.constant 0 : i32
        %dma_wait3A_98 = tpu.memref_slice %arg2[%add3A_48, %dma_wait3A_96, %dma_wait3A_97] : memref<32x40x128xi32, #tpu.memory_space<hbm>> -> memref<1x40x128xi32, #tpu.memory_space<hbm>>
        %dma_wait3A_99 = tpu.memref_squeeze %dma_wait3A_98 : memref<1x40x128xi32, #tpu.memory_space<hbm>> -> memref<40x128xi32, #tpu.memory_space<hbm>>
        tpu.wait_dma2 semaphore(%run_scoped3A : memref<!tpu.dma_semaphore, #tpu.memory_space<semaphore_mem>>) src(%dma_wait3A_99 : memref<40x128xi32, #tpu.memory_space<hbm>>) dst(%arg8 : memref<40x128xi32, #tpu.memory_space<vmem>>)
        tpu.yield
      }) : () -> ()
      %add3A_49 = arith.constant 16 : i32
      %add3A_50 = arith.addi %add3A_49, %arg1 : i32
      "tpu.region"() ({
        %run_scoped3A = tpu.sem_alloc : memref<!tpu.dma_semaphore, #tpu.memory_space<semaphore_mem>>
        %dma_start3A_85 = arith.constant 0 : i32
        %dma_start3A_86 = arith.constant 0 : i32
        %dma_start3A_87 = tpu.memref_slice %arg3[%add3A_50, %dma_start3A_85, %dma_start3A_86] : memref<32x40x128xi32, #tpu.memory_space<hbm>> -> memref<1x40x128xi32, #tpu.memory_space<hbm>>
        %dma_start3A_88 = tpu.memref_squeeze %dma_start3A_87 : memref<1x40x128xi32, #tpu.memory_space<hbm>> -> memref<40x128xi32, #tpu.memory_space<hbm>>
        %dma_start3A_89 = arith.constant 0 : i32
        %dma_start3A_90 = arith.constant 0 : i32
        %dma_start3A_91 = tpu.memref_slice %arg3[%add3A_50, %dma_start3A_89, %dma_start3A_90] : memref<32x40x128xi32, #tpu.memory_space<hbm>> -> memref<1x40x128xi32, #tpu.memory_space<hbm>>
        %dma_start3A_92 = tpu.memref_squeeze %dma_start3A_91 : memref<1x40x128xi32, #tpu.memory_space<hbm>> -> memref<40x128xi32, #tpu.memory_space<hbm>>
        tpu.enqueue_dma source(%dma_start3A_92 : memref<40x128xi32, #tpu.memory_space<hbm>>) target(%arg9 : memref<40x128xi32, #tpu.memory_space<vmem>>) target_semaphore(%run_scoped3A : memref<!tpu.dma_semaphore, #tpu.memory_space<semaphore_mem>>)
        %dma_wait3A = arith.constant 0 : i32
        %dma_wait3A_93 = arith.constant 0 : i32
        %dma_wait3A_94 = tpu.memref_slice %arg3[%add3A_50, %dma_wait3A, %dma_wait3A_93] : memref<32x40x128xi32, #tpu.memory_space<hbm>> -> memref<1x40x128xi32, #tpu.memory_space<hbm>>
        %dma_wait3A_95 = tpu.memref_squeeze %dma_wait3A_94 : memref<1x40x128xi32, #tpu.memory_space<hbm>> -> memref<40x128xi32, #tpu.memory_space<hbm>>
        %dma_wait3A_96 = arith.constant 0 : i32
        %dma_wait3A_97 = arith.constant 0 : i32
        %dma_wait3A_98 = tpu.memref_slice %arg3[%add3A_50, %dma_wait3A_96, %dma_wait3A_97] : memref<32x40x128xi32, #tpu.memory_space<hbm>> -> memref<1x40x128xi32, #tpu.memory_space<hbm>>
        %dma_wait3A_99 = tpu.memref_squeeze %dma_wait3A_98 : memref<1x40x128xi32, #tpu.memory_space<hbm>> -> memref<40x128xi32, #tpu.memory_space<hbm>>
        tpu.wait_dma2 semaphore(%run_scoped3A : memref<!tpu.dma_semaphore, #tpu.memory_space<semaphore_mem>>) src(%dma_wait3A_99 : memref<40x128xi32, #tpu.memory_space<hbm>>) dst(%arg9 : memref<40x128xi32, #tpu.memory_space<vmem>>)
        tpu.yield
      }) : () -> ()
      %dma_start3A_51 = arith.constant 0 : i32
      %dma_start3A_52 = arith.constant 0 : i32
      %dma_start3A_53 = tpu.memref_slice %arg8[%dma_start3A_51, %dma_start3A_52] : memref<40x128xi32, #tpu.memory_space<vmem>> -> memref<1x128xi32, #tpu.memory_space<vmem>>
      %dma_start3A_54 = tpu.memref_squeeze %dma_start3A_53 : memref<1x128xi32, #tpu.memory_space<vmem>> -> memref<128xi32, #tpu.memory_space<vmem>>
      %dma_start3A_55 = arith.constant 0 : i32
      %dma_start3A_56 = arith.constant 0 : i32
      %dma_start3A_57 = tpu.memref_slice %arg5[%dma_start3A_55, %dma_start3A_56] : memref<10240x128xf32, #tpu.memory_space<hbm>> -> memref<10240x128xf32, #tpu.memory_space<hbm>>
      tpu.enqueue_indirect_dma source(%dma_start3A_57 : memref<10240x128xf32, #tpu.memory_space<hbm>>) target(%arg10 : memref<128x128xf32, #tpu.memory_space<vmem>>) offsets(%dma_start3A_54 : memref<128xi32, #tpu.memory_space<vmem>>) semaphore(%arg13 : memref<!tpu.dma_semaphore, #tpu.memory_space<semaphore_mem>>)
      %scan3A_58 = arith.constant 0 : i32
      %scan3A_59 = arith.constant 0 : i32
      %scan3A_60 = arith.constant 20 : i32
      %scan3A_61 = arith.addi %scan3A_59, %scan3A_60 : i32
      %scan3A_62 = arith.constant 1 : i32
      scf.for %scan3A_85 = %scan3A_59 to %scan3A_61 step %scan3A_62  : i32 {
        %mul3A_86 = arith.constant 2 : i32
        %mul3A_87 = arith.muli %mul3A_86, %scan3A_85 : i32
        %add3A_88 = arith.constant 1 : i32
        %add3A_89 = arith.addi %mul3A_87, %add3A_88 : i32
        %lt3A = arith.constant 40 : i32
        %lt3A_90 = arith.cmpi slt, %add3A_89, %lt3A : i32
        %convert_element_type3A_91 = arith.extui %lt3A_90 : i1 to i32
        %cond3A_92 = arith.constant 0 : i32
        %cond3A_93 = arith.cmpi ne, %convert_element_type3A_91, %cond3A_92 : i32
        scf.if %cond3A_93 {
          %add3A_113 = arith.constant 1 : i32
          %add3A_114 = arith.addi %mul3A_87, %add3A_113 : i32
          %dma_start3A_115 = arith.constant 0 : i32
          %dma_start3A_116 = tpu.memref_slice %arg8[%add3A_114, %dma_start3A_115] : memref<40x128xi32, #tpu.memory_space<vmem>> -> memref<1x128xi32, #tpu.memory_space<vmem>>
          %dma_start3A_117 = tpu.memref_squeeze %dma_start3A_116 : memref<1x128xi32, #tpu.memory_space<vmem>> -> memref<128xi32, #tpu.memory_space<vmem>>
          %dma_start3A_118 = arith.constant 0 : i32
          %dma_start3A_119 = arith.constant 0 : i32
          %dma_start3A_120 = tpu.memref_slice %arg5[%dma_start3A_118, %dma_start3A_119] : memref<10240x128xf32, #tpu.memory_space<hbm>> -> memref<10240x128xf32, #tpu.memory_space<hbm>>
          tpu.enqueue_indirect_dma source(%dma_start3A_120 : memref<10240x128xf32, #tpu.memory_space<hbm>>) target(%arg11 : memref<128x128xf32, #tpu.memory_space<vmem>>) offsets(%dma_start3A_117 : memref<128xi32, #tpu.memory_space<vmem>>) semaphore(%arg14 : memref<!tpu.dma_semaphore, #tpu.memory_space<semaphore_mem>>)
        } else {
        }
        %dma_wait3A = arith.constant 0 : i32
        %dma_wait3A_94 = tpu.memref_slice %arg8[%mul3A_87, %dma_wait3A] : memref<40x128xi32, #tpu.memory_space<vmem>> -> memref<1x128xi32, #tpu.memory_space<vmem>>
        %dma_wait3A_95 = tpu.memref_squeeze %dma_wait3A_94 : memref<1x128xi32, #tpu.memory_space<vmem>> -> memref<128xi32, #tpu.memory_space<vmem>>
        %dma_wait3A_96 = arith.constant 0 : i32
        %dma_wait3A_97 = arith.constant 0 : i32
        %dma_wait3A_98 = tpu.memref_slice %arg5[%dma_wait3A_96, %dma_wait3A_97] : memref<10240x128xf32, #tpu.memory_space<hbm>> -> memref<10240x128xf32, #tpu.memory_space<hbm>>
        tpu.wait_indirect_dma semaphore(%arg13 : memref<!tpu.dma_semaphore, #tpu.memory_space<semaphore_mem>>) src(%dma_wait3A_98 : memref<10240x128xf32, #tpu.memory_space<hbm>>) dst(%arg10 : memref<128x128xf32, #tpu.memory_space<vmem>>)
        "tpu.region"() ({
          %run_scoped3A = tpu.sem_alloc : memref<!tpu.dma_semaphore, #tpu.memory_space<semaphore_mem>>
          %dma_start3A_113 = arith.constant 0 : i32
          %dma_start3A_114 = tpu.memref_slice %arg9[%mul3A_87, %dma_start3A_113] : memref<40x128xi32, #tpu.memory_space<vmem>> -> memref<1x128xi32, #tpu.memory_space<vmem>>
          %dma_start3A_115 = tpu.memref_squeeze %dma_start3A_114 : memref<1x128xi32, #tpu.memory_space<vmem>> -> memref<128xi32, #tpu.memory_space<vmem>>
          %dma_start3A_116 = arith.constant 0 : i32
          %dma_start3A_117 = arith.constant 0 : i32
          %dma_start3A_118 = tpu.memref_slice %arg12[%dma_start3A_116, %dma_start3A_117] : memref<10240x128xf32, #tpu.memory_space<vmem_shared>> -> memref<10240x128xf32, #tpu.memory_space<vmem_shared>>
          tpu.enqueue_indirect_dma source(%arg10 : memref<128x128xf32, #tpu.memory_space<vmem>>) target(%dma_start3A_118 : memref<10240x128xf32, #tpu.memory_space<vmem_shared>>) offsets(%dma_start3A_115 : memref<128xi32, #tpu.memory_space<vmem>>) semaphore(%run_scoped3A : memref<!tpu.dma_semaphore, #tpu.memory_space<semaphore_mem>>) {add = true}
          %dma_wait3A_119 = arith.constant 0 : i32
          %dma_wait3A_120 = tpu.memref_slice %arg9[%mul3A_87, %dma_wait3A_119] : memref<40x128xi32, #tpu.memory_space<vmem>> -> memref<1x128xi32, #tpu.memory_space<vmem>>
          %dma_wait3A_121 = tpu.memref_squeeze %dma_wait3A_120 : memref<1x128xi32, #tpu.memory_space<vmem>> -> memref<128xi32, #tpu.memory_space<vmem>>
          %dma_wait3A_122 = arith.constant 0 : i32
          %dma_wait3A_123 = arith.constant 0 : i32
          %dma_wait3A_124 = tpu.memref_slice %arg12[%dma_wait3A_122, %dma_wait3A_123] : memref<10240x128xf32, #tpu.memory_space<vmem_shared>> -> memref<10240x128xf32, #tpu.memory_space<vmem_shared>>
          tpu.wait_indirect_dma semaphore(%run_scoped3A : memref<!tpu.dma_semaphore, #tpu.memory_space<semaphore_mem>>) src(%arg10 : memref<128x128xf32, #tpu.memory_space<vmem>>) dst(%dma_wait3A_124 : memref<10240x128xf32, #tpu.memory_space<vmem_shared>>)
          tpu.yield
        }) : () -> ()
        %add3A_99 = arith.constant 2 : i32
        %add3A_100 = arith.addi %mul3A_87, %add3A_99 : i32
        %lt3A_101 = arith.constant 40 : i32
        %lt3A_102 = arith.cmpi slt, %add3A_100, %lt3A_101 : i32
        %convert_element_type3A_103 = arith.extui %lt3A_102 : i1 to i32
        %cond3A_104 = arith.constant 0 : i32
        %cond3A_105 = arith.cmpi ne, %convert_element_type3A_103, %cond3A_104 : i32
        scf.if %cond3A_105 {
          %add3A_113 = arith.constant 2 : i32
          %add3A_114 = arith.addi %mul3A_87, %add3A_113 : i32
          %dma_start3A_115 = arith.constant 0 : i32
          %dma_start3A_116 = tpu.memref_slice %arg8[%add3A_114, %dma_start3A_115] : memref<40x128xi32, #tpu.memory_space<vmem>> -> memref<1x128xi32, #tpu.memory_space<vmem>>
          %dma_start3A_117 = tpu.memref_squeeze %dma_start3A_116 : memref<1x128xi32, #tpu.memory_space<vmem>> -> memref<128xi32, #tpu.memory_space<vmem>>
          %dma_start3A_118 = arith.constant 0 : i32
          %dma_start3A_119 = arith.constant 0 : i32
          %dma_start3A_120 = tpu.memref_slice %arg5[%dma_start3A_118, %dma_start3A_119] : memref<10240x128xf32, #tpu.memory_space<hbm>> -> memref<10240x128xf32, #tpu.memory_space<hbm>>
          tpu.enqueue_indirect_dma source(%dma_start3A_120 : memref<10240x128xf32, #tpu.memory_space<hbm>>) target(%arg10 : memref<128x128xf32, #tpu.memory_space<vmem>>) offsets(%dma_start3A_117 : memref<128xi32, #tpu.memory_space<vmem>>) semaphore(%arg13 : memref<!tpu.dma_semaphore, #tpu.memory_space<semaphore_mem>>)
        } else {
        }
        %add3A_106 = arith.constant 1 : i32
        %add3A_107 = arith.addi %mul3A_87, %add3A_106 : i32
        %lt3A_108 = arith.constant 40 : i32
        %lt3A_109 = arith.cmpi slt, %add3A_107, %lt3A_108 : i32
        %convert_element_type3A_110 = arith.extui %lt3A_109 : i1 to i32
        %cond3A_111 = arith.constant 0 : i32
        %cond3A_112 = arith.cmpi ne, %convert_element_type3A_110, %cond3A_111 : i32
        scf.if %cond3A_112 {
          %add3A_113 = arith.constant 1 : i32
          %add3A_114 = arith.addi %mul3A_87, %add3A_113 : i32
          %dma_wait3A_115 = arith.constant 0 : i32
          %dma_wait3A_116 = tpu.memref_slice %arg8[%add3A_114, %dma_wait3A_115] : memref<40x128xi32, #tpu.memory_space<vmem>> -> memref<1x128xi32, #tpu.memory_space<vmem>>
          %dma_wait3A_117 = tpu.memref_squeeze %dma_wait3A_116 : memref<1x128xi32, #tpu.memory_space<vmem>> -> memref<128xi32, #tpu.memory_space<vmem>>
          %dma_wait3A_118 = arith.constant 0 : i32
          %dma_wait3A_119 = arith.constant 0 : i32
          %dma_wait3A_120 = tpu.memref_slice %arg5[%dma_wait3A_118, %dma_wait3A_119] : memref<10240x128xf32, #tpu.memory_space<hbm>> -> memref<10240x128xf32, #tpu.memory_space<hbm>>
          tpu.wait_indirect_dma semaphore(%arg14 : memref<!tpu.dma_semaphore, #tpu.memory_space<semaphore_mem>>) src(%dma_wait3A_120 : memref<10240x128xf32, #tpu.memory_space<hbm>>) dst(%arg11 : memref<128x128xf32, #tpu.memory_space<vmem>>)
          %add3A_121 = arith.constant 1 : i32
          %add3A_122 = arith.addi %mul3A_87, %add3A_121 : i32
          "tpu.region"() ({
            %run_scoped3A = tpu.sem_alloc : memref<!tpu.dma_semaphore, #tpu.memory_space<semaphore_mem>>
            %dma_start3A_123 = arith.constant 0 : i32
            %dma_start3A_124 = tpu.memref_slice %arg9[%add3A_122, %dma_start3A_123] : memref<40x128xi32, #tpu.memory_space<vmem>> -> memref<1x128xi32, #tpu.memory_space<vmem>>
            %dma_start3A_125 = tpu.memref_squeeze %dma_start3A_124 : memref<1x128xi32, #tpu.memory_space<vmem>> -> memref<128xi32, #tpu.memory_space<vmem>>
            %dma_start3A_126 = arith.constant 0 : i32
            %dma_start3A_127 = arith.constant 0 : i32
            %dma_start3A_128 = tpu.memref_slice %arg12[%dma_start3A_126, %dma_start3A_127] : memref<10240x128xf32, #tpu.memory_space<vmem_shared>> -> memref<10240x128xf32, #tpu.memory_space<vmem_shared>>
            tpu.enqueue_indirect_dma source(%arg11 : memref<128x128xf32, #tpu.memory_space<vmem>>) target(%dma_start3A_128 : memref<10240x128xf32, #tpu.memory_space<vmem_shared>>) offsets(%dma_start3A_125 : memref<128xi32, #tpu.memory_space<vmem>>) semaphore(%run_scoped3A : memref<!tpu.dma_semaphore, #tpu.memory_space<semaphore_mem>>) {add = true}
            %dma_wait3A_129 = arith.constant 0 : i32
            %dma_wait3A_130 = tpu.memref_slice %arg9[%add3A_122, %dma_wait3A_129] : memref<40x128xi32, #tpu.memory_space<vmem>> -> memref<1x128xi32, #tpu.memory_space<vmem>>
            %dma_wait3A_131 = tpu.memref_squeeze %dma_wait3A_130 : memref<1x128xi32, #tpu.memory_space<vmem>> -> memref<128xi32, #tpu.memory_space<vmem>>
            %dma_wait3A_132 = arith.constant 0 : i32
            %dma_wait3A_133 = arith.constant 0 : i32
            %dma_wait3A_134 = tpu.memref_slice %arg12[%dma_wait3A_132, %dma_wait3A_133] : memref<10240x128xf32, #tpu.memory_space<vmem_shared>> -> memref<10240x128xf32, #tpu.memory_space<vmem_shared>>
            tpu.wait_indirect_dma semaphore(%run_scoped3A : memref<!tpu.dma_semaphore, #tpu.memory_space<semaphore_mem>>) src(%arg11 : memref<128x128xf32, #tpu.memory_space<vmem>>) dst(%dma_wait3A_134 : memref<10240x128xf32, #tpu.memory_space<vmem_shared>>)
            tpu.yield
          }) : () -> ()
        } else {
        }
      }
      %scan3A_63 = arith.constant 20 : i32
      %barrier3A_64 = arith.constant 0 : index
      tpu.barrier barrier_id(%barrier3A_64)
      %mul3A_65 = arith.constant 640 : i32
      %mul3A_66 = arith.muli %arg1, %mul3A_65 : i32
      %add3A_67 = arith.constant 0 : i32
      %add3A_68 = arith.addi %mul3A_66, %add3A_67 : i32
      "tpu.region"() ({
        %run_scoped3A = tpu.sem_alloc : memref<!tpu.dma_semaphore, #tpu.memory_space<semaphore_mem>>
        %dma_start3A_85 = arith.constant 0 : i32
        %dma_start3A_86 = tpu.memref_slice %arg7[%add3A_68, %dma_start3A_85] : memref<10240x128xf32, #tpu.memory_space<hbm>> -> memref<128x128xf32, #tpu.memory_space<hbm>>
        %dma_start3A_87 = arith.constant 0 : i32
        %dma_start3A_88 = tpu.memref_slice %arg12[%add3A_68, %dma_start3A_87] : memref<10240x128xf32, #tpu.memory_space<vmem_shared>> -> memref<128x128xf32, #tpu.memory_space<vmem_shared>>
        tpu.enqueue_dma source(%dma_start3A_88 : memref<128x128xf32, #tpu.memory_space<vmem_shared>>) target(%dma_start3A_86 : memref<128x128xf32, #tpu.memory_space<hbm>>) target_semaphore(%run_scoped3A : memref<!tpu.dma_semaphore, #tpu.memory_space<semaphore_mem>>)
        %dma_wait3A = arith.constant 0 : i32
        %dma_wait3A_89 = tpu.memref_slice %arg7[%add3A_68, %dma_wait3A] : memref<10240x128xf32, #tpu.memory_space<hbm>> -> memref<128x128xf32, #tpu.memory_space<hbm>>
        %dma_wait3A_90 = arith.constant 0 : i32
        %dma_wait3A_91 = tpu.memref_slice %arg12[%add3A_68, %dma_wait3A_90] : memref<10240x128xf32, #tpu.memory_space<vmem_shared>> -> memref<128x128xf32, #tpu.memory_space<vmem_shared>>
        tpu.wait_dma2 semaphore(%run_scoped3A : memref<!tpu.dma_semaphore, #tpu.memory_space<semaphore_mem>>) src(%dma_wait3A_91 : memref<128x128xf32, #tpu.memory_space<vmem_shared>>) dst(%dma_wait3A_89 : memref<128x128xf32, #tpu.memory_space<hbm>>)
        tpu.yield
      }) : () -> ()
      %mul3A_69 = arith.constant 640 : i32
      %mul3A_70 = arith.muli %arg1, %mul3A_69 : i32
      %add3A_71 = arith.constant 128 : i32
      %add3A_72 = arith.addi %mul3A_70, %add3A_71 : i32
      "tpu.region"() ({
        %run_scoped3A = tpu.sem_alloc : memref<!tpu.dma_semaphore, #tpu.memory_space<semaphore_mem>>
        %dma_start3A_85 = arith.constant 0 : i32
        %dma_start3A_86 = tpu.memref_slice %arg7[%add3A_72, %dma_start3A_85] : memref<10240x128xf32, #tpu.memory_space<hbm>> -> memref<128x128xf32, #tpu.memory_space<hbm>>
        %dma_start3A_87 = arith.constant 0 : i32
        %dma_start3A_88 = tpu.memref_slice %arg12[%add3A_72, %dma_start3A_87] : memref<10240x128xf32, #tpu.memory_space<vmem_shared>> -> memref<128x128xf32, #tpu.memory_space<vmem_shared>>
        tpu.enqueue_dma source(%dma_start3A_88 : memref<128x128xf32, #tpu.memory_space<vmem_shared>>) target(%dma_start3A_86 : memref<128x128xf32, #tpu.memory_space<hbm>>) target_semaphore(%run_scoped3A : memref<!tpu.dma_semaphore, #tpu.memory_space<semaphore_mem>>)
        %dma_wait3A = arith.constant 0 : i32
        %dma_wait3A_89 = tpu.memref_slice %arg7[%add3A_72, %dma_wait3A] : memref<10240x128xf32, #tpu.memory_space<hbm>> -> memref<128x128xf32, #tpu.memory_space<hbm>>
        %dma_wait3A_90 = arith.constant 0 : i32
        %dma_wait3A_91 = tpu.memref_slice %arg12[%add3A_72, %dma_wait3A_90] : memref<10240x128xf32, #tpu.memory_space<vmem_shared>> -> memref<128x128xf32, #tpu.memory_space<vmem_shared>>
        tpu.wait_dma2 semaphore(%run_scoped3A : memref<!tpu.dma_semaphore, #tpu.memory_space<semaphore_mem>>) src(%dma_wait3A_91 : memref<128x128xf32, #tpu.memory_space<vmem_shared>>) dst(%dma_wait3A_89 : memref<128x128xf32, #tpu.memory_space<hbm>>)
        tpu.yield
      }) : () -> ()
      %mul3A_73 = arith.constant 640 : i32
      %mul3A_74 = arith.muli %arg1, %mul3A_73 : i32
      %add3A_75 = arith.constant 256 : i32
      %add3A_76 = arith.addi %mul3A_74, %add3A_75 : i32
      "tpu.region"() ({
        %run_scoped3A = tpu.sem_alloc : memref<!tpu.dma_semaphore, #tpu.memory_space<semaphore_mem>>
        %dma_start3A_85 = arith.constant 0 : i32
        %dma_start3A_86 = tpu.memref_slice %arg7[%add3A_76, %dma_start3A_85] : memref<10240x128xf32, #tpu.memory_space<hbm>> -> memref<128x128xf32, #tpu.memory_space<hbm>>
        %dma_start3A_87 = arith.constant 0 : i32
        %dma_start3A_88 = tpu.memref_slice %arg12[%add3A_76, %dma_start3A_87] : memref<10240x128xf32, #tpu.memory_space<vmem_shared>> -> memref<128x128xf32, #tpu.memory_space<vmem_shared>>
        tpu.enqueue_dma source(%dma_start3A_88 : memref<128x128xf32, #tpu.memory_space<vmem_shared>>) target(%dma_start3A_86 : memref<128x128xf32, #tpu.memory_space<hbm>>) target_semaphore(%run_scoped3A : memref<!tpu.dma_semaphore, #tpu.memory_space<semaphore_mem>>)
        %dma_wait3A = arith.constant 0 : i32
        %dma_wait3A_89 = tpu.memref_slice %arg7[%add3A_76, %dma_wait3A] : memref<10240x128xf32, #tpu.memory_space<hbm>> -> memref<128x128xf32, #tpu.memory_space<hbm>>
        %dma_wait3A_90 = arith.constant 0 : i32
        %dma_wait3A_91 = tpu.memref_slice %arg12[%add3A_76, %dma_wait3A_90] : memref<10240x128xf32, #tpu.memory_space<vmem_shared>> -> memref<128x128xf32, #tpu.memory_space<vmem_shared>>
        tpu.wait_dma2 semaphore(%run_scoped3A : memref<!tpu.dma_semaphore, #tpu.memory_space<semaphore_mem>>) src(%dma_wait3A_91 : memref<128x128xf32, #tpu.memory_space<vmem_shared>>) dst(%dma_wait3A_89 : memref<128x128xf32, #tpu.memory_space<hbm>>)
        tpu.yield
      }) : () -> ()
      %mul3A_77 = arith.constant 640 : i32
      %mul3A_78 = arith.muli %arg1, %mul3A_77 : i32
      %add3A_79 = arith.constant 384 : i32
      %add3A_80 = arith.addi %mul3A_78, %add3A_79 : i32
      "tpu.region"() ({
        %run_scoped3A = tpu.sem_alloc : memref<!tpu.dma_semaphore, #tpu.memory_space<semaphore_mem>>
        %dma_start3A_85 = arith.constant 0 : i32
        %dma_start3A_86 = tpu.memref_slice %arg7[%add3A_80, %dma_start3A_85] : memref<10240x128xf32, #tpu.memory_space<hbm>> -> memref<128x128xf32, #tpu.memory_space<hbm>>
        %dma_start3A_87 = arith.constant 0 : i32
        %dma_start3A_88 = tpu.memref_slice %arg12[%add3A_80, %dma_start3A_87] : memref<10240x128xf32, #tpu.memory_space<vmem_shared>> -> memref<128x128xf32, #tpu.memory_space<vmem_shared>>
        tpu.enqueue_dma source(%dma_start3A_88 : memref<128x128xf32, #tpu.memory_space<vmem_shared>>) target(%dma_start3A_86 : memref<128x128xf32, #tpu.memory_space<hbm>>) target_semaphore(%run_scoped3A : memref<!tpu.dma_semaphore, #tpu.memory_space<semaphore_mem>>)
        %dma_wait3A = arith.constant 0 : i32
        %dma_wait3A_89 = tpu.memref_slice %arg7[%add3A_80, %dma_wait3A] : memref<10240x128xf32, #tpu.memory_space<hbm>> -> memref<128x128xf32, #tpu.memory_space<hbm>>
        %dma_wait3A_90 = arith.constant 0 : i32
        %dma_wait3A_91 = tpu.memref_slice %arg12[%add3A_80, %dma_wait3A_90] : memref<10240x128xf32, #tpu.memory_space<vmem_shared>> -> memref<128x128xf32, #tpu.memory_space<vmem_shared>>
        tpu.wait_dma2 semaphore(%run_scoped3A : memref<!tpu.dma_semaphore, #tpu.memory_space<semaphore_mem>>) src(%dma_wait3A_91 : memref<128x128xf32, #tpu.memory_space<vmem_shared>>) dst(%dma_wait3A_89 : memref<128x128xf32, #tpu.memory_space<hbm>>)
        tpu.yield
      }) : () -> ()
      %mul3A_81 = arith.constant 640 : i32
      %mul3A_82 = arith.muli %arg1, %mul3A_81 : i32
      %add3A_83 = arith.constant 512 : i32
      %add3A_84 = arith.addi %mul3A_82, %add3A_83 : i32
      "tpu.region"() ({
        %run_scoped3A = tpu.sem_alloc : memref<!tpu.dma_semaphore, #tpu.memory_space<semaphore_mem>>
        %dma_start3A_85 = arith.constant 0 : i32
        %dma_start3A_86 = tpu.memref_slice %arg7[%add3A_84, %dma_start3A_85] : memref<10240x128xf32, #tpu.memory_space<hbm>> -> memref<128x128xf32, #tpu.memory_space<hbm>>
        %dma_start3A_87 = arith.constant 0 : i32
        %dma_start3A_88 = tpu.memref_slice %arg12[%add3A_84, %dma_start3A_87] : memref<10240x128xf32, #tpu.memory_space<vmem_shared>> -> memref<128x128xf32, #tpu.memory_space<vmem_shared>>
        tpu.enqueue_dma source(%dma_start3A_88 : memref<128x128xf32, #tpu.memory_space<vmem_shared>>) target(%dma_start3A_86 : memref<128x128xf32, #tpu.memory_space<hbm>>) target_semaphore(%run_scoped3A : memref<!tpu.dma_semaphore, #tpu.memory_space<semaphore_mem>>)
        %dma_wait3A = arith.constant 0 : i32
        %dma_wait3A_89 = tpu.memref_slice %arg7[%add3A_84, %dma_wait3A] : memref<10240x128xf32, #tpu.memory_space<hbm>> -> memref<128x128xf32, #tpu.memory_space<hbm>>
        %dma_wait3A_90 = arith.constant 0 : i32
        %dma_wait3A_91 = tpu.memref_slice %arg12[%add3A_84, %dma_wait3A_90] : memref<10240x128xf32, #tpu.memory_space<vmem_shared>> -> memref<128x128xf32, #tpu.memory_space<vmem_shared>>
        tpu.wait_dma2 semaphore(%run_scoped3A : memref<!tpu.dma_semaphore, #tpu.memory_space<semaphore_mem>>) src(%dma_wait3A_91 : memref<128x128xf32, #tpu.memory_space<vmem_shared>>) dst(%dma_wait3A_89 : memref<128x128xf32, #tpu.memory_space<hbm>>)
        tpu.yield
      }) : () -> ()
    } else {
    }
    return
  }
}

module attributes {stable_mosaic.version = 14 : i64} {
  func.func @_tc1_body(%arg0: i32, %arg1: memref<1024x256xf32, #tpu.memory_space<vmem>>, %arg2: memref<1024x1xf32, #tpu.memory_space<vmem>>, %arg3: memref<1024x1xf32, #tpu.memory_space<vmem>>, %arg4: memref<256x256xf32, #tpu.memory_space<vmem>>, %arg5: memref<1024x128xf32, #tpu.memory_space<vmem>>, %arg6: memref<1024x128xf32, #tpu.memory_space<vmem>>) attributes {dimension_semantics = [#tpu.dimension_semantics<arbitrary>], iteration_bounds = array<i64: 10>, scalar_prefetch = 0 : i64, scratch_operands = 0 : i64, tpu.core_type = #tpu.core_type<tc>, window_params = [{transform_indices = @transform_0, window_bounds = array<i64: 1024, 256>}, {transform_indices = @transform_1, window_bounds = array<i64: 1024, 1>}, {transform_indices = @transform_2, window_bounds = array<i64: 1024, 1>}, {pipeline_mode = #tpu.pipeline_mode<synchronous>, transform_indices = @transform_3, window_bounds = array<i64: 256, 256>}, {transform_indices = @transform_4, window_bounds = array<i64: 1024, 128>}, {transform_indices = @transform_5, window_bounds = array<i64: 1024, 128>}]} {
    %get3A = arith.constant 0 : index
    %get3A_0 = arith.constant 0 : index
    %get3A_1 = vector.load %arg2[%get3A, %get3A_0] : memref<1024x1xf32, #tpu.memory_space<vmem>>, vector<1024x1xf32>
    %get3A_2 = arith.constant 0 : index
    %get3A_3 = arith.constant 0 : index
    %get3A_4 = vector.load %arg3[%get3A_2, %get3A_3] : memref<1024x1xf32, #tpu.memory_space<vmem>>, vector<1024x1xf32>
    %add3A = arith.addf %get3A_1, %get3A_4 : vector<1024x1xf32>
    %add3A_5 = arith.constant 1.000000e+00 : f32
    %add3A_6 = vector.broadcast %add3A_5 : f32 to vector<1024x1xf32>
    %add3A_7 = arith.addf %add3A, %add3A_6 : vector<1024x1xf32>
    %rsqrt3A = math.rsqrt %add3A_7 : vector<1024x1xf32>
    %get3A_8 = arith.constant 0 : index
    %get3A_9 = arith.constant 0 : index
    %get3A_10 = vector.load %arg1[%get3A_8, %get3A_9] : memref<1024x256xf32, #tpu.memory_space<vmem>>, vector<1024x256xf32>
    %get3A_11 = arith.constant 0 : index
    %get3A_12 = arith.constant 0 : index
    %get3A_13 = vector.load %arg4[%get3A_11, %get3A_12] : memref<256x256xf32, #tpu.memory_space<vmem>>, vector<256x256xf32>
    %dot_general3A = arith.constant dense<0.000000e+00> : vector<1024x256xf32>
    %dot_general3A_14 = tpu.matmul %get3A_10, %get3A_13, %dot_general3A {dimension_numbers = #tpu.dot_dimension_numbers<[1], [0], [0], [1], [0, 0, 1, 1], [], []>, transpose_lhs_hint = false} : vector<1024x256xf32>, vector<256x256xf32>, vector<1024x256xf32> -> vector<1024x256xf32>
    %mul3A = vector.broadcast %rsqrt3A : vector<1024x1xf32> to vector<1024x256xf32>
    %mul3A_15 = arith.mulf %dot_general3A_14, %mul3A : vector<1024x256xf32>
    %slice3A = vector.extract_strided_slice %mul3A_15 {offsets = [0, 0], sizes = [1024, 128], strides = [1, 1]} : vector<1024x256xf32> to vector<1024x128xf32>
    %swap3A = arith.constant 0 : index
    %swap3A_16 = arith.constant 0 : index
    %swap3A_17 = vector.load %arg5[%swap3A, %swap3A_16] : memref<1024x128xf32, #tpu.memory_space<vmem>>, vector<1024x128xf32>
    tpu.vector_store %arg5[%swap3A, %swap3A_16], %slice3A {strides = array<i32>} : memref<1024x128xf32, #tpu.memory_space<vmem>>, vector<1024x128xf32>,
    %slice3A_18 = vector.extract_strided_slice %mul3A_15 {offsets = [0, 128], sizes = [1024, 128], strides = [1, 1]} : vector<1024x256xf32> to vector<1024x128xf32>
    %swap3A_19 = arith.constant 0 : index
    %swap3A_20 = arith.constant 0 : index
    %swap3A_21 = vector.load %arg6[%swap3A_19, %swap3A_20] : memref<1024x128xf32, #tpu.memory_space<vmem>>, vector<1024x128xf32>
    tpu.vector_store %arg6[%swap3A_19, %swap3A_20], %slice3A_18 {strides = array<i32>} : memref<1024x128xf32, #tpu.memory_space<vmem>>, vector<1024x128xf32>,
    return
  }
  func.func @transform_0(%arg0: i32) -> (i32, i32) {
    %c0_i32 = arith.constant 0 : i32
    %c0_i32_0 = arith.constant 0 : i32
    return %arg0, %c0_i32 : i32, i32
  }
  func.func @transform_1(%arg0: i32) -> (i32, i32) {
    %c0_i32 = arith.constant 0 : i32
    %c0_i32_0 = arith.constant 0 : i32
    return %arg0, %c0_i32 : i32, i32
  }
  func.func @transform_2(%arg0: i32) -> (i32, i32) {
    %c0_i32 = arith.constant 0 : i32
    %c0_i32_0 = arith.constant 0 : i32
    return %arg0, %c0_i32 : i32, i32
  }
  func.func @transform_3(%arg0: i32) -> (i32, i32) {
    %c0_i32 = arith.constant 0 : i32
    %c0_i32_0 = arith.constant 0 : i32
    %c0_i32_1 = arith.constant 0 : i32
    return %c0_i32, %c0_i32_0 : i32, i32
  }
  func.func @transform_4(%arg0: i32) -> (i32, i32) {
    %c0_i32 = arith.constant 0 : i32
    %c0_i32_0 = arith.constant 0 : i32
    return %arg0, %c0_i32 : i32, i32
  }
  func.func @transform_5(%arg0: i32) -> (i32, i32) {
    %c0_i32 = arith.constant 0 : i32
    %c0_i32_0 = arith.constant 0 : i32
    return %arg0, %c0_i32 : i32, i32
  }
}

module attributes {stable_mosaic.version = 14 : i64} {
  func.func @_tc2_body(%arg0: i32, %arg1: memref<1024x128xf32, #tpu.memory_space<vmem>>, %arg2: memref<1024x128xf32, #tpu.memory_space<vmem>>, %arg3: memref<1024x128xf32, #tpu.memory_space<vmem>>, %arg4: memref<1024x128xf32, #tpu.memory_space<vmem>>, %arg5: memref<1024x1xf32, #tpu.memory_space<vmem>>, %arg6: memref<1024x1xf32, #tpu.memory_space<vmem>>, %arg7: memref<1x256xf32, #tpu.memory_space<vmem>>, %arg8: memref<256x256xf32, #tpu.memory_space<vmem>>, %arg9: memref<1024x128xf32, #tpu.memory_space<vmem>>, %arg10: memref<1024x128xf32, #tpu.memory_space<vmem>>) attributes {dimension_semantics = [#tpu.dimension_semantics<arbitrary>], iteration_bounds = array<i64: 10>, scalar_prefetch = 0 : i64, scratch_operands = 0 : i64, tpu.core_type = #tpu.core_type<tc>, window_params = [{transform_indices = @transform_0, window_bounds = array<i64: 1024, 128>}, {transform_indices = @transform_1, window_bounds = array<i64: 1024, 128>}, {transform_indices = @transform_2, window_bounds = array<i64: 1024, 128>}, {transform_indices = @transform_3, window_bounds = array<i64: 1024, 128>}, {transform_indices = @transform_4, window_bounds = array<i64: 1024, 1>}, {transform_indices = @transform_5, window_bounds = array<i64: 1024, 1>}, {pipeline_mode = #tpu.pipeline_mode<synchronous>, transform_indices = @transform_6, window_bounds = array<i64: 1, 256>}, {pipeline_mode = #tpu.pipeline_mode<synchronous>, transform_indices = @transform_7, window_bounds = array<i64: 256, 256>}, {transform_indices = @transform_8, window_bounds = array<i64: 1024, 128>}, {transform_indices = @transform_9, window_bounds = array<i64: 1024, 128>}]} {
    %get3A = arith.constant 0 : index
    %get3A_0 = arith.constant 0 : index
    %get3A_1 = vector.load %arg5[%get3A, %get3A_0] : memref<1024x1xf32, #tpu.memory_space<vmem>>, vector<1024x1xf32>
    %get3A_2 = arith.constant 0 : index
    %get3A_3 = arith.constant 0 : index
    %get3A_4 = vector.load %arg6[%get3A_2, %get3A_3] : memref<1024x1xf32, #tpu.memory_space<vmem>>, vector<1024x1xf32>
    %add3A = arith.addf %get3A_1, %get3A_4 : vector<1024x1xf32>
    %add3A_5 = arith.constant 1.000000e+00 : f32
    %add3A_6 = vector.broadcast %add3A_5 : f32 to vector<1024x1xf32>
    %add3A_7 = arith.addf %add3A, %add3A_6 : vector<1024x1xf32>
    %rsqrt3A = math.rsqrt %add3A_7 : vector<1024x1xf32>
    %get3A_8 = arith.constant 0 : index
    %get3A_9 = arith.constant 0 : index
    %get3A_10 = vector.load %arg1[%get3A_8, %get3A_9] : memref<1024x128xf32, #tpu.memory_space<vmem>>, vector<1024x128xf32>
    %get3A_11 = arith.constant 0 : index
    %get3A_12 = arith.constant 0 : index
    %get3A_13 = vector.load %arg2[%get3A_11, %get3A_12] : memref<1024x128xf32, #tpu.memory_space<vmem>>, vector<1024x128xf32>
    %concatenate3A = tpu.concatenate %get3A_10, %get3A_13 in 1 : vector<1024x128xf32>, vector<1024x128xf32> -> vector<1024x256xf32>
    %get3A_14 = arith.constant 0 : index
    %get3A_15 = arith.constant 0 : index
    %get3A_16 = vector.load %arg3[%get3A_14, %get3A_15] : memref<1024x128xf32, #tpu.memory_space<vmem>>, vector<1024x128xf32>
    %get3A_17 = arith.constant 0 : index
    %get3A_18 = arith.constant 0 : index
    %get3A_19 = vector.load %arg4[%get3A_17, %get3A_18] : memref<1024x128xf32, #tpu.memory_space<vmem>>, vector<1024x128xf32>
    %concatenate3A_20 = tpu.concatenate %get3A_16, %get3A_19 in 1 : vector<1024x128xf32>, vector<1024x128xf32> -> vector<1024x256xf32>
    %add3A_21 = arith.addf %concatenate3A, %concatenate3A_20 : vector<1024x256xf32>
    %mul3A = vector.broadcast %rsqrt3A : vector<1024x1xf32> to vector<1024x256xf32>
    %mul3A_22 = arith.mulf %add3A_21, %mul3A : vector<1024x256xf32>
    %get3A_23 = arith.constant 0 : index
    %get3A_24 = arith.constant 0 : index
    %get3A_25 = vector.load %arg7[%get3A_23, %get3A_24] : memref<1x256xf32, #tpu.memory_space<vmem>>, vector<1x256xf32>
    %add3A_26 = vector.broadcast %get3A_25 : vector<1x256xf32> to vector<1024x256xf32>
    %add3A_27 = arith.addf %mul3A_22, %add3A_26 : vector<1024x256xf32>
    %max3A = arith.constant 0.000000e+00 : f32
    %max3A_28 = vector.broadcast %max3A : f32 to vector<1024x256xf32>
    %max3A_29 = arith.maximumf %add3A_27, %max3A_28 : vector<1024x256xf32>
    %get3A_30 = arith.constant 0 : index
    %get3A_31 = arith.constant 0 : index
    %get3A_32 = vector.load %arg8[%get3A_30, %get3A_31] : memref<256x256xf32, #tpu.memory_space<vmem>>, vector<256x256xf32>
    %dot_general3A = arith.constant dense<0.000000e+00> : vector<1024x256xf32>
    %dot_general3A_33 = tpu.matmul %max3A_29, %get3A_32, %dot_general3A {dimension_numbers = #tpu.dot_dimension_numbers<[1], [0], [0], [1], [0, 0, 1, 1], [], []>, transpose_lhs_hint = false} : vector<1024x256xf32>, vector<256x256xf32>, vector<1024x256xf32> -> vector<1024x256xf32>
    %mul3A_34 = vector.broadcast %rsqrt3A : vector<1024x1xf32> to vector<1024x256xf32>
    %mul3A_35 = arith.mulf %dot_general3A_33, %mul3A_34 : vector<1024x256xf32>
    %slice3A = vector.extract_strided_slice %mul3A_35 {offsets = [0, 0], sizes = [1024, 128], strides = [1, 1]} : vector<1024x256xf32> to vector<1024x128xf32>
    %swap3A = arith.constant 0 : index
    %swap3A_36 = arith.constant 0 : index
    %swap3A_37 = vector.load %arg9[%swap3A, %swap3A_36] : memref<1024x128xf32, #tpu.memory_space<vmem>>, vector<1024x128xf32>
    tpu.vector_store %arg9[%swap3A, %swap3A_36], %slice3A {strides = array<i32>} : memref<1024x128xf32, #tpu.memory_space<vmem>>, vector<1024x128xf32>,
    %slice3A_38 = vector.extract_strided_slice %mul3A_35 {offsets = [0, 128], sizes = [1024, 128], strides = [1, 1]} : vector<1024x256xf32> to vector<1024x128xf32>
    %swap3A_39 = arith.constant 0 : index
    %swap3A_40 = arith.constant 0 : index
    %swap3A_41 = vector.load %arg10[%swap3A_39, %swap3A_40] : memref<1024x128xf32, #tpu.memory_space<vmem>>, vector<1024x128xf32>
    tpu.vector_store %arg10[%swap3A_39, %swap3A_40], %slice3A_38 {strides = array<i32>} : memref<1024x128xf32, #tpu.memory_space<vmem>>, vector<1024x128xf32>,
    return
  }
  func.func @transform_0(%arg0: i32) -> (i32, i32) {
    %c0_i32 = arith.constant 0 : i32
    %c0_i32_0 = arith.constant 0 : i32
    return %arg0, %c0_i32 : i32, i32
  }
  func.func @transform_1(%arg0: i32) -> (i32, i32) {
    %c0_i32 = arith.constant 0 : i32
    %c0_i32_0 = arith.constant 0 : i32
    return %arg0, %c0_i32 : i32, i32
  }
  func.func @transform_2(%arg0: i32) -> (i32, i32) {
    %c0_i32 = arith.constant 0 : i32
    %c0_i32_0 = arith.constant 0 : i32
    return %arg0, %c0_i32 : i32, i32
  }
  func.func @transform_3(%arg0: i32) -> (i32, i32) {
    %c0_i32 = arith.constant 0 : i32
    %c0_i32_0 = arith.constant 0 : i32
    return %arg0, %c0_i32 : i32, i32
  }
  func.func @transform_4(%arg0: i32) -> (i32, i32) {
    %c0_i32 = arith.constant 0 : i32
    %c0_i32_0 = arith.constant 0 : i32
    return %arg0, %c0_i32 : i32, i32
  }
  func.func @transform_5(%arg0: i32) -> (i32, i32) {
    %c0_i32 = arith.constant 0 : i32
    %c0_i32_0 = arith.constant 0 : i32
    return %arg0, %c0_i32 : i32, i32
  }
  func.func @transform_6(%arg0: i32) -> (i32, i32) {
    %c0_i32 = arith.constant 0 : i32
    %c0_i32_0 = arith.constant 0 : i32
    %c0_i32_1 = arith.constant 0 : i32
    return %c0_i32, %c0_i32_0 : i32, i32
  }
  func.func @transform_7(%arg0: i32) -> (i32, i32) {
    %c0_i32 = arith.constant 0 : i32
    %c0_i32_0 = arith.constant 0 : i32
    %c0_i32_1 = arith.constant 0 : i32
    return %c0_i32, %c0_i32_0 : i32, i32
  }
  func.func @transform_8(%arg0: i32) -> (i32, i32) {
    %c0_i32 = arith.constant 0 : i32
    %c0_i32_0 = arith.constant 0 : i32
    return %arg0, %c0_i32 : i32, i32
  }
  func.func @transform_9(%arg0: i32) -> (i32, i32) {
    %c0_i32 = arith.constant 0 : i32
    %c0_i32_0 = arith.constant 0 : i32
    return %arg0, %c0_i32 : i32, i32
  }
}

module attributes {stable_mosaic.version = 14 : i64} {
  func.func @_tc3_body(%arg0: i32, %arg1: memref<1024x128xf32, #tpu.memory_space<vmem>>, %arg2: memref<1024x128xf32, #tpu.memory_space<vmem>>, %arg3: memref<1024x128xf32, #tpu.memory_space<vmem>>, %arg4: memref<1024x128xf32, #tpu.memory_space<vmem>>, %arg5: memref<1024x1xf32, #tpu.memory_space<vmem>>, %arg6: memref<1024x1xf32, #tpu.memory_space<vmem>>, %arg7: memref<1x256xf32, #tpu.memory_space<vmem>>, %arg8: memref<1024x256xf32, #tpu.memory_space<vmem>>, %arg9: memref<1024x256xf32, #tpu.memory_space<vmem>>) attributes {dimension_semantics = [#tpu.dimension_semantics<arbitrary>], iteration_bounds = array<i64: 10>, scalar_prefetch = 0 : i64, scratch_operands = 0 : i64, tpu.core_type = #tpu.core_type<tc>, window_params = [{transform_indices = @transform_0, window_bounds = array<i64: 1024, 128>}, {transform_indices = @transform_1, window_bounds = array<i64: 1024, 128>}, {transform_indices = @transform_2, window_bounds = array<i64: 1024, 128>}, {transform_indices = @transform_3, window_bounds = array<i64: 1024, 128>}, {transform_indices = @transform_4, window_bounds = array<i64: 1024, 1>}, {transform_indices = @transform_5, window_bounds = array<i64: 1024, 1>}, {pipeline_mode = #tpu.pipeline_mode<synchronous>, transform_indices = @transform_6, window_bounds = array<i64: 1, 256>}, {transform_indices = @transform_7, window_bounds = array<i64: 1024, 256>}, {transform_indices = @transform_8, window_bounds = array<i64: 1024, 256>}]} {
    %get3A = arith.constant 0 : index
    %get3A_0 = arith.constant 0 : index
    %get3A_1 = vector.load %arg5[%get3A, %get3A_0] : memref<1024x1xf32, #tpu.memory_space<vmem>>, vector<1024x1xf32>
    %get3A_2 = arith.constant 0 : index
    %get3A_3 = arith.constant 0 : index
    %get3A_4 = vector.load %arg6[%get3A_2, %get3A_3] : memref<1024x1xf32, #tpu.memory_space<vmem>>, vector<1024x1xf32>
    %add3A = arith.addf %get3A_1, %get3A_4 : vector<1024x1xf32>
    %add3A_5 = arith.constant 1.000000e+00 : f32
    %add3A_6 = vector.broadcast %add3A_5 : f32 to vector<1024x1xf32>
    %add3A_7 = arith.addf %add3A, %add3A_6 : vector<1024x1xf32>
    %rsqrt3A = math.rsqrt %add3A_7 : vector<1024x1xf32>
    %get3A_8 = arith.constant 0 : index
    %get3A_9 = arith.constant 0 : index
    %get3A_10 = vector.load %arg1[%get3A_8, %get3A_9] : memref<1024x128xf32, #tpu.memory_space<vmem>>, vector<1024x128xf32>
    %get3A_11 = arith.constant 0 : index
    %get3A_12 = arith.constant 0 : index
    %get3A_13 = vector.load %arg2[%get3A_11, %get3A_12] : memref<1024x128xf32, #tpu.memory_space<vmem>>, vector<1024x128xf32>
    %concatenate3A = tpu.concatenate %get3A_10, %get3A_13 in 1 : vector<1024x128xf32>, vector<1024x128xf32> -> vector<1024x256xf32>
    %get3A_14 = arith.constant 0 : index
    %get3A_15 = arith.constant 0 : index
    %get3A_16 = vector.load %arg3[%get3A_14, %get3A_15] : memref<1024x128xf32, #tpu.memory_space<vmem>>, vector<1024x128xf32>
    %get3A_17 = arith.constant 0 : index
    %get3A_18 = arith.constant 0 : index
    %get3A_19 = vector.load %arg4[%get3A_17, %get3A_18] : memref<1024x128xf32, #tpu.memory_space<vmem>>, vector<1024x128xf32>
    %concatenate3A_20 = tpu.concatenate %get3A_16, %get3A_19 in 1 : vector<1024x128xf32>, vector<1024x128xf32> -> vector<1024x256xf32>
    %add3A_21 = arith.addf %concatenate3A, %concatenate3A_20 : vector<1024x256xf32>
    %mul3A = vector.broadcast %rsqrt3A : vector<1024x1xf32> to vector<1024x256xf32>
    %mul3A_22 = arith.mulf %add3A_21, %mul3A : vector<1024x256xf32>
    %get3A_23 = arith.constant 0 : index
    %get3A_24 = arith.constant 0 : index
    %get3A_25 = vector.load %arg7[%get3A_23, %get3A_24] : memref<1x256xf32, #tpu.memory_space<vmem>>, vector<1x256xf32>
    %add3A_26 = vector.broadcast %get3A_25 : vector<1x256xf32> to vector<1024x256xf32>
    %add3A_27 = arith.addf %mul3A_22, %add3A_26 : vector<1024x256xf32>
    %get3A_28 = arith.constant 0 : index
    %get3A_29 = arith.constant 0 : index
    %get3A_30 = vector.load %arg8[%get3A_28, %get3A_29] : memref<1024x256xf32, #tpu.memory_space<vmem>>, vector<1024x256xf32>
    %add3A_31 = arith.addf %add3A_27, %get3A_30 : vector<1024x256xf32>
    %max3A = arith.constant 0.000000e+00 : f32
    %max3A_32 = vector.broadcast %max3A : f32 to vector<1024x256xf32>
    %max3A_33 = arith.maximumf %add3A_31, %max3A_32 : vector<1024x256xf32>
    %swap3A = arith.constant 0 : index
    %swap3A_34 = arith.constant 0 : index
    %swap3A_35 = vector.load %arg9[%swap3A, %swap3A_34] : memref<1024x256xf32, #tpu.memory_space<vmem>>, vector<1024x256xf32>
    tpu.vector_store %arg9[%swap3A, %swap3A_34], %max3A_33 {strides = array<i32>} : memref<1024x256xf32, #tpu.memory_space<vmem>>, vector<1024x256xf32>,
    return
  }
  func.func @transform_0(%arg0: i32) -> (i32, i32) {
    %c0_i32 = arith.constant 0 : i32
    %c0_i32_0 = arith.constant 0 : i32
    return %arg0, %c0_i32 : i32, i32
  }
  func.func @transform_1(%arg0: i32) -> (i32, i32) {
    %c0_i32 = arith.constant 0 : i32
    %c0_i32_0 = arith.constant 0 : i32
    return %arg0, %c0_i32 : i32, i32
  }
  func.func @transform_2(%arg0: i32) -> (i32, i32) {
    %c0_i32 = arith.constant 0 : i32
    %c0_i32_0 = arith.constant 0 : i32
    return %arg0, %c0_i32 : i32, i32
  }
  func.func @transform_3(%arg0: i32) -> (i32, i32) {
    %c0_i32 = arith.constant 0 : i32
    %c0_i32_0 = arith.constant 0 : i32
    return %arg0, %c0_i32 : i32, i32
  }
  func.func @transform_4(%arg0: i32) -> (i32, i32) {
    %c0_i32 = arith.constant 0 : i32
    %c0_i32_0 = arith.constant 0 : i32
    return %arg0, %c0_i32 : i32, i32
  }
  func.func @transform_5(%arg0: i32) -> (i32, i32) {
    %c0_i32 = arith.constant 0 : i32
    %c0_i32_0 = arith.constant 0 : i32
    return %arg0, %c0_i32 : i32, i32
  }
  func.func @transform_6(%arg0: i32) -> (i32, i32) {
    %c0_i32 = arith.constant 0 : i32
    %c0_i32_0 = arith.constant 0 : i32
    %c0_i32_1 = arith.constant 0 : i32
    return %c0_i32, %c0_i32_0 : i32, i32
  }
  func.func @transform_7(%arg0: i32) -> (i32, i32) {
    %c0_i32 = arith.constant 0 : i32
    %c0_i32_0 = arith.constant 0 : i32
    return %arg0, %c0_i32 : i32, i32
  }
  func.func @transform_8(%arg0: i32) -> (i32, i32) {
    %c0_i32 = arith.constant 0 : i32
    %c0_i32_0 = arith.constant 0 : i32
    return %arg0, %c0_i32 : i32, i32
  }
}

</mosaic_0001>

<sc_bundles>
// kernel: kernel.11.cloned.1.call-start
scs
__scs_entry_jumppad:
0x0: {  	(pc) =	sbr.rel $0x88, $3  }
0x1: {  	(tag) =	ssettag $0x0;
	lr =	simm.s32 $0x1  }
0x2: {  	[smem:$0x3F9B] =	sst lr;
	_ =	strace $0xD0000000  }
0x3: {  	_ = 	snop  }
0x4: {  	_ = 	snop  }
0x5: {  	_ = 	snop  }
0x6: {  	_ = 	snop  }
0x7: {  	_ = 	snop  }
__scs_overlays_trampoline_lowered:
0x8: {  	[smem:$0x3FAA] =	sst s0  }
0x9: {  	[smem:$0x3FAB] =	sst s1  }
0xa: {  	[smem:$0x3FAC] =	sst s2  }
0xb: {  	[smem:$0x3FAD] =	sst s3  }
0xc: {  	[smem:$0x3FAE] =	sst s4  }
0xd: {  	[smem:$0x3FAF] =	sst s5  }
0xe: {  	[smem:$0x3FB0] =	sst s6  }
0xf: {  	[smem:$0x3FB1] =	sst s7  }
0x10: {  	[smem:$0x3FB2] =	sst s8  }
0x11: {  	[smem:$0x3FB3] =	sst s9;
	s0 =	simm.s32 @!p0 $0x0  }
0x12: {  	s1 =	sld [smem:$0x3F99];
	s0 =	simm.s32 @p0 $0x1  }
0x13: {  	[smem:$0x3FB4] =	sst s0;
	s0 =	simm.s32 @!p1 $0x0  }
0x14: {  	s2 =	sld [smem:$0x3F98];
	s0 =	simm.s32 @p1 $0x1  }
0x15: {  	[smem:$0x3FB5] =	sst s0;
	s0 =	simm.s32 @!p2 $0x0  }
0x16: {  	s3 =	sld [smem:$0x3FDB];
	s0 =	simm.s32 @p2 $0x1  }
0x17: {  	s4 =	simm.s32 $0x1BF5;
	[smem:$0x3FB7] =	sst s0  }
0x18: {  	s0 =	sld [smem:$0x3F9A];
	_ =	swait.ge [sflag:s4], $0x0  }
0x19: {  	s7 =	sld [smem:$0x3F9B]  }
0x1a: {  	s8 =	sadd.s32 $0xFFFFE003, lr  }
0x1b: {  	s9 =	sadd.s32 $0xFFFFFEF7, lr;
	s5 =	simm.s32 $0xFFFFFFFF;
	p2 =	slt.u32 s8, $0xFFFFF086  }
0x1c: {  	p1 =	slt.u32 s9, $0xF7A;
	s5 =	simm.s32 @!p2 $0x0  }
0x1d: {  	s5 =	simm.s32 @p1 $0x1;
	p0 =	seq.s32 s7, s2  }
0x1e: {  	s7 =	smul.u32 @!p0 $0xF7A, s2;
	p2 =	seq.s32 @!p0 s5, $0x0  }
0x1f: {  	s9 =	smul.u32 $0xF7A, s1;
	s8 =	simm.s32 @!p0 $0x1BF5;
	p2 =	por !p2, p0  }
0x20: {  	[sflag:s8] =	ssyncset.s32 @!p0 $0xFFFFF086;
	s6 =	sadd.s32 @!p0 s3, s7;
	s7 =	simm.s32 @!p0 $0x108  }
0x21: {  	s3 =	sadd.s32 s3, s9;
	s6 =	sadd.s32 @!p0 $0x88, s6;
	s7 =	simm.s32 @p2 $0x1082  }
0x22: {  	[simem:s7], [sflag:s8] =	dma.local @!p0 [hbm:s6], $0xF7A  }
0x23: {  	s9 =	sor.u32 $0xD0000000, s2;
	s6 =	simm.s32 $0x108;
	_ =	swait.ge @!p0 [sflag:s8], $0x0  }
0x24: {  	s3 =	sadd.s32 $0x88, s3;
	s6 =	simm.s32 @!p1 $0x1082;
	[sflag:s4] =	ssyncset.s32 $0xFFFFF086  }
0x25: {  	[simem:s6], [sflag:s4] =	dma.local [hbm:s3], $0xF7A  }
0x26: {  	[smem:$0x3F9B] =	sst s1;
	(tag) =	ssettag s2;
	_ =	strace s9  }
0x27: {  	s1 =	sld [smem:$0x3FAB]  }
0x28: {  	s2 =	sld [smem:$0x3FAC]  }
0x29: {  	s4 =	sld [smem:$0x3FAE]  }
0x2a: {  	p0 =	seq.s32 s5, $0x0;
	s5 =	sld [smem:$0x3FAF]  }
0x2b: {  	s6 =	sld [smem:$0x3FB0]  }
0x2c: {  	s7 =	sld [smem:$0x3FB1]  }
0x2d: {  	s3 =	simm.s32 $0x108;
	s8 =	sld [smem:$0x3FB2]  }
0x2e: {  	s3 =	simm.s32 @!p0 $0x1082;
	s9 =	sld [smem:$0x3FB3]  }
0x2f: {  	lr =	sadd.s32 s0, s3;
	s0 =	sld [smem:$0x3FAA]  }
0x30: {  	s3 =	sld [smem:$0x3FAD]  }
0x31: {  	[smem:$0x3FB6] =	sst s10  }
0x32: {  	s10 =	sld [smem:$0x3FB4];
	_ =	sdelay $0x3  }
0x33: {  	p0 =	seq.s32 s10, $0x1;
	s10 =	sld [smem:$0x3FB6];
	_ =	sdelay $0x3  }
0x34: {  	[smem:$0x3FB6] =	sst s10  }
0x35: {  	s10 =	sld [smem:$0x3FB5];
	_ =	sdelay $0x3  }
0x36: {  	p1 =	seq.s32 s10, $0x1;
	s10 =	sld [smem:$0x3FB6];
	_ =	sdelay $0x3  }
0x37: {  	[smem:$0x3FB6] =	sst s10  }
0x38: {  	s10 =	sld [smem:$0x3FB7]  }
0x39: {  	_ = 	snop;
	(pc) =	sbr.ind lr, $3  }
0x3a: {  	_ = 	snop  }
0x3b: {  	_ = 	snop  }
0x3c: {  	p2 =	seq.s32 s10, $0x1;
	s10 =	sld [smem:$0x3FB6]  }
0x3d: {  	_ =	shalt  }
0x3e: {  	_ =	shalt  }
0x3f: {  	_ =	shalt  }
0x40: {  	_ =	shalt  }
0x41: {  	_ =	shalt  }
0x42: {  	_ =	shalt  }
0x43: {  	_ =	shalt  }
0x44: {  	_ =	shalt  }
0x45: {  	_ =	shalt  }
0x46: {  	_ =	shalt  }
0x47: {  	_ =	shalt  }
0x48: {  	_ =	shalt  }
0x49: {  	_ =	shalt  }
0x4a: {  	_ =	shalt  }
0x4b: {  	_ =	shalt  }
0x4c: {  	_ =	shalt  }
0x4d: {  	_ =	shalt  }
0x4e: {  	_ =	shalt  }
0x4f: {  	_ =	shalt  }
0x50: {  	_ =	shalt  }
0x51: {  	_ =	shalt  }
0x52: {  	_ =	shalt  }
0x53: {  	_ =	shalt  }
0x54: {  	_ =	shalt  }
0x55: {  	_ =	shalt  }
0x56: {  	_ =	shalt  }
0x57: {  	_ =	shalt  }
0x58: {  	_ =	shalt  }
0x59: {  	_ =	shalt  }
0x5a: {  	_ =	shalt  }
0x5b: {  	_ =	shalt  }
0x5c: {  	_ =	shalt  }
0x5d: {  	_ =	shalt  }
0x5e: {  	_ =	shalt  }
0x5f: {  	_ =	shalt  }
0x60: {  	_ =	shalt  }
0x61: {  	_ =	shalt  }
0x62: {  	_ =	shalt  }
0x63: {  	_ =	shalt  }
0x64: {  	_ =	shalt  }
0x65: {  	_ =	shalt  }
0x66: {  	_ =	shalt  }
0x67: {  	_ =	shalt  }
0x68: {  	_ =	shalt  }
0x69: {  	_ =	shalt  }
0x6a: {  	_ =	shalt  }
0x6b: {  	_ =	shalt  }
0x6c: {  	_ =	shalt  }
0x6d: {  	_ =	shalt  }
0x6e: {  	_ =	shalt  }
0x6f: {  	_ =	shalt  }
0x70: {  	_ =	shalt  }
0x71: {  	_ =	shalt  }
0x72: {  	_ =	shalt  }
0x73: {  	_ =	shalt  }
0x74: {  	_ =	shalt  }
0x75: {  	_ =	shalt  }
0x76: {  	_ =	shalt  }
0x77: {  	_ =	shalt  }
0x78: {  	_ =	shalt  }
0x79: {  	_ =	shalt  }
0x7a: {  	_ =	shalt  }
0x7b: {  	_ =	shalt  }
0x7c: {  	_ =	shalt  }
0x7d: {  	_ =	shalt  }
0x7e: {  	_ =	shalt  }
0x7f: {  	_ =	shalt  }
0x80: {  	_ =	shalt  }
0x81: {  	_ =	shalt  }
0x82: {  	_ =	shalt  }
0x83: {  	_ =	shalt  }
0x84: {  	_ =	shalt  }
0x85: {  	_ =	shalt  }
0x86: {  	_ =	shalt  }
0x87: {  	_ =	shalt  }
.Lfunc_end0:
.L_simem_size_0:
called_computation.1_lowered:
.L_overlay_start_0:
0x88: {  	s2 =	sld [smem:$0x3FD9]  }
0x89: {  	s3 =	sld [smem:$0x3FFE];
	_ =	sdelay $0x1  }
0x8a: {  	s1 =	srdreg.scid  }
0x8b: {  	s0 =	sand.u32 $0x1, s1  }
0x8c: {  	s17 =	sshll.u32 s0, $0xA;
	s2 =	sadd.s32 s3, s2  }
0x8d: {  	s2 =	sadd.s32 s2, s17  }
0x8e: {  	[smem:$0x3FC2] =	sst s2  }
0x8f: {  	_ = 	snop  }
0x90: {  	s2 =	sld [smem:$0x3FD0];
	(tm) =	ssettm $0x1  }
0x91: {  	s18 =	sld [smem:$0x3FFB];
	_ =	sdelay $0x3  }
0x92: {  	_ =	strace s18  }
0x93: {  	s3 =	sld [smem:$0x3FFC];
	_ =	sdelay $0x3  }
0x94: {  	_ =	strace s3  }
0x95: {  	s3 =	sld [smem:$0x3FFD];
	_ =	sdelay $0x3  }
0x96: {  	_ =	strace s3  }
0x97: {  	_ =	strace $0x8FFFFFFF  }
0x98: {  	s19 =	sld [smem:$0x3FDB];
	_ =	sdelay $0x1  }
0x99: {  	s4 =	simm.s32 $_scs_section_size  }
0x9a: {  	s5 =	simm.s32 $_size__tile_overlayer_lowered;
	s6 =	simm.s32 $_tile_overlayer_lowered  }
0x9b: {  	s22 =	simm.s32 $0x1BFF;
	s21 =	sshll.u32 s6, $0x1;
	s3 =	sadd.s32 s4, s19  }
0x9c: {  	s7 =	simm.s32 $0x0;
	s20 =	sshll.u32 s5, $0x1;
	s5 =	sadd.s32 s21, s3  }
0x9d: {  	[timem:s7], [sflag:s22] =	dma.local [hbm:s5], s20  }
0x9e: {  	_ =	swait.ge [sflag:s22], s20  }
0x9f: {  	s4 =	ssub.s32 $0x0, s20;
	[sflag:s22] =	ssyncset.done $0x0  }
0xa0: {  	[sflag:s22] =	ssyncadd.s32 s4;
	_ =	sdelay $0x1  }
0xa1: {  	s23 =	simm.s32 $0x1B8B  }
0xa2: {  	_ =	swait.ge [sflag:s23], $0x1  }
0xa3: {  	[sflag:s23] =	ssyncset.done $0x0  }
0xa4: {  	s25 =	simm.s32 $0x1B8E;
	s24 =	sld [smem:$0x3FFE];
	[sflag:s23] =	ssyncadd.s32 $0xFFFFFFFF  }
0xa5: {  	s26 =	simm.s32 $execute0_lowered;
	[smem:$0x3FD2] =	sst s25  }
0xa6: {  	s5 =	sshll.u32 s26, $0x1;
	_ =	strace $0x80000049;
	[dreg:$0x1] =	wrdreg $0xFFFFFFFF  }
0xa7: {  	s28 =	simm.s32 $_size_execute0_lowered;
	s3 =	sadd.s32 s3, s5;
	[dreg:$0x0] =	wrdreg $0x0  }
0xa8: {  	s5 =	sshll.u32 s28, $0x1;
	[dreg:$0x2] =	wrdreg s3  }
0xa9: {  	[dreg:$0x3] =	wrdreg s5  }
0xaa: {  	[dreg:$0x4] =	wrdreg $0xC0  }
0xab: {  	_ =	task [dreg:s7], $0x5FFFF  }
0xac: {  	[dreg:$0x1] =	wrdreg $0xFFFFFFFF  }
0xad: {  	[dreg:$0x0] =	wrdreg $0x60  }
0xae: {  	[dreg:$0x2] =	wrdreg s24  }
0xaf: {  	[dreg:$0x3] =	wrdreg s2  }
0xb0: {  	[dreg:$0x4] =	wrdreg $0xA8000  }
0xb1: {  	[dreg:$0x5] =	wrdreg $0x9  }
0xb2: {  	_ =	task.clear_ibuf [dreg:s7], $0x6FFFF;
	_ =	strace $0x90000049  }
0xb3: {  	s29 =	simm.s32 $0x9;
	_ =	strace $0x8000004B  }
0xb4: {  	_ =	swait.ge [sflag:s29], $0x1  }
0xb5: {  	[sflag:s29] =	ssyncadd.s32 $0xFFFFFFFF  }
0xb6: {  	_ =	strace $0x9000004B  }
0xb7: {  	_ =	sfence  }
0xb8: {  	s30 =	sld [smem:$0x0];
	_ =	sdelay $0x2  }
0xb9: {  	s31 =	sshll.u32 s1, $0xD;
	s1 =	sshrl.u32 s1, $0x2  }
0xba: {  	s3 =	sand.u32 $0x4000, s31;
	s1 =	sadd.s32 s1, s30  }
0xbb: {  	s0 =	sor.u32 s3, s0;
	s1 =	sshll.u32 s1, $0x11  }
0xbc: {  	s0 =	sor.u32 s1, s0  }
0xbd: {  	s0 =	sadd.s32 $0x8F2B, s0  }
0xbe: {  	[sflag:s0] =	ssyncadd.remote.s32 $0x1  }
0xbf: {  	_ =	sfence.sel $0xFFFF  }
0xc0: {  	[dreg:$0x0] =	wrdreg $0xFFFFFFFF;
	(pc) =	sbr.abs _section_cstart, $3  }
0xc1: {  	[dreg:$0x1] =	wrdreg $0xFFFFFFFF  }
0xc2: {  	_ =	task.clear_ibuf [dreg:s7], $0x2FFFF;
	_ =	strace $0x9FFFFFFF  }
0xc3: {  	(tm) =	ssettm $0x7FFFFFFF  }
tec
execute0_lowered:
.L_overlay_start_1:
0x0: {  	(tag) =	ssettag $0x1  }
0x1: {  	s0 =	rddreg [dreg:$0x0]  }
0x2: {  	s1 =	rddreg [dreg:$0x1]  }
0x3: {  	s2 =	rddreg [dreg:$0x2]  }
0x4: {  	s3 =	simm.s32 $0x0;
	s4 =	srdreg.scid;
	s15 =	stileid.u32  }
0x5: {  	s28 =	simm.s32 $0x6800;
	s29 =	simm.s32 $0x1;
	s30 =	simm.s32 $0x4  }
0x6: {  	s31 =	simm.s32 $0x2;
	[smem:$0x7FF] =	sst s3;
	s26 =	sadd.s32 $0x8C00, s0  }
0x7: {  	s6 =	sadd.s32 $0x3600, s0;
	s4 =	sand.u32 $0x1, s4;
	s13 =	smul.u32 $0x280, s15  }
0x8: {  	s5 =	sadd.s32 $0xADC00, s0;
	s8 =	sadd.s32 $0xD5C00, s0;
	s9 =	smul.u32 $0x50000, s15  }
0x9: {  	s0 =	sadd.s32 $0xFDC00, s0;
	_ =	strace $0x8000004A;
	[dreg:$0x4] =	wrdreg s8  }
0xa: {  	s17 =	smul.u32 $0x2800, s15;
	s7 =	ssub.s32 $0x2, s4;
	[dreg:$0x5] =	wrdreg s0  }
0xb: {  	p0 =	seq.s32 s4, $0x1;
	s0 =	simm.s32 $0x1380;
	s4 =	simm.s32 $0x0  }
0xc: {  	s14 =	sshrl.u32 s7, $0x1;
	s18 =	sadd.s32 $0x80, s13;
	s22 =	sshrl.u32 s9, $0x2  }
0xd: {  	s19 =	sadd.s32 $0x100, s13;
	s20 =	sadd.s32 $0x180, s13;
	s21 =	sadd.s32 $0x200, s13  }
0xe: {  	s24 =	sadd.s32 s26, s13;
	s13 =	sadd.s32 s6, s13;
	s16 =	ssub.s32 s7, s14  }
0xf: {  	s23 =	sshll.u32 s18, $0x7;
	s8 =	sadd.s32 s22, s2;
	s10 =	sshll.u32 s19, $0x7  }
0x10: {  	s14 =	smul.u32 $0x1400, s15;
	s11 =	sshll.u32 s20, $0x7;
	[dreg:$0x6] =	wrdreg s24  }
0x11: {  	s12 =	sshll.u32 s21, $0x7;
	[dreg:$0x7] =	wrdreg s13;
	s18 =	sshll.u32 s18, $0x4  }
0x12: {  	s19 =	sshll.u32 s19, $0x4;
	s20 =	sshll.u32 s20, $0x4;
	s21 =	sshll.u32 s21, $0x4  }
0x13: {  	s24 =	simm.s32 $0x3;
	s7 =	simm.s32 $0x2780;
	s9 =	sadd.s32 s23, s2  }
.Ltmp0:
0x14: {  	s10 =	sadd.s32 s10, s2;
	s14 =	sshrl.u32 s14, $0x3;
	(pc) =	sbr.rel .LBB2_1-.Ltmp0, $4  }
0x15: {  	s11 =	sadd.s32 s11, s2;
	s12 =	sadd.s32 s12, s2;
	s25 =	sadd.s32 $0x2800, s14  }
0x16: {  	s22 =	smax.u32 s16, $0x1;
	s23 =	simm.s32 $0x2800;
	s3 =	sadd.s32 s26, s25  }
0x17: {  	s26 =	sadd.s32 s6, s25;
	s25 =	simm.s32 $0x1400;
	[dreg:$0x8] =	wrdreg s3  }
0x18: {  	v0 =	vimm.f32 $0.0e+00;
	s6 =	simm.s32 $0x2700;
	[dreg:$0x9] =	wrdreg s26;
	s26 =	simm.s32 $0x80  }
.LBB2_8:
0x19: {  	s13 =	sadd.s32 $0x80, s3;
	[sflag:s24] =	ssyncadd.s32 $0xFFFFC000  }
0x1a: {  	[tilespmem:s28], [sflag:$0x2] =	stream.indirect.gather [hbm4b:s1+s26], $0x80, s13, s26, $0xb8;
	[tilespmem:$0x1E800] =	vst v63  }
0x1b: {  	_ =	swait.ge [sflag:s29], $0x4000  }
0x1c: {  	[sflag:s29] =	ssyncset.done $0x0  }
0x1d: {  	s14 =	sadd.s32 $0x1400, s3;
	[sflag:s29] =	ssyncadd.s32 $0xFFFFC000  }
0x1e: {  	[spmem:s2] =	stream.indirect.scatter.add.f32 [tilespmem:s23], [sflag:$0x4], $0x80, s14, s26, $0xb8;
	[tilespmem:$0x1E800] =	vst v63  }
0x1f: {  	_ =	swait.ge [sflag:s30], $0x4000  }
0x20: {  	[sflag:s30] =	ssyncset.done $0x0  }
0x21: {  	s15 =	sadd.s32 $0x100, s3;
	[sflag:s30] =	ssyncadd.s32 $0xFFFFC000  }
0x22: {  	[tilespmem:s23], [sflag:$0x1] =	stream.indirect.gather [hbm4b:s1+s26], $0x80, s15, s26, $0xb8;
	[tilespmem:$0x1E800] =	vst v63  }
0x23: {  	_ =	swait.ge [sflag:s31], $0x4000  }
0x24: {  	[sflag:s31] =	ssyncset.done $0x0  }
0x25: {  	s16 =	sadd.s32 $0x1480, s3;
	[sflag:s31] =	ssyncadd.s32 $0xFFFFC000  }
0x26: {  	[spmem:s2] =	stream.indirect.scatter.add.f32 [tilespmem:s28], [sflag:$0x3], $0x80, s16, s26, $0xb8;
	[tilespmem:$0x1E800] =	vst v63  }
0x27: {  	_ =	swait.ge [sflag:s24], $0x4000  }
0x28: {  	[sflag:s24] =	ssyncset.done $0x0  }
0x29: {  	[sflag:s24] =	ssyncadd.s32 $0xFFFFC000  }
0x2a: {  	[tilespmem:s28], [sflag:$0x2] =	stream.indirect.gather [hbm4b:s1+s26], $0x80, s0, s26, $0xb8;
	[tilespmem:$0x1E800] =	vst v63  }
0x2b: {  	_ =	swait.ge [sflag:s29], $0x4000  }
0x2c: {  	[sflag:s29] =	ssyncset.done $0x0  }
0x2d: {  	s3 =	rddreg [dreg:$0x4];
	[sflag:s29] =	ssyncadd.s32 $0xFFFFC000  }
0x2e: {  	[spmem:s2] =	stream.indirect.scatter.add.f32 [tilespmem:s23], [sflag:$0x4], $0x80, s6, s26, $0xb8;
	[tilespmem:$0x1E800] =	vst v63  }
.LBB2_14:
0x2f: {  	_ =	swait.ge [sflag:s30], $0x4000  }
0x30: {  	[sflag:s30] =	ssyncset.done $0x0  }
0x31: {  	[sflag:s30] =	ssyncadd.s32 $0xFFFFC000  }
0x32: {  	_ =	swait.ge [sflag:s31], $0x4000  }
0x33: {  	[sflag:s31] =	ssyncset.done $0x0  }
0x34: {  	[sflag:s31] =	ssyncadd.s32 $0xFFFFC000  }
0x35: {  	[spmem:s2] =	stream.indirect.scatter.add.f32 [tilespmem:s28], [sflag:$0x3], $0x80, s7, s26, $0xb8;
	[tilespmem:$0x1E800] =	vst v63  }
0x36: {  	_ =	swait.ge [sflag:s24], $0x4000  }
0x37: {  	s14 =	stileid.u32;
	[sflag:s24] =	ssyncset.done $0x0  }
0x38: {  	s13 =	sadd.s32 s3, s17;
	s14 =	sshll.u32 s14, $0x6;
	[sflag:s24] =	ssyncadd.s32 $0xFFFFC000  }
0x39: {  	s15 =	sshrl.u32 s8, $0x3;
	s14 =	sor.u32 $0x1C03, s14;
	[bflag:$0x0] =	sbarrier.arrive $0xFFFF  }
0x3a: {  	[hbm:s13], [sflag:s14] =	dma.local [spmem:s15], $0x800  }
0x3b: {  	_ =	swait.ge [sflag:s24], $0x800  }
0x3c: {  	[sflag:s24] =	ssyncset.done $0x0  }
0x3d: {  	s16 =	sshrl.u32 s9, $0x3;
	s15 =	sadd.s32 s3, s18;
	[sflag:s24] =	ssyncadd.s32 $0xFFFFF800  }
0x3e: {  	[hbm:s15], [sflag:s14] =	dma.local [spmem:s16], $0x800  }
0x3f: {  	_ =	swait.ge [sflag:s24], $0x800  }
0x40: {  	[sflag:s24] =	ssyncset.done $0x0  }
0x41: {  	s15 =	sadd.s32 s3, s19;
	s16 =	sshrl.u32 s10, $0x3;
	[sflag:s24] =	ssyncadd.s32 $0xFFFFF800  }
0x42: {  	[hbm:s15], [sflag:s14] =	dma.local [spmem:s16], $0x800  }
0x43: {  	_ =	swait.ge [sflag:s24], $0x800  }
0x44: {  	[sflag:s24] =	ssyncset.done $0x0  }
0x45: {  	s15 =	sadd.s32 s3, s20;
	s16 =	sshrl.u32 s11, $0x3;
	[sflag:s24] =	ssyncadd.s32 $0xFFFFF800  }
0x46: {  	[hbm:s15], [sflag:s14] =	dma.local [spmem:s16], $0x800  }
0x47: {  	s4 =	sadd.s32 $0x1, s4;
	_ =	swait.ge [sflag:s24], $0x800  }
0x48: {  	p1 =	sne.s32 s4, s22;
	s15 =	sadd.s32 s3, s21;
	[sflag:s24] =	ssyncset.done $0x0  }
.Ltmp1:
0x49: {  	s16 =	sshrl.u32 s12, $0x3;
	[sflag:s24] =	ssyncadd.s32 $0xFFFFF800;
	(pc) =	sbr.rel @!p1 .LBB2_15-.Ltmp1, $4  }
0x4a: {  	[hbm:s15], [sflag:s14] =	dma.local [spmem:s16], $0x800  }
0x4b: {  	_ =	swait.ge [sflag:s24], $0x800  }
0x4c: {  	[sflag:s24] =	ssyncset.done $0x0  }
0x4d: {  	[sflag:s24] =	ssyncadd.s32 $0xFFFFF800  }
.LBB2_1:
0x4e: {  	s3 =	simm.s32 $0x0;
	s13 =	simm.s32 $0x200  }
.LBB2_2:
0x4f: {  	p1 =	sne.s32 s13, $0xFE00;
	[tilespmem:s3+$0x2870] =	vst v0  }
0x50: {  	[tilespmem:s3+$0x2800] =	vst v0  }
0x51: {  	[tilespmem:s3+$0x2810] =	vst v0  }
.Ltmp2:
0x52: {  	[tilespmem:s3+$0x2820] =	vst v0;
	(pc) =	sbr.rel @p1 .LBB2_2-.Ltmp2, $4  }
0x53: {  	[tilespmem:s3+$0x2830] =	vst v0  }
0x54: {  	[tilespmem:s3+$0x2840] =	vst v0  }
0x55: {  	[tilespmem:s3+$0x2850] =	vst v0  }
0x56: {  	[tilespmem:s3+$0x2860] =	vst v0;
	s3 =	sshra.s32 s13, $0x2;
	s13 =	sadd.s32 $0x200, s13  }
0x57: {  	[tilespmem:s3+$0x2870] =	vst v0  }
0x58: {  	[tilespmem:s3+$0x2800] =	vst v0  }
0x59: {  	[tilespmem:s3+$0x2810] =	vst v0  }
0x5a: {  	[tilespmem:s3+$0x2820] =	vst v0  }
0x5b: {  	[tilespmem:s3+$0x2830] =	vst v0  }
0x5c: {  	[tilespmem:s3+$0x2840] =	vst v0  }
0x5d: {  	[tilespmem:s3+$0x2850] =	vst v0  }
0x5e: {  	[tilespmem:s3+$0x2860] =	vst v0  }
0x5f: {  	[spmem:s8] =	stream.linear.scatter [tilespmem:s23], [sflag:$0x3], $0x4000, $0x38;
	[tilespmem:$0x1E800] =	vst v63  }
0x60: {  	_ =	swait.ge [sflag:s24], $0x4000  }
0x61: {  	[sflag:s24] =	ssyncset.done $0x0  }
0x62: {  	[sflag:s24] =	ssyncadd.s32 $0xFFFFC000  }
0x63: {  	[spmem:s9] =	stream.linear.scatter [tilespmem:s23], [sflag:$0x3], $0x4000, $0x38;
	[tilespmem:$0x1E800] =	vst v63  }
0x64: {  	_ =	swait.ge [sflag:s24], $0x4000  }
0x65: {  	[sflag:s24] =	ssyncset.done $0x0  }
0x66: {  	[sflag:s24] =	ssyncadd.s32 $0xFFFFC000  }
0x67: {  	[spmem:s10] =	stream.linear.scatter [tilespmem:s23], [sflag:$0x3], $0x4000, $0x38;
	[tilespmem:$0x1E800] =	vst v63  }
0x68: {  	_ =	swait.ge [sflag:s24], $0x4000  }
0x69: {  	[sflag:s24] =	ssyncset.done $0x0  }
0x6a: {  	[sflag:s24] =	ssyncadd.s32 $0xFFFFC000  }
0x6b: {  	[spmem:s11] =	stream.linear.scatter [tilespmem:s23], [sflag:$0x3], $0x4000, $0x38;
	[tilespmem:$0x1E800] =	vst v63  }
0x6c: {  	_ =	swait.ge [sflag:s24], $0x4000  }
0x6d: {  	[sflag:s24] =	ssyncset.done $0x0  }
0x6e: {  	[sflag:s24] =	ssyncadd.s32 $0xFFFFC000  }
0x6f: {  	[spmem:s12] =	stream.linear.scatter [tilespmem:s23], [sflag:$0x3], $0x4000, $0x38;
	[tilespmem:$0x1E800] =	vst v63  }
0x70: {  	_ =	swait.ge [sflag:s24], $0x4000  }
0x71: {  	[sflag:s24] =	ssyncset.done $0x0  }
0x72: {  	[sflag:s24] =	ssyncadd.s32 $0xFFFFC000  }
0x73: {  	[bflag:$0x0] =	sbarrier.arrive $0xFFFF  }
0x74: {  	s15 =	simm.s32 $0x0;
	s13 =	rddreg [dreg:$0x6]  }
0x75: {  	[tilespmem:s15], [sflag:$0x3] =	stream.linear.gather [hbm4b:s13+s15], $0x1400, $0x38;
	[tilespmem:$0x1E800] =	vst v63  }
0x76: {  	_ =	swait.ge [sflag:s24], $0x1400  }
0x77: {  	[sflag:s24] =	ssyncset.done $0x0  }
.Ltmp3:
0x78: {  	s16 =	rddreg [dreg:$0x7];
	[sflag:s24] =	ssyncadd.s32 $0xFFFFEC00;
	(pc) =	sbr.rel @!p0 .LBB2_4-.Ltmp3, $4  }
0x79: {  	[tilespmem:s25], [sflag:$0x3] =	stream.linear.gather [hbm4b:s16+s15], $0x1400, $0x38;
	[tilespmem:$0x1E800] =	vst v63  }
0x7a: {  	_ =	swait.ge [sflag:s24], $0x1400  }
0x7b: {  	[sflag:s24] =	ssyncset.done $0x0  }
0x7c: {  	s3 =	simm.s32 $0x0;
	[sflag:s24] =	ssyncadd.s32 $0xFFFFEC00  }
0x7d: {  	[tilespmem:s23], [sflag:$0x1] =	stream.indirect.gather [hbm4b:s5+s26], $0x80, s3, s26, $0xb8;
	[tilespmem:$0x1E800] =	vst v63  }
0x7e: {  	s13 =	simm.s32 $0x80  }
0x7f: {  	[tilespmem:s28], [sflag:$0x2] =	stream.indirect.gather [hbm4b:s5+s26], $0x80, s13, s26, $0xb8;
	[tilespmem:$0x1E800] =	vst v63  }
0x80: {  	_ =	swait.ge [sflag:s29], $0x4000  }
0x81: {  	[sflag:s29] =	ssyncset.done $0x0  }
0x82: {  	s14 =	simm.s32 $0x1400;
	[sflag:s29] =	ssyncadd.s32 $0xFFFFC000  }
0x83: {  	[spmem:s2] =	stream.indirect.scatter.add.f32 [tilespmem:s23], [sflag:$0x4], $0x80, s14, s26, $0xb8;
	[tilespmem:$0x1E800] =	vst v63  }
0x84: {  	_ =	swait.ge [sflag:s30], $0x4000  }
0x85: {  	[sflag:s30] =	ssyncset.done $0x0  }
0x86: {  	s15 =	simm.s32 $0x100;
	[sflag:s30] =	ssyncadd.s32 $0xFFFFC000  }
0x87: {  	[tilespmem:s23], [sflag:$0x1] =	stream.indirect.gather [hbm4b:s5+s26], $0x80, s15, s26, $0xb8;
	[tilespmem:$0x1E800] =	vst v63  }
0x88: {  	_ =	swait.ge [sflag:s31], $0x4000  }
0x89: {  	[sflag:s31] =	ssyncset.done $0x0  }
0x8a: {  	s16 =	simm.s32 $0x1480;
	[sflag:s31] =	ssyncadd.s32 $0xFFFFC000  }
0x8b: {  	[spmem:s2] =	stream.indirect.scatter.add.f32 [tilespmem:s28], [sflag:$0x3], $0x80, s16, s26, $0xb8;
	[tilespmem:$0x1E800] =	vst v63  }
0x8c: {  	_ =	swait.ge [sflag:s24], $0x4000  }
0x8d: {  	s3 =	simm.s32 $0x100;
	s13 =	simm.s32 $0x800;
	[sflag:s24] =	ssyncset.done $0x0  }
.LBB2_10:
0x8e: {  	s14 =	sadd.s32 $0x80, s3  }
0x8f: {  	[sflag:s24] =	ssyncadd.s32 $0xFFFFC000;
	s15 =	smov.u32 s13;
	s16 =	sadd.s32 $0x400, s13  }
0x90: {  	[tilespmem:s28], [sflag:$0x2] =	stream.indirect.gather [hbm4b:s5+s26], $0x80, s14, s26, $0xb8;
	[tilespmem:$0x1E800] =	vst v63  }
0x91: {  	p1 =	sne.s32 s13, $0x4800;
	_ =	swait.ge [sflag:s29], $0x4000  }
0x92: {  	[sflag:s29] =	ssyncset.done $0x0  }
0x93: {  	s13 =	sadd.s32 $0x1400, s3;
	[sflag:s29] =	ssyncadd.s32 $0xFFFFC000  }
0x94: {  	[spmem:s2] =	stream.indirect.scatter.add.f32 [tilespmem:s23], [sflag:$0x4], $0x80, s13, s26, $0xb8;
	[tilespmem:$0x1E800] =	vst v63  }
0x95: {  	_ =	swait.ge [sflag:s30], $0x4000  }
0x96: {  	[sflag:s30] =	ssyncset.done $0x0  }
0x97: {  	s13 =	sadd.s32 $0x100, s3;
	[sflag:s30] =	ssyncadd.s32 $0xFFFFC000  }
0x98: {  	[tilespmem:s23], [sflag:$0x1] =	stream.indirect.gather [hbm4b:s5+s26], $0x80, s13, s26, $0xb8;
	[tilespmem:$0x1E800] =	vst v63  }
0x99: {  	_ =	swait.ge [sflag:s31], $0x4000  }
.Ltmp4:
0x9a: {  	[sflag:s31] =	ssyncset.done $0x0;
	(pc) =	sbr.rel @p1 .LBB2_10-.Ltmp4, $4  }
0x9b: {  	s3 =	sadd.s32 $0x1480, s3;
	[sflag:s31] =	ssyncadd.s32 $0xFFFFC000  }
0x9c: {  	[spmem:s2] =	stream.indirect.scatter.add.f32 [tilespmem:s28], [sflag:$0x3], $0x80, s3, s26, $0xb8;
	[tilespmem:$0x1E800] =	vst v63  }
0x9d: {  	_ =	swait.ge [sflag:s24], $0x4000  }
0x9e: {  	s13 =	smov.u32 s16;
	s3 =	sshra.s32 s15, $0x2;
	[sflag:s24] =	ssyncset.done $0x0  }
0x9f: {  	s13 =	sadd.s32 $0x80, s3;
	[sflag:s24] =	ssyncadd.s32 $0xFFFFC000  }
0xa0: {  	[tilespmem:s28], [sflag:$0x2] =	stream.indirect.gather [hbm4b:s5+s26], $0x80, s13, s26, $0xb8;
	[tilespmem:$0x1E800] =	vst v63  }
0xa1: {  	_ =	swait.ge [sflag:s29], $0x4000  }
0xa2: {  	[sflag:s29] =	ssyncset.done $0x0  }
0xa3: {  	s15 =	sadd.s32 $0x1400, s3;
	[sflag:s29] =	ssyncadd.s32 $0xFFFFC000  }
0xa4: {  	[spmem:s2] =	stream.indirect.scatter.add.f32 [tilespmem:s23], [sflag:$0x4], $0x80, s15, s26, $0xb8;
	[tilespmem:$0x1E800] =	vst v63  }
0xa5: {  	_ =	swait.ge [sflag:s30], $0x4000  }
0xa6: {  	[sflag:s30] =	ssyncset.done $0x0  }
0xa7: {  	s16 =	sadd.s32 $0x100, s3;
	[sflag:s30] =	ssyncadd.s32 $0xFFFFC000  }
0xa8: {  	[tilespmem:s23], [sflag:$0x1] =	stream.indirect.gather [hbm4b:s5+s26], $0x80, s16, s26, $0xb8;
	[tilespmem:$0x1E800] =	vst v63  }
0xa9: {  	_ =	swait.ge [sflag:s31], $0x4000  }
0xaa: {  	[sflag:s31] =	ssyncset.done $0x0  }
0xab: {  	s13 =	sadd.s32 $0x1480, s3;
	[sflag:s31] =	ssyncadd.s32 $0xFFFFC000  }
0xac: {  	[spmem:s2] =	stream.indirect.scatter.add.f32 [tilespmem:s28], [sflag:$0x3], $0x80, s13, s26, $0xb8;
	[tilespmem:$0x1E800] =	vst v63  }
0xad: {  	_ =	swait.ge [sflag:s24], $0x4000  }
0xae: {  	[sflag:s24] =	ssyncset.done $0x0  }
0xaf: {  	[sflag:s24] =	ssyncadd.s32 $0xFFFFC000  }
0xb0: {  	[tilespmem:s28], [sflag:$0x2] =	stream.indirect.gather [hbm4b:s5+s26], $0x80, s0, s26, $0xb8;
	[tilespmem:$0x1E800] =	vst v63  }
0xb1: {  	_ =	swait.ge [sflag:s29], $0x4000  }
0xb2: {  	[sflag:s29] =	ssyncset.done $0x0  }
0xb3: {  	[sflag:s29] =	ssyncadd.s32 $0xFFFFC000  }
0xb4: {  	[spmem:s2] =	stream.indirect.scatter.add.f32 [tilespmem:s23], [sflag:$0x4], $0x80, s6, s26, $0xb8;
	[tilespmem:$0x1E800] =	vst v63  }
0xb5: {  	_ =	swait.ge [sflag:s30], $0x4000  }
0xb6: {  	[sflag:s30] =	ssyncset.done $0x0  }
0xb7: {  	[sflag:s30] =	ssyncadd.s32 $0xFFFFC000  }
0xb8: {  	_ =	swait.ge [sflag:s31], $0x4000  }
0xb9: {  	[sflag:s31] =	ssyncset.done $0x0  }
0xba: {  	[sflag:s31] =	ssyncadd.s32 $0xFFFFC000  }
0xbb: {  	[spmem:s2] =	stream.indirect.scatter.add.f32 [tilespmem:s28], [sflag:$0x3], $0x80, s7, s26, $0xb8;
	[tilespmem:$0x1E800] =	vst v63  }
0xbc: {  	_ =	swait.ge [sflag:s24], $0x4000  }
0xbd: {  	[sflag:s24] =	ssyncset.done $0x0  }
0xbe: {  	s14 =	simm.s32 $0x0;
	s15 =	rddreg [dreg:$0x8];
	[sflag:s24] =	ssyncadd.s32 $0xFFFFC000  }
0xbf: {  	[tilespmem:s14], [sflag:$0x3] =	stream.linear.gather [hbm4b:s15+s14], $0x1400, $0x38;
	[tilespmem:$0x1E800] =	vst v63  }
0xc0: {  	_ =	swait.ge [sflag:s24], $0x1400  }
0xc1: {  	[sflag:s24] =	ssyncset.done $0x0  }
0xc2: {  	s16 =	rddreg [dreg:$0x9];
	[sflag:s24] =	ssyncadd.s32 $0xFFFFEC00  }
0xc3: {  	[tilespmem:s25], [sflag:$0x3] =	stream.linear.gather [hbm4b:s16+s14], $0x1400, $0x38;
	[tilespmem:$0x1E800] =	vst v63  }
0xc4: {  	_ =	swait.ge [sflag:s24], $0x1400  }
0xc5: {  	[sflag:s24] =	ssyncset.done $0x0  }
0xc6: {  	[sflag:s24] =	ssyncadd.s32 $0xFFFFEC00  }
0xc7: {  	[tilespmem:s23], [sflag:$0x1] =	stream.indirect.gather [hbm4b:s5+s26], $0x80, s14, s26, $0xb8;
	[tilespmem:$0x1E800] =	vst v63  }
0xc8: {  	s13 =	simm.s32 $0x80  }
0xc9: {  	[tilespmem:s28], [sflag:$0x2] =	stream.indirect.gather [hbm4b:s5+s26], $0x80, s13, s26, $0xb8;
	[tilespmem:$0x1E800] =	vst v63  }
0xca: {  	_ =	swait.ge [sflag:s29], $0x4000  }
0xcb: {  	[sflag:s29] =	ssyncset.done $0x0  }
0xcc: {  	s14 =	simm.s32 $0x1400;
	[sflag:s29] =	ssyncadd.s32 $0xFFFFC000  }
0xcd: {  	[spmem:s2] =	stream.indirect.scatter.add.f32 [tilespmem:s23], [sflag:$0x4], $0x80, s14, s26, $0xb8;
	[tilespmem:$0x1E800] =	vst v63  }
0xce: {  	_ =	swait.ge [sflag:s30], $0x4000  }
0xcf: {  	[sflag:s30] =	ssyncset.done $0x0  }
0xd0: {  	s15 =	simm.s32 $0x100;
	[sflag:s30] =	ssyncadd.s32 $0xFFFFC000  }
0xd1: {  	[tilespmem:s23], [sflag:$0x1] =	stream.indirect.gather [hbm4b:s5+s26], $0x80, s15, s26, $0xb8;
	[tilespmem:$0x1E800] =	vst v63  }
0xd2: {  	_ =	swait.ge [sflag:s31], $0x4000  }
0xd3: {  	[sflag:s31] =	ssyncset.done $0x0  }
0xd4: {  	s16 =	simm.s32 $0x1480;
	[sflag:s31] =	ssyncadd.s32 $0xFFFFC000  }
0xd5: {  	[spmem:s2] =	stream.indirect.scatter.add.f32 [tilespmem:s28], [sflag:$0x3], $0x80, s16, s26, $0xb8;
	[tilespmem:$0x1E800] =	vst v63  }
0xd6: {  	_ =	swait.ge [sflag:s24], $0x4000  }
0xd7: {  	s3 =	simm.s32 $0x100;
	s13 =	simm.s32 $0x800;
	[sflag:s24] =	ssyncset.done $0x0  }
.LBB2_12:
0xd8: {  	s14 =	sadd.s32 $0x80, s3  }
0xd9: {  	[sflag:s24] =	ssyncadd.s32 $0xFFFFC000;
	s15 =	smov.u32 s13;
	s16 =	sadd.s32 $0x400, s13  }
0xda: {  	[tilespmem:s28], [sflag:$0x2] =	stream.indirect.gather [hbm4b:s5+s26], $0x80, s14, s26, $0xb8;
	[tilespmem:$0x1E800] =	vst v63  }
0xdb: {  	p1 =	sne.s32 s13, $0x4800;
	_ =	swait.ge [sflag:s29], $0x4000  }
0xdc: {  	[sflag:s29] =	ssyncset.done $0x0  }
0xdd: {  	s13 =	sadd.s32 $0x1400, s3;
	[sflag:s29] =	ssyncadd.s32 $0xFFFFC000  }
0xde: {  	[spmem:s2] =	stream.indirect.scatter.add.f32 [tilespmem:s23], [sflag:$0x4], $0x80, s13, s26, $0xb8;
	[tilespmem:$0x1E800] =	vst v63  }
0xdf: {  	_ =	swait.ge [sflag:s30], $0x4000  }
0xe0: {  	[sflag:s30] =	ssyncset.done $0x0  }
0xe1: {  	s13 =	sadd.s32 $0x100, s3;
	[sflag:s30] =	ssyncadd.s32 $0xFFFFC000  }
0xe2: {  	[tilespmem:s23], [sflag:$0x1] =	stream.indirect.gather [hbm4b:s5+s26], $0x80, s13, s26, $0xb8;
	[tilespmem:$0x1E800] =	vst v63  }
0xe3: {  	_ =	swait.ge [sflag:s31], $0x4000  }
.Ltmp5:
0xe4: {  	[sflag:s31] =	ssyncset.done $0x0;
	(pc) =	sbr.rel @p1 .LBB2_12-.Ltmp5, $4  }
0xe5: {  	s3 =	sadd.s32 $0x1480, s3;
	[sflag:s31] =	ssyncadd.s32 $0xFFFFC000  }
0xe6: {  	[spmem:s2] =	stream.indirect.scatter.add.f32 [tilespmem:s28], [sflag:$0x3], $0x80, s3, s26, $0xb8;
	[tilespmem:$0x1E800] =	vst v63  }
0xe7: {  	_ =	swait.ge [sflag:s24], $0x4000  }
0xe8: {  	s13 =	smov.u32 s16;
	s3 =	sshra.s32 s15, $0x2;
	[sflag:s24] =	ssyncset.done $0x0  }
0xe9: {  	s13 =	sadd.s32 $0x80, s3;
	[sflag:s24] =	ssyncadd.s32 $0xFFFFC000  }
0xea: {  	[tilespmem:s28], [sflag:$0x2] =	stream.indirect.gather [hbm4b:s5+s26], $0x80, s13, s26, $0xb8;
	[tilespmem:$0x1E800] =	vst v63  }
0xeb: {  	_ =	swait.ge [sflag:s29], $0x4000  }
0xec: {  	[sflag:s29] =	ssyncset.done $0x0  }
0xed: {  	s14 =	sadd.s32 $0x1400, s3;
	[sflag:s29] =	ssyncadd.s32 $0xFFFFC000  }
0xee: {  	[spmem:s2] =	stream.indirect.scatter.add.f32 [tilespmem:s23], [sflag:$0x4], $0x80, s14, s26, $0xb8;
	[tilespmem:$0x1E800] =	vst v63  }
0xef: {  	_ =	swait.ge [sflag:s30], $0x4000  }
0xf0: {  	[sflag:s30] =	ssyncset.done $0x0  }
0xf1: {  	s15 =	sadd.s32 $0x100, s3;
	[sflag:s30] =	ssyncadd.s32 $0xFFFFC000  }
0xf2: {  	[tilespmem:s23], [sflag:$0x1] =	stream.indirect.gather [hbm4b:s5+s26], $0x80, s15, s26, $0xb8;
	[tilespmem:$0x1E800] =	vst v63  }
0xf3: {  	_ =	swait.ge [sflag:s31], $0x4000  }
0xf4: {  	[sflag:s31] =	ssyncset.done $0x0  }
0xf5: {  	s16 =	sadd.s32 $0x1480, s3;
	[sflag:s31] =	ssyncadd.s32 $0xFFFFC000  }
0xf6: {  	[spmem:s2] =	stream.indirect.scatter.add.f32 [tilespmem:s28], [sflag:$0x3], $0x80, s16, s26, $0xb8;
	[tilespmem:$0x1E800] =	vst v63  }
0xf7: {  	_ =	swait.ge [sflag:s24], $0x4000  }
0xf8: {  	[sflag:s24] =	ssyncset.done $0x0  }
0xf9: {  	[sflag:s24] =	ssyncadd.s32 $0xFFFFC000  }
0xfa: {  	[tilespmem:s28], [sflag:$0x2] =	stream.indirect.gather [hbm4b:s5+s26], $0x80, s0, s26, $0xb8;
	[tilespmem:$0x1E800] =	vst v63  }
.Ltmp6:
0xfb: {  	_ = 	snop;
	(pc) =	sbr.rel .LBB2_14-.Ltmp6, $4  }
0xfc: {  	_ =	swait.ge [sflag:s29], $0x4000  }
0xfd: {  	[sflag:s29] =	ssyncset.done $0x0  }
0xfe: {  	s3 =	rddreg [dreg:$0x5];
	[sflag:s29] =	ssyncadd.s32 $0xFFFFC000  }
0xff: {  	[spmem:s2] =	stream.indirect.scatter.add.f32 [tilespmem:s23], [sflag:$0x4], $0x80, s6, s26, $0xb8;
	[tilespmem:$0x1E800] =	vst v63  }
.LBB2_4:
0x100: {  	[tilespmem:s23], [sflag:$0x1] =	stream.indirect.gather [hbm4b:s1+s26], $0x80, s3, s26, $0xb8;
	[tilespmem:$0x1E800] =	vst v63  }
0x101: {  	s13 =	simm.s32 $0x80  }
0x102: {  	[tilespmem:s28], [sflag:$0x2] =	stream.indirect.gather [hbm4b:s1+s26], $0x80, s13, s26, $0xb8;
	[tilespmem:$0x1E800] =	vst v63  }
0x103: {  	_ =	swait.ge [sflag:s29], $0x4000  }
0x104: {  	[sflag:s29] =	ssyncset.done $0x0  }
0x105: {  	s14 =	simm.s32 $0x1400;
	[sflag:s29] =	ssyncadd.s32 $0xFFFFC000  }
0x106: {  	[spmem:s2] =	stream.indirect.scatter.add.f32 [tilespmem:s23], [sflag:$0x4], $0x80, s14, s26, $0xb8;
	[tilespmem:$0x1E800] =	vst v63  }
0x107: {  	_ =	swait.ge [sflag:s30], $0x4000  }
0x108: {  	[sflag:s30] =	ssyncset.done $0x0  }
0x109: {  	s15 =	simm.s32 $0x100;
	[sflag:s30] =	ssyncadd.s32 $0xFFFFC000  }
0x10a: {  	[tilespmem:s23], [sflag:$0x1] =	stream.indirect.gather [hbm4b:s1+s26], $0x80, s15, s26, $0xb8;
	[tilespmem:$0x1E800] =	vst v63  }
0x10b: {  	_ =	swait.ge [sflag:s31], $0x4000  }
0x10c: {  	[sflag:s31] =	ssyncset.done $0x0  }
0x10d: {  	s16 =	simm.s32 $0x1480;
	[sflag:s31] =	ssyncadd.s32 $0xFFFFC000  }
0x10e: {  	[spmem:s2] =	stream.indirect.scatter.add.f32 [tilespmem:s28], [sflag:$0x3], $0x80, s16, s26, $0xb8;
	[tilespmem:$0x1E800] =	vst v63  }
0x10f: {  	_ =	swait.ge [sflag:s24], $0x4000  }
0x110: {  	s3 =	simm.s32 $0x100;
	s13 =	simm.s32 $0x800;
	[sflag:s24] =	ssyncset.done $0x0  }
.LBB2_5:
0x111: {  	s14 =	sadd.s32 $0x80, s3  }
0x112: {  	[sflag:s24] =	ssyncadd.s32 $0xFFFFC000;
	s15 =	smov.u32 s13;
	s16 =	sadd.s32 $0x400, s13  }
0x113: {  	[tilespmem:s28], [sflag:$0x2] =	stream.indirect.gather [hbm4b:s1+s26], $0x80, s14, s26, $0xb8;
	[tilespmem:$0x1E800] =	vst v63  }
0x114: {  	p1 =	sne.s32 s13, $0x4800;
	_ =	swait.ge [sflag:s29], $0x4000  }
0x115: {  	[sflag:s29] =	ssyncset.done $0x0  }
0x116: {  	s13 =	sadd.s32 $0x1400, s3;
	[sflag:s29] =	ssyncadd.s32 $0xFFFFC000  }
0x117: {  	[spmem:s2] =	stream.indirect.scatter.add.f32 [tilespmem:s23], [sflag:$0x4], $0x80, s13, s26, $0xb8;
	[tilespmem:$0x1E800] =	vst v63  }
0x118: {  	_ =	swait.ge [sflag:s30], $0x4000  }
0x119: {  	[sflag:s30] =	ssyncset.done $0x0  }
0x11a: {  	s13 =	sadd.s32 $0x100, s3;
	[sflag:s30] =	ssyncadd.s32 $0xFFFFC000  }
0x11b: {  	[tilespmem:s23], [sflag:$0x1] =	stream.indirect.gather [hbm4b:s1+s26], $0x80, s13, s26, $0xb8;
	[tilespmem:$0x1E800] =	vst v63  }
0x11c: {  	_ =	swait.ge [sflag:s31], $0x4000  }
.Ltmp7:
0x11d: {  	[sflag:s31] =	ssyncset.done $0x0;
	(pc) =	sbr.rel @p1 .LBB2_5-.Ltmp7, $4  }
0x11e: {  	s3 =	sadd.s32 $0x1480, s3;
	[sflag:s31] =	ssyncadd.s32 $0xFFFFC000  }
0x11f: {  	[spmem:s2] =	stream.indirect.scatter.add.f32 [tilespmem:s28], [sflag:$0x3], $0x80, s3, s26, $0xb8;
	[tilespmem:$0x1E800] =	vst v63  }
0x120: {  	_ =	swait.ge [sflag:s24], $0x4000  }
0x121: {  	s13 =	smov.u32 s16;
	s3 =	sshra.s32 s15, $0x2;
	[sflag:s24] =	ssyncset.done $0x0  }
0x122: {  	s13 =	sadd.s32 $0x80, s3;
	[sflag:s24] =	ssyncadd.s32 $0xFFFFC000  }
0x123: {  	[tilespmem:s28], [sflag:$0x2] =	stream.indirect.gather [hbm4b:s1+s26], $0x80, s13, s26, $0xb8;
	[tilespmem:$0x1E800] =	vst v63  }
0x124: {  	_ =	swait.ge [sflag:s29], $0x4000  }
0x125: {  	[sflag:s29] =	ssyncset.done $0x0  }
0x126: {  	s15 =	sadd.s32 $0x1400, s3;
	[sflag:s29] =	ssyncadd.s32 $0xFFFFC000  }
0x127: {  	[spmem:s2] =	stream.indirect.scatter.add.f32 [tilespmem:s23], [sflag:$0x4], $0x80, s15, s26, $0xb8;
	[tilespmem:$0x1E800] =	vst v63  }
0x128: {  	_ =	swait.ge [sflag:s30], $0x4000  }
0x129: {  	[sflag:s30] =	ssyncset.done $0x0  }
0x12a: {  	s16 =	sadd.s32 $0x100, s3;
	[sflag:s30] =	ssyncadd.s32 $0xFFFFC000  }
0x12b: {  	[tilespmem:s23], [sflag:$0x1] =	stream.indirect.gather [hbm4b:s1+s26], $0x80, s16, s26, $0xb8;
	[tilespmem:$0x1E800] =	vst v63  }
0x12c: {  	_ =	swait.ge [sflag:s31], $0x4000  }
0x12d: {  	[sflag:s31] =	ssyncset.done $0x0  }
0x12e: {  	s13 =	sadd.s32 $0x1480, s3;
	[sflag:s31] =	ssyncadd.s32 $0xFFFFC000  }
0x12f: {  	[spmem:s2] =	stream.indirect.scatter.add.f32 [tilespmem:s28], [sflag:$0x3], $0x80, s13, s26, $0xb8;
	[tilespmem:$0x1E800] =	vst v63  }
0x130: {  	_ =	swait.ge [sflag:s24], $0x4000  }
0x131: {  	[sflag:s24] =	ssyncset.done $0x0  }
0x132: {  	[sflag:s24] =	ssyncadd.s32 $0xFFFFC000  }
0x133: {  	[tilespmem:s28], [sflag:$0x2] =	stream.indirect.gather [hbm4b:s1+s26], $0x80, s0, s26, $0xb8;
	[tilespmem:$0x1E800] =	vst v63  }
0x134: {  	_ =	swait.ge [sflag:s29], $0x4000  }
0x135: {  	[sflag:s29] =	ssyncset.done $0x0  }
0x136: {  	[sflag:s29] =	ssyncadd.s32 $0xFFFFC000  }
0x137: {  	[spmem:s2] =	stream.indirect.scatter.add.f32 [tilespmem:s23], [sflag:$0x4], $0x80, s6, s26, $0xb8;
	[tilespmem:$0x1E800] =	vst v63  }
0x138: {  	_ =	swait.ge [sflag:s30], $0x4000  }
0x139: {  	[sflag:s30] =	ssyncset.done $0x0  }
0x13a: {  	[sflag:s30] =	ssyncadd.s32 $0xFFFFC000  }
0x13b: {  	_ =	swait.ge [sflag:s31], $0x4000  }
0x13c: {  	[sflag:s31] =	ssyncset.done $0x0  }
0x13d: {  	[sflag:s31] =	ssyncadd.s32 $0xFFFFC000  }
0x13e: {  	[spmem:s2] =	stream.indirect.scatter.add.f32 [tilespmem:s28], [sflag:$0x3], $0x80, s7, s26, $0xb8;
	[tilespmem:$0x1E800] =	vst v63  }
0x13f: {  	_ =	swait.ge [sflag:s24], $0x4000  }
0x140: {  	[sflag:s24] =	ssyncset.done $0x0  }
0x141: {  	s14 =	simm.s32 $0x0;
	s15 =	rddreg [dreg:$0x8];
	[sflag:s24] =	ssyncadd.s32 $0xFFFFC000  }
0x142: {  	[tilespmem:s14], [sflag:$0x3] =	stream.linear.gather [hbm4b:s15+s14], $0x1400, $0x38;
	[tilespmem:$0x1E800] =	vst v63  }
0x143: {  	_ =	swait.ge [sflag:s24], $0x1400  }
0x144: {  	[sflag:s24] =	ssyncset.done $0x0  }
0x145: {  	s16 =	rddreg [dreg:$0x9];
	[sflag:s24] =	ssyncadd.s32 $0xFFFFEC00  }
0x146: {  	[tilespmem:s25], [sflag:$0x3] =	stream.linear.gather [hbm4b:s16+s14], $0x1400, $0x38;
	[tilespmem:$0x1E800] =	vst v63  }
0x147: {  	_ =	swait.ge [sflag:s24], $0x1400  }
0x148: {  	[sflag:s24] =	ssyncset.done $0x0  }
0x149: {  	[sflag:s24] =	ssyncadd.s32 $0xFFFFEC00  }
0x14a: {  	[tilespmem:s23], [sflag:$0x1] =	stream.indirect.gather [hbm4b:s1+s26], $0x80, s14, s26, $0xb8;
	[tilespmem:$0x1E800] =	vst v63  }
0x14b: {  	s13 =	simm.s32 $0x80  }
0x14c: {  	[tilespmem:s28], [sflag:$0x2] =	stream.indirect.gather [hbm4b:s1+s26], $0x80, s13, s26, $0xb8;
	[tilespmem:$0x1E800] =	vst v63  }
0x14d: {  	_ =	swait.ge [sflag:s29], $0x4000  }
0x14e: {  	[sflag:s29] =	ssyncset.done $0x0  }
0x14f: {  	s14 =	simm.s32 $0x1400;
	[sflag:s29] =	ssyncadd.s32 $0xFFFFC000  }
0x150: {  	[spmem:s2] =	stream.indirect.scatter.add.f32 [tilespmem:s23], [sflag:$0x4], $0x80, s14, s26, $0xb8;
	[tilespmem:$0x1E800] =	vst v63  }
0x151: {  	_ =	swait.ge [sflag:s30], $0x4000  }
0x152: {  	[sflag:s30] =	ssyncset.done $0x0  }
0x153: {  	s15 =	simm.s32 $0x100;
	[sflag:s30] =	ssyncadd.s32 $0xFFFFC000  }
0x154: {  	[tilespmem:s23], [sflag:$0x1] =	stream.indirect.gather [hbm4b:s1+s26], $0x80, s15, s26, $0xb8;
	[tilespmem:$0x1E800] =	vst v63  }
0x155: {  	_ =	swait.ge [sflag:s31], $0x4000  }
0x156: {  	[sflag:s31] =	ssyncset.done $0x0  }
0x157: {  	s16 =	simm.s32 $0x1480;
	[sflag:s31] =	ssyncadd.s32 $0xFFFFC000  }
0x158: {  	[spmem:s2] =	stream.indirect.scatter.add.f32 [tilespmem:s28], [sflag:$0x3], $0x80, s16, s26, $0xb8;
	[tilespmem:$0x1E800] =	vst v63  }
0x159: {  	_ =	swait.ge [sflag:s24], $0x4000  }
0x15a: {  	s3 =	simm.s32 $0x100;
	s13 =	simm.s32 $0x800;
	[sflag:s24] =	ssyncset.done $0x0  }
.LBB2_7:
0x15b: {  	s14 =	sadd.s32 $0x80, s3  }
0x15c: {  	[sflag:s24] =	ssyncadd.s32 $0xFFFFC000;
	s15 =	smov.u32 s13;
	s16 =	sadd.s32 $0x400, s13  }
0x15d: {  	[tilespmem:s28], [sflag:$0x2] =	stream.indirect.gather [hbm4b:s1+s26], $0x80, s14, s26, $0xb8;
	[tilespmem:$0x1E800] =	vst v63  }
0x15e: {  	p1 =	sne.s32 s13, $0x4800;
	_ =	swait.ge [sflag:s29], $0x4000  }
0x15f: {  	[sflag:s29] =	ssyncset.done $0x0  }
0x160: {  	s13 =	sadd.s32 $0x1400, s3;
	[sflag:s29] =	ssyncadd.s32 $0xFFFFC000  }
0x161: {  	[spmem:s2] =	stream.indirect.scatter.add.f32 [tilespmem:s23], [sflag:$0x4], $0x80, s13, s26, $0xb8;
	[tilespmem:$0x1E800] =	vst v63  }
0x162: {  	_ =	swait.ge [sflag:s30], $0x4000  }
0x163: {  	[sflag:s30] =	ssyncset.done $0x0  }
0x164: {  	s13 =	sadd.s32 $0x100, s3;
	[sflag:s30] =	ssyncadd.s32 $0xFFFFC000  }
0x165: {  	[tilespmem:s23], [sflag:$0x1] =	stream.indirect.gather [hbm4b:s1+s26], $0x80, s13, s26, $0xb8;
	[tilespmem:$0x1E800] =	vst v63  }
0x166: {  	_ =	swait.ge [sflag:s31], $0x4000  }
.Ltmp8:
0x167: {  	[sflag:s31] =	ssyncset.done $0x0;
	(pc) =	sbr.rel @p1 .LBB2_7-.Ltmp8, $4  }
0x168: {  	s3 =	sadd.s32 $0x1480, s3;
	[sflag:s31] =	ssyncadd.s32 $0xFFFFC000  }
0x169: {  	[spmem:s2] =	stream.indirect.scatter.add.f32 [tilespmem:s28], [sflag:$0x3], $0x80, s3, s26, $0xb8;
	[tilespmem:$0x1E800] =	vst v63  }
0x16a: {  	_ =	swait.ge [sflag:s24], $0x4000  }
0x16b: {  	s13 =	smov.u32 s16;
	s3 =	sshra.s32 s15, $0x2;
	[sflag:s24] =	ssyncset.done $0x0  }
.Ltmp9:
0x16c: {  	_ = 	snop;
	(pc) =	sbr.rel .LBB2_8-.Ltmp9, $1  }
0x16d: {  	_ =	sdelay $0x3  }
.LBB2_15:
0x16e: {  	_ =	sfence.sel $0x180000  }
0x16f: {  	[bflag:$0x0] =	sbarrier.arrive $0xFFFF  }
0x170: {  	_ =	strace $0x9000004A  }
0x171: {  	s0 =	stileid.u32;
	[bflag:$0x2] =	sbarrier.arrive $0xFFFF  }
0x172: {  	p0 =	sne.s32 s0, $0x0;
	s0 =	rddreg [dreg:$0x3]  }
0x173: {  	s0 =	sadd.s32 @!p0 $0x100000, s0  }
0x174: {  	[sflag:s0] =	ssyncadd.tile.s32 @!p0 $0x1;
	_ =	shalt  }
.Lfunc_end2:
_tile_overlayer_lowered:
.L_overlay_start_2:
0x175: {  	(tag) =	ssettag $0x2  }
0x176: {  	s0 =	rddreg [dreg:$0x0];
	s2 =	stileid.u32  }
0x177: {  	s1 =	rddreg [dreg:$0x1];
	p0 =	sne.s32 s2, $0x0  }
0x178: {  	s3 =	rddreg [dreg:$0x2];
	[bflag:$0x3] =	sbarrier.arrive $0xFFFF;
	s2 =	simm.s32 @!p0 $0x1C03  }
0x179: {  	[timem:s3], [sflag:s2] =	dma.local @!p0 [hbm:s0], s1  }
0x17a: {  	s0 =	simm.s32 @!p0 $0x3  }
0x17b: {  	_ =	swait.ge @!p0 [sflag:s0], s1  }
0x17c: {  	s1 =	ssub.s32 @!p0 $0x0, s1;
	[sflag:s0] =	ssyncset.done @!p0 $0x0  }
0x17d: {  	[sflag:s0] =	ssyncadd.s32 @!p0 s1  }
0x17e: {  	[bflag:$0x3] =	sbarrier.arrive $0xFFFF  }
0x17f: {  	_ =	shalt  }

// kernel: kernel.14.cloned.1.call-start
scs
__scs_entry_jumppad:
0x0: {  	(pc) =	sbr.rel $0x88, $3  }
0x1: {  	(tag) =	ssettag $0x0;
	lr =	simm.s32 $0x1  }
0x2: {  	[smem:$0x3F9B] =	sst lr;
	_ =	strace $0xD0000000  }
0x3: {  	_ = 	snop  }
0x4: {  	_ = 	snop  }
0x5: {  	_ = 	snop  }
0x6: {  	_ = 	snop  }
0x7: {  	_ = 	snop  }
__scs_overlays_trampoline_lowered:
0x8: {  	[smem:$0x3FAA] =	sst s0  }
0x9: {  	[smem:$0x3FAB] =	sst s1  }
0xa: {  	[smem:$0x3FAC] =	sst s2  }
0xb: {  	[smem:$0x3FAD] =	sst s3  }
0xc: {  	[smem:$0x3FAE] =	sst s4  }
0xd: {  	[smem:$0x3FAF] =	sst s5  }
0xe: {  	[smem:$0x3FB0] =	sst s6  }
0xf: {  	[smem:$0x3FB1] =	sst s7  }
0x10: {  	[smem:$0x3FB2] =	sst s8  }
0x11: {  	[smem:$0x3FB3] =	sst s9;
	s0 =	simm.s32 @!p0 $0x0  }
0x12: {  	s1 =	sld [smem:$0x3F99];
	s0 =	simm.s32 @p0 $0x1  }
0x13: {  	[smem:$0x3FB4] =	sst s0;
	s0 =	simm.s32 @!p1 $0x0  }
0x14: {  	s2 =	sld [smem:$0x3F98];
	s0 =	simm.s32 @p1 $0x1  }
0x15: {  	[smem:$0x3FB5] =	sst s0;
	s0 =	simm.s32 @!p2 $0x0  }
0x16: {  	s3 =	sld [smem:$0x3FDB];
	s0 =	simm.s32 @p2 $0x1  }
0x17: {  	s4 =	simm.s32 $0x1BF5;
	[smem:$0x3FB7] =	sst s0  }
0x18: {  	s0 =	sld [smem:$0x3F9A];
	_ =	swait.ge [sflag:s4], $0x0  }
0x19: {  	s7 =	sld [smem:$0x3F9B]  }
0x1a: {  	s8 =	sadd.s32 $0xFFFFE003, lr  }
0x1b: {  	s9 =	sadd.s32 $0xFFFFFEF7, lr;
	s5 =	simm.s32 $0xFFFFFFFF;
	p2 =	slt.u32 s8, $0xFFFFF086  }
0x1c: {  	p1 =	slt.u32 s9, $0xF7A;
	s5 =	simm.s32 @!p2 $0x0  }
0x1d: {  	s5 =	simm.s32 @p1 $0x1;
	p0 =	seq.s32 s7, s2  }
0x1e: {  	s7 =	smul.u32 @!p0 $0xF7A, s2;
	p2 =	seq.s32 @!p0 s5, $0x0  }
0x1f: {  	s9 =	smul.u32 $0xF7A, s1;
	s8 =	simm.s32 @!p0 $0x1BF5;
	p2 =	por !p2, p0  }
0x20: {  	[sflag:s8] =	ssyncset.s32 @!p0 $0xFFFFF086;
	s6 =	sadd.s32 @!p0 s3, s7;
	s7 =	simm.s32 @!p0 $0x108  }
0x21: {  	s3 =	sadd.s32 s3, s9;
	s6 =	sadd.s32 @!p0 $0x88, s6;
	s7 =	simm.s32 @p2 $0x1082  }
0x22: {  	[simem:s7], [sflag:s8] =	dma.local @!p0 [hbm:s6], $0xF7A  }
0x23: {  	s9 =	sor.u32 $0xD0000000, s2;
	s6 =	simm.s32 $0x108;
	_ =	swait.ge @!p0 [sflag:s8], $0x0  }
0x24: {  	s3 =	sadd.s32 $0x88, s3;
	s6 =	simm.s32 @!p1 $0x1082;
	[sflag:s4] =	ssyncset.s32 $0xFFFFF086  }
0x25: {  	[simem:s6], [sflag:s4] =	dma.local [hbm:s3], $0xF7A  }
0x26: {  	[smem:$0x3F9B] =	sst s1;
	(tag) =	ssettag s2;
	_ =	strace s9  }
0x27: {  	s1 =	sld [smem:$0x3FAB]  }
0x28: {  	s2 =	sld [smem:$0x3FAC]  }
0x29: {  	s4 =	sld [smem:$0x3FAE]  }
0x2a: {  	p0 =	seq.s32 s5, $0x0;
	s5 =	sld [smem:$0x3FAF]  }
0x2b: {  	s6 =	sld [smem:$0x3FB0]  }
0x2c: {  	s7 =	sld [smem:$0x3FB1]  }
0x2d: {  	s3 =	simm.s32 $0x108;
	s8 =	sld [smem:$0x3FB2]  }
0x2e: {  	s3 =	simm.s32 @!p0 $0x1082;
	s9 =	sld [smem:$0x3FB3]  }
0x2f: {  	lr =	sadd.s32 s0, s3;
	s0 =	sld [smem:$0x3FAA]  }
0x30: {  	s3 =	sld [smem:$0x3FAD]  }
0x31: {  	[smem:$0x3FB6] =	sst s10  }
0x32: {  	s10 =	sld [smem:$0x3FB4];
	_ =	sdelay $0x3  }
0x33: {  	p0 =	seq.s32 s10, $0x1;
	s10 =	sld [smem:$0x3FB6];
	_ =	sdelay $0x3  }
0x34: {  	[smem:$0x3FB6] =	sst s10  }
0x35: {  	s10 =	sld [smem:$0x3FB5];
	_ =	sdelay $0x3  }
0x36: {  	p1 =	seq.s32 s10, $0x1;
	s10 =	sld [smem:$0x3FB6];
	_ =	sdelay $0x3  }
0x37: {  	[smem:$0x3FB6] =	sst s10  }
0x38: {  	s10 =	sld [smem:$0x3FB7]  }
0x39: {  	_ = 	snop;
	(pc) =	sbr.ind lr, $3  }
0x3a: {  	_ = 	snop  }
0x3b: {  	_ = 	snop  }
0x3c: {  	p2 =	seq.s32 s10, $0x1;
	s10 =	sld [smem:$0x3FB6]  }
0x3d: {  	_ =	shalt  }
0x3e: {  	_ =	shalt  }
0x3f: {  	_ =	shalt  }
0x40: {  	_ =	shalt  }
0x41: {  	_ =	shalt  }
0x42: {  	_ =	shalt  }
0x43: {  	_ =	shalt  }
0x44: {  	_ =	shalt  }
0x45: {  	_ =	shalt  }
0x46: {  	_ =	shalt  }
0x47: {  	_ =	shalt  }
0x48: {  	_ =	shalt  }
0x49: {  	_ =	shalt  }
0x4a: {  	_ =	shalt  }
0x4b: {  	_ =	shalt  }
0x4c: {  	_ =	shalt  }
0x4d: {  	_ =	shalt  }
0x4e: {  	_ =	shalt  }
0x4f: {  	_ =	shalt  }
0x50: {  	_ =	shalt  }
0x51: {  	_ =	shalt  }
0x52: {  	_ =	shalt  }
0x53: {  	_ =	shalt  }
0x54: {  	_ =	shalt  }
0x55: {  	_ =	shalt  }
0x56: {  	_ =	shalt  }
0x57: {  	_ =	shalt  }
0x58: {  	_ =	shalt  }
0x59: {  	_ =	shalt  }
0x5a: {  	_ =	shalt  }
0x5b: {  	_ =	shalt  }
0x5c: {  	_ =	shalt  }
0x5d: {  	_ =	shalt  }
0x5e: {  	_ =	shalt  }
0x5f: {  	_ =	shalt  }
0x60: {  	_ =	shalt  }
0x61: {  	_ =	shalt  }
0x62: {  	_ =	shalt  }
0x63: {  	_ =	shalt  }
0x64: {  	_ =	shalt  }
0x65: {  	_ =	shalt  }
0x66: {  	_ =	shalt  }
0x67: {  	_ =	shalt  }
0x68: {  	_ =	shalt  }
0x69: {  	_ =	shalt  }
0x6a: {  	_ =	shalt  }
0x6b: {  	_ =	shalt  }
0x6c: {  	_ =	shalt  }
0x6d: {  	_ =	shalt  }
0x6e: {  	_ =	shalt  }
0x6f: {  	_ =	shalt  }
0x70: {  	_ =	shalt  }
0x71: {  	_ =	shalt  }
0x72: {  	_ =	shalt  }
0x73: {  	_ =	shalt  }
0x74: {  	_ =	shalt  }
0x75: {  	_ =	shalt  }
0x76: {  	_ =	shalt  }
0x77: {  	_ =	shalt  }
0x78: {  	_ =	shalt  }
0x79: {  	_ =	shalt  }
0x7a: {  	_ =	shalt  }
0x7b: {  	_ =	shalt  }
0x7c: {  	_ =	shalt  }
0x7d: {  	_ =	shalt  }
0x7e: {  	_ =	shalt  }
0x7f: {  	_ =	shalt  }
0x80: {  	_ =	shalt  }
0x81: {  	_ =	shalt  }
0x82: {  	_ =	shalt  }
0x83: {  	_ =	shalt  }
0x84: {  	_ =	shalt  }
0x85: {  	_ =	shalt  }
0x86: {  	_ =	shalt  }
0x87: {  	_ =	shalt  }
.Lfunc_end0:
.L_simem_size_0:
called_computation.2_lowered:
.L_overlay_start_0:
0x88: {  	s2 =	sld [smem:$0x3FD9]  }
0x89: {  	s3 =	sld [smem:$0x3FFE];
	_ =	sdelay $0x1  }
0x8a: {  	s1 =	srdreg.scid  }
0x8b: {  	s0 =	sand.u32 $0x1, s1  }
0x8c: {  	s17 =	sshll.u32 s0, $0xA;
	s2 =	sadd.s32 s3, s2  }
0x8d: {  	s2 =	sadd.s32 s2, s17  }
0x8e: {  	[smem:$0x3FC2] =	sst s2  }
0x8f: {  	_ = 	snop  }
0x90: {  	s2 =	sld [smem:$0x3FD0];
	(tm) =	ssettm $0x1  }
0x91: {  	s18 =	sld [smem:$0x3FFB];
	_ =	sdelay $0x3  }
0x92: {  	_ =	strace s18  }
0x93: {  	s3 =	sld [smem:$0x3FFC];
	_ =	sdelay $0x3  }
0x94: {  	_ =	strace s3  }
0x95: {  	s3 =	sld [smem:$0x3FFD];
	_ =	sdelay $0x3  }
0x96: {  	_ =	strace s3  }
0x97: {  	_ =	strace $0x8FFFFFFF  }
0x98: {  	s19 =	sld [smem:$0x3FDB];
	_ =	sdelay $0x1  }
0x99: {  	s4 =	simm.s32 $_scs_section_size  }
0x9a: {  	s5 =	simm.s32 $_size__tile_overlayer_lowered;
	s6 =	simm.s32 $_tile_overlayer_lowered  }
0x9b: {  	s22 =	simm.s32 $0x1BFF;
	s21 =	sshll.u32 s6, $0x1;
	s3 =	sadd.s32 s4, s19  }
0x9c: {  	s7 =	simm.s32 $0x0;
	s20 =	sshll.u32 s5, $0x1;
	s5 =	sadd.s32 s21, s3  }
0x9d: {  	[timem:s7], [sflag:s22] =	dma.local [hbm:s5], s20  }
0x9e: {  	_ =	swait.ge [sflag:s22], s20  }
0x9f: {  	s4 =	ssub.s32 $0x0, s20;
	[sflag:s22] =	ssyncset.done $0x0  }
0xa0: {  	[sflag:s22] =	ssyncadd.s32 s4;
	_ =	sdelay $0x1  }
0xa1: {  	s23 =	simm.s32 $0x1B8B  }
0xa2: {  	_ =	swait.ge [sflag:s23], $0x1  }
0xa3: {  	[sflag:s23] =	ssyncset.done $0x0  }
0xa4: {  	s25 =	simm.s32 $0x1B8E;
	s24 =	sld [smem:$0x3FFE];
	[sflag:s23] =	ssyncadd.s32 $0xFFFFFFFF  }
0xa5: {  	s26 =	simm.s32 $execute0_lowered;
	[smem:$0x3FD2] =	sst s25  }
0xa6: {  	s5 =	sshll.u32 s26, $0x1;
	_ =	strace $0x8000004C;
	[dreg:$0x1] =	wrdreg $0xFFFFFFFF  }
0xa7: {  	s28 =	simm.s32 $_size_execute0_lowered;
	s3 =	sadd.s32 s3, s5;
	[dreg:$0x0] =	wrdreg $0x0  }
0xa8: {  	s5 =	sshll.u32 s28, $0x1;
	[dreg:$0x2] =	wrdreg s3  }
0xa9: {  	[dreg:$0x3] =	wrdreg s5  }
0xaa: {  	[dreg:$0x4] =	wrdreg $0xC0  }
0xab: {  	_ =	task [dreg:s7], $0x5FFFF  }
0xac: {  	[dreg:$0x1] =	wrdreg $0xFFFFFFFF  }
0xad: {  	[dreg:$0x0] =	wrdreg $0x60  }
0xae: {  	[dreg:$0x2] =	wrdreg s24  }
0xaf: {  	[dreg:$0x3] =	wrdreg s2  }
0xb0: {  	[dreg:$0x4] =	wrdreg $0xA8000  }
0xb1: {  	[dreg:$0x5] =	wrdreg $0x9  }
0xb2: {  	_ =	task.clear_ibuf [dreg:s7], $0x6FFFF;
	_ =	strace $0x9000004C  }
0xb3: {  	s29 =	simm.s32 $0x9;
	_ =	strace $0x8000004E  }
0xb4: {  	_ =	swait.ge [sflag:s29], $0x1  }
0xb5: {  	[sflag:s29] =	ssyncadd.s32 $0xFFFFFFFF  }
0xb6: {  	_ =	strace $0x9000004E  }
0xb7: {  	_ =	sfence  }
0xb8: {  	s30 =	sld [smem:$0x0];
	_ =	sdelay $0x2  }
0xb9: {  	s31 =	sshll.u32 s1, $0xD;
	s1 =	sshrl.u32 s1, $0x2  }
0xba: {  	s3 =	sand.u32 $0x4000, s31;
	s1 =	sadd.s32 s1, s30  }
0xbb: {  	s0 =	sor.u32 s3, s0;
	s1 =	sshll.u32 s1, $0x11  }
0xbc: {  	s0 =	sor.u32 s1, s0  }
0xbd: {  	s0 =	sadd.s32 $0x8F2B, s0  }
0xbe: {  	[sflag:s0] =	ssyncadd.remote.s32 $0x1  }
0xbf: {  	_ =	sfence.sel $0xFFFF  }
0xc0: {  	[dreg:$0x0] =	wrdreg $0xFFFFFFFF;
	(pc) =	sbr.abs _section_cstart, $3  }
0xc1: {  	[dreg:$0x1] =	wrdreg $0xFFFFFFFF  }
0xc2: {  	_ =	task.clear_ibuf [dreg:s7], $0x2FFFF;
	_ =	strace $0x9FFFFFFF  }
0xc3: {  	(tm) =	ssettm $0x7FFFFFFF  }
tec
execute0_lowered:
.L_overlay_start_1:
0x0: {  	(tag) =	ssettag $0x1  }
0x1: {  	s0 =	rddreg [dreg:$0x0]  }
0x2: {  	s1 =	rddreg [dreg:$0x1]  }
0x3: {  	s2 =	rddreg [dreg:$0x2]  }
0x4: {  	s3 =	simm.s32 $0x0;
	s4 =	srdreg.scid;
	s15 =	stileid.u32  }
0x5: {  	s28 =	simm.s32 $0x6800;
	s29 =	simm.s32 $0x1;
	s30 =	simm.s32 $0x4  }
0x6: {  	s31 =	simm.s32 $0x2;
	[smem:$0x7FF] =	sst s3;
	s26 =	sadd.s32 $0x8C00, s0  }
0x7: {  	s6 =	sadd.s32 $0x3600, s0;
	s4 =	sand.u32 $0x1, s4;
	s13 =	smul.u32 $0x280, s15  }
0x8: {  	s5 =	sadd.s32 $0xADC00, s0;
	s8 =	sadd.s32 $0xD5C00, s0;
	s9 =	smul.u32 $0x50000, s15  }
0x9: {  	s0 =	sadd.s32 $0xFDC00, s0;
	_ =	strace $0x8000004D;
	[dreg:$0x4] =	wrdreg s8  }
0xa: {  	s17 =	smul.u32 $0x2800, s15;
	s7 =	ssub.s32 $0x2, s4;
	[dreg:$0x5] =	wrdreg s0  }
0xb: {  	p0 =	seq.s32 s4, $0x1;
	s0 =	simm.s32 $0x1380;
	s4 =	simm.s32 $0x0  }
0xc: {  	s14 =	sshrl.u32 s7, $0x1;
	s18 =	sadd.s32 $0x80, s13;
	s22 =	sshrl.u32 s9, $0x2  }
0xd: {  	s19 =	sadd.s32 $0x100, s13;
	s20 =	sadd.s32 $0x180, s13;
	s21 =	sadd.s32 $0x200, s13  }
0xe: {  	s24 =	sadd.s32 s26, s13;
	s13 =	sadd.s32 s6, s13;
	s16 =	ssub.s32 s7, s14  }
0xf: {  	s23 =	sshll.u32 s18, $0x7;
	s8 =	sadd.s32 s22, s2;
	s10 =	sshll.u32 s19, $0x7  }
0x10: {  	s14 =	smul.u32 $0x1400, s15;
	s11 =	sshll.u32 s20, $0x7;
	[dreg:$0x6] =	wrdreg s24  }
0x11: {  	s12 =	sshll.u32 s21, $0x7;
	[dreg:$0x7] =	wrdreg s13;
	s18 =	sshll.u32 s18, $0x4  }
0x12: {  	s19 =	sshll.u32 s19, $0x4;
	s20 =	sshll.u32 s20, $0x4;
	s21 =	sshll.u32 s21, $0x4  }
0x13: {  	s24 =	simm.s32 $0x3;
	s7 =	simm.s32 $0x2780;
	s9 =	sadd.s32 s23, s2  }
.Ltmp0:
0x14: {  	s10 =	sadd.s32 s10, s2;
	s14 =	sshrl.u32 s14, $0x3;
	(pc) =	sbr.rel .LBB2_1-.Ltmp0, $4  }
0x15: {  	s11 =	sadd.s32 s11, s2;
	s12 =	sadd.s32 s12, s2;
	s25 =	sadd.s32 $0x2800, s14  }
0x16: {  	s22 =	smax.u32 s16, $0x1;
	s23 =	simm.s32 $0x2800;
	s3 =	sadd.s32 s26, s25  }
0x17: {  	s26 =	sadd.s32 s6, s25;
	s25 =	simm.s32 $0x1400;
	[dreg:$0x8] =	wrdreg s3  }
0x18: {  	v0 =	vimm.f32 $0.0e+00;
	s6 =	simm.s32 $0x2700;
	[dreg:$0x9] =	wrdreg s26;
	s26 =	simm.s32 $0x80  }
.LBB2_8:
0x19: {  	s13 =	sadd.s32 $0x80, s3;
	[sflag:s24] =	ssyncadd.s32 $0xFFFFC000  }
0x1a: {  	[tilespmem:s28], [sflag:$0x2] =	stream.indirect.gather [hbm4b:s1+s26], $0x80, s13, s26, $0xb8;
	[tilespmem:$0x1E800] =	vst v63  }
0x1b: {  	_ =	swait.ge [sflag:s29], $0x4000  }
0x1c: {  	[sflag:s29] =	ssyncset.done $0x0  }
0x1d: {  	s14 =	sadd.s32 $0x1400, s3;
	[sflag:s29] =	ssyncadd.s32 $0xFFFFC000  }
0x1e: {  	[spmem:s2] =	stream.indirect.scatter.add.f32 [tilespmem:s23], [sflag:$0x4], $0x80, s14, s26, $0xb8;
	[tilespmem:$0x1E800] =	vst v63  }
0x1f: {  	_ =	swait.ge [sflag:s30], $0x4000  }
0x20: {  	[sflag:s30] =	ssyncset.done $0x0  }
0x21: {  	s15 =	sadd.s32 $0x100, s3;
	[sflag:s30] =	ssyncadd.s32 $0xFFFFC000  }
0x22: {  	[tilespmem:s23], [sflag:$0x1] =	stream.indirect.gather [hbm4b:s1+s26], $0x80, s15, s26, $0xb8;
	[tilespmem:$0x1E800] =	vst v63  }
0x23: {  	_ =	swait.ge [sflag:s31], $0x4000  }
0x24: {  	[sflag:s31] =	ssyncset.done $0x0  }
0x25: {  	s16 =	sadd.s32 $0x1480, s3;
	[sflag:s31] =	ssyncadd.s32 $0xFFFFC000  }
0x26: {  	[spmem:s2] =	stream.indirect.scatter.add.f32 [tilespmem:s28], [sflag:$0x3], $0x80, s16, s26, $0xb8;
	[tilespmem:$0x1E800] =	vst v63  }
0x27: {  	_ =	swait.ge [sflag:s24], $0x4000  }
0x28: {  	[sflag:s24] =	ssyncset.done $0x0  }
0x29: {  	[sflag:s24] =	ssyncadd.s32 $0xFFFFC000  }
0x2a: {  	[tilespmem:s28], [sflag:$0x2] =	stream.indirect.gather [hbm4b:s1+s26], $0x80, s0, s26, $0xb8;
	[tilespmem:$0x1E800] =	vst v63  }
0x2b: {  	_ =	swait.ge [sflag:s29], $0x4000  }
0x2c: {  	[sflag:s29] =	ssyncset.done $0x0  }
0x2d: {  	s3 =	rddreg [dreg:$0x4];
	[sflag:s29] =	ssyncadd.s32 $0xFFFFC000  }
0x2e: {  	[spmem:s2] =	stream.indirect.scatter.add.f32 [tilespmem:s23], [sflag:$0x4], $0x80, s6, s26, $0xb8;
	[tilespmem:$0x1E800] =	vst v63  }
.LBB2_14:
0x2f: {  	_ =	swait.ge [sflag:s30], $0x4000  }
0x30: {  	[sflag:s30] =	ssyncset.done $0x0  }
0x31: {  	[sflag:s30] =	ssyncadd.s32 $0xFFFFC000  }
0x32: {  	_ =	swait.ge [sflag:s31], $0x4000  }
0x33: {  	[sflag:s31] =	ssyncset.done $0x0  }
0x34: {  	[sflag:s31] =	ssyncadd.s32 $0xFFFFC000  }
0x35: {  	[spmem:s2] =	stream.indirect.scatter.add.f32 [tilespmem:s28], [sflag:$0x3], $0x80, s7, s26, $0xb8;
	[tilespmem:$0x1E800] =	vst v63  }
0x36: {  	_ =	swait.ge [sflag:s24], $0x4000  }
0x37: {  	s14 =	stileid.u32;
	[sflag:s24] =	ssyncset.done $0x0  }
0x38: {  	s13 =	sadd.s32 s3, s17;
	s14 =	sshll.u32 s14, $0x6;
	[sflag:s24] =	ssyncadd.s32 $0xFFFFC000  }
0x39: {  	s15 =	sshrl.u32 s8, $0x3;
	s14 =	sor.u32 $0x1C03, s14;
	[bflag:$0x0] =	sbarrier.arrive $0xFFFF  }
0x3a: {  	[hbm:s13], [sflag:s14] =	dma.local [spmem:s15], $0x800  }
0x3b: {  	_ =	swait.ge [sflag:s24], $0x800  }
0x3c: {  	[sflag:s24] =	ssyncset.done $0x0  }
0x3d: {  	s16 =	sshrl.u32 s9, $0x3;
	s15 =	sadd.s32 s3, s18;
	[sflag:s24] =	ssyncadd.s32 $0xFFFFF800  }
0x3e: {  	[hbm:s15], [sflag:s14] =	dma.local [spmem:s16], $0x800  }
0x3f: {  	_ =	swait.ge [sflag:s24], $0x800  }
0x40: {  	[sflag:s24] =	ssyncset.done $0x0  }
0x41: {  	s15 =	sadd.s32 s3, s19;
	s16 =	sshrl.u32 s10, $0x3;
	[sflag:s24] =	ssyncadd.s32 $0xFFFFF800  }
0x42: {  	[hbm:s15], [sflag:s14] =	dma.local [spmem:s16], $0x800  }
0x43: {  	_ =	swait.ge [sflag:s24], $0x800  }
0x44: {  	[sflag:s24] =	ssyncset.done $0x0  }
0x45: {  	s15 =	sadd.s32 s3, s20;
	s16 =	sshrl.u32 s11, $0x3;
	[sflag:s24] =	ssyncadd.s32 $0xFFFFF800  }
0x46: {  	[hbm:s15], [sflag:s14] =	dma.local [spmem:s16], $0x800  }
0x47: {  	s4 =	sadd.s32 $0x1, s4;
	_ =	swait.ge [sflag:s24], $0x800  }
0x48: {  	p1 =	sne.s32 s4, s22;
	s15 =	sadd.s32 s3, s21;
	[sflag:s24] =	ssyncset.done $0x0  }
.Ltmp1:
0x49: {  	s16 =	sshrl.u32 s12, $0x3;
	[sflag:s24] =	ssyncadd.s32 $0xFFFFF800;
	(pc) =	sbr.rel @!p1 .LBB2_15-.Ltmp1, $4  }
0x4a: {  	[hbm:s15], [sflag:s14] =	dma.local [spmem:s16], $0x800  }
0x4b: {  	_ =	swait.ge [sflag:s24], $0x800  }
0x4c: {  	[sflag:s24] =	ssyncset.done $0x0  }
0x4d: {  	[sflag:s24] =	ssyncadd.s32 $0xFFFFF800  }
.LBB2_1:
0x4e: {  	s3 =	simm.s32 $0x0;
	s13 =	simm.s32 $0x200  }
.LBB2_2:
0x4f: {  	p1 =	sne.s32 s13, $0xFE00;
	[tilespmem:s3+$0x2870] =	vst v0  }
0x50: {  	[tilespmem:s3+$0x2800] =	vst v0  }
0x51: {  	[tilespmem:s3+$0x2810] =	vst v0  }
.Ltmp2:
0x52: {  	[tilespmem:s3+$0x2820] =	vst v0;
	(pc) =	sbr.rel @p1 .LBB2_2-.Ltmp2, $4  }
0x53: {  	[tilespmem:s3+$0x2830] =	vst v0  }
0x54: {  	[tilespmem:s3+$0x2840] =	vst v0  }
0x55: {  	[tilespmem:s3+$0x2850] =	vst v0  }
0x56: {  	[tilespmem:s3+$0x2860] =	vst v0;
	s3 =	sshra.s32 s13, $0x2;
	s13 =	sadd.s32 $0x200, s13  }
0x57: {  	[tilespmem:s3+$0x2870] =	vst v0  }
0x58: {  	[tilespmem:s3+$0x2800] =	vst v0  }
0x59: {  	[tilespmem:s3+$0x2810] =	vst v0  }
0x5a: {  	[tilespmem:s3+$0x2820] =	vst v0  }
0x5b: {  	[tilespmem:s3+$0x2830] =	vst v0  }
0x5c: {  	[tilespmem:s3+$0x2840] =	vst v0  }
0x5d: {  	[tilespmem:s3+$0x2850] =	vst v0  }
0x5e: {  	[tilespmem:s3+$0x2860] =	vst v0  }
0x5f: {  	[spmem:s8] =	stream.linear.scatter [tilespmem:s23], [sflag:$0x3], $0x4000, $0x38;
	[tilespmem:$0x1E800] =	vst v63  }
0x60: {  	_ =	swait.ge [sflag:s24], $0x4000  }
0x61: {  	[sflag:s24] =	ssyncset.done $0x0  }
0x62: {  	[sflag:s24] =	ssyncadd.s32 $0xFFFFC000  }
0x63: {  	[spmem:s9] =	stream.linear.scatter [tilespmem:s23], [sflag:$0x3], $0x4000, $0x38;
	[tilespmem:$0x1E800] =	vst v63  }
0x64: {  	_ =	swait.ge [sflag:s24], $0x4000  }
0x65: {  	[sflag:s24] =	ssyncset.done $0x0  }
0x66: {  	[sflag:s24] =	ssyncadd.s32 $0xFFFFC000  }
0x67: {  	[spmem:s10] =	stream.linear.scatter [tilespmem:s23], [sflag:$0x3], $0x4000, $0x38;
	[tilespmem:$0x1E800] =	vst v63  }
0x68: {  	_ =	swait.ge [sflag:s24], $0x4000  }
0x69: {  	[sflag:s24] =	ssyncset.done $0x0  }
0x6a: {  	[sflag:s24] =	ssyncadd.s32 $0xFFFFC000  }
0x6b: {  	[spmem:s11] =	stream.linear.scatter [tilespmem:s23], [sflag:$0x3], $0x4000, $0x38;
	[tilespmem:$0x1E800] =	vst v63  }
0x6c: {  	_ =	swait.ge [sflag:s24], $0x4000  }
0x6d: {  	[sflag:s24] =	ssyncset.done $0x0  }
0x6e: {  	[sflag:s24] =	ssyncadd.s32 $0xFFFFC000  }
0x6f: {  	[spmem:s12] =	stream.linear.scatter [tilespmem:s23], [sflag:$0x3], $0x4000, $0x38;
	[tilespmem:$0x1E800] =	vst v63  }
0x70: {  	_ =	swait.ge [sflag:s24], $0x4000  }
0x71: {  	[sflag:s24] =	ssyncset.done $0x0  }
0x72: {  	[sflag:s24] =	ssyncadd.s32 $0xFFFFC000  }
0x73: {  	[bflag:$0x0] =	sbarrier.arrive $0xFFFF  }
0x74: {  	s15 =	simm.s32 $0x0;
	s13 =	rddreg [dreg:$0x6]  }
0x75: {  	[tilespmem:s15], [sflag:$0x3] =	stream.linear.gather [hbm4b:s13+s15], $0x1400, $0x38;
	[tilespmem:$0x1E800] =	vst v63  }
0x76: {  	_ =	swait.ge [sflag:s24], $0x1400  }
0x77: {  	[sflag:s24] =	ssyncset.done $0x0  }
.Ltmp3:
0x78: {  	s16 =	rddreg [dreg:$0x7];
	[sflag:s24] =	ssyncadd.s32 $0xFFFFEC00;
	(pc) =	sbr.rel @!p0 .LBB2_4-.Ltmp3, $4  }
0x79: {  	[tilespmem:s25], [sflag:$0x3] =	stream.linear.gather [hbm4b:s16+s15], $0x1400, $0x38;
	[tilespmem:$0x1E800] =	vst v63  }
0x7a: {  	_ =	swait.ge [sflag:s24], $0x1400  }
0x7b: {  	[sflag:s24] =	ssyncset.done $0x0  }
0x7c: {  	s3 =	simm.s32 $0x0;
	[sflag:s24] =	ssyncadd.s32 $0xFFFFEC00  }
0x7d: {  	[tilespmem:s23], [sflag:$0x1] =	stream.indirect.gather [hbm4b:s5+s26], $0x80, s3, s26, $0xb8;
	[tilespmem:$0x1E800] =	vst v63  }
0x7e: {  	s13 =	simm.s32 $0x80  }
0x7f: {  	[tilespmem:s28], [sflag:$0x2] =	stream.indirect.gather [hbm4b:s5+s26], $0x80, s13, s26, $0xb8;
	[tilespmem:$0x1E800] =	vst v63  }
0x80: {  	_ =	swait.ge [sflag:s29], $0x4000  }
0x81: {  	[sflag:s29] =	ssyncset.done $0x0  }
0x82: {  	s14 =	simm.s32 $0x1400;
	[sflag:s29] =	ssyncadd.s32 $0xFFFFC000  }
0x83: {  	[spmem:s2] =	stream.indirect.scatter.add.f32 [tilespmem:s23], [sflag:$0x4], $0x80, s14, s26, $0xb8;
	[tilespmem:$0x1E800] =	vst v63  }
0x84: {  	_ =	swait.ge [sflag:s30], $0x4000  }
0x85: {  	[sflag:s30] =	ssyncset.done $0x0  }
0x86: {  	s15 =	simm.s32 $0x100;
	[sflag:s30] =	ssyncadd.s32 $0xFFFFC000  }
0x87: {  	[tilespmem:s23], [sflag:$0x1] =	stream.indirect.gather [hbm4b:s5+s26], $0x80, s15, s26, $0xb8;
	[tilespmem:$0x1E800] =	vst v63  }
0x88: {  	_ =	swait.ge [sflag:s31], $0x4000  }
0x89: {  	[sflag:s31] =	ssyncset.done $0x0  }
0x8a: {  	s16 =	simm.s32 $0x1480;
	[sflag:s31] =	ssyncadd.s32 $0xFFFFC000  }
0x8b: {  	[spmem:s2] =	stream.indirect.scatter.add.f32 [tilespmem:s28], [sflag:$0x3], $0x80, s16, s26, $0xb8;
	[tilespmem:$0x1E800] =	vst v63  }
0x8c: {  	_ =	swait.ge [sflag:s24], $0x4000  }
0x8d: {  	s3 =	simm.s32 $0x100;
	s13 =	simm.s32 $0x800;
	[sflag:s24] =	ssyncset.done $0x0  }
.LBB2_10:
0x8e: {  	s14 =	sadd.s32 $0x80, s3  }
0x8f: {  	[sflag:s24] =	ssyncadd.s32 $0xFFFFC000;
	s15 =	smov.u32 s13;
	s16 =	sadd.s32 $0x400, s13  }
0x90: {  	[tilespmem:s28], [sflag:$0x2] =	stream.indirect.gather [hbm4b:s5+s26], $0x80, s14, s26, $0xb8;
	[tilespmem:$0x1E800] =	vst v63  }
0x91: {  	p1 =	sne.s32 s13, $0x4800;
	_ =	swait.ge [sflag:s29], $0x4000  }
0x92: {  	[sflag:s29] =	ssyncset.done $0x0  }
0x93: {  	s13 =	sadd.s32 $0x1400, s3;
	[sflag:s29] =	ssyncadd.s32 $0xFFFFC000  }
0x94: {  	[spmem:s2] =	stream.indirect.scatter.add.f32 [tilespmem:s23], [sflag:$0x4], $0x80, s13, s26, $0xb8;
	[tilespmem:$0x1E800] =	vst v63  }
0x95: {  	_ =	swait.ge [sflag:s30], $0x4000  }
0x96: {  	[sflag:s30] =	ssyncset.done $0x0  }
0x97: {  	s13 =	sadd.s32 $0x100, s3;
	[sflag:s30] =	ssyncadd.s32 $0xFFFFC000  }
0x98: {  	[tilespmem:s23], [sflag:$0x1] =	stream.indirect.gather [hbm4b:s5+s26], $0x80, s13, s26, $0xb8;
	[tilespmem:$0x1E800] =	vst v63  }
0x99: {  	_ =	swait.ge [sflag:s31], $0x4000  }
.Ltmp4:
0x9a: {  	[sflag:s31] =	ssyncset.done $0x0;
	(pc) =	sbr.rel @p1 .LBB2_10-.Ltmp4, $4  }
0x9b: {  	s3 =	sadd.s32 $0x1480, s3;
	[sflag:s31] =	ssyncadd.s32 $0xFFFFC000  }
0x9c: {  	[spmem:s2] =	stream.indirect.scatter.add.f32 [tilespmem:s28], [sflag:$0x3], $0x80, s3, s26, $0xb8;
	[tilespmem:$0x1E800] =	vst v63  }
0x9d: {  	_ =	swait.ge [sflag:s24], $0x4000  }
0x9e: {  	s13 =	smov.u32 s16;
	s3 =	sshra.s32 s15, $0x2;
	[sflag:s24] =	ssyncset.done $0x0  }
0x9f: {  	s13 =	sadd.s32 $0x80, s3;
	[sflag:s24] =	ssyncadd.s32 $0xFFFFC000  }
0xa0: {  	[tilespmem:s28], [sflag:$0x2] =	stream.indirect.gather [hbm4b:s5+s26], $0x80, s13, s26, $0xb8;
	[tilespmem:$0x1E800] =	vst v63  }
0xa1: {  	_ =	swait.ge [sflag:s29], $0x4000  }
0xa2: {  	[sflag:s29] =	ssyncset.done $0x0  }
0xa3: {  	s15 =	sadd.s32 $0x1400, s3;
	[sflag:s29] =	ssyncadd.s32 $0xFFFFC000  }
0xa4: {  	[spmem:s2] =	stream.indirect.scatter.add.f32 [tilespmem:s23], [sflag:$0x4], $0x80, s15, s26, $0xb8;
	[tilespmem:$0x1E800] =	vst v63  }
0xa5: {  	_ =	swait.ge [sflag:s30], $0x4000  }
0xa6: {  	[sflag:s30] =	ssyncset.done $0x0  }
0xa7: {  	s16 =	sadd.s32 $0x100, s3;
	[sflag:s30] =	ssyncadd.s32 $0xFFFFC000  }
0xa8: {  	[tilespmem:s23], [sflag:$0x1] =	stream.indirect.gather [hbm4b:s5+s26], $0x80, s16, s26, $0xb8;
	[tilespmem:$0x1E800] =	vst v63  }
0xa9: {  	_ =	swait.ge [sflag:s31], $0x4000  }
0xaa: {  	[sflag:s31] =	ssyncset.done $0x0  }
0xab: {  	s13 =	sadd.s32 $0x1480, s3;
	[sflag:s31] =	ssyncadd.s32 $0xFFFFC000  }
0xac: {  	[spmem:s2] =	stream.indirect.scatter.add.f32 [tilespmem:s28], [sflag:$0x3], $0x80, s13, s26, $0xb8;
	[tilespmem:$0x1E800] =	vst v63  }
0xad: {  	_ =	swait.ge [sflag:s24], $0x4000  }
0xae: {  	[sflag:s24] =	ssyncset.done $0x0  }
0xaf: {  	[sflag:s24] =	ssyncadd.s32 $0xFFFFC000  }
0xb0: {  	[tilespmem:s28], [sflag:$0x2] =	stream.indirect.gather [hbm4b:s5+s26], $0x80, s0, s26, $0xb8;
	[tilespmem:$0x1E800] =	vst v63  }
0xb1: {  	_ =	swait.ge [sflag:s29], $0x4000  }
0xb2: {  	[sflag:s29] =	ssyncset.done $0x0  }
0xb3: {  	[sflag:s29] =	ssyncadd.s32 $0xFFFFC000  }
0xb4: {  	[spmem:s2] =	stream.indirect.scatter.add.f32 [tilespmem:s23], [sflag:$0x4], $0x80, s6, s26, $0xb8;
	[tilespmem:$0x1E800] =	vst v63  }
0xb5: {  	_ =	swait.ge [sflag:s30], $0x4000  }
0xb6: {  	[sflag:s30] =	ssyncset.done $0x0  }
0xb7: {  	[sflag:s30] =	ssyncadd.s32 $0xFFFFC000  }
0xb8: {  	_ =	swait.ge [sflag:s31], $0x4000  }
0xb9: {  	[sflag:s31] =	ssyncset.done $0x0  }
0xba: {  	[sflag:s31] =	ssyncadd.s32 $0xFFFFC000  }
0xbb: {  	[spmem:s2] =	stream.indirect.scatter.add.f32 [tilespmem:s28], [sflag:$0x3], $0x80, s7, s26, $0xb8;
	[tilespmem:$0x1E800] =	vst v63  }
0xbc: {  	_ =	swait.ge [sflag:s24], $0x4000  }
0xbd: {  	[sflag:s24] =	ssyncset.done $0x0  }
0xbe: {  	s14 =	simm.s32 $0x0;
	s15 =	rddreg [dreg:$0x8];
	[sflag:s24] =	ssyncadd.s32 $0xFFFFC000  }
0xbf: {  	[tilespmem:s14], [sflag:$0x3] =	stream.linear.gather [hbm4b:s15+s14], $0x1400, $0x38;
	[tilespmem:$0x1E800] =	vst v63  }
0xc0: {  	_ =	swait.ge [sflag:s24], $0x1400  }
0xc1: {  	[sflag:s24] =	ssyncset.done $0x0  }
0xc2: {  	s16 =	rddreg [dreg:$0x9];
	[sflag:s24] =	ssyncadd.s32 $0xFFFFEC00  }
0xc3: {  	[tilespmem:s25], [sflag:$0x3] =	stream.linear.gather [hbm4b:s16+s14], $0x1400, $0x38;
	[tilespmem:$0x1E800] =	vst v63  }
0xc4: {  	_ =	swait.ge [sflag:s24], $0x1400  }
0xc5: {  	[sflag:s24] =	ssyncset.done $0x0  }
0xc6: {  	[sflag:s24] =	ssyncadd.s32 $0xFFFFEC00  }
0xc7: {  	[tilespmem:s23], [sflag:$0x1] =	stream.indirect.gather [hbm4b:s5+s26], $0x80, s14, s26, $0xb8;
	[tilespmem:$0x1E800] =	vst v63  }
0xc8: {  	s13 =	simm.s32 $0x80  }
0xc9: {  	[tilespmem:s28], [sflag:$0x2] =	stream.indirect.gather [hbm4b:s5+s26], $0x80, s13, s26, $0xb8;
	[tilespmem:$0x1E800] =	vst v63  }
0xca: {  	_ =	swait.ge [sflag:s29], $0x4000  }
0xcb: {  	[sflag:s29] =	ssyncset.done $0x0  }
0xcc: {  	s14 =	simm.s32 $0x1400;
	[sflag:s29] =	ssyncadd.s32 $0xFFFFC000  }
0xcd: {  	[spmem:s2] =	stream.indirect.scatter.add.f32 [tilespmem:s23], [sflag:$0x4], $0x80, s14, s26, $0xb8;
	[tilespmem:$0x1E800] =	vst v63  }
0xce: {  	_ =	swait.ge [sflag:s30], $0x4000  }
0xcf: {  	[sflag:s30] =	ssyncset.done $0x0  }
0xd0: {  	s15 =	simm.s32 $0x100;
	[sflag:s30] =	ssyncadd.s32 $0xFFFFC000  }
0xd1: {  	[tilespmem:s23], [sflag:$0x1] =	stream.indirect.gather [hbm4b:s5+s26], $0x80, s15, s26, $0xb8;
	[tilespmem:$0x1E800] =	vst v63  }
0xd2: {  	_ =	swait.ge [sflag:s31], $0x4000  }
0xd3: {  	[sflag:s31] =	ssyncset.done $0x0  }
0xd4: {  	s16 =	simm.s32 $0x1480;
	[sflag:s31] =	ssyncadd.s32 $0xFFFFC000  }
0xd5: {  	[spmem:s2] =	stream.indirect.scatter.add.f32 [tilespmem:s28], [sflag:$0x3], $0x80, s16, s26, $0xb8;
	[tilespmem:$0x1E800] =	vst v63  }
0xd6: {  	_ =	swait.ge [sflag:s24], $0x4000  }
0xd7: {  	s3 =	simm.s32 $0x100;
	s13 =	simm.s32 $0x800;
	[sflag:s24] =	ssyncset.done $0x0  }
.LBB2_12:
0xd8: {  	s14 =	sadd.s32 $0x80, s3  }
0xd9: {  	[sflag:s24] =	ssyncadd.s32 $0xFFFFC000;
	s15 =	smov.u32 s13;
	s16 =	sadd.s32 $0x400, s13  }
0xda: {  	[tilespmem:s28], [sflag:$0x2] =	stream.indirect.gather [hbm4b:s5+s26], $0x80, s14, s26, $0xb8;
	[tilespmem:$0x1E800] =	vst v63  }
0xdb: {  	p1 =	sne.s32 s13, $0x4800;
	_ =	swait.ge [sflag:s29], $0x4000  }
0xdc: {  	[sflag:s29] =	ssyncset.done $0x0  }
0xdd: {  	s13 =	sadd.s32 $0x1400, s3;
	[sflag:s29] =	ssyncadd.s32 $0xFFFFC000  }
0xde: {  	[spmem:s2] =	stream.indirect.scatter.add.f32 [tilespmem:s23], [sflag:$0x4], $0x80, s13, s26, $0xb8;
	[tilespmem:$0x1E800] =	vst v63  }
0xdf: {  	_ =	swait.ge [sflag:s30], $0x4000  }
0xe0: {  	[sflag:s30] =	ssyncset.done $0x0  }
0xe1: {  	s13 =	sadd.s32 $0x100, s3;
	[sflag:s30] =	ssyncadd.s32 $0xFFFFC000  }
0xe2: {  	[tilespmem:s23], [sflag:$0x1] =	stream.indirect.gather [hbm4b:s5+s26], $0x80, s13, s26, $0xb8;
	[tilespmem:$0x1E800] =	vst v63  }
0xe3: {  	_ =	swait.ge [sflag:s31], $0x4000  }
.Ltmp5:
0xe4: {  	[sflag:s31] =	ssyncset.done $0x0;
	(pc) =	sbr.rel @p1 .LBB2_12-.Ltmp5, $4  }
0xe5: {  	s3 =	sadd.s32 $0x1480, s3;
	[sflag:s31] =	ssyncadd.s32 $0xFFFFC000  }
0xe6: {  	[spmem:s2] =	stream.indirect.scatter.add.f32 [tilespmem:s28], [sflag:$0x3], $0x80, s3, s26, $0xb8;
	[tilespmem:$0x1E800] =	vst v63  }
0xe7: {  	_ =	swait.ge [sflag:s24], $0x4000  }
0xe8: {  	s13 =	smov.u32 s16;
	s3 =	sshra.s32 s15, $0x2;
	[sflag:s24] =	ssyncset.done $0x0  }
0xe9: {  	s13 =	sadd.s32 $0x80, s3;
	[sflag:s24] =	ssyncadd.s32 $0xFFFFC000  }
0xea: {  	[tilespmem:s28], [sflag:$0x2] =	stream.indirect.gather [hbm4b:s5+s26], $0x80, s13, s26, $0xb8;
	[tilespmem:$0x1E800] =	vst v63  }
0xeb: {  	_ =	swait.ge [sflag:s29], $0x4000  }
0xec: {  	[sflag:s29] =	ssyncset.done $0x0  }
0xed: {  	s14 =	sadd.s32 $0x1400, s3;
	[sflag:s29] =	ssyncadd.s32 $0xFFFFC000  }
0xee: {  	[spmem:s2] =	stream.indirect.scatter.add.f32 [tilespmem:s23], [sflag:$0x4], $0x80, s14, s26, $0xb8;
	[tilespmem:$0x1E800] =	vst v63  }
0xef: {  	_ =	swait.ge [sflag:s30], $0x4000  }
0xf0: {  	[sflag:s30] =	ssyncset.done $0x0  }
0xf1: {  	s15 =	sadd.s32 $0x100, s3;
	[sflag:s30] =	ssyncadd.s32 $0xFFFFC000  }
0xf2: {  	[tilespmem:s23], [sflag:$0x1] =	stream.indirect.gather [hbm4b:s5+s26], $0x80, s15, s26, $0xb8;
	[tilespmem:$0x1E800] =	vst v63  }
0xf3: {  	_ =	swait.ge [sflag:s31], $0x4000  }
0xf4: {  	[sflag:s31] =	ssyncset.done $0x0  }
0xf5: {  	s16 =	sadd.s32 $0x1480, s3;
	[sflag:s31] =	ssyncadd.s32 $0xFFFFC000  }
0xf6: {  	[spmem:s2] =	stream.indirect.scatter.add.f32 [tilespmem:s28], [sflag:$0x3], $0x80, s16, s26, $0xb8;
	[tilespmem:$0x1E800] =	vst v63  }
0xf7: {  	_ =	swait.ge [sflag:s24], $0x4000  }
0xf8: {  	[sflag:s24] =	ssyncset.done $0x0  }
0xf9: {  	[sflag:s24] =	ssyncadd.s32 $0xFFFFC000  }
0xfa: {  	[tilespmem:s28], [sflag:$0x2] =	stream.indirect.gather [hbm4b:s5+s26], $0x80, s0, s26, $0xb8;
	[tilespmem:$0x1E800] =	vst v63  }
.Ltmp6:
0xfb: {  	_ = 	snop;
	(pc) =	sbr.rel .LBB2_14-.Ltmp6, $4  }
0xfc: {  	_ =	swait.ge [sflag:s29], $0x4000  }
0xfd: {  	[sflag:s29] =	ssyncset.done $0x0  }
0xfe: {  	s3 =	rddreg [dreg:$0x5];
	[sflag:s29] =	ssyncadd.s32 $0xFFFFC000  }
0xff: {  	[spmem:s2] =	stream.indirect.scatter.add.f32 [tilespmem:s23], [sflag:$0x4], $0x80, s6, s26, $0xb8;
	[tilespmem:$0x1E800] =	vst v63  }
.LBB2_4:
0x100: {  	[tilespmem:s23], [sflag:$0x1] =	stream.indirect.gather [hbm4b:s1+s26], $0x80, s3, s26, $0xb8;
	[tilespmem:$0x1E800] =	vst v63  }
0x101: {  	s13 =	simm.s32 $0x80  }
0x102: {  	[tilespmem:s28], [sflag:$0x2] =	stream.indirect.gather [hbm4b:s1+s26], $0x80, s13, s26, $0xb8;
	[tilespmem:$0x1E800] =	vst v63  }
0x103: {  	_ =	swait.ge [sflag:s29], $0x4000  }
0x104: {  	[sflag:s29] =	ssyncset.done $0x0  }
0x105: {  	s14 =	simm.s32 $0x1400;
	[sflag:s29] =	ssyncadd.s32 $0xFFFFC000  }
0x106: {  	[spmem:s2] =	stream.indirect.scatter.add.f32 [tilespmem:s23], [sflag:$0x4], $0x80, s14, s26, $0xb8;
	[tilespmem:$0x1E800] =	vst v63  }
0x107: {  	_ =	swait.ge [sflag:s30], $0x4000  }
0x108: {  	[sflag:s30] =	ssyncset.done $0x0  }
0x109: {  	s15 =	simm.s32 $0x100;
	[sflag:s30] =	ssyncadd.s32 $0xFFFFC000  }
0x10a: {  	[tilespmem:s23], [sflag:$0x1] =	stream.indirect.gather [hbm4b:s1+s26], $0x80, s15, s26, $0xb8;
	[tilespmem:$0x1E800] =	vst v63  }
0x10b: {  	_ =	swait.ge [sflag:s31], $0x4000  }
0x10c: {  	[sflag:s31] =	ssyncset.done $0x0  }
0x10d: {  	s16 =	simm.s32 $0x1480;
	[sflag:s31] =	ssyncadd.s32 $0xFFFFC000  }
0x10e: {  	[spmem:s2] =	stream.indirect.scatter.add.f32 [tilespmem:s28], [sflag:$0x3], $0x80, s16, s26, $0xb8;
	[tilespmem:$0x1E800] =	vst v63  }
0x10f: {  	_ =	swait.ge [sflag:s24], $0x4000  }
0x110: {  	s3 =	simm.s32 $0x100;
	s13 =	simm.s32 $0x800;
	[sflag:s24] =	ssyncset.done $0x0  }
.LBB2_5:
0x111: {  	s14 =	sadd.s32 $0x80, s3  }
0x112: {  	[sflag:s24] =	ssyncadd.s32 $0xFFFFC000;
	s15 =	smov.u32 s13;
	s16 =	sadd.s32 $0x400, s13  }
0x113: {  	[tilespmem:s28], [sflag:$0x2] =	stream.indirect.gather [hbm4b:s1+s26], $0x80, s14, s26, $0xb8;
	[tilespmem:$0x1E800] =	vst v63  }
0x114: {  	p1 =	sne.s32 s13, $0x4800;
	_ =	swait.ge [sflag:s29], $0x4000  }
0x115: {  	[sflag:s29] =	ssyncset.done $0x0  }
0x116: {  	s13 =	sadd.s32 $0x1400, s3;
	[sflag:s29] =	ssyncadd.s32 $0xFFFFC000  }
0x117: {  	[spmem:s2] =	stream.indirect.scatter.add.f32 [tilespmem:s23], [sflag:$0x4], $0x80, s13, s26, $0xb8;
	[tilespmem:$0x1E800] =	vst v63  }
0x118: {  	_ =	swait.ge [sflag:s30], $0x4000  }
0x119: {  	[sflag:s30] =	ssyncset.done $0x0  }
0x11a: {  	s13 =	sadd.s32 $0x100, s3;
	[sflag:s30] =	ssyncadd.s32 $0xFFFFC000  }
0x11b: {  	[tilespmem:s23], [sflag:$0x1] =	stream.indirect.gather [hbm4b:s1+s26], $0x80, s13, s26, $0xb8;
	[tilespmem:$0x1E800] =	vst v63  }
0x11c: {  	_ =	swait.ge [sflag:s31], $0x4000  }
.Ltmp7:
0x11d: {  	[sflag:s31] =	ssyncset.done $0x0;
	(pc) =	sbr.rel @p1 .LBB2_5-.Ltmp7, $4  }
0x11e: {  	s3 =	sadd.s32 $0x1480, s3;
	[sflag:s31] =	ssyncadd.s32 $0xFFFFC000  }
0x11f: {  	[spmem:s2] =	stream.indirect.scatter.add.f32 [tilespmem:s28], [sflag:$0x3], $0x80, s3, s26, $0xb8;
	[tilespmem:$0x1E800] =	vst v63  }
0x120: {  	_ =	swait.ge [sflag:s24], $0x4000  }
0x121: {  	s13 =	smov.u32 s16;
	s3 =	sshra.s32 s15, $0x2;
	[sflag:s24] =	ssyncset.done $0x0  }
0x122: {  	s13 =	sadd.s32 $0x80, s3;
	[sflag:s24] =	ssyncadd.s32 $0xFFFFC000  }
0x123: {  	[tilespmem:s28], [sflag:$0x2] =	stream.indirect.gather [hbm4b:s1+s26], $0x80, s13, s26, $0xb8;
	[tilespmem:$0x1E800] =	vst v63  }
0x124: {  	_ =	swait.ge [sflag:s29], $0x4000  }
0x125: {  	[sflag:s29] =	ssyncset.done $0x0  }
0x126: {  	s15 =	sadd.s32 $0x1400, s3;
	[sflag:s29] =	ssyncadd.s32 $0xFFFFC000  }
0x127: {  	[spmem:s2] =	stream.indirect.scatter.add.f32 [tilespmem:s23], [sflag:$0x4], $0x80, s15, s26, $0xb8;
	[tilespmem:$0x1E800] =	vst v63  }
0x128: {  	_ =	swait.ge [sflag:s30], $0x4000  }
0x129: {  	[sflag:s30] =	ssyncset.done $0x0  }
0x12a: {  	s16 =	sadd.s32 $0x100, s3;
	[sflag:s30] =	ssyncadd.s32 $0xFFFFC000  }
0x12b: {  	[tilespmem:s23], [sflag:$0x1] =	stream.indirect.gather [hbm4b:s1+s26], $0x80, s16, s26, $0xb8;
	[tilespmem:$0x1E800] =	vst v63  }
0x12c: {  	_ =	swait.ge [sflag:s31], $0x4000  }
0x12d: {  	[sflag:s31] =	ssyncset.done $0x0  }
0x12e: {  	s13 =	sadd.s32 $0x1480, s3;
	[sflag:s31] =	ssyncadd.s32 $0xFFFFC000  }
0x12f: {  	[spmem:s2] =	stream.indirect.scatter.add.f32 [tilespmem:s28], [sflag:$0x3], $0x80, s13, s26, $0xb8;
	[tilespmem:$0x1E800] =	vst v63  }
0x130: {  	_ =	swait.ge [sflag:s24], $0x4000  }
0x131: {  	[sflag:s24] =	ssyncset.done $0x0  }
0x132: {  	[sflag:s24] =	ssyncadd.s32 $0xFFFFC000  }
0x133: {  	[tilespmem:s28], [sflag:$0x2] =	stream.indirect.gather [hbm4b:s1+s26], $0x80, s0, s26, $0xb8;
	[tilespmem:$0x1E800] =	vst v63  }
0x134: {  	_ =	swait.ge [sflag:s29], $0x4000  }
0x135: {  	[sflag:s29] =	ssyncset.done $0x0  }
0x136: {  	[sflag:s29] =	ssyncadd.s32 $0xFFFFC000  }
0x137: {  	[spmem:s2] =	stream.indirect.scatter.add.f32 [tilespmem:s23], [sflag:$0x4], $0x80, s6, s26, $0xb8;
	[tilespmem:$0x1E800] =	vst v63  }
0x138: {  	_ =	swait.ge [sflag:s30], $0x4000  }
0x139: {  	[sflag:s30] =	ssyncset.done $0x0  }
0x13a: {  	[sflag:s30] =	ssyncadd.s32 $0xFFFFC000  }
0x13b: {  	_ =	swait.ge [sflag:s31], $0x4000  }
0x13c: {  	[sflag:s31] =	ssyncset.done $0x0  }
0x13d: {  	[sflag:s31] =	ssyncadd.s32 $0xFFFFC000  }
0x13e: {  	[spmem:s2] =	stream.indirect.scatter.add.f32 [tilespmem:s28], [sflag:$0x3], $0x80, s7, s26, $0xb8;
	[tilespmem:$0x1E800] =	vst v63  }
0x13f: {  	_ =	swait.ge [sflag:s24], $0x4000  }
0x140: {  	[sflag:s24] =	ssyncset.done $0x0  }
0x141: {  	s14 =	simm.s32 $0x0;
	s15 =	rddreg [dreg:$0x8];
	[sflag:s24] =	ssyncadd.s32 $0xFFFFC000  }
0x142: {  	[tilespmem:s14], [sflag:$0x3] =	stream.linear.gather [hbm4b:s15+s14], $0x1400, $0x38;
	[tilespmem:$0x1E800] =	vst v63  }
0x143: {  	_ =	swait.ge [sflag:s24], $0x1400  }
0x144: {  	[sflag:s24] =	ssyncset.done $0x0  }
0x145: {  	s16 =	rddreg [dreg:$0x9];
	[sflag:s24] =	ssyncadd.s32 $0xFFFFEC00  }
0x146: {  	[tilespmem:s25], [sflag:$0x3] =	stream.linear.gather [hbm4b:s16+s14], $0x1400, $0x38;
	[tilespmem:$0x1E800] =	vst v63  }
0x147: {  	_ =	swait.ge [sflag:s24], $0x1400  }
0x148: {  	[sflag:s24] =	ssyncset.done $0x0  }
0x149: {  	[sflag:s24] =	ssyncadd.s32 $0xFFFFEC00  }
0x14a: {  	[tilespmem:s23], [sflag:$0x1] =	stream.indirect.gather [hbm4b:s1+s26], $0x80, s14, s26, $0xb8;
	[tilespmem:$0x1E800] =	vst v63  }
0x14b: {  	s13 =	simm.s32 $0x80  }
0x14c: {  	[tilespmem:s28], [sflag:$0x2] =	stream.indirect.gather [hbm4b:s1+s26], $0x80, s13, s26, $0xb8;
	[tilespmem:$0x1E800] =	vst v63  }
0x14d: {  	_ =	swait.ge [sflag:s29], $0x4000  }
0x14e: {  	[sflag:s29] =	ssyncset.done $0x0  }
0x14f: {  	s14 =	simm.s32 $0x1400;
	[sflag:s29] =	ssyncadd.s32 $0xFFFFC000  }
0x150: {  	[spmem:s2] =	stream.indirect.scatter.add.f32 [tilespmem:s23], [sflag:$0x4], $0x80, s14, s26, $0xb8;
	[tilespmem:$0x1E800] =	vst v63  }
0x151: {  	_ =	swait.ge [sflag:s30], $0x4000  }
0x152: {  	[sflag:s30] =	ssyncset.done $0x0  }
0x153: {  	s15 =	simm.s32 $0x100;
	[sflag:s30] =	ssyncadd.s32 $0xFFFFC000  }
0x154: {  	[tilespmem:s23], [sflag:$0x1] =	stream.indirect.gather [hbm4b:s1+s26], $0x80, s15, s26, $0xb8;
	[tilespmem:$0x1E800] =	vst v63  }
0x155: {  	_ =	swait.ge [sflag:s31], $0x4000  }
0x156: {  	[sflag:s31] =	ssyncset.done $0x0  }
0x157: {  	s16 =	simm.s32 $0x1480;
	[sflag:s31] =	ssyncadd.s32 $0xFFFFC000  }
0x158: {  	[spmem:s2] =	stream.indirect.scatter.add.f32 [tilespmem:s28], [sflag:$0x3], $0x80, s16, s26, $0xb8;
	[tilespmem:$0x1E800] =	vst v63  }
0x159: {  	_ =	swait.ge [sflag:s24], $0x4000  }
0x15a: {  	s3 =	simm.s32 $0x100;
	s13 =	simm.s32 $0x800;
	[sflag:s24] =	ssyncset.done $0x0  }
.LBB2_7:
0x15b: {  	s14 =	sadd.s32 $0x80, s3  }
0x15c: {  	[sflag:s24] =	ssyncadd.s32 $0xFFFFC000;
	s15 =	smov.u32 s13;
	s16 =	sadd.s32 $0x400, s13  }
0x15d: {  	[tilespmem:s28], [sflag:$0x2] =	stream.indirect.gather [hbm4b:s1+s26], $0x80, s14, s26, $0xb8;
	[tilespmem:$0x1E800] =	vst v63  }
0x15e: {  	p1 =	sne.s32 s13, $0x4800;
	_ =	swait.ge [sflag:s29], $0x4000  }
0x15f: {  	[sflag:s29] =	ssyncset.done $0x0  }
0x160: {  	s13 =	sadd.s32 $0x1400, s3;
	[sflag:s29] =	ssyncadd.s32 $0xFFFFC000  }
0x161: {  	[spmem:s2] =	stream.indirect.scatter.add.f32 [tilespmem:s23], [sflag:$0x4], $0x80, s13, s26, $0xb8;
	[tilespmem:$0x1E800] =	vst v63  }
0x162: {  	_ =	swait.ge [sflag:s30], $0x4000  }
0x163: {  	[sflag:s30] =	ssyncset.done $0x0  }
0x164: {  	s13 =	sadd.s32 $0x100, s3;
	[sflag:s30] =	ssyncadd.s32 $0xFFFFC000  }
0x165: {  	[tilespmem:s23], [sflag:$0x1] =	stream.indirect.gather [hbm4b:s1+s26], $0x80, s13, s26, $0xb8;
	[tilespmem:$0x1E800] =	vst v63  }
0x166: {  	_ =	swait.ge [sflag:s31], $0x4000  }
.Ltmp8:
0x167: {  	[sflag:s31] =	ssyncset.done $0x0;
	(pc) =	sbr.rel @p1 .LBB2_7-.Ltmp8, $4  }
0x168: {  	s3 =	sadd.s32 $0x1480, s3;
	[sflag:s31] =	ssyncadd.s32 $0xFFFFC000  }
0x169: {  	[spmem:s2] =	stream.indirect.scatter.add.f32 [tilespmem:s28], [sflag:$0x3], $0x80, s3, s26, $0xb8;
	[tilespmem:$0x1E800] =	vst v63  }
0x16a: {  	_ =	swait.ge [sflag:s24], $0x4000  }
0x16b: {  	s13 =	smov.u32 s16;
	s3 =	sshra.s32 s15, $0x2;
	[sflag:s24] =	ssyncset.done $0x0  }
.Ltmp9:
0x16c: {  	_ = 	snop;
	(pc) =	sbr.rel .LBB2_8-.Ltmp9, $1  }
0x16d: {  	_ =	sdelay $0x3  }
.LBB2_15:
0x16e: {  	_ =	sfence.sel $0x180000  }
0x16f: {  	[bflag:$0x0] =	sbarrier.arrive $0xFFFF  }
0x170: {  	_ =	strace $0x9000004D  }
0x171: {  	s0 =	stileid.u32;
	[bflag:$0x2] =	sbarrier.arrive $0xFFFF  }
0x172: {  	p0 =	sne.s32 s0, $0x0;
	s0 =	rddreg [dreg:$0x3]  }
0x173: {  	s0 =	sadd.s32 @!p0 $0x100000, s0  }
0x174: {  	[sflag:s0] =	ssyncadd.tile.s32 @!p0 $0x1;
	_ =	shalt  }
.Lfunc_end2:
_tile_overlayer_lowered:
.L_overlay_start_2:
0x175: {  	(tag) =	ssettag $0x2  }
0x176: {  	s0 =	rddreg [dreg:$0x0];
	s2 =	stileid.u32  }
0x177: {  	s1 =	rddreg [dreg:$0x1];
	p0 =	sne.s32 s2, $0x0  }
0x178: {  	s3 =	rddreg [dreg:$0x2];
	[bflag:$0x3] =	sbarrier.arrive $0xFFFF;
	s2 =	simm.s32 @!p0 $0x1C03  }
0x179: {  	[timem:s3], [sflag:s2] =	dma.local @!p0 [hbm:s0], s1  }
0x17a: {  	s0 =	simm.s32 @!p0 $0x3  }
0x17b: {  	_ =	swait.ge @!p0 [sflag:s0], s1  }
0x17c: {  	s1 =	ssub.s32 @!p0 $0x0, s1;
	[sflag:s0] =	ssyncset.done @!p0 $0x0  }
0x17d: {  	[sflag:s0] =	ssyncadd.s32 @!p0 s1  }
0x17e: {  	[bflag:$0x3] =	sbarrier.arrive $0xFFFF  }
0x17f: {  	_ =	shalt  }

// kernel: kernel.8.cloned.1.call-start
scs
__scs_entry_jumppad:
0x0: {  	(pc) =	sbr.rel $0x88, $3  }
0x1: {  	(tag) =	ssettag $0x0;
	lr =	simm.s32 $0x1  }
0x2: {  	[smem:$0x3F9B] =	sst lr;
	_ =	strace $0xD0000000  }
0x3: {  	_ = 	snop  }
0x4: {  	_ = 	snop  }
0x5: {  	_ = 	snop  }
0x6: {  	_ = 	snop  }
0x7: {  	_ = 	snop  }
__scs_overlays_trampoline_lowered:
0x8: {  	[smem:$0x3FAA] =	sst s0  }
0x9: {  	[smem:$0x3FAB] =	sst s1  }
0xa: {  	[smem:$0x3FAC] =	sst s2  }
0xb: {  	[smem:$0x3FAD] =	sst s3  }
0xc: {  	[smem:$0x3FAE] =	sst s4  }
0xd: {  	[smem:$0x3FAF] =	sst s5  }
0xe: {  	[smem:$0x3FB0] =	sst s6  }
0xf: {  	[smem:$0x3FB1] =	sst s7  }
0x10: {  	[smem:$0x3FB2] =	sst s8  }
0x11: {  	[smem:$0x3FB3] =	sst s9;
	s0 =	simm.s32 @!p0 $0x0  }
0x12: {  	s1 =	sld [smem:$0x3F99];
	s0 =	simm.s32 @p0 $0x1  }
0x13: {  	[smem:$0x3FB4] =	sst s0;
	s0 =	simm.s32 @!p1 $0x0  }
0x14: {  	s2 =	sld [smem:$0x3F98];
	s0 =	simm.s32 @p1 $0x1  }
0x15: {  	[smem:$0x3FB5] =	sst s0;
	s0 =	simm.s32 @!p2 $0x0  }
0x16: {  	s3 =	sld [smem:$0x3FDB];
	s0 =	simm.s32 @p2 $0x1  }
0x17: {  	s4 =	simm.s32 $0x1BF5;
	[smem:$0x3FB7] =	sst s0  }
0x18: {  	s0 =	sld [smem:$0x3F9A];
	_ =	swait.ge [sflag:s4], $0x0  }
0x19: {  	s7 =	sld [smem:$0x3F9B]  }
0x1a: {  	s8 =	sadd.s32 $0xFFFFE003, lr  }
0x1b: {  	s9 =	sadd.s32 $0xFFFFFEF7, lr;
	s5 =	simm.s32 $0xFFFFFFFF;
	p2 =	slt.u32 s8, $0xFFFFF086  }
0x1c: {  	p1 =	slt.u32 s9, $0xF7A;
	s5 =	simm.s32 @!p2 $0x0  }
0x1d: {  	s5 =	simm.s32 @p1 $0x1;
	p0 =	seq.s32 s7, s2  }
0x1e: {  	s7 =	smul.u32 @!p0 $0xF7A, s2;
	p2 =	seq.s32 @!p0 s5, $0x0  }
0x1f: {  	s9 =	smul.u32 $0xF7A, s1;
	s8 =	simm.s32 @!p0 $0x1BF5;
	p2 =	por !p2, p0  }
0x20: {  	[sflag:s8] =	ssyncset.s32 @!p0 $0xFFFFF086;
	s6 =	sadd.s32 @!p0 s3, s7;
	s7 =	simm.s32 @!p0 $0x108  }
0x21: {  	s3 =	sadd.s32 s3, s9;
	s6 =	sadd.s32 @!p0 $0x88, s6;
	s7 =	simm.s32 @p2 $0x1082  }
0x22: {  	[simem:s7], [sflag:s8] =	dma.local @!p0 [hbm:s6], $0xF7A  }
0x23: {  	s9 =	sor.u32 $0xD0000000, s2;
	s6 =	simm.s32 $0x108;
	_ =	swait.ge @!p0 [sflag:s8], $0x0  }
0x24: {  	s3 =	sadd.s32 $0x88, s3;
	s6 =	simm.s32 @!p1 $0x1082;
	[sflag:s4] =	ssyncset.s32 $0xFFFFF086  }
0x25: {  	[simem:s6], [sflag:s4] =	dma.local [hbm:s3], $0xF7A  }
0x26: {  	[smem:$0x3F9B] =	sst s1;
	(tag) =	ssettag s2;
	_ =	strace s9  }
0x27: {  	s1 =	sld [smem:$0x3FAB]  }
0x28: {  	s2 =	sld [smem:$0x3FAC]  }
0x29: {  	s4 =	sld [smem:$0x3FAE]  }
0x2a: {  	p0 =	seq.s32 s5, $0x0;
	s5 =	sld [smem:$0x3FAF]  }
0x2b: {  	s6 =	sld [smem:$0x3FB0]  }
0x2c: {  	s7 =	sld [smem:$0x3FB1]  }
0x2d: {  	s3 =	simm.s32 $0x108;
	s8 =	sld [smem:$0x3FB2]  }
0x2e: {  	s3 =	simm.s32 @!p0 $0x1082;
	s9 =	sld [smem:$0x3FB3]  }
0x2f: {  	lr =	sadd.s32 s0, s3;
	s0 =	sld [smem:$0x3FAA]  }
0x30: {  	s3 =	sld [smem:$0x3FAD]  }
0x31: {  	[smem:$0x3FB6] =	sst s10  }
0x32: {  	s10 =	sld [smem:$0x3FB4];
	_ =	sdelay $0x3  }
0x33: {  	p0 =	seq.s32 s10, $0x1;
	s10 =	sld [smem:$0x3FB6];
	_ =	sdelay $0x3  }
0x34: {  	[smem:$0x3FB6] =	sst s10  }
0x35: {  	s10 =	sld [smem:$0x3FB5];
	_ =	sdelay $0x3  }
0x36: {  	p1 =	seq.s32 s10, $0x1;
	s10 =	sld [smem:$0x3FB6];
	_ =	sdelay $0x3  }
0x37: {  	[smem:$0x3FB6] =	sst s10  }
0x38: {  	s10 =	sld [smem:$0x3FB7]  }
0x39: {  	_ = 	snop;
	(pc) =	sbr.ind lr, $3  }
0x3a: {  	_ = 	snop  }
0x3b: {  	_ = 	snop  }
0x3c: {  	p2 =	seq.s32 s10, $0x1;
	s10 =	sld [smem:$0x3FB6]  }
0x3d: {  	_ =	shalt  }
0x3e: {  	_ =	shalt  }
0x3f: {  	_ =	shalt  }
0x40: {  	_ =	shalt  }
0x41: {  	_ =	shalt  }
0x42: {  	_ =	shalt  }
0x43: {  	_ =	shalt  }
0x44: {  	_ =	shalt  }
0x45: {  	_ =	shalt  }
0x46: {  	_ =	shalt  }
0x47: {  	_ =	shalt  }
0x48: {  	_ =	shalt  }
0x49: {  	_ =	shalt  }
0x4a: {  	_ =	shalt  }
0x4b: {  	_ =	shalt  }
0x4c: {  	_ =	shalt  }
0x4d: {  	_ =	shalt  }
0x4e: {  	_ =	shalt  }
0x4f: {  	_ =	shalt  }
0x50: {  	_ =	shalt  }
0x51: {  	_ =	shalt  }
0x52: {  	_ =	shalt  }
0x53: {  	_ =	shalt  }
0x54: {  	_ =	shalt  }
0x55: {  	_ =	shalt  }
0x56: {  	_ =	shalt  }
0x57: {  	_ =	shalt  }
0x58: {  	_ =	shalt  }
0x59: {  	_ =	shalt  }
0x5a: {  	_ =	shalt  }
0x5b: {  	_ =	shalt  }
0x5c: {  	_ =	shalt  }
0x5d: {  	_ =	shalt  }
0x5e: {  	_ =	shalt  }
0x5f: {  	_ =	shalt  }
0x60: {  	_ =	shalt  }
0x61: {  	_ =	shalt  }
0x62: {  	_ =	shalt  }
0x63: {  	_ =	shalt  }
0x64: {  	_ =	shalt  }
0x65: {  	_ =	shalt  }
0x66: {  	_ =	shalt  }
0x67: {  	_ =	shalt  }
0x68: {  	_ =	shalt  }
0x69: {  	_ =	shalt  }
0x6a: {  	_ =	shalt  }
0x6b: {  	_ =	shalt  }
0x6c: {  	_ =	shalt  }
0x6d: {  	_ =	shalt  }
0x6e: {  	_ =	shalt  }
0x6f: {  	_ =	shalt  }
0x70: {  	_ =	shalt  }
0x71: {  	_ =	shalt  }
0x72: {  	_ =	shalt  }
0x73: {  	_ =	shalt  }
0x74: {  	_ =	shalt  }
0x75: {  	_ =	shalt  }
0x76: {  	_ =	shalt  }
0x77: {  	_ =	shalt  }
0x78: {  	_ =	shalt  }
0x79: {  	_ =	shalt  }
0x7a: {  	_ =	shalt  }
0x7b: {  	_ =	shalt  }
0x7c: {  	_ =	shalt  }
0x7d: {  	_ =	shalt  }
0x7e: {  	_ =	shalt  }
0x7f: {  	_ =	shalt  }
0x80: {  	_ =	shalt  }
0x81: {  	_ =	shalt  }
0x82: {  	_ =	shalt  }
0x83: {  	_ =	shalt  }
0x84: {  	_ =	shalt  }
0x85: {  	_ =	shalt  }
0x86: {  	_ =	shalt  }
0x87: {  	_ =	shalt  }
.Lfunc_end0:
.L_simem_size_0:
called_computation_lowered:
.L_overlay_start_0:
0x88: {  	s2 =	sld [smem:$0x3FD9]  }
0x89: {  	s3 =	sld [smem:$0x3FFE];
	_ =	sdelay $0x1  }
0x8a: {  	s1 =	srdreg.scid  }
0x8b: {  	s0 =	sand.u32 $0x1, s1  }
0x8c: {  	s17 =	sshll.u32 s0, $0xA;
	s2 =	sadd.s32 s3, s2  }
0x8d: {  	s2 =	sadd.s32 s2, s17  }
0x8e: {  	[smem:$0x3FC2] =	sst s2  }
0x8f: {  	_ = 	snop  }
0x90: {  	s2 =	sld [smem:$0x3FD0];
	(tm) =	ssettm $0x1  }
0x91: {  	s18 =	sld [smem:$0x3FFB];
	_ =	sdelay $0x3  }
0x92: {  	_ =	strace s18  }
0x93: {  	s3 =	sld [smem:$0x3FFC];
	_ =	sdelay $0x3  }
0x94: {  	_ =	strace s3  }
0x95: {  	s3 =	sld [smem:$0x3FFD];
	_ =	sdelay $0x3  }
0x96: {  	_ =	strace s3  }
0x97: {  	_ =	strace $0x8FFFFFFF  }
0x98: {  	s19 =	sld [smem:$0x3FDB];
	_ =	sdelay $0x1  }
0x99: {  	s4 =	simm.s32 $_scs_section_size  }
0x9a: {  	s5 =	simm.s32 $_size__tile_overlayer_lowered;
	s6 =	simm.s32 $_tile_overlayer_lowered  }
0x9b: {  	s22 =	simm.s32 $0x1BFF;
	s21 =	sshll.u32 s6, $0x1;
	s3 =	sadd.s32 s4, s19  }
0x9c: {  	s7 =	simm.s32 $0x0;
	s20 =	sshll.u32 s5, $0x1;
	s5 =	sadd.s32 s21, s3  }
0x9d: {  	[timem:s7], [sflag:s22] =	dma.local [hbm:s5], s20  }
0x9e: {  	_ =	swait.ge [sflag:s22], s20  }
0x9f: {  	s4 =	ssub.s32 $0x0, s20;
	[sflag:s22] =	ssyncset.done $0x0  }
0xa0: {  	[sflag:s22] =	ssyncadd.s32 s4;
	_ =	sdelay $0x1  }
0xa1: {  	s23 =	simm.s32 $0x1B8B  }
0xa2: {  	_ =	swait.ge [sflag:s23], $0x1  }
0xa3: {  	[sflag:s23] =	ssyncset.done $0x0  }
0xa4: {  	s25 =	simm.s32 $0x1B8E;
	s24 =	sld [smem:$0x3FFE];
	[sflag:s23] =	ssyncadd.s32 $0xFFFFFFFF  }
0xa5: {  	s26 =	simm.s32 $execute0_lowered;
	[smem:$0x3FD2] =	sst s25  }
0xa6: {  	s5 =	sshll.u32 s26, $0x1;
	_ =	strace $0x80000046;
	[dreg:$0x1] =	wrdreg $0xFFFFFFFF  }
0xa7: {  	s28 =	simm.s32 $_size_execute0_lowered;
	s3 =	sadd.s32 s3, s5;
	[dreg:$0x0] =	wrdreg $0x0  }
0xa8: {  	s5 =	sshll.u32 s28, $0x1;
	[dreg:$0x2] =	wrdreg s3  }
0xa9: {  	[dreg:$0x3] =	wrdreg s5  }
0xaa: {  	[dreg:$0x4] =	wrdreg $0xC0  }
0xab: {  	_ =	task [dreg:s7], $0x5FFFF  }
0xac: {  	[dreg:$0x1] =	wrdreg $0xFFFFFFFF  }
0xad: {  	[dreg:$0x0] =	wrdreg $0x60  }
0xae: {  	[dreg:$0x2] =	wrdreg s24  }
0xaf: {  	[dreg:$0x3] =	wrdreg s2  }
0xb0: {  	[dreg:$0x4] =	wrdreg $0x15000  }
0xb1: {  	[dreg:$0x5] =	wrdreg $0x9  }
0xb2: {  	_ =	task.clear_ibuf [dreg:s7], $0x6FFFF;
	_ =	strace $0x90000046  }
0xb3: {  	s29 =	simm.s32 $0x9;
	_ =	strace $0x80000048  }
0xb4: {  	_ =	swait.ge [sflag:s29], $0x1  }
0xb5: {  	[sflag:s29] =	ssyncadd.s32 $0xFFFFFFFF  }
0xb6: {  	_ =	strace $0x90000048  }
0xb7: {  	_ =	sfence  }
0xb8: {  	s30 =	sld [smem:$0x0];
	_ =	sdelay $0x2  }
0xb9: {  	s31 =	sshll.u32 s1, $0xD;
	s1 =	sshrl.u32 s1, $0x2  }
0xba: {  	s3 =	sand.u32 $0x4000, s31;
	s1 =	sadd.s32 s1, s30  }
0xbb: {  	s0 =	sor.u32 s3, s0;
	s1 =	sshll.u32 s1, $0x11  }
0xbc: {  	s0 =	sor.u32 s1, s0  }
0xbd: {  	s0 =	sadd.s32 $0x8F2B, s0  }
0xbe: {  	[sflag:s0] =	ssyncadd.remote.s32 $0x1  }
0xbf: {  	_ =	sfence.sel $0xFFFF  }
0xc0: {  	[dreg:$0x0] =	wrdreg $0xFFFFFFFF;
	(pc) =	sbr.abs _section_cstart, $3  }
0xc1: {  	[dreg:$0x1] =	wrdreg $0xFFFFFFFF  }
0xc2: {  	_ =	task.clear_ibuf [dreg:s7], $0x2FFFF;
	_ =	strace $0x9FFFFFFF  }
0xc3: {  	(tm) =	ssettm $0x7FFFFFFF  }
tec
execute0_lowered:
.L_overlay_start_1:
0x0: {  	(tag) =	ssettag $0x1  }
0x1: {  	s4 =	rddreg [dreg:$0x0]  }
0x2: {  	s11 =	rddreg [dreg:$0x1]  }
0x3: {  	s0 =	srdreg.scid;
	s2 =	rddreg [dreg:$0x2];
	s3 =	simm.s32 $0x0  }
0x4: {  	s15 =	simm.s32 $0x1400;
	s18 =	simm.s32 $0x0;
	s10 =	sand.u32 $0x1, s0  }
0x5: {  	s0 =	stileid.u32;
	[smem:$0x7FF] =	sst s3;
	s13 =	sadd.s32 $0x8600, s4  }
0x6: {  	s1 =	sshll.u32 s10, $0x4;
	s6 =	ssub.s32 $0x2, s10;
	s12 =	smul.u32 $0x280, s0  }
0x7: {  	p0 =	seq.s32 s10, $0x1;
	s16 =	sshll.u32 s0, $0x6;
	s5 =	sor.u32 s0, s1  }
0x8: {  	s1 =	rddreg [dreg:$0x3];
	_ =	strace $0x80000047;
	s31 =	sshrl.u32 s6, $0x1  }
0x9: {  	s11 =	smov.u32 @p0 s13;
	s5 =	smul.u32 $0x280, s5;
	s14 =	ssub.s32 s6, s31  }
0xa: {  	s13 =	simm.s32 $0x1;
	s16 =	sor.u32 $0x1C01, s16;
	s10 =	smax.u32 s14, $0x1  }
0xb: {  	s14 =	simm.s32 $0x80;
	s9 =	sadd.s32 s5, s4;
	s4 =	sadd.s32 s12, s2  }
0xc: {  	s12 =	sshrl.u32 s12, $0x3;
	s5 =	sadd.s32 $0x80, s4;
	s6 =	sadd.s32 $0x100, s4  }
0xd: {  	s7 =	sadd.s32 $0x180, s4;
	s8 =	sadd.s32 $0x200, s4;
	s9 =	sadd.s32 $0x3600, s9  }
0xe: {  	v0 =	vimm.f32 $1.000000000e+00;
	v1 =	vimm.f32 $0.0e+00;
	s11 =	sadd.s32 s11, s12;
	s12 =	simm.s32 $0x1480;
	s17 =	sshrl.u32 s4, $0x3  }
.LBB2_1:
0xf: {  	[tilespmem:$0x1400] =	vst v0  }
0x10: {  	[tilespmem:$0x1480] =	vst v1  }
0x11: {  	[tilespmem:$0x1410] =	vst v0  }
0x12: {  	[tilespmem:$0x1490] =	vst v1  }
0x13: {  	[tilespmem:$0x1420] =	vst v0  }
0x14: {  	[tilespmem:$0x14A0] =	vst v1  }
0x15: {  	[tilespmem:$0x1430] =	vst v0  }
0x16: {  	[tilespmem:$0x14B0] =	vst v1  }
0x17: {  	[tilespmem:$0x1440] =	vst v0  }
0x18: {  	[tilespmem:$0x14C0] =	vst v1  }
0x19: {  	[tilespmem:$0x1450] =	vst v0  }
0x1a: {  	[tilespmem:$0x14D0] =	vst v1  }
0x1b: {  	[tilespmem:$0x1460] =	vst v0  }
0x1c: {  	[tilespmem:$0x14E0] =	vst v1  }
0x1d: {  	[tilespmem:$0x1470] =	vst v0  }
0x1e: {  	[tilespmem:$0x14F0] =	vst v1  }
0x1f: {  	[spmem:s4] =	stream.linear.scatter [tilespmem:s12], [sflag:$0x1], $0x80, $0x38;
	[tilespmem:$0x1780] =	vst v63  }
0x20: {  	_ =	swait.ge [sflag:s13], $0x80  }
0x21: {  	[sflag:s13] =	ssyncset.done $0x0  }
0x22: {  	[sflag:s13] =	ssyncadd.s32 $0xFFFFFF80  }
0x23: {  	[spmem:s5] =	stream.linear.scatter [tilespmem:s12], [sflag:$0x1], $0x80, $0x38;
	[tilespmem:$0x1780] =	vst v63  }
0x24: {  	_ =	swait.ge [sflag:s13], $0x80  }
0x25: {  	[sflag:s13] =	ssyncset.done $0x0  }
0x26: {  	[sflag:s13] =	ssyncadd.s32 $0xFFFFFF80  }
0x27: {  	[spmem:s6] =	stream.linear.scatter [tilespmem:s12], [sflag:$0x1], $0x80, $0x38;
	[tilespmem:$0x1780] =	vst v63  }
0x28: {  	_ =	swait.ge [sflag:s13], $0x80  }
0x29: {  	[sflag:s13] =	ssyncset.done $0x0  }
0x2a: {  	[sflag:s13] =	ssyncadd.s32 $0xFFFFFF80  }
0x2b: {  	[spmem:s7] =	stream.linear.scatter [tilespmem:s12], [sflag:$0x1], $0x80, $0x38;
	[tilespmem:$0x1780] =	vst v63  }
0x2c: {  	_ =	swait.ge [sflag:s13], $0x80  }
0x2d: {  	[sflag:s13] =	ssyncset.done $0x0  }
0x2e: {  	[sflag:s13] =	ssyncadd.s32 $0xFFFFFF80  }
0x2f: {  	[spmem:s8] =	stream.linear.scatter [tilespmem:s12], [sflag:$0x1], $0x80, $0x38;
	[tilespmem:$0x1780] =	vst v63  }
0x30: {  	_ =	swait.ge [sflag:s13], $0x80  }
0x31: {  	[sflag:s13] =	ssyncset.done $0x0  }
0x32: {  	[sflag:s13] =	ssyncadd.s32 $0xFFFFFF80  }
0x33: {  	[bflag:$0x0] =	sbarrier.arrive $0xFFFF  }
0x34: {  	[tilespmem:s3], [sflag:$0x1] =	stream.linear.gather [hbm4b:s9+s3], $0x1400, $0x38;
	[tilespmem:$0x1780] =	vst v63  }
0x35: {  	_ =	swait.ge [sflag:s13], $0x1400  }
0x36: {  	[sflag:s13] =	ssyncset.done $0x0  }
0x37: {  	s19 =	simm.s32 $0x0;
	[sflag:s13] =	ssyncadd.s32 $0xFFFFEC00  }
0x38: {  	[spmem:s2] =	stream.indirect.scatter.add.f32 [tilespmem:s15], [sflag:$0x1], $0x1, s19, s14, $0xb8;
	[tilespmem:$0x1780] =	vst v63  }
0x39: {  	_ =	swait.ge [sflag:s13], $0x80  }
0x3a: {  	s19 =	simm.s32 $0x200;
	[sflag:s13] =	ssyncset.done $0x0  }
.LBB2_2:
0x3b: {  	s20 =	sshra.s32 s19, $0x2;
	[sflag:s13] =	ssyncadd.s32 $0xFFFFFF80;
	p0 =	sne.s32 s19, $0x4E00  }
0x3c: {  	[spmem:s2] =	stream.indirect.scatter.add.f32 [tilespmem:s15], [sflag:$0x1], $0x1, s20, s14, $0xb8;
	[tilespmem:$0x1780] =	vst v63  }
.Ltmp0:
0x3d: {  	_ = 	snop;
	(pc) =	sbr.rel @p0 .LBB2_2-.Ltmp0, $4  }
0x3e: {  	_ = 	snop  }
0x3f: {  	s19 =	sadd.s32 $0x200, s19  }
0x40: {  	_ =	swait.ge [sflag:s13], $0x80  }
0x41: {  	[sflag:s13] =	ssyncset.done $0x0  }
0x42: {  	s18 =	sadd.s32 $0x1, s18  }
0x43: {  	[sflag:s13] =	ssyncadd.s32 $0xFFFFFF80;
	p0 =	sne.s32 s18, s10  }
.Ltmp1:
0x44: {  	[bflag:$0x0] =	sbarrier.arrive $0xFFFF;
	(pc) =	sbr.rel @p0 .LBB2_1-.Ltmp1, $4  }
0x45: {  	[hbm:s11], [sflag:s16] =	dma.local [spmem:s17], $0x50  }
0x46: {  	_ =	swait.ge [sflag:s13], $0x50  }
0x47: {  	[sflag:s13] =	ssyncset.done $0x0  }
0x48: {  	[sflag:s13] =	ssyncadd.s32 $0xFFFFFFB0  }
0x49: {  	_ =	sfence.sel $0x180000  }
0x4a: {  	[bflag:$0x0] =	sbarrier.arrive $0xFFFF  }
0x4b: {  	p0 =	sne.s32 s0, $0x0;
	_ =	strace $0x90000047  }
0x4c: {  	s0 =	sadd.s32 @!p0 $0x100000, s1;
	[bflag:$0x2] =	sbarrier.arrive $0xFFFF  }
0x4d: {  	[sflag:s0] =	ssyncadd.tile.s32 @!p0 $0x1;
	_ =	shalt  }
.Lfunc_end2:
_tile_overlayer_lowered:
.L_overlay_start_2:
0x4e: {  	(tag) =	ssettag $0x2  }
0x4f: {  	s0 =	rddreg [dreg:$0x0];
	s2 =	stileid.u32  }
0x50: {  	s1 =	rddreg [dreg:$0x1];
	p0 =	sne.s32 s2, $0x0  }
0x51: {  	s3 =	rddreg [dreg:$0x2];
	[bflag:$0x3] =	sbarrier.arrive $0xFFFF;
	s2 =	simm.s32 @!p0 $0x1C01  }
0x52: {  	[timem:s3], [sflag:s2] =	dma.local @!p0 [hbm:s0], s1  }
0x53: {  	s0 =	simm.s32 @!p0 $0x1  }
0x54: {  	_ =	swait.ge @!p0 [sflag:s0], s1  }
0x55: {  	s1 =	ssub.s32 @!p0 $0x0, s1;
	[sflag:s0] =	ssyncset.done @!p0 $0x0  }
0x56: {  	[sflag:s0] =	ssyncadd.s32 @!p0 s1  }
0x57: {  	[bflag:$0x3] =	sbarrier.arrive $0xFFFF  }
0x58: {  	_ =	shalt  }

</sc_bundles>
